<compile_context>
chip_gen: v7x
topology: tpu7x:2x2x1
jax: 0.10.2.dev20260603
libtpu: 0.0.44.dev20260713+nightly
codegen_flags: <defaults>
</compile_context>

<pallas_src>
import functools

import jax
import jax.numpy as jnp
from jax import lax
from jax.experimental import pallas as pl
from jax.experimental.pallas import tpu as pltpu, tpu_sc as plsc

_B, _N, _E, _FEAT = 32, 10000, 160000, 256
_C = _B * 9
_H = _C // 2
_NC, _NS = 2, 16
_EP = 163840
_TRASH = _N
_DROWS = 10240
_SROWS = 10112
_RPT = 632
_TN = 400
_EPS = 1e-5

_MESH = plsc.VectorSubcoreMesh(
    core_axis_name="c", subcore_axis_name="s", num_cores=_NC, num_subcores=_NS)
_SC_PARAMS = pltpu.CompilerParams(use_tc_tiling_on_sc=False)


def _fill_rows(ref, nrows, ncol16, value):
    def row(i, _):
        def col(k, _):
            ref[i, pl.ds(k * 16, 16)] = jnp.full((16,), value, ref.dtype)
            return 0
        return lax.fori_loop(0, ncol16, col, 0)
    lax.fori_loop(0, nrows, row, 0)



def _deg_body(dst_hbm, out_hbm, dst_v, ones_v, stage_v, acc, sem):
    c = lax.axis_index("c")
    s = lax.axis_index("s")
    w = c * _NS + s
    pltpu.sync_copy(dst_hbm.at[w], dst_v)
    _fill_rows(ones_v, 128, 1, 1.0)
    _fill_rows(stage_v, 640, 1, 0.0)
    pltpu.sync_copy(stage_v, acc.at[pl.ds(s * 640, 640)])
    plsc.subcore_barrier()

    def chunk(j, _):
        pltpu.sync_copy(ones_v, acc.at[dst_v.at[j]], add=True)
        return 0
    lax.fori_loop(0, 40, chunk, 0)
    plsc.subcore_barrier()
    pltpu.sync_copy(acc.at[pl.ds(s * 640, 640)], stage_v)
    pltpu.sync_copy(stage_v, out_hbm.at[c, pl.ds(s * 640, 640)])


_deg_call = functools.partial(
    pl.kernel,
    out_type=jax.ShapeDtypeStruct((_NC, _DROWS, 16), jnp.float32),
    mesh=_MESH,
    scratch_types=[
        pltpu.VMEM((40, 128), jnp.int32),
        pltpu.VMEM((128, 16), jnp.float32),
        pltpu.VMEM((640, 16), jnp.float32),
        pltpu.VMEM_SHARED((_DROWS, 16), jnp.float32),
        pltpu.SemaphoreType.DMA,
    ],
    compiler_params=_SC_PARAMS,
)



def _seg_body(tab_hbm, src_hbm, dst_hbm, out_hbm, src_v, dst_v, rows_v, acc,
              *sems):
    c = lax.axis_index("c")
    s = lax.axis_index("s")
    sg, ss = sems[:2], sems[2:]
    pltpu.sync_copy(src_hbm.at[c, s], src_v)
    pltpu.sync_copy(dst_hbm.at[s], dst_v)
    _fill_rows(rows_v.at[0], 64, 9, 0.0)
    base = s * _RPT
    for p in range(9):
        pltpu.sync_copy(rows_v.at[0], acc.at[pl.ds(base + p * 64, 64)])
    pltpu.sync_copy(rows_v.at[0, pl.ds(0, _RPT - 576)],
                    acc.at[pl.ds(base + 576, _RPT - 576)])
    plsc.subcore_barrier()

    for b in range(2):
        pltpu.async_copy(tab_hbm.at[src_v.at[b]], rows_v.at[b], sg[b])

    def pair(g, _):
        j0 = g * 2
        for b in range(2):
            pltpu.make_async_copy(tab_hbm.at[src_v.at[j0 + b]],
                                  rows_v.at[b], sg[b]).wait()
            pltpu.async_copy(rows_v.at[b], acc.at[dst_v.at[j0 + b]],
                             ss[b], add=True)
        for b in range(2):
            jn = jnp.minimum(j0 + 2 + b, 159)
            pltpu.make_async_copy(rows_v.at[b], acc.at[dst_v.at[j0 + b]],
                                  ss[b]).wait()
            pltpu.async_copy(tab_hbm.at[src_v.at[jn]], rows_v.at[b], sg[b])
        return 0
    lax.fori_loop(0, 80, pair, 0)
    for b in range(2):
        pltpu.make_async_copy(tab_hbm.at[src_v.at[0]], rows_v.at[b],
                              sg[b]).wait()
    plsc.subcore_barrier()

    @pl.when(s < _NS - 1)
    def _():
        pltpu.sync_copy(acc.at[pl.ds(base, _RPT)],
                        out_hbm.at[c, pl.ds(base, _RPT)])

    @pl.when(s == _NS - 1)
    def _():
        pltpu.sync_copy(acc.at[pl.ds(base, _N - 15 * _RPT)],
                        out_hbm.at[c, pl.ds(base, _N - 15 * _RPT)])


_seg_call = functools.partial(
    pl.kernel,
    out_type=jax.ShapeDtypeStruct((_NC, _N, _H), jnp.float32),
    mesh=_MESH,
    scratch_types=[
        pltpu.VMEM((160, 64), jnp.int32),
        pltpu.VMEM((160, 64), jnp.int32),
        pltpu.VMEM((2, 64, _H), jnp.float32),
        pltpu.VMEM_SHARED((_SROWS, _H), jnp.float32),
    ] + [pltpu.SemaphoreType.DMA] * 4,
    compiler_params=_SC_PARAMS,
)



def _dense_layer(segp_ref, xsp_ref, dinv_ref, M_ref, A_ref, bb_ref):
    seg = jnp.concatenate([segp_ref[0], segp_ref[1]], axis=-1)
    xs = jnp.concatenate([xsp_ref[0], xsp_ref[1]], axis=-1)
    y = (seg + xs) * dinv_ref[...]
    y = jnp.dot(y, M_ref[...], preferred_element_type=jnp.float32) + bb_ref[...]
    m = jnp.dot(y, A_ref[...], preferred_element_type=jnp.float32)
    d = y - m
    v = jnp.dot(d * d, A_ref[...], preferred_element_type=jnp.float32)
    return jnp.maximum(d * jax.lax.rsqrt(v + _EPS), 0.0)


def _layer_body(segp_ref, xsp_ref, dinv_ref, M_ref, A_ref, bb_ref, hsp_ref):
    h = _dense_layer(segp_ref, xsp_ref, dinv_ref, M_ref, A_ref, bb_ref)
    hs = h * dinv_ref[...]
    hsp_ref[0] = hs[:, :_H]
    hsp_ref[1] = hs[:, _H:]


_PACKED = pl.BlockSpec((_NC, _TN, _H), lambda i: (0, i, 0))
_ROWSCALE = pl.BlockSpec((_TN, 1), lambda i: (i, 0))
_FULL = pl.BlockSpec((_C, _C), lambda i: (0, 0))
_VEC = pl.BlockSpec((1, _C), lambda i: (0, 0))


def _layer_tc(segp, xsp, dinv, M, A, bb):
    return pl.pallas_call(
        _layer_body,
        grid=(_N // _TN,),
        in_specs=[_PACKED, _PACKED, _ROWSCALE, _FULL, _FULL, _VEC],
        out_specs=_PACKED,
        out_shape=jax.ShapeDtypeStruct((_NC, _N, _H), jnp.float32),
    )(segp, xsp, dinv, M, A, bb)


def _layer3_body(segp_ref, xsp_ref, dinv_ref, M_ref, A_ref, bb_ref, P_ref,
                 wmu_ref, wvar_ref, bmu_ref, bvar_ref,
                 mu_ref, lv_ref, accmu, acclv):
    i = pl.program_id(0)

    @pl.when(i == 0)
    def _():
        accmu[...] = jnp.zeros_like(accmu)
        acclv[...] = jnp.zeros_like(acclv)

    h = _dense_layer(segp_ref, xsp_ref, dinv_ref, M_ref, A_ref, bb_ref)
    hperm = jnp.dot(h, P_ref[...], preferred_element_type=jnp.float32)
    tdims = (((0,), (0,)), ((), ()))
    mu = accmu[...]
    lv = acclv[...]
    for k in range(9):
        hk = hperm[:, k * _B:(k + 1) * _B]
        mu = mu + lax.dot_general(hk, wmu_ref[:, k, :], tdims,
                                  preferred_element_type=jnp.float32)
        lv = lv + lax.dot_general(hk, wvar_ref[:, k, :], tdims,
                                  preferred_element_type=jnp.float32)
    accmu[...] = mu
    acclv[...] = lv

    @pl.when(i == _N // _TN - 1)
    def _():
        mu_ref[...] = accmu[...] + bmu_ref[...]
        lv_ref[...] = acclv[...] + bvar_ref[...]


def _layer3_tc(segp, xsp, dinv, M, A, bb, P, Wmu, bmu, Wvar, bvar):
    wspec = pl.BlockSpec((_TN, 9, _FEAT), lambda i: (i, 0, 0))
    bspec = pl.BlockSpec((1, _FEAT), lambda i: (0, 0))
    return pl.pallas_call(
        _layer3_body,
        grid=(_N // _TN,),
        in_specs=[_PACKED, _PACKED, _ROWSCALE, _FULL, _FULL, _VEC, _FULL,
                  wspec, wspec, bspec, bspec],
        out_specs=[pl.BlockSpec((_B, _FEAT), lambda i: (0, 0))] * 2,
        out_shape=[jax.ShapeDtypeStruct((_B, _FEAT), jnp.float32)] * 2,
        scratch_shapes=[pltpu.VMEM((_B, _FEAT), jnp.float32)] * 2,
    )(segp, xsp, dinv, M, A, bb, P,
      Wmu.reshape(_N, 9, _FEAT), Wvar.reshape(_N, 9, _FEAT),
      bmu.reshape(1, _FEAT), bvar.reshape(1, _FEAT))



def kernel(featurein, edge_index, W1, b1, W2, b2, W3, b3, Wmu, bmu, Wvar, bvar):
    src = edge_index[0]
    dst = edge_index[1]

    npad = _EP - _E
    srcp = jnp.concatenate([src, jnp.zeros((npad,), jnp.int32)])
    dstp = jnp.concatenate([dst, jnp.full((npad,), _TRASH, jnp.int32)])
    src_seg = (srcp[None, :] + jnp.array([0, _N], jnp.int32)[:, None]
               ).reshape(_NC, _NS, 160, 64)
    dst_seg = dstp.reshape(_NS, 160, 64)
    dst_deg = dstp.reshape(_NC * _NS, 40, 128)

    degp = _deg_call(_deg_body)(dst_deg)
    deg = degp[0, :_N, 0] + degp[1, :_N, 0] + 1.0
    dinv = jax.lax.rsqrt(deg).reshape(_N, 1)

    x_t = featurein.transpose(1, 0, 2).reshape(_N, _C)
    hsp = (x_t * dinv).reshape(_N, _NC, _H).transpose(1, 0, 2)

    eye = jnp.eye(_B, dtype=jnp.float32)
    A = jnp.kron(eye, jnp.full((9, 9), 1.0 / 9.0, jnp.float32))
    bidx = jnp.arange(_B, dtype=jnp.int32)
    kidx = jnp.arange(9, dtype=jnp.int32)
    rows = (bidx[:, None] * 9 + kidx[None, :]).ravel()
    cols = (kidx[None, :] * _B + bidx[:, None]).ravel()
    P = jnp.zeros((_C, _C), jnp.float32).at[rows, cols].set(1.0)

    seg_fn = _seg_call(_seg_body)
    Ms = [jnp.kron(eye, W) for W in (W1, W2, W3)]
    bbs = [jnp.tile(b, (_B,)).reshape(1, _C) for b in (b1, b2, b3)]
    for l in range(2):
        segp = seg_fn(hsp.reshape(_NC * _N, _H), src_seg, dst_seg)
        hsp = _layer_tc(segp, hsp, dinv, Ms[l], A, bbs[l])
    segp = seg_fn(hsp.reshape(_NC * _N, _H), src_seg, dst_seg)
    mu, logvar = _layer3_tc(segp, hsp, dinv, Ms[2], A, bbs[2], P,
                            Wmu, bmu, Wvar, bvar)
    return (mu, logvar)

# --- scband reference (transcript-rebuilt; emitter-appended) ---
"""Pipeline reference for scband-part-deform-encoder-58617713656146 (READ-ONLY COPY).

The authoritative reference and input builder live on the scoring server;
editing this copy changes nothing except your own understanding.
"""

import jax, jax.numpy as jnp
import numpy as np

B, N, E, FEAT = 32, 10000, 160000, 256


def _instance_norm(x):
    # torch.nn.InstanceNorm1d(affine=False) applied to [B, N, 9]:
    # normalizes each (b, n) row over the last dim, eps=1e-5, biased var
    m = jnp.mean(x, axis=-1, keepdims=True)
    v = jnp.var(x, axis=-1, keepdims=True)
    return (x - m) / jnp.sqrt(v + 1e-5)


def _gcn(x, src, dst, norm, W, b):
    # standard GCNConv: D^{-1/2}(A+I)D^{-1/2} X W + b, batched over dim 0
    msgs = x[:, src, :] * norm[None, :, None]
    agg = jnp.zeros_like(x).at[:, dst, :].add(msgs)
    return agg @ W + b


def setup_inputs(seed: int = 0) -> dict:
    key = jax.random.key(seed)
    ks = jax.random.split(key, 12)
    featurein = jax.random.normal(ks[0], (B, N, 9), dtype=jnp.float32)
    edge_index = jax.random.randint(ks[1], (2, E), 0, N, dtype=jnp.int32)
    W1 = jax.random.normal(ks[2], (9, 9), dtype=jnp.float32) * (1.0 / 3.0)
    b1 = jnp.zeros((9,), dtype=jnp.float32)
    W2 = jax.random.normal(ks[3], (9, 9), dtype=jnp.float32) * (1.0 / 3.0)
    b2 = jnp.zeros((9,), dtype=jnp.float32)
    W3 = jax.random.normal(ks[4], (9, 9), dtype=jnp.float32) * (1.0 / 3.0)
    b3 = jnp.zeros((9,), dtype=jnp.float32)
    Wmu = jax.random.normal(ks[5], (N * 9, FEAT), dtype=jnp.float32) * 0.003
    bmu = jnp.zeros((FEAT,), dtype=jnp.float32)
    Wvar = jax.random.normal(ks[6], (N * 9, FEAT), dtype=jnp.float32) * 0.003
    bvar = jnp.zeros((FEAT,), dtype=jnp.float32)
    return {"featurein": featurein, "edge_index": edge_index,
            "W1": W1, "b1": b1, "W2": W2, "b2": b2, "W3": W3, "b3": b3,
            "Wmu": Wmu, "bmu": bmu, "Wvar": Wvar, "bvar": bvar}


def reference(featurein, edge_index, W1, b1, W2, b2, W3, b3, Wmu, bmu, Wvar, bvar):
    n = featurein.shape[1]
    loops = jnp.arange(n, dtype=edge_index.dtype)
    src = jnp.concatenate([edge_index[0], loops])
    dst = jnp.concatenate([edge_index[1], loops])
    deg = jnp.zeros((n,), featurein.dtype).at[dst].add(1.0)
    dinv = jnp.where(deg > 0, 1.0 / jnp.sqrt(deg), 0.0)
    norm = dinv[src] * dinv[dst]
    net = jax.nn.relu(_instance_norm(_gcn(featurein, src, dst, norm, W1, b1)))
    net = jax.nn.relu(_instance_norm(_gcn(net, src, dst, norm, W2, b2)))
    net = jax.nn.relu(_instance_norm(_gcn(net, src, dst, norm, W3, b3)))
    flat = net.reshape(-1, n * 9)
    mu = flat @ Wmu + bmu
    logvar = flat @ Wvar + bvar
    return (mu, logvar)

if __name__ == "__main__":
    import jax
    _d = setup_inputs()
    print(jax.jit(kernel)(*tuple(_d.values())))

</pallas_src>

<mosaic_0001>
#map = affine_map<(d0, d1) -> (0, 0, 0)>
module attributes {stable_mosaic.version = 14 : i64} {
  func.func @_deg_body(%arg0: i32, %arg1: i32, %arg2: memref<32x40x128xi32, #tpu.memory_space<hbm>>, %arg3: memref<2x10240x16xf32, #tpu.memory_space<hbm>>, %arg4: memref<40x128xi32, #tpu.memory_space<vmem>>, %arg5: memref<128x16xf32, #tpu.memory_space<vmem>>, %arg6: memref<640x16xf32, #tpu.memory_space<vmem>>, %arg7: memref<10240x16xf32, #tpu.memory_space<vmem_shared>>, %arg8: memref<!tpu.dma_semaphore, #tpu.memory_space<semaphore_mem>>) attributes {dimension_semantics = [#tpu.dimension_semantics<core_parallel>, #tpu.dimension_semantics<subcore_parallel>], iteration_bounds = array<i64: 2, 16>, scalar_prefetch = 0 : i64, scratch_operands = 5 : i64, tpu.core_type = #tpu.core_type<sc_vector_subcore>, window_params = [{transform_indices = #map}, {transform_indices = #map}]} {
    %mul3A = arith.constant 16 : i32
    %mul3A_0 = arith.muli %arg0, %mul3A : i32
    %add3A = arith.addi %mul3A_0, %arg1 : i32
    "tpu.region"() ({
      %run_scoped3A = tpu.sem_alloc : memref<!tpu.dma_semaphore, #tpu.memory_space<semaphore_mem>>
      %dma_start3A = arith.constant 0 : i32
      %dma_start3A_28 = arith.constant 0 : i32
      %dma_start3A_29 = tpu.memref_slice %arg2[%add3A, %dma_start3A, %dma_start3A_28] : memref<32x40x128xi32, #tpu.memory_space<hbm>> -> memref<1x40x128xi32, #tpu.memory_space<hbm>>
      %dma_start3A_30 = tpu.memref_squeeze %dma_start3A_29 : memref<1x40x128xi32, #tpu.memory_space<hbm>> -> memref<40x128xi32, #tpu.memory_space<hbm>>
      %dma_start3A_31 = arith.constant 0 : i32
      %dma_start3A_32 = arith.constant 0 : i32
      %dma_start3A_33 = tpu.memref_slice %arg2[%add3A, %dma_start3A_31, %dma_start3A_32] : memref<32x40x128xi32, #tpu.memory_space<hbm>> -> memref<1x40x128xi32, #tpu.memory_space<hbm>>
      %dma_start3A_34 = tpu.memref_squeeze %dma_start3A_33 : memref<1x40x128xi32, #tpu.memory_space<hbm>> -> memref<40x128xi32, #tpu.memory_space<hbm>>
      tpu.enqueue_dma source(%dma_start3A_34 : memref<40x128xi32, #tpu.memory_space<hbm>>) target(%arg4 : memref<40x128xi32, #tpu.memory_space<vmem>>) target_semaphore(%run_scoped3A : memref<!tpu.dma_semaphore, #tpu.memory_space<semaphore_mem>>)
      %dma_wait3A = arith.constant 0 : i32
      %dma_wait3A_35 = arith.constant 0 : i32
      %dma_wait3A_36 = tpu.memref_slice %arg2[%add3A, %dma_wait3A, %dma_wait3A_35] : memref<32x40x128xi32, #tpu.memory_space<hbm>> -> memref<1x40x128xi32, #tpu.memory_space<hbm>>
      %dma_wait3A_37 = tpu.memref_squeeze %dma_wait3A_36 : memref<1x40x128xi32, #tpu.memory_space<hbm>> -> memref<40x128xi32, #tpu.memory_space<hbm>>
      %dma_wait3A_38 = arith.constant 0 : i32
      %dma_wait3A_39 = arith.constant 0 : i32
      %dma_wait3A_40 = tpu.memref_slice %arg2[%add3A, %dma_wait3A_38, %dma_wait3A_39] : memref<32x40x128xi32, #tpu.memory_space<hbm>> -> memref<1x40x128xi32, #tpu.memory_space<hbm>>
      %dma_wait3A_41 = tpu.memref_squeeze %dma_wait3A_40 : memref<1x40x128xi32, #tpu.memory_space<hbm>> -> memref<40x128xi32, #tpu.memory_space<hbm>>
      tpu.wait_dma2 semaphore(%run_scoped3A : memref<!tpu.dma_semaphore, #tpu.memory_space<semaphore_mem>>) src(%dma_wait3A_41 : memref<40x128xi32, #tpu.memory_space<hbm>>) dst(%arg4 : memref<40x128xi32, #tpu.memory_space<vmem>>)
      tpu.yield
    }) : () -> ()
    %scan3A = arith.constant 0 : i32
    %scan3A_1 = arith.constant 0 : i32
    %scan3A_2 = arith.constant 128 : i32
    %scan3A_3 = arith.addi %scan3A_1, %scan3A_2 : i32
    %scan3A_4 = arith.constant 1 : i32
    %scan3A_5 = scf.for %scan3A_28 = %scan3A_1 to %scan3A_3 step %scan3A_4 iter_args(%scan3A_29 = %scan3A) -> (i32)  : i32 {
      %scan3A_30 = arith.constant 0 : i32
      %scan3A_31 = arith.constant 0 : i32
      %broadcast_in_dim3A = arith.constant 1.000000e+00 : f32
      %broadcast_in_dim3A_32 = vector.broadcast %broadcast_in_dim3A : f32 to vector<16xf32>
      %mul3A_33 = arith.constant 16 : i32
      %mul3A_34 = arith.muli %scan3A_31, %mul3A_33 : i32
      %swap3A = arith.index_cast %scan3A_28 : i32 to index
      %swap3A_35 = arith.index_cast %mul3A_34 : i32 to index
      %swap3A_36 = tpu.vector_load %arg5[%swap3A, %swap3A_35] {strides = array<i32>} : memref<128x16xf32, #tpu.memory_space<vmem>>, vector<1x16xf32>,
      %swap3A_37 = vector.shape_cast %swap3A_36 : vector<1x16xf32> to vector<16xf32>
      %swap3A_38 = vector.shape_cast %broadcast_in_dim3A_32 : vector<16xf32> to vector<1x16xf32>
      tpu.vector_store %arg5[%swap3A, %swap3A_35], %swap3A_38 {strides = array<i32>} : memref<128x16xf32, #tpu.memory_space<vmem>>, vector<1x16xf32>,
      %scan3A_39 = arith.constant 0 : i32
      %scan3A_40 = arith.constant 1 : i32
      scf.yield %scan3A_39 : i32
    }
    %scan3A_6 = arith.constant 128 : i32
    %scan3A_7 = arith.constant 0 : i32
    %scan3A_8 = arith.constant 0 : i32
    %scan3A_9 = arith.constant 640 : i32
    %scan3A_10 = arith.addi %scan3A_8, %scan3A_9 : i32
    %scan3A_11 = arith.constant 1 : i32
    %scan3A_12 = scf.for %scan3A_28 = %scan3A_8 to %scan3A_10 step %scan3A_11 iter_args(%scan3A_29 = %scan3A_7) -> (i32)  : i32 {
      %scan3A_30 = arith.constant 0 : i32
      %scan3A_31 = arith.constant 0 : i32
      %broadcast_in_dim3A = arith.constant 0.000000e+00 : f32
      %broadcast_in_dim3A_32 = vector.broadcast %broadcast_in_dim3A : f32 to vector<16xf32>
      %mul3A_33 = arith.constant 16 : i32
      %mul3A_34 = arith.muli %scan3A_31, %mul3A_33 : i32
      %swap3A = arith.index_cast %scan3A_28 : i32 to index
      %swap3A_35 = arith.index_cast %mul3A_34 : i32 to index
      %swap3A_36 = tpu.vector_load %arg6[%swap3A, %swap3A_35] {strides = array<i32>} : memref<640x16xf32, #tpu.memory_space<vmem>>, vector<1x16xf32>,
      %swap3A_37 = vector.shape_cast %swap3A_36 : vector<1x16xf32> to vector<16xf32>
      %swap3A_38 = vector.shape_cast %broadcast_in_dim3A_32 : vector<16xf32> to vector<1x16xf32>
      tpu.vector_store %arg6[%swap3A, %swap3A_35], %swap3A_38 {strides = array<i32>} : memref<640x16xf32, #tpu.memory_space<vmem>>, vector<1x16xf32>,
      %scan3A_39 = arith.constant 0 : i32
      %scan3A_40 = arith.constant 1 : i32
      scf.yield %scan3A_39 : i32
    }
    %scan3A_13 = arith.constant 640 : i32
    %mul3A_14 = arith.constant 640 : i32
    %mul3A_15 = arith.muli %arg1, %mul3A_14 : i32
    "tpu.region"() ({
      %run_scoped3A = tpu.sem_alloc : memref<!tpu.dma_semaphore, #tpu.memory_space<semaphore_mem>>
      %dma_start3A = arith.constant 0 : i32
      %dma_start3A_28 = tpu.memref_slice %arg7[%mul3A_15, %dma_start3A] : memref<10240x16xf32, #tpu.memory_space<vmem_shared>> -> memref<640x16xf32, #tpu.memory_space<vmem_shared>>
      %dma_start3A_29 = arith.constant 0 : i32
      %dma_start3A_30 = tpu.memref_slice %arg7[%mul3A_15, %dma_start3A_29] : memref<10240x16xf32, #tpu.memory_space<vmem_shared>> -> memref<640x16xf32, #tpu.memory_space<vmem_shared>>
      tpu.enqueue_dma source(%arg6 : memref<640x16xf32, #tpu.memory_space<vmem>>) target(%dma_start3A_30 : memref<640x16xf32, #tpu.memory_space<vmem_shared>>) target_semaphore(%run_scoped3A : memref<!tpu.dma_semaphore, #tpu.memory_space<semaphore_mem>>)
      %dma_wait3A = arith.constant 0 : i32
      %dma_wait3A_31 = tpu.memref_slice %arg7[%mul3A_15, %dma_wait3A] : memref<10240x16xf32, #tpu.memory_space<vmem_shared>> -> memref<640x16xf32, #tpu.memory_space<vmem_shared>>
      %dma_wait3A_32 = arith.constant 0 : i32
      %dma_wait3A_33 = tpu.memref_slice %arg7[%mul3A_15, %dma_wait3A_32] : memref<10240x16xf32, #tpu.memory_space<vmem_shared>> -> memref<640x16xf32, #tpu.memory_space<vmem_shared>>
      tpu.wait_dma2 semaphore(%run_scoped3A : memref<!tpu.dma_semaphore, #tpu.memory_space<semaphore_mem>>) src(%arg6 : memref<640x16xf32, #tpu.memory_space<vmem>>) dst(%dma_wait3A_33 : memref<640x16xf32, #tpu.memory_space<vmem_shared>>)
      tpu.yield
    }) : () -> ()
    %barrier3A = arith.constant 0 : index
    tpu.barrier barrier_id(%barrier3A)
    %scan3A_16 = arith.constant 0 : i32
    %scan3A_17 = arith.constant 0 : i32
    %scan3A_18 = arith.constant 40 : i32
    %scan3A_19 = arith.addi %scan3A_17, %scan3A_18 : i32
    %scan3A_20 = arith.constant 1 : i32
    %scan3A_21 = scf.for %scan3A_28 = %scan3A_17 to %scan3A_19 step %scan3A_20 iter_args(%scan3A_29 = %scan3A_16) -> (i32)  : i32 {
      "tpu.region"() ({
        %run_scoped3A = tpu.sem_alloc : memref<!tpu.dma_semaphore, #tpu.memory_space<semaphore_mem>>
        %dma_start3A = arith.constant 0 : i32
        %dma_start3A_31 = tpu.memref_slice %arg4[%scan3A_28, %dma_start3A] : memref<40x128xi32, #tpu.memory_space<vmem>> -> memref<1x128xi32, #tpu.memory_space<vmem>>
        %dma_start3A_32 = tpu.memref_squeeze %dma_start3A_31 : memref<1x128xi32, #tpu.memory_space<vmem>> -> memref<128xi32, #tpu.memory_space<vmem>>
        %dma_start3A_33 = arith.constant 0 : i32
        %dma_start3A_34 = arith.constant 0 : i32
        %dma_start3A_35 = tpu.memref_slice %arg7[%dma_start3A_33, %dma_start3A_34] : memref<10240x16xf32, #tpu.memory_space<vmem_shared>> -> memref<10240x16xf32, #tpu.memory_space<vmem_shared>>
        tpu.enqueue_indirect_dma source(%arg5 : memref<128x16xf32, #tpu.memory_space<vmem>>) target(%dma_start3A_35 : memref<10240x16xf32, #tpu.memory_space<vmem_shared>>) offsets(%dma_start3A_32 : memref<128xi32, #tpu.memory_space<vmem>>) semaphore(%run_scoped3A : memref<!tpu.dma_semaphore, #tpu.memory_space<semaphore_mem>>) {add = true}
        %dma_wait3A = arith.constant 0 : i32
        %dma_wait3A_36 = tpu.memref_slice %arg4[%scan3A_28, %dma_wait3A] : memref<40x128xi32, #tpu.memory_space<vmem>> -> memref<1x128xi32, #tpu.memory_space<vmem>>
        %dma_wait3A_37 = tpu.memref_squeeze %dma_wait3A_36 : memref<1x128xi32, #tpu.memory_space<vmem>> -> memref<128xi32, #tpu.memory_space<vmem>>
        %dma_wait3A_38 = arith.constant 0 : i32
        %dma_wait3A_39 = arith.constant 0 : i32
        %dma_wait3A_40 = tpu.memref_slice %arg7[%dma_wait3A_38, %dma_wait3A_39] : memref<10240x16xf32, #tpu.memory_space<vmem_shared>> -> memref<10240x16xf32, #tpu.memory_space<vmem_shared>>
        tpu.wait_indirect_dma semaphore(%run_scoped3A : memref<!tpu.dma_semaphore, #tpu.memory_space<semaphore_mem>>) src(%arg5 : memref<128x16xf32, #tpu.memory_space<vmem>>) dst(%dma_wait3A_40 : memref<10240x16xf32, #tpu.memory_space<vmem_shared>>)
        tpu.yield
      }) : () -> ()
      %scan3A_30 = arith.constant 0 : i32
      scf.yield %scan3A_30 : i32
    }
    %scan3A_22 = arith.constant 40 : i32
    %barrier3A_23 = arith.constant 0 : index
    tpu.barrier barrier_id(%barrier3A_23)
    %mul3A_24 = arith.constant 640 : i32
    %mul3A_25 = arith.muli %arg1, %mul3A_24 : i32
    "tpu.region"() ({
      %run_scoped3A = tpu.sem_alloc : memref<!tpu.dma_semaphore, #tpu.memory_space<semaphore_mem>>
      %dma_start3A = arith.constant 0 : i32
      %dma_start3A_28 = tpu.memref_slice %arg7[%mul3A_25, %dma_start3A] : memref<10240x16xf32, #tpu.memory_space<vmem_shared>> -> memref<640x16xf32, #tpu.memory_space<vmem_shared>>
      %dma_start3A_29 = arith.constant 0 : i32
      %dma_start3A_30 = tpu.memref_slice %arg7[%mul3A_25, %dma_start3A_29] : memref<10240x16xf32, #tpu.memory_space<vmem_shared>> -> memref<640x16xf32, #tpu.memory_space<vmem_shared>>
      tpu.enqueue_dma source(%dma_start3A_30 : memref<640x16xf32, #tpu.memory_space<vmem_shared>>) target(%arg6 : memref<640x16xf32, #tpu.memory_space<vmem>>) target_semaphore(%run_scoped3A : memref<!tpu.dma_semaphore, #tpu.memory_space<semaphore_mem>>)
      %dma_wait3A = arith.constant 0 : i32
      %dma_wait3A_31 = tpu.memref_slice %arg7[%mul3A_25, %dma_wait3A] : memref<10240x16xf32, #tpu.memory_space<vmem_shared>> -> memref<640x16xf32, #tpu.memory_space<vmem_shared>>
      %dma_wait3A_32 = arith.constant 0 : i32
      %dma_wait3A_33 = tpu.memref_slice %arg7[%mul3A_25, %dma_wait3A_32] : memref<10240x16xf32, #tpu.memory_space<vmem_shared>> -> memref<640x16xf32, #tpu.memory_space<vmem_shared>>
      tpu.wait_dma2 semaphore(%run_scoped3A : memref<!tpu.dma_semaphore, #tpu.memory_space<semaphore_mem>>) src(%dma_wait3A_33 : memref<640x16xf32, #tpu.memory_space<vmem_shared>>) dst(%arg6 : memref<640x16xf32, #tpu.memory_space<vmem>>)
      tpu.yield
    }) : () -> ()
    %mul3A_26 = arith.constant 640 : i32
    %mul3A_27 = arith.muli %arg1, %mul3A_26 : i32
    "tpu.region"() ({
      %run_scoped3A = tpu.sem_alloc : memref<!tpu.dma_semaphore, #tpu.memory_space<semaphore_mem>>
      %dma_start3A = arith.constant 0 : i32
      %dma_start3A_28 = tpu.memref_slice %arg3[%arg0, %mul3A_27, %dma_start3A] : memref<2x10240x16xf32, #tpu.memory_space<hbm>> -> memref<1x640x16xf32, #tpu.memory_space<hbm>>
      %dma_start3A_29 = tpu.memref_squeeze %dma_start3A_28 : memref<1x640x16xf32, #tpu.memory_space<hbm>> -> memref<640x16xf32, #tpu.memory_space<hbm>>
      %dma_start3A_30 = arith.constant 0 : i32
      %dma_start3A_31 = tpu.memref_slice %arg3[%arg0, %mul3A_27, %dma_start3A_30] : memref<2x10240x16xf32, #tpu.memory_space<hbm>> -> memref<1x640x16xf32, #tpu.memory_space<hbm>>
      %dma_start3A_32 = tpu.memref_squeeze %dma_start3A_31 : memref<1x640x16xf32, #tpu.memory_space<hbm>> -> memref<640x16xf32, #tpu.memory_space<hbm>>
      tpu.enqueue_dma source(%arg6 : memref<640x16xf32, #tpu.memory_space<vmem>>) target(%dma_start3A_32 : memref<640x16xf32, #tpu.memory_space<hbm>>) target_semaphore(%run_scoped3A : memref<!tpu.dma_semaphore, #tpu.memory_space<semaphore_mem>>)
      %dma_wait3A = arith.constant 0 : i32
      %dma_wait3A_33 = tpu.memref_slice %arg3[%arg0, %mul3A_27, %dma_wait3A] : memref<2x10240x16xf32, #tpu.memory_space<hbm>> -> memref<1x640x16xf32, #tpu.memory_space<hbm>>
      %dma_wait3A_34 = tpu.memref_squeeze %dma_wait3A_33 : memref<1x640x16xf32, #tpu.memory_space<hbm>> -> memref<640x16xf32, #tpu.memory_space<hbm>>
      %dma_wait3A_35 = arith.constant 0 : i32
      %dma_wait3A_36 = tpu.memref_slice %arg3[%arg0, %mul3A_27, %dma_wait3A_35] : memref<2x10240x16xf32, #tpu.memory_space<hbm>> -> memref<1x640x16xf32, #tpu.memory_space<hbm>>
      %dma_wait3A_37 = tpu.memref_squeeze %dma_wait3A_36 : memref<1x640x16xf32, #tpu.memory_space<hbm>> -> memref<640x16xf32, #tpu.memory_space<hbm>>
      tpu.wait_dma2 semaphore(%run_scoped3A : memref<!tpu.dma_semaphore, #tpu.memory_space<semaphore_mem>>) src(%arg6 : memref<640x16xf32, #tpu.memory_space<vmem>>) dst(%dma_wait3A_37 : memref<640x16xf32, #tpu.memory_space<hbm>>)
      tpu.yield
    }) : () -> ()
    return
  }
}

#map = affine_map<(d0, d1) -> (0, 0)>
#map1 = affine_map<(d0, d1) -> (0, 0, 0, 0)>
#map2 = affine_map<(d0, d1) -> (0, 0, 0)>
module attributes {stable_mosaic.version = 14 : i64} {
  func.func @_seg_body(%arg0: i32, %arg1: i32, %arg2: memref<20000x144xf32, #tpu.memory_space<hbm>>, %arg3: memref<2x16x160x64xi32, #tpu.memory_space<hbm>>, %arg4: memref<16x160x64xi32, #tpu.memory_space<hbm>>, %arg5: memref<2x10000x144xf32, #tpu.memory_space<hbm>>, %arg6: memref<160x64xi32, #tpu.memory_space<vmem>>, %arg7: memref<160x64xi32, #tpu.memory_space<vmem>>, %arg8: memref<2x64x144xf32, #tpu.memory_space<vmem>>, %arg9: memref<10112x144xf32, #tpu.memory_space<vmem_shared>>, %arg10: memref<!tpu.dma_semaphore, #tpu.memory_space<semaphore_mem>>, %arg11: memref<!tpu.dma_semaphore, #tpu.memory_space<semaphore_mem>>, %arg12: memref<!tpu.dma_semaphore, #tpu.memory_space<semaphore_mem>>, %arg13: memref<!tpu.dma_semaphore, #tpu.memory_space<semaphore_mem>>) attributes {dimension_semantics = [#tpu.dimension_semantics<core_parallel>, #tpu.dimension_semantics<subcore_parallel>], iteration_bounds = array<i64: 2, 16>, scalar_prefetch = 0 : i64, scratch_operands = 8 : i64, tpu.core_type = #tpu.core_type<sc_vector_subcore>, window_params = [{transform_indices = #map}, {transform_indices = #map1}, {transform_indices = #map2}, {transform_indices = #map2}]} {
    "tpu.region"() ({
      %run_scoped3A_96 = tpu.sem_alloc : memref<!tpu.dma_semaphore, #tpu.memory_space<semaphore_mem>>
      %dma_start3A_97 = arith.constant 0 : i32
      %dma_start3A_98 = arith.constant 0 : i32
      %dma_start3A_99 = tpu.memref_slice %arg3[%arg0, %arg1, %dma_start3A_97, %dma_start3A_98] : memref<2x16x160x64xi32, #tpu.memory_space<hbm>> -> memref<1x1x160x64xi32, #tpu.memory_space<hbm>>
      %dma_start3A_100 = tpu.memref_squeeze %dma_start3A_99 : memref<1x1x160x64xi32, #tpu.memory_space<hbm>> -> memref<160x64xi32, #tpu.memory_space<hbm>>
      %dma_start3A_101 = arith.constant 0 : i32
      %dma_start3A_102 = arith.constant 0 : i32
      %dma_start3A_103 = tpu.memref_slice %arg3[%arg0, %arg1, %dma_start3A_101, %dma_start3A_102] : memref<2x16x160x64xi32, #tpu.memory_space<hbm>> -> memref<1x1x160x64xi32, #tpu.memory_space<hbm>>
      %dma_start3A_104 = tpu.memref_squeeze %dma_start3A_103 : memref<1x1x160x64xi32, #tpu.memory_space<hbm>> -> memref<160x64xi32, #tpu.memory_space<hbm>>
      tpu.enqueue_dma source(%dma_start3A_104 : memref<160x64xi32, #tpu.memory_space<hbm>>) target(%arg6 : memref<160x64xi32, #tpu.memory_space<vmem>>) target_semaphore(%run_scoped3A_96 : memref<!tpu.dma_semaphore, #tpu.memory_space<semaphore_mem>>)
      %dma_wait3A_105 = arith.constant 0 : i32
      %dma_wait3A_106 = arith.constant 0 : i32
      %dma_wait3A_107 = tpu.memref_slice %arg3[%arg0, %arg1, %dma_wait3A_105, %dma_wait3A_106] : memref<2x16x160x64xi32, #tpu.memory_space<hbm>> -> memref<1x1x160x64xi32, #tpu.memory_space<hbm>>
      %dma_wait3A_108 = tpu.memref_squeeze %dma_wait3A_107 : memref<1x1x160x64xi32, #tpu.memory_space<hbm>> -> memref<160x64xi32, #tpu.memory_space<hbm>>
      %dma_wait3A_109 = arith.constant 0 : i32
      %dma_wait3A_110 = arith.constant 0 : i32
      %dma_wait3A_111 = tpu.memref_slice %arg3[%arg0, %arg1, %dma_wait3A_109, %dma_wait3A_110] : memref<2x16x160x64xi32, #tpu.memory_space<hbm>> -> memref<1x1x160x64xi32, #tpu.memory_space<hbm>>
      %dma_wait3A_112 = tpu.memref_squeeze %dma_wait3A_111 : memref<1x1x160x64xi32, #tpu.memory_space<hbm>> -> memref<160x64xi32, #tpu.memory_space<hbm>>
      tpu.wait_dma2 semaphore(%run_scoped3A_96 : memref<!tpu.dma_semaphore, #tpu.memory_space<semaphore_mem>>) src(%dma_wait3A_112 : memref<160x64xi32, #tpu.memory_space<hbm>>) dst(%arg6 : memref<160x64xi32, #tpu.memory_space<vmem>>)
      tpu.yield
    }) : () -> ()
    "tpu.region"() ({
      %run_scoped3A_96 = tpu.sem_alloc : memref<!tpu.dma_semaphore, #tpu.memory_space<semaphore_mem>>
      %dma_start3A_97 = arith.constant 0 : i32
      %dma_start3A_98 = arith.constant 0 : i32
      %dma_start3A_99 = tpu.memref_slice %arg4[%arg1, %dma_start3A_97, %dma_start3A_98] : memref<16x160x64xi32, #tpu.memory_space<hbm>> -> memref<1x160x64xi32, #tpu.memory_space<hbm>>
      %dma_start3A_100 = tpu.memref_squeeze %dma_start3A_99 : memref<1x160x64xi32, #tpu.memory_space<hbm>> -> memref<160x64xi32, #tpu.memory_space<hbm>>
      %dma_start3A_101 = arith.constant 0 : i32
      %dma_start3A_102 = arith.constant 0 : i32
      %dma_start3A_103 = tpu.memref_slice %arg4[%arg1, %dma_start3A_101, %dma_start3A_102] : memref<16x160x64xi32, #tpu.memory_space<hbm>> -> memref<1x160x64xi32, #tpu.memory_space<hbm>>
      %dma_start3A_104 = tpu.memref_squeeze %dma_start3A_103 : memref<1x160x64xi32, #tpu.memory_space<hbm>> -> memref<160x64xi32, #tpu.memory_space<hbm>>
      tpu.enqueue_dma source(%dma_start3A_104 : memref<160x64xi32, #tpu.memory_space<hbm>>) target(%arg7 : memref<160x64xi32, #tpu.memory_space<vmem>>) target_semaphore(%run_scoped3A_96 : memref<!tpu.dma_semaphore, #tpu.memory_space<semaphore_mem>>)
      %dma_wait3A_105 = arith.constant 0 : i32
      %dma_wait3A_106 = arith.constant 0 : i32
      %dma_wait3A_107 = tpu.memref_slice %arg4[%arg1, %dma_wait3A_105, %dma_wait3A_106] : memref<16x160x64xi32, #tpu.memory_space<hbm>> -> memref<1x160x64xi32, #tpu.memory_space<hbm>>
      %dma_wait3A_108 = tpu.memref_squeeze %dma_wait3A_107 : memref<1x160x64xi32, #tpu.memory_space<hbm>> -> memref<160x64xi32, #tpu.memory_space<hbm>>
      %dma_wait3A_109 = arith.constant 0 : i32
      %dma_wait3A_110 = arith.constant 0 : i32
      %dma_wait3A_111 = tpu.memref_slice %arg4[%arg1, %dma_wait3A_109, %dma_wait3A_110] : memref<16x160x64xi32, #tpu.memory_space<hbm>> -> memref<1x160x64xi32, #tpu.memory_space<hbm>>
      %dma_wait3A_112 = tpu.memref_squeeze %dma_wait3A_111 : memref<1x160x64xi32, #tpu.memory_space<hbm>> -> memref<160x64xi32, #tpu.memory_space<hbm>>
      tpu.wait_dma2 semaphore(%run_scoped3A_96 : memref<!tpu.dma_semaphore, #tpu.memory_space<semaphore_mem>>) src(%dma_wait3A_112 : memref<160x64xi32, #tpu.memory_space<hbm>>) dst(%arg7 : memref<160x64xi32, #tpu.memory_space<vmem>>)
      tpu.yield
    }) : () -> ()
    %scan3A = arith.constant 0 : i32
    %scan3A_0 = arith.constant 0 : i32
    %scan3A_1 = arith.constant 0 : i32
    %scan3A_2 = arith.constant 64 : i32
    %scan3A_3 = arith.addi %scan3A_1, %scan3A_2 : i32
    %scan3A_4 = arith.constant 1 : i32
    %scan3A_5 = scf.for %scan3A_96 = %scan3A_1 to %scan3A_3 step %scan3A_4 iter_args(%scan3A_97 = %scan3A_0) -> (i32)  : i32 {
      %scan3A_98 = arith.constant 0 : i32
      %scan3A_99 = arith.constant 0 : i32
      %scan3A_100 = arith.constant 9 : i32
      %scan3A_101 = arith.addi %scan3A_99, %scan3A_100 : i32
      %scan3A_102 = arith.constant 1 : i32
      %scan3A_103 = scf.for %scan3A_105 = %scan3A_99 to %scan3A_101 step %scan3A_102 iter_args(%scan3A_106 = %scan3A_98) -> (i32)  : i32 {
        %broadcast_in_dim3A = arith.constant 0.000000e+00 : f32
        %broadcast_in_dim3A_107 = vector.broadcast %broadcast_in_dim3A : f32 to vector<16xf32>
        %mul3A_108 = arith.constant 16 : i32
        %mul3A_109 = arith.muli %scan3A_105, %mul3A_108 : i32
        %swap3A = arith.constant 0 : i32
        %swap3A_110 = arith.constant 0 : i32
        %swap3A_111 = tpu.memref_slice %arg8[%scan3A, %swap3A, %swap3A_110] : memref<2x64x144xf32, #tpu.memory_space<vmem>> -> memref<1x64x144xf32, #tpu.memory_space<vmem>>
        %swap3A_112 = tpu.memref_squeeze %swap3A_111 : memref<1x64x144xf32, #tpu.memory_space<vmem>> -> memref<64x144xf32, #tpu.memory_space<vmem>>
        %swap3A_113 = arith.index_cast %scan3A_96 : i32 to index
        %swap3A_114 = arith.index_cast %mul3A_109 : i32 to index
        %swap3A_115 = tpu.vector_load %swap3A_112[%swap3A_113, %swap3A_114] {strides = array<i32>} : memref<64x144xf32, #tpu.memory_space<vmem>>, vector<1x16xf32>,
        %swap3A_116 = vector.shape_cast %swap3A_115 : vector<1x16xf32> to vector<16xf32>
        %swap3A_117 = vector.shape_cast %broadcast_in_dim3A_107 : vector<16xf32> to vector<1x16xf32>
        tpu.vector_store %swap3A_112[%swap3A_113, %swap3A_114], %swap3A_117 {strides = array<i32>} : memref<64x144xf32, #tpu.memory_space<vmem>>, vector<1x16xf32>,
        %scan3A_118 = arith.constant 0 : i32
        scf.yield %scan3A_118 : i32
      }
      %scan3A_104 = arith.constant 9 : i32
      scf.yield %scan3A_103 : i32
    }
    %scan3A_6 = arith.constant 64 : i32
    %mul3A = arith.constant 632 : i32
    %mul3A_7 = arith.muli %arg1, %mul3A : i32
    %add3A = arith.constant 0 : i32
    %add3A_8 = arith.addi %mul3A_7, %add3A : i32
    %run_scoped3A = arith.constant 0 : i32
    "tpu.region"() ({
      %run_scoped3A_96 = tpu.sem_alloc : memref<!tpu.dma_semaphore, #tpu.memory_space<semaphore_mem>>
      %dma_start3A_97 = arith.constant 0 : i32
      %dma_start3A_98 = arith.constant 0 : i32
      %dma_start3A_99 = tpu.memref_slice %arg8[%run_scoped3A, %dma_start3A_97, %dma_start3A_98] : memref<2x64x144xf32, #tpu.memory_space<vmem>> -> memref<1x64x144xf32, #tpu.memory_space<vmem>>
      %dma_start3A_100 = tpu.memref_squeeze %dma_start3A_99 : memref<1x64x144xf32, #tpu.memory_space<vmem>> -> memref<64x144xf32, #tpu.memory_space<vmem>>
      %dma_start3A_101 = arith.constant 0 : i32
      %dma_start3A_102 = tpu.memref_slice %arg9[%add3A_8, %dma_start3A_101] : memref<10112x144xf32, #tpu.memory_space<vmem_shared>> -> memref<64x144xf32, #tpu.memory_space<vmem_shared>>
      %dma_start3A_103 = arith.constant 0 : i32
      %dma_start3A_104 = tpu.memref_slice %arg9[%add3A_8, %dma_start3A_103] : memref<10112x144xf32, #tpu.memory_space<vmem_shared>> -> memref<64x144xf32, #tpu.memory_space<vmem_shared>>
      %dma_start3A_105 = arith.constant 0 : i32
      %dma_start3A_106 = arith.constant 0 : i32
      %dma_start3A_107 = tpu.memref_slice %arg8[%run_scoped3A, %dma_start3A_105, %dma_start3A_106] : memref<2x64x144xf32, #tpu.memory_space<vmem>> -> memref<1x64x144xf32, #tpu.memory_space<vmem>>
      %dma_start3A_108 = tpu.memref_squeeze %dma_start3A_107 : memref<1x64x144xf32, #tpu.memory_space<vmem>> -> memref<64x144xf32, #tpu.memory_space<vmem>>
      tpu.enqueue_dma source(%dma_start3A_108 : memref<64x144xf32, #tpu.memory_space<vmem>>) target(%dma_start3A_104 : memref<64x144xf32, #tpu.memory_space<vmem_shared>>) target_semaphore(%run_scoped3A_96 : memref<!tpu.dma_semaphore, #tpu.memory_space<semaphore_mem>>)
      %dma_wait3A_109 = arith.constant 0 : i32
      %dma_wait3A_110 = arith.constant 0 : i32
      %dma_wait3A_111 = tpu.memref_slice %arg8[%run_scoped3A, %dma_wait3A_109, %dma_wait3A_110] : memref<2x64x144xf32, #tpu.memory_space<vmem>> -> memref<1x64x144xf32, #tpu.memory_space<vmem>>
      %dma_wait3A_112 = tpu.memref_squeeze %dma_wait3A_111 : memref<1x64x144xf32, #tpu.memory_space<vmem>> -> memref<64x144xf32, #tpu.memory_space<vmem>>
      %dma_wait3A_113 = arith.constant 0 : i32
      %dma_wait3A_114 = tpu.memref_slice %arg9[%add3A_8, %dma_wait3A_113] : memref<10112x144xf32, #tpu.memory_space<vmem_shared>> -> memref<64x144xf32, #tpu.memory_space<vmem_shared>>
      %dma_wait3A_115 = arith.constant 0 : i32
      %dma_wait3A_116 = tpu.memref_slice %arg9[%add3A_8, %dma_wait3A_115] : memref<10112x144xf32, #tpu.memory_space<vmem_shared>> -> memref<64x144xf32, #tpu.memory_space<vmem_shared>>
      %dma_wait3A_117 = arith.constant 0 : i32
      %dma_wait3A_118 = arith.constant 0 : i32
      %dma_wait3A_119 = tpu.memref_slice %arg8[%run_scoped3A, %dma_wait3A_117, %dma_wait3A_118] : memref<2x64x144xf32, #tpu.memory_space<vmem>> -> memref<1x64x144xf32, #tpu.memory_space<vmem>>
      %dma_wait3A_120 = tpu.memref_squeeze %dma_wait3A_119 : memref<1x64x144xf32, #tpu.memory_space<vmem>> -> memref<64x144xf32, #tpu.memory_space<vmem>>
      tpu.wait_dma2 semaphore(%run_scoped3A_96 : memref<!tpu.dma_semaphore, #tpu.memory_space<semaphore_mem>>) src(%dma_wait3A_120 : memref<64x144xf32, #tpu.memory_space<vmem>>) dst(%dma_wait3A_116 : memref<64x144xf32, #tpu.memory_space<vmem_shared>>)
      tpu.yield
    }) : () -> ()
    %add3A_9 = arith.constant 64 : i32
    %add3A_10 = arith.addi %mul3A_7, %add3A_9 : i32
    %run_scoped3A_11 = arith.constant 0 : i32
    "tpu.region"() ({
      %run_scoped3A_96 = tpu.sem_alloc : memref<!tpu.dma_semaphore, #tpu.memory_space<semaphore_mem>>
      %dma_start3A_97 = arith.constant 0 : i32
      %dma_start3A_98 = arith.constant 0 : i32
      %dma_start3A_99 = tpu.memref_slice %arg8[%run_scoped3A_11, %dma_start3A_97, %dma_start3A_98] : memref<2x64x144xf32, #tpu.memory_space<vmem>> -> memref<1x64x144xf32, #tpu.memory_space<vmem>>
      %dma_start3A_100 = tpu.memref_squeeze %dma_start3A_99 : memref<1x64x144xf32, #tpu.memory_space<vmem>> -> memref<64x144xf32, #tpu.memory_space<vmem>>
      %dma_start3A_101 = arith.constant 0 : i32
      %dma_start3A_102 = tpu.memref_slice %arg9[%add3A_10, %dma_start3A_101] : memref<10112x144xf32, #tpu.memory_space<vmem_shared>> -> memref<64x144xf32, #tpu.memory_space<vmem_shared>>
      %dma_start3A_103 = arith.constant 0 : i32
      %dma_start3A_104 = tpu.memref_slice %arg9[%add3A_10, %dma_start3A_103] : memref<10112x144xf32, #tpu.memory_space<vmem_shared>> -> memref<64x144xf32, #tpu.memory_space<vmem_shared>>
      %dma_start3A_105 = arith.constant 0 : i32
      %dma_start3A_106 = arith.constant 0 : i32
      %dma_start3A_107 = tpu.memref_slice %arg8[%run_scoped3A_11, %dma_start3A_105, %dma_start3A_106] : memref<2x64x144xf32, #tpu.memory_space<vmem>> -> memref<1x64x144xf32, #tpu.memory_space<vmem>>
      %dma_start3A_108 = tpu.memref_squeeze %dma_start3A_107 : memref<1x64x144xf32, #tpu.memory_space<vmem>> -> memref<64x144xf32, #tpu.memory_space<vmem>>
      tpu.enqueue_dma source(%dma_start3A_108 : memref<64x144xf32, #tpu.memory_space<vmem>>) target(%dma_start3A_104 : memref<64x144xf32, #tpu.memory_space<vmem_shared>>) target_semaphore(%run_scoped3A_96 : memref<!tpu.dma_semaphore, #tpu.memory_space<semaphore_mem>>)
      %dma_wait3A_109 = arith.constant 0 : i32
      %dma_wait3A_110 = arith.constant 0 : i32
      %dma_wait3A_111 = tpu.memref_slice %arg8[%run_scoped3A_11, %dma_wait3A_109, %dma_wait3A_110] : memref<2x64x144xf32, #tpu.memory_space<vmem>> -> memref<1x64x144xf32, #tpu.memory_space<vmem>>
      %dma_wait3A_112 = tpu.memref_squeeze %dma_wait3A_111 : memref<1x64x144xf32, #tpu.memory_space<vmem>> -> memref<64x144xf32, #tpu.memory_space<vmem>>
      %dma_wait3A_113 = arith.constant 0 : i32
      %dma_wait3A_114 = tpu.memref_slice %arg9[%add3A_10, %dma_wait3A_113] : memref<10112x144xf32, #tpu.memory_space<vmem_shared>> -> memref<64x144xf32, #tpu.memory_space<vmem_shared>>
      %dma_wait3A_115 = arith.constant 0 : i32
      %dma_wait3A_116 = tpu.memref_slice %arg9[%add3A_10, %dma_wait3A_115] : memref<10112x144xf32, #tpu.memory_space<vmem_shared>> -> memref<64x144xf32, #tpu.memory_space<vmem_shared>>
      %dma_wait3A_117 = arith.constant 0 : i32
      %dma_wait3A_118 = arith.constant 0 : i32
      %dma_wait3A_119 = tpu.memref_slice %arg8[%run_scoped3A_11, %dma_wait3A_117, %dma_wait3A_118] : memref<2x64x144xf32, #tpu.memory_space<vmem>> -> memref<1x64x144xf32, #tpu.memory_space<vmem>>
      %dma_wait3A_120 = tpu.memref_squeeze %dma_wait3A_119 : memref<1x64x144xf32, #tpu.memory_space<vmem>> -> memref<64x144xf32, #tpu.memory_space<vmem>>
      tpu.wait_dma2 semaphore(%run_scoped3A_96 : memref<!tpu.dma_semaphore, #tpu.memory_space<semaphore_mem>>) src(%dma_wait3A_120 : memref<64x144xf32, #tpu.memory_space<vmem>>) dst(%dma_wait3A_116 : memref<64x144xf32, #tpu.memory_space<vmem_shared>>)
      tpu.yield
    }) : () -> ()
    %add3A_12 = arith.constant 128 : i32
    %add3A_13 = arith.addi %mul3A_7, %add3A_12 : i32
    %run_scoped3A_14 = arith.constant 0 : i32
    "tpu.region"() ({
      %run_scoped3A_96 = tpu.sem_alloc : memref<!tpu.dma_semaphore, #tpu.memory_space<semaphore_mem>>
      %dma_start3A_97 = arith.constant 0 : i32
      %dma_start3A_98 = arith.constant 0 : i32
      %dma_start3A_99 = tpu.memref_slice %arg8[%run_scoped3A_14, %dma_start3A_97, %dma_start3A_98] : memref<2x64x144xf32, #tpu.memory_space<vmem>> -> memref<1x64x144xf32, #tpu.memory_space<vmem>>
      %dma_start3A_100 = tpu.memref_squeeze %dma_start3A_99 : memref<1x64x144xf32, #tpu.memory_space<vmem>> -> memref<64x144xf32, #tpu.memory_space<vmem>>
      %dma_start3A_101 = arith.constant 0 : i32
      %dma_start3A_102 = tpu.memref_slice %arg9[%add3A_13, %dma_start3A_101] : memref<10112x144xf32, #tpu.memory_space<vmem_shared>> -> memref<64x144xf32, #tpu.memory_space<vmem_shared>>
      %dma_start3A_103 = arith.constant 0 : i32
      %dma_start3A_104 = tpu.memref_slice %arg9[%add3A_13, %dma_start3A_103] : memref<10112x144xf32, #tpu.memory_space<vmem_shared>> -> memref<64x144xf32, #tpu.memory_space<vmem_shared>>
      %dma_start3A_105 = arith.constant 0 : i32
      %dma_start3A_106 = arith.constant 0 : i32
      %dma_start3A_107 = tpu.memref_slice %arg8[%run_scoped3A_14, %dma_start3A_105, %dma_start3A_106] : memref<2x64x144xf32, #tpu.memory_space<vmem>> -> memref<1x64x144xf32, #tpu.memory_space<vmem>>
      %dma_start3A_108 = tpu.memref_squeeze %dma_start3A_107 : memref<1x64x144xf32, #tpu.memory_space<vmem>> -> memref<64x144xf32, #tpu.memory_space<vmem>>
      tpu.enqueue_dma source(%dma_start3A_108 : memref<64x144xf32, #tpu.memory_space<vmem>>) target(%dma_start3A_104 : memref<64x144xf32, #tpu.memory_space<vmem_shared>>) target_semaphore(%run_scoped3A_96 : memref<!tpu.dma_semaphore, #tpu.memory_space<semaphore_mem>>)
      %dma_wait3A_109 = arith.constant 0 : i32
      %dma_wait3A_110 = arith.constant 0 : i32
      %dma_wait3A_111 = tpu.memref_slice %arg8[%run_scoped3A_14, %dma_wait3A_109, %dma_wait3A_110] : memref<2x64x144xf32, #tpu.memory_space<vmem>> -> memref<1x64x144xf32, #tpu.memory_space<vmem>>
      %dma_wait3A_112 = tpu.memref_squeeze %dma_wait3A_111 : memref<1x64x144xf32, #tpu.memory_space<vmem>> -> memref<64x144xf32, #tpu.memory_space<vmem>>
      %dma_wait3A_113 = arith.constant 0 : i32
      %dma_wait3A_114 = tpu.memref_slice %arg9[%add3A_13, %dma_wait3A_113] : memref<10112x144xf32, #tpu.memory_space<vmem_shared>> -> memref<64x144xf32, #tpu.memory_space<vmem_shared>>
      %dma_wait3A_115 = arith.constant 0 : i32
      %dma_wait3A_116 = tpu.memref_slice %arg9[%add3A_13, %dma_wait3A_115] : memref<10112x144xf32, #tpu.memory_space<vmem_shared>> -> memref<64x144xf32, #tpu.memory_space<vmem_shared>>
      %dma_wait3A_117 = arith.constant 0 : i32
      %dma_wait3A_118 = arith.constant 0 : i32
      %dma_wait3A_119 = tpu.memref_slice %arg8[%run_scoped3A_14, %dma_wait3A_117, %dma_wait3A_118] : memref<2x64x144xf32, #tpu.memory_space<vmem>> -> memref<1x64x144xf32, #tpu.memory_space<vmem>>
      %dma_wait3A_120 = tpu.memref_squeeze %dma_wait3A_119 : memref<1x64x144xf32, #tpu.memory_space<vmem>> -> memref<64x144xf32, #tpu.memory_space<vmem>>
      tpu.wait_dma2 semaphore(%run_scoped3A_96 : memref<!tpu.dma_semaphore, #tpu.memory_space<semaphore_mem>>) src(%dma_wait3A_120 : memref<64x144xf32, #tpu.memory_space<vmem>>) dst(%dma_wait3A_116 : memref<64x144xf32, #tpu.memory_space<vmem_shared>>)
      tpu.yield
    }) : () -> ()
    %add3A_15 = arith.constant 192 : i32
    %add3A_16 = arith.addi %mul3A_7, %add3A_15 : i32
    %run_scoped3A_17 = arith.constant 0 : i32
    "tpu.region"() ({
      %run_scoped3A_96 = tpu.sem_alloc : memref<!tpu.dma_semaphore, #tpu.memory_space<semaphore_mem>>
      %dma_start3A_97 = arith.constant 0 : i32
      %dma_start3A_98 = arith.constant 0 : i32
      %dma_start3A_99 = tpu.memref_slice %arg8[%run_scoped3A_17, %dma_start3A_97, %dma_start3A_98] : memref<2x64x144xf32, #tpu.memory_space<vmem>> -> memref<1x64x144xf32, #tpu.memory_space<vmem>>
      %dma_start3A_100 = tpu.memref_squeeze %dma_start3A_99 : memref<1x64x144xf32, #tpu.memory_space<vmem>> -> memref<64x144xf32, #tpu.memory_space<vmem>>
      %dma_start3A_101 = arith.constant 0 : i32
      %dma_start3A_102 = tpu.memref_slice %arg9[%add3A_16, %dma_start3A_101] : memref<10112x144xf32, #tpu.memory_space<vmem_shared>> -> memref<64x144xf32, #tpu.memory_space<vmem_shared>>
      %dma_start3A_103 = arith.constant 0 : i32
      %dma_start3A_104 = tpu.memref_slice %arg9[%add3A_16, %dma_start3A_103] : memref<10112x144xf32, #tpu.memory_space<vmem_shared>> -> memref<64x144xf32, #tpu.memory_space<vmem_shared>>
      %dma_start3A_105 = arith.constant 0 : i32
      %dma_start3A_106 = arith.constant 0 : i32
      %dma_start3A_107 = tpu.memref_slice %arg8[%run_scoped3A_17, %dma_start3A_105, %dma_start3A_106] : memref<2x64x144xf32, #tpu.memory_space<vmem>> -> memref<1x64x144xf32, #tpu.memory_space<vmem>>
      %dma_start3A_108 = tpu.memref_squeeze %dma_start3A_107 : memref<1x64x144xf32, #tpu.memory_space<vmem>> -> memref<64x144xf32, #tpu.memory_space<vmem>>
      tpu.enqueue_dma source(%dma_start3A_108 : memref<64x144xf32, #tpu.memory_space<vmem>>) target(%dma_start3A_104 : memref<64x144xf32, #tpu.memory_space<vmem_shared>>) target_semaphore(%run_scoped3A_96 : memref<!tpu.dma_semaphore, #tpu.memory_space<semaphore_mem>>)
      %dma_wait3A_109 = arith.constant 0 : i32
      %dma_wait3A_110 = arith.constant 0 : i32
      %dma_wait3A_111 = tpu.memref_slice %arg8[%run_scoped3A_17, %dma_wait3A_109, %dma_wait3A_110] : memref<2x64x144xf32, #tpu.memory_space<vmem>> -> memref<1x64x144xf32, #tpu.memory_space<vmem>>
      %dma_wait3A_112 = tpu.memref_squeeze %dma_wait3A_111 : memref<1x64x144xf32, #tpu.memory_space<vmem>> -> memref<64x144xf32, #tpu.memory_space<vmem>>
      %dma_wait3A_113 = arith.constant 0 : i32
      %dma_wait3A_114 = tpu.memref_slice %arg9[%add3A_16, %dma_wait3A_113] : memref<10112x144xf32, #tpu.memory_space<vmem_shared>> -> memref<64x144xf32, #tpu.memory_space<vmem_shared>>
      %dma_wait3A_115 = arith.constant 0 : i32
      %dma_wait3A_116 = tpu.memref_slice %arg9[%add3A_16, %dma_wait3A_115] : memref<10112x144xf32, #tpu.memory_space<vmem_shared>> -> memref<64x144xf32, #tpu.memory_space<vmem_shared>>
      %dma_wait3A_117 = arith.constant 0 : i32
      %dma_wait3A_118 = arith.constant 0 : i32
      %dma_wait3A_119 = tpu.memref_slice %arg8[%run_scoped3A_17, %dma_wait3A_117, %dma_wait3A_118] : memref<2x64x144xf32, #tpu.memory_space<vmem>> -> memref<1x64x144xf32, #tpu.memory_space<vmem>>
      %dma_wait3A_120 = tpu.memref_squeeze %dma_wait3A_119 : memref<1x64x144xf32, #tpu.memory_space<vmem>> -> memref<64x144xf32, #tpu.memory_space<vmem>>
      tpu.wait_dma2 semaphore(%run_scoped3A_96 : memref<!tpu.dma_semaphore, #tpu.memory_space<semaphore_mem>>) src(%dma_wait3A_120 : memref<64x144xf32, #tpu.memory_space<vmem>>) dst(%dma_wait3A_116 : memref<64x144xf32, #tpu.memory_space<vmem_shared>>)
      tpu.yield
    }) : () -> ()
    %add3A_18 = arith.constant 256 : i32
    %add3A_19 = arith.addi %mul3A_7, %add3A_18 : i32
    %run_scoped3A_20 = arith.constant 0 : i32
    "tpu.region"() ({
      %run_scoped3A_96 = tpu.sem_alloc : memref<!tpu.dma_semaphore, #tpu.memory_space<semaphore_mem>>
      %dma_start3A_97 = arith.constant 0 : i32
      %dma_start3A_98 = arith.constant 0 : i32
      %dma_start3A_99 = tpu.memref_slice %arg8[%run_scoped3A_20, %dma_start3A_97, %dma_start3A_98] : memref<2x64x144xf32, #tpu.memory_space<vmem>> -> memref<1x64x144xf32, #tpu.memory_space<vmem>>
      %dma_start3A_100 = tpu.memref_squeeze %dma_start3A_99 : memref<1x64x144xf32, #tpu.memory_space<vmem>> -> memref<64x144xf32, #tpu.memory_space<vmem>>
      %dma_start3A_101 = arith.constant 0 : i32
      %dma_start3A_102 = tpu.memref_slice %arg9[%add3A_19, %dma_start3A_101] : memref<10112x144xf32, #tpu.memory_space<vmem_shared>> -> memref<64x144xf32, #tpu.memory_space<vmem_shared>>
      %dma_start3A_103 = arith.constant 0 : i32
      %dma_start3A_104 = tpu.memref_slice %arg9[%add3A_19, %dma_start3A_103] : memref<10112x144xf32, #tpu.memory_space<vmem_shared>> -> memref<64x144xf32, #tpu.memory_space<vmem_shared>>
      %dma_start3A_105 = arith.constant 0 : i32
      %dma_start3A_106 = arith.constant 0 : i32
      %dma_start3A_107 = tpu.memref_slice %arg8[%run_scoped3A_20, %dma_start3A_105, %dma_start3A_106] : memref<2x64x144xf32, #tpu.memory_space<vmem>> -> memref<1x64x144xf32, #tpu.memory_space<vmem>>
      %dma_start3A_108 = tpu.memref_squeeze %dma_start3A_107 : memref<1x64x144xf32, #tpu.memory_space<vmem>> -> memref<64x144xf32, #tpu.memory_space<vmem>>
      tpu.enqueue_dma source(%dma_start3A_108 : memref<64x144xf32, #tpu.memory_space<vmem>>) target(%dma_start3A_104 : memref<64x144xf32, #tpu.memory_space<vmem_shared>>) target_semaphore(%run_scoped3A_96 : memref<!tpu.dma_semaphore, #tpu.memory_space<semaphore_mem>>)
      %dma_wait3A_109 = arith.constant 0 : i32
      %dma_wait3A_110 = arith.constant 0 : i32
      %dma_wait3A_111 = tpu.memref_slice %arg8[%run_scoped3A_20, %dma_wait3A_109, %dma_wait3A_110] : memref<2x64x144xf32, #tpu.memory_space<vmem>> -> memref<1x64x144xf32, #tpu.memory_space<vmem>>
      %dma_wait3A_112 = tpu.memref_squeeze %dma_wait3A_111 : memref<1x64x144xf32, #tpu.memory_space<vmem>> -> memref<64x144xf32, #tpu.memory_space<vmem>>
      %dma_wait3A_113 = arith.constant 0 : i32
      %dma_wait3A_114 = tpu.memref_slice %arg9[%add3A_19, %dma_wait3A_113] : memref<10112x144xf32, #tpu.memory_space<vmem_shared>> -> memref<64x144xf32, #tpu.memory_space<vmem_shared>>
      %dma_wait3A_115 = arith.constant 0 : i32
      %dma_wait3A_116 = tpu.memref_slice %arg9[%add3A_19, %dma_wait3A_115] : memref<10112x144xf32, #tpu.memory_space<vmem_shared>> -> memref<64x144xf32, #tpu.memory_space<vmem_shared>>
      %dma_wait3A_117 = arith.constant 0 : i32
      %dma_wait3A_118 = arith.constant 0 : i32
      %dma_wait3A_119 = tpu.memref_slice %arg8[%run_scoped3A_20, %dma_wait3A_117, %dma_wait3A_118] : memref<2x64x144xf32, #tpu.memory_space<vmem>> -> memref<1x64x144xf32, #tpu.memory_space<vmem>>
      %dma_wait3A_120 = tpu.memref_squeeze %dma_wait3A_119 : memref<1x64x144xf32, #tpu.memory_space<vmem>> -> memref<64x144xf32, #tpu.memory_space<vmem>>
      tpu.wait_dma2 semaphore(%run_scoped3A_96 : memref<!tpu.dma_semaphore, #tpu.memory_space<semaphore_mem>>) src(%dma_wait3A_120 : memref<64x144xf32, #tpu.memory_space<vmem>>) dst(%dma_wait3A_116 : memref<64x144xf32, #tpu.memory_space<vmem_shared>>)
      tpu.yield
    }) : () -> ()
    %add3A_21 = arith.constant 320 : i32
    %add3A_22 = arith.addi %mul3A_7, %add3A_21 : i32
    %run_scoped3A_23 = arith.constant 0 : i32
    "tpu.region"() ({
      %run_scoped3A_96 = tpu.sem_alloc : memref<!tpu.dma_semaphore, #tpu.memory_space<semaphore_mem>>
      %dma_start3A_97 = arith.constant 0 : i32
      %dma_start3A_98 = arith.constant 0 : i32
      %dma_start3A_99 = tpu.memref_slice %arg8[%run_scoped3A_23, %dma_start3A_97, %dma_start3A_98] : memref<2x64x144xf32, #tpu.memory_space<vmem>> -> memref<1x64x144xf32, #tpu.memory_space<vmem>>
      %dma_start3A_100 = tpu.memref_squeeze %dma_start3A_99 : memref<1x64x144xf32, #tpu.memory_space<vmem>> -> memref<64x144xf32, #tpu.memory_space<vmem>>
      %dma_start3A_101 = arith.constant 0 : i32
      %dma_start3A_102 = tpu.memref_slice %arg9[%add3A_22, %dma_start3A_101] : memref<10112x144xf32, #tpu.memory_space<vmem_shared>> -> memref<64x144xf32, #tpu.memory_space<vmem_shared>>
      %dma_start3A_103 = arith.constant 0 : i32
      %dma_start3A_104 = tpu.memref_slice %arg9[%add3A_22, %dma_start3A_103] : memref<10112x144xf32, #tpu.memory_space<vmem_shared>> -> memref<64x144xf32, #tpu.memory_space<vmem_shared>>
      %dma_start3A_105 = arith.constant 0 : i32
      %dma_start3A_106 = arith.constant 0 : i32
      %dma_start3A_107 = tpu.memref_slice %arg8[%run_scoped3A_23, %dma_start3A_105, %dma_start3A_106] : memref<2x64x144xf32, #tpu.memory_space<vmem>> -> memref<1x64x144xf32, #tpu.memory_space<vmem>>
      %dma_start3A_108 = tpu.memref_squeeze %dma_start3A_107 : memref<1x64x144xf32, #tpu.memory_space<vmem>> -> memref<64x144xf32, #tpu.memory_space<vmem>>
      tpu.enqueue_dma source(%dma_start3A_108 : memref<64x144xf32, #tpu.memory_space<vmem>>) target(%dma_start3A_104 : memref<64x144xf32, #tpu.memory_space<vmem_shared>>) target_semaphore(%run_scoped3A_96 : memref<!tpu.dma_semaphore, #tpu.memory_space<semaphore_mem>>)
      %dma_wait3A_109 = arith.constant 0 : i32
      %dma_wait3A_110 = arith.constant 0 : i32
      %dma_wait3A_111 = tpu.memref_slice %arg8[%run_scoped3A_23, %dma_wait3A_109, %dma_wait3A_110] : memref<2x64x144xf32, #tpu.memory_space<vmem>> -> memref<1x64x144xf32, #tpu.memory_space<vmem>>
      %dma_wait3A_112 = tpu.memref_squeeze %dma_wait3A_111 : memref<1x64x144xf32, #tpu.memory_space<vmem>> -> memref<64x144xf32, #tpu.memory_space<vmem>>
      %dma_wait3A_113 = arith.constant 0 : i32
      %dma_wait3A_114 = tpu.memref_slice %arg9[%add3A_22, %dma_wait3A_113] : memref<10112x144xf32, #tpu.memory_space<vmem_shared>> -> memref<64x144xf32, #tpu.memory_space<vmem_shared>>
      %dma_wait3A_115 = arith.constant 0 : i32
      %dma_wait3A_116 = tpu.memref_slice %arg9[%add3A_22, %dma_wait3A_115] : memref<10112x144xf32, #tpu.memory_space<vmem_shared>> -> memref<64x144xf32, #tpu.memory_space<vmem_shared>>
      %dma_wait3A_117 = arith.constant 0 : i32
      %dma_wait3A_118 = arith.constant 0 : i32
      %dma_wait3A_119 = tpu.memref_slice %arg8[%run_scoped3A_23, %dma_wait3A_117, %dma_wait3A_118] : memref<2x64x144xf32, #tpu.memory_space<vmem>> -> memref<1x64x144xf32, #tpu.memory_space<vmem>>
      %dma_wait3A_120 = tpu.memref_squeeze %dma_wait3A_119 : memref<1x64x144xf32, #tpu.memory_space<vmem>> -> memref<64x144xf32, #tpu.memory_space<vmem>>
      tpu.wait_dma2 semaphore(%run_scoped3A_96 : memref<!tpu.dma_semaphore, #tpu.memory_space<semaphore_mem>>) src(%dma_wait3A_120 : memref<64x144xf32, #tpu.memory_space<vmem>>) dst(%dma_wait3A_116 : memref<64x144xf32, #tpu.memory_space<vmem_shared>>)
      tpu.yield
    }) : () -> ()
    %add3A_24 = arith.constant 384 : i32
    %add3A_25 = arith.addi %mul3A_7, %add3A_24 : i32
    %run_scoped3A_26 = arith.constant 0 : i32
    "tpu.region"() ({
      %run_scoped3A_96 = tpu.sem_alloc : memref<!tpu.dma_semaphore, #tpu.memory_space<semaphore_mem>>
      %dma_start3A_97 = arith.constant 0 : i32
      %dma_start3A_98 = arith.constant 0 : i32
      %dma_start3A_99 = tpu.memref_slice %arg8[%run_scoped3A_26, %dma_start3A_97, %dma_start3A_98] : memref<2x64x144xf32, #tpu.memory_space<vmem>> -> memref<1x64x144xf32, #tpu.memory_space<vmem>>
      %dma_start3A_100 = tpu.memref_squeeze %dma_start3A_99 : memref<1x64x144xf32, #tpu.memory_space<vmem>> -> memref<64x144xf32, #tpu.memory_space<vmem>>
      %dma_start3A_101 = arith.constant 0 : i32
      %dma_start3A_102 = tpu.memref_slice %arg9[%add3A_25, %dma_start3A_101] : memref<10112x144xf32, #tpu.memory_space<vmem_shared>> -> memref<64x144xf32, #tpu.memory_space<vmem_shared>>
      %dma_start3A_103 = arith.constant 0 : i32
      %dma_start3A_104 = tpu.memref_slice %arg9[%add3A_25, %dma_start3A_103] : memref<10112x144xf32, #tpu.memory_space<vmem_shared>> -> memref<64x144xf32, #tpu.memory_space<vmem_shared>>
      %dma_start3A_105 = arith.constant 0 : i32
      %dma_start3A_106 = arith.constant 0 : i32
      %dma_start3A_107 = tpu.memref_slice %arg8[%run_scoped3A_26, %dma_start3A_105, %dma_start3A_106] : memref<2x64x144xf32, #tpu.memory_space<vmem>> -> memref<1x64x144xf32, #tpu.memory_space<vmem>>
      %dma_start3A_108 = tpu.memref_squeeze %dma_start3A_107 : memref<1x64x144xf32, #tpu.memory_space<vmem>> -> memref<64x144xf32, #tpu.memory_space<vmem>>
      tpu.enqueue_dma source(%dma_start3A_108 : memref<64x144xf32, #tpu.memory_space<vmem>>) target(%dma_start3A_104 : memref<64x144xf32, #tpu.memory_space<vmem_shared>>) target_semaphore(%run_scoped3A_96 : memref<!tpu.dma_semaphore, #tpu.memory_space<semaphore_mem>>)
      %dma_wait3A_109 = arith.constant 0 : i32
      %dma_wait3A_110 = arith.constant 0 : i32
      %dma_wait3A_111 = tpu.memref_slice %arg8[%run_scoped3A_26, %dma_wait3A_109, %dma_wait3A_110] : memref<2x64x144xf32, #tpu.memory_space<vmem>> -> memref<1x64x144xf32, #tpu.memory_space<vmem>>
      %dma_wait3A_112 = tpu.memref_squeeze %dma_wait3A_111 : memref<1x64x144xf32, #tpu.memory_space<vmem>> -> memref<64x144xf32, #tpu.memory_space<vmem>>
      %dma_wait3A_113 = arith.constant 0 : i32
      %dma_wait3A_114 = tpu.memref_slice %arg9[%add3A_25, %dma_wait3A_113] : memref<10112x144xf32, #tpu.memory_space<vmem_shared>> -> memref<64x144xf32, #tpu.memory_space<vmem_shared>>
      %dma_wait3A_115 = arith.constant 0 : i32
      %dma_wait3A_116 = tpu.memref_slice %arg9[%add3A_25, %dma_wait3A_115] : memref<10112x144xf32, #tpu.memory_space<vmem_shared>> -> memref<64x144xf32, #tpu.memory_space<vmem_shared>>
      %dma_wait3A_117 = arith.constant 0 : i32
      %dma_wait3A_118 = arith.constant 0 : i32
      %dma_wait3A_119 = tpu.memref_slice %arg8[%run_scoped3A_26, %dma_wait3A_117, %dma_wait3A_118] : memref<2x64x144xf32, #tpu.memory_space<vmem>> -> memref<1x64x144xf32, #tpu.memory_space<vmem>>
      %dma_wait3A_120 = tpu.memref_squeeze %dma_wait3A_119 : memref<1x64x144xf32, #tpu.memory_space<vmem>> -> memref<64x144xf32, #tpu.memory_space<vmem>>
      tpu.wait_dma2 semaphore(%run_scoped3A_96 : memref<!tpu.dma_semaphore, #tpu.memory_space<semaphore_mem>>) src(%dma_wait3A_120 : memref<64x144xf32, #tpu.memory_space<vmem>>) dst(%dma_wait3A_116 : memref<64x144xf32, #tpu.memory_space<vmem_shared>>)
      tpu.yield
    }) : () -> ()
    %add3A_27 = arith.constant 448 : i32
    %add3A_28 = arith.addi %mul3A_7, %add3A_27 : i32
    %run_scoped3A_29 = arith.constant 0 : i32
    "tpu.region"() ({
      %run_scoped3A_96 = tpu.sem_alloc : memref<!tpu.dma_semaphore, #tpu.memory_space<semaphore_mem>>
      %dma_start3A_97 = arith.constant 0 : i32
      %dma_start3A_98 = arith.constant 0 : i32
      %dma_start3A_99 = tpu.memref_slice %arg8[%run_scoped3A_29, %dma_start3A_97, %dma_start3A_98] : memref<2x64x144xf32, #tpu.memory_space<vmem>> -> memref<1x64x144xf32, #tpu.memory_space<vmem>>
      %dma_start3A_100 = tpu.memref_squeeze %dma_start3A_99 : memref<1x64x144xf32, #tpu.memory_space<vmem>> -> memref<64x144xf32, #tpu.memory_space<vmem>>
      %dma_start3A_101 = arith.constant 0 : i32
      %dma_start3A_102 = tpu.memref_slice %arg9[%add3A_28, %dma_start3A_101] : memref<10112x144xf32, #tpu.memory_space<vmem_shared>> -> memref<64x144xf32, #tpu.memory_space<vmem_shared>>
      %dma_start3A_103 = arith.constant 0 : i32
      %dma_start3A_104 = tpu.memref_slice %arg9[%add3A_28, %dma_start3A_103] : memref<10112x144xf32, #tpu.memory_space<vmem_shared>> -> memref<64x144xf32, #tpu.memory_space<vmem_shared>>
      %dma_start3A_105 = arith.constant 0 : i32
      %dma_start3A_106 = arith.constant 0 : i32
      %dma_start3A_107 = tpu.memref_slice %arg8[%run_scoped3A_29, %dma_start3A_105, %dma_start3A_106] : memref<2x64x144xf32, #tpu.memory_space<vmem>> -> memref<1x64x144xf32, #tpu.memory_space<vmem>>
      %dma_start3A_108 = tpu.memref_squeeze %dma_start3A_107 : memref<1x64x144xf32, #tpu.memory_space<vmem>> -> memref<64x144xf32, #tpu.memory_space<vmem>>
      tpu.enqueue_dma source(%dma_start3A_108 : memref<64x144xf32, #tpu.memory_space<vmem>>) target(%dma_start3A_104 : memref<64x144xf32, #tpu.memory_space<vmem_shared>>) target_semaphore(%run_scoped3A_96 : memref<!tpu.dma_semaphore, #tpu.memory_space<semaphore_mem>>)
      %dma_wait3A_109 = arith.constant 0 : i32
      %dma_wait3A_110 = arith.constant 0 : i32
      %dma_wait3A_111 = tpu.memref_slice %arg8[%run_scoped3A_29, %dma_wait3A_109, %dma_wait3A_110] : memref<2x64x144xf32, #tpu.memory_space<vmem>> -> memref<1x64x144xf32, #tpu.memory_space<vmem>>
      %dma_wait3A_112 = tpu.memref_squeeze %dma_wait3A_111 : memref<1x64x144xf32, #tpu.memory_space<vmem>> -> memref<64x144xf32, #tpu.memory_space<vmem>>
      %dma_wait3A_113 = arith.constant 0 : i32
      %dma_wait3A_114 = tpu.memref_slice %arg9[%add3A_28, %dma_wait3A_113] : memref<10112x144xf32, #tpu.memory_space<vmem_shared>> -> memref<64x144xf32, #tpu.memory_space<vmem_shared>>
      %dma_wait3A_115 = arith.constant 0 : i32
      %dma_wait3A_116 = tpu.memref_slice %arg9[%add3A_28, %dma_wait3A_115] : memref<10112x144xf32, #tpu.memory_space<vmem_shared>> -> memref<64x144xf32, #tpu.memory_space<vmem_shared>>
      %dma_wait3A_117 = arith.constant 0 : i32
      %dma_wait3A_118 = arith.constant 0 : i32
      %dma_wait3A_119 = tpu.memref_slice %arg8[%run_scoped3A_29, %dma_wait3A_117, %dma_wait3A_118] : memref<2x64x144xf32, #tpu.memory_space<vmem>> -> memref<1x64x144xf32, #tpu.memory_space<vmem>>
      %dma_wait3A_120 = tpu.memref_squeeze %dma_wait3A_119 : memref<1x64x144xf32, #tpu.memory_space<vmem>> -> memref<64x144xf32, #tpu.memory_space<vmem>>
      tpu.wait_dma2 semaphore(%run_scoped3A_96 : memref<!tpu.dma_semaphore, #tpu.memory_space<semaphore_mem>>) src(%dma_wait3A_120 : memref<64x144xf32, #tpu.memory_space<vmem>>) dst(%dma_wait3A_116 : memref<64x144xf32, #tpu.memory_space<vmem_shared>>)
      tpu.yield
    }) : () -> ()
    %add3A_30 = arith.constant 512 : i32
    %add3A_31 = arith.addi %mul3A_7, %add3A_30 : i32
    %run_scoped3A_32 = arith.constant 0 : i32
    "tpu.region"() ({
      %run_scoped3A_96 = tpu.sem_alloc : memref<!tpu.dma_semaphore, #tpu.memory_space<semaphore_mem>>
      %dma_start3A_97 = arith.constant 0 : i32
      %dma_start3A_98 = arith.constant 0 : i32
      %dma_start3A_99 = tpu.memref_slice %arg8[%run_scoped3A_32, %dma_start3A_97, %dma_start3A_98] : memref<2x64x144xf32, #tpu.memory_space<vmem>> -> memref<1x64x144xf32, #tpu.memory_space<vmem>>
      %dma_start3A_100 = tpu.memref_squeeze %dma_start3A_99 : memref<1x64x144xf32, #tpu.memory_space<vmem>> -> memref<64x144xf32, #tpu.memory_space<vmem>>
      %dma_start3A_101 = arith.constant 0 : i32
      %dma_start3A_102 = tpu.memref_slice %arg9[%add3A_31, %dma_start3A_101] : memref<10112x144xf32, #tpu.memory_space<vmem_shared>> -> memref<64x144xf32, #tpu.memory_space<vmem_shared>>
      %dma_start3A_103 = arith.constant 0 : i32
      %dma_start3A_104 = tpu.memref_slice %arg9[%add3A_31, %dma_start3A_103] : memref<10112x144xf32, #tpu.memory_space<vmem_shared>> -> memref<64x144xf32, #tpu.memory_space<vmem_shared>>
      %dma_start3A_105 = arith.constant 0 : i32
      %dma_start3A_106 = arith.constant 0 : i32
      %dma_start3A_107 = tpu.memref_slice %arg8[%run_scoped3A_32, %dma_start3A_105, %dma_start3A_106] : memref<2x64x144xf32, #tpu.memory_space<vmem>> -> memref<1x64x144xf32, #tpu.memory_space<vmem>>
      %dma_start3A_108 = tpu.memref_squeeze %dma_start3A_107 : memref<1x64x144xf32, #tpu.memory_space<vmem>> -> memref<64x144xf32, #tpu.memory_space<vmem>>
      tpu.enqueue_dma source(%dma_start3A_108 : memref<64x144xf32, #tpu.memory_space<vmem>>) target(%dma_start3A_104 : memref<64x144xf32, #tpu.memory_space<vmem_shared>>) target_semaphore(%run_scoped3A_96 : memref<!tpu.dma_semaphore, #tpu.memory_space<semaphore_mem>>)
      %dma_wait3A_109 = arith.constant 0 : i32
      %dma_wait3A_110 = arith.constant 0 : i32
      %dma_wait3A_111 = tpu.memref_slice %arg8[%run_scoped3A_32, %dma_wait3A_109, %dma_wait3A_110] : memref<2x64x144xf32, #tpu.memory_space<vmem>> -> memref<1x64x144xf32, #tpu.memory_space<vmem>>
      %dma_wait3A_112 = tpu.memref_squeeze %dma_wait3A_111 : memref<1x64x144xf32, #tpu.memory_space<vmem>> -> memref<64x144xf32, #tpu.memory_space<vmem>>
      %dma_wait3A_113 = arith.constant 0 : i32
      %dma_wait3A_114 = tpu.memref_slice %arg9[%add3A_31, %dma_wait3A_113] : memref<10112x144xf32, #tpu.memory_space<vmem_shared>> -> memref<64x144xf32, #tpu.memory_space<vmem_shared>>
      %dma_wait3A_115 = arith.constant 0 : i32
      %dma_wait3A_116 = tpu.memref_slice %arg9[%add3A_31, %dma_wait3A_115] : memref<10112x144xf32, #tpu.memory_space<vmem_shared>> -> memref<64x144xf32, #tpu.memory_space<vmem_shared>>
      %dma_wait3A_117 = arith.constant 0 : i32
      %dma_wait3A_118 = arith.constant 0 : i32
      %dma_wait3A_119 = tpu.memref_slice %arg8[%run_scoped3A_32, %dma_wait3A_117, %dma_wait3A_118] : memref<2x64x144xf32, #tpu.memory_space<vmem>> -> memref<1x64x144xf32, #tpu.memory_space<vmem>>
      %dma_wait3A_120 = tpu.memref_squeeze %dma_wait3A_119 : memref<1x64x144xf32, #tpu.memory_space<vmem>> -> memref<64x144xf32, #tpu.memory_space<vmem>>
      tpu.wait_dma2 semaphore(%run_scoped3A_96 : memref<!tpu.dma_semaphore, #tpu.memory_space<semaphore_mem>>) src(%dma_wait3A_120 : memref<64x144xf32, #tpu.memory_space<vmem>>) dst(%dma_wait3A_116 : memref<64x144xf32, #tpu.memory_space<vmem_shared>>)
      tpu.yield
    }) : () -> ()
    %add3A_33 = arith.constant 576 : i32
    %add3A_34 = arith.addi %mul3A_7, %add3A_33 : i32
    %run_scoped3A_35 = arith.constant 0 : i32
    "tpu.region"() ({
      %run_scoped3A_96 = tpu.sem_alloc : memref<!tpu.dma_semaphore, #tpu.memory_space<semaphore_mem>>
      %dma_start3A_97 = arith.constant 0 : i32
      %dma_start3A_98 = arith.constant 0 : i32
      %dma_start3A_99 = tpu.memref_slice %arg8[%run_scoped3A_35, %dma_start3A_97, %dma_start3A_98] : memref<2x64x144xf32, #tpu.memory_space<vmem>> -> memref<1x56x144xf32, #tpu.memory_space<vmem>>
      %dma_start3A_100 = tpu.memref_squeeze %dma_start3A_99 : memref<1x56x144xf32, #tpu.memory_space<vmem>> -> memref<56x144xf32, #tpu.memory_space<vmem>>
      %dma_start3A_101 = arith.constant 0 : i32
      %dma_start3A_102 = tpu.memref_slice %arg9[%add3A_34, %dma_start3A_101] : memref<10112x144xf32, #tpu.memory_space<vmem_shared>> -> memref<56x144xf32, #tpu.memory_space<vmem_shared>>
      %dma_start3A_103 = arith.constant 0 : i32
      %dma_start3A_104 = tpu.memref_slice %arg9[%add3A_34, %dma_start3A_103] : memref<10112x144xf32, #tpu.memory_space<vmem_shared>> -> memref<56x144xf32, #tpu.memory_space<vmem_shared>>
      %dma_start3A_105 = arith.constant 0 : i32
      %dma_start3A_106 = arith.constant 0 : i32
      %dma_start3A_107 = tpu.memref_slice %arg8[%run_scoped3A_35, %dma_start3A_105, %dma_start3A_106] : memref<2x64x144xf32, #tpu.memory_space<vmem>> -> memref<1x56x144xf32, #tpu.memory_space<vmem>>
      %dma_start3A_108 = tpu.memref_squeeze %dma_start3A_107 : memref<1x56x144xf32, #tpu.memory_space<vmem>> -> memref<56x144xf32, #tpu.memory_space<vmem>>
      tpu.enqueue_dma source(%dma_start3A_108 : memref<56x144xf32, #tpu.memory_space<vmem>>) target(%dma_start3A_104 : memref<56x144xf32, #tpu.memory_space<vmem_shared>>) target_semaphore(%run_scoped3A_96 : memref<!tpu.dma_semaphore, #tpu.memory_space<semaphore_mem>>)
      %dma_wait3A_109 = arith.constant 0 : i32
      %dma_wait3A_110 = arith.constant 0 : i32
      %dma_wait3A_111 = tpu.memref_slice %arg8[%run_scoped3A_35, %dma_wait3A_109, %dma_wait3A_110] : memref<2x64x144xf32, #tpu.memory_space<vmem>> -> memref<1x56x144xf32, #tpu.memory_space<vmem>>
      %dma_wait3A_112 = tpu.memref_squeeze %dma_wait3A_111 : memref<1x56x144xf32, #tpu.memory_space<vmem>> -> memref<56x144xf32, #tpu.memory_space<vmem>>
      %dma_wait3A_113 = arith.constant 0 : i32
      %dma_wait3A_114 = tpu.memref_slice %arg9[%add3A_34, %dma_wait3A_113] : memref<10112x144xf32, #tpu.memory_space<vmem_shared>> -> memref<56x144xf32, #tpu.memory_space<vmem_shared>>
      %dma_wait3A_115 = arith.constant 0 : i32
      %dma_wait3A_116 = tpu.memref_slice %arg9[%add3A_34, %dma_wait3A_115] : memref<10112x144xf32, #tpu.memory_space<vmem_shared>> -> memref<56x144xf32, #tpu.memory_space<vmem_shared>>
      %dma_wait3A_117 = arith.constant 0 : i32
      %dma_wait3A_118 = arith.constant 0 : i32
      %dma_wait3A_119 = tpu.memref_slice %arg8[%run_scoped3A_35, %dma_wait3A_117, %dma_wait3A_118] : memref<2x64x144xf32, #tpu.memory_space<vmem>> -> memref<1x56x144xf32, #tpu.memory_space<vmem>>
      %dma_wait3A_120 = tpu.memref_squeeze %dma_wait3A_119 : memref<1x56x144xf32, #tpu.memory_space<vmem>> -> memref<56x144xf32, #tpu.memory_space<vmem>>
      tpu.wait_dma2 semaphore(%run_scoped3A_96 : memref<!tpu.dma_semaphore, #tpu.memory_space<semaphore_mem>>) src(%dma_wait3A_120 : memref<56x144xf32, #tpu.memory_space<vmem>>) dst(%dma_wait3A_116 : memref<56x144xf32, #tpu.memory_space<vmem_shared>>)
      tpu.yield
    }) : () -> ()
    %barrier3A = arith.constant 0 : index
    tpu.barrier barrier_id(%barrier3A)
    %dma_start3A = arith.constant 0 : i32
    %dma_start3A_36 = arith.constant 0 : i32
    %dma_start3A_37 = arith.constant 0 : i32
    %dma_start3A_38 = arith.constant 0 : i32
    %dma_start3A_39 = tpu.memref_slice %arg8[%dma_start3A_36, %dma_start3A_37, %dma_start3A_38] : memref<2x64x144xf32, #tpu.memory_space<vmem>> -> memref<1x64x144xf32, #tpu.memory_space<vmem>>
    %dma_start3A_40 = tpu.memref_squeeze %dma_start3A_39 : memref<1x64x144xf32, #tpu.memory_space<vmem>> -> memref<64x144xf32, #tpu.memory_space<vmem>>
    %dma_start3A_41 = arith.constant 0 : i32
    %dma_start3A_42 = tpu.memref_slice %arg6[%dma_start3A, %dma_start3A_41] : memref<160x64xi32, #tpu.memory_space<vmem>> -> memref<1x64xi32, #tpu.memory_space<vmem>>
    %dma_start3A_43 = tpu.memref_squeeze %dma_start3A_42 : memref<1x64xi32, #tpu.memory_space<vmem>> -> memref<64xi32, #tpu.memory_space<vmem>>
    %dma_start3A_44 = arith.constant 0 : i32
    %dma_start3A_45 = arith.constant 0 : i32
    %dma_start3A_46 = tpu.memref_slice %arg2[%dma_start3A_44, %dma_start3A_45] : memref<20000x144xf32, #tpu.memory_space<hbm>> -> memref<20000x144xf32, #tpu.memory_space<hbm>>
    tpu.enqueue_indirect_dma source(%dma_start3A_46 : memref<20000x144xf32, #tpu.memory_space<hbm>>) target(%dma_start3A_40 : memref<64x144xf32, #tpu.memory_space<vmem>>) offsets(%dma_start3A_43 : memref<64xi32, #tpu.memory_space<vmem>>) semaphore(%arg10 : memref<!tpu.dma_semaphore, #tpu.memory_space<semaphore_mem>>)
    %dma_start3A_47 = arith.constant 1 : i32
    %dma_start3A_48 = arith.constant 1 : i32
    %dma_start3A_49 = arith.constant 0 : i32
    %dma_start3A_50 = arith.constant 0 : i32
    %dma_start3A_51 = tpu.memref_slice %arg8[%dma_start3A_48, %dma_start3A_49, %dma_start3A_50] : memref<2x64x144xf32, #tpu.memory_space<vmem>> -> memref<1x64x144xf32, #tpu.memory_space<vmem>>
    %dma_start3A_52 = tpu.memref_squeeze %dma_start3A_51 : memref<1x64x144xf32, #tpu.memory_space<vmem>> -> memref<64x144xf32, #tpu.memory_space<vmem>>
    %dma_start3A_53 = arith.constant 0 : i32
    %dma_start3A_54 = tpu.memref_slice %arg6[%dma_start3A_47, %dma_start3A_53] : memref<160x64xi32, #tpu.memory_space<vmem>> -> memref<1x64xi32, #tpu.memory_space<vmem>>
    %dma_start3A_55 = tpu.memref_squeeze %dma_start3A_54 : memref<1x64xi32, #tpu.memory_space<vmem>> -> memref<64xi32, #tpu.memory_space<vmem>>
    %dma_start3A_56 = arith.constant 0 : i32
    %dma_start3A_57 = arith.constant 0 : i32
    %dma_start3A_58 = tpu.memref_slice %arg2[%dma_start3A_56, %dma_start3A_57] : memref<20000x144xf32, #tpu.memory_space<hbm>> -> memref<20000x144xf32, #tpu.memory_space<hbm>>
    tpu.enqueue_indirect_dma source(%dma_start3A_58 : memref<20000x144xf32, #tpu.memory_space<hbm>>) target(%dma_start3A_52 : memref<64x144xf32, #tpu.memory_space<vmem>>) offsets(%dma_start3A_55 : memref<64xi32, #tpu.memory_space<vmem>>) semaphore(%arg11 : memref<!tpu.dma_semaphore, #tpu.memory_space<semaphore_mem>>)
    %scan3A_59 = arith.constant 0 : i32
    %scan3A_60 = arith.constant 0 : i32
    %scan3A_61 = arith.constant 80 : i32
    %scan3A_62 = arith.addi %scan3A_60, %scan3A_61 : i32
    %scan3A_63 = arith.constant 1 : i32
    %scan3A_64 = scf.for %scan3A_96 = %scan3A_60 to %scan3A_62 step %scan3A_63 iter_args(%scan3A_97 = %scan3A_59) -> (i32)  : i32 {
      %mul3A_98 = arith.constant 2 : i32
      %mul3A_99 = arith.muli %scan3A_96, %mul3A_98 : i32
      %add3A_100 = arith.constant 0 : i32
      %add3A_101 = arith.addi %mul3A_99, %add3A_100 : i32
      %dma_wait3A_102 = arith.constant 0 : i32
      %dma_wait3A_103 = arith.constant 0 : i32
      %dma_wait3A_104 = arith.constant 0 : i32
      %dma_wait3A_105 = tpu.memref_slice %arg8[%dma_wait3A_102, %dma_wait3A_103, %dma_wait3A_104] : memref<2x64x144xf32, #tpu.memory_space<vmem>> -> memref<1x64x144xf32, #tpu.memory_space<vmem>>
      %dma_wait3A_106 = tpu.memref_squeeze %dma_wait3A_105 : memref<1x64x144xf32, #tpu.memory_space<vmem>> -> memref<64x144xf32, #tpu.memory_space<vmem>>
      %dma_wait3A_107 = arith.constant 0 : i32
      %dma_wait3A_108 = tpu.memref_slice %arg6[%add3A_101, %dma_wait3A_107] : memref<160x64xi32, #tpu.memory_space<vmem>> -> memref<1x64xi32, #tpu.memory_space<vmem>>
      %dma_wait3A_109 = tpu.memref_squeeze %dma_wait3A_108 : memref<1x64xi32, #tpu.memory_space<vmem>> -> memref<64xi32, #tpu.memory_space<vmem>>
      %dma_wait3A_110 = arith.constant 0 : i32
      %dma_wait3A_111 = arith.constant 0 : i32
      %dma_wait3A_112 = tpu.memref_slice %arg2[%dma_wait3A_110, %dma_wait3A_111] : memref<20000x144xf32, #tpu.memory_space<hbm>> -> memref<20000x144xf32, #tpu.memory_space<hbm>>
      tpu.wait_indirect_dma semaphore(%arg10 : memref<!tpu.dma_semaphore, #tpu.memory_space<semaphore_mem>>) src(%dma_wait3A_112 : memref<20000x144xf32, #tpu.memory_space<hbm>>) dst(%dma_wait3A_106 : memref<64x144xf32, #tpu.memory_space<vmem>>)
      %add3A_113 = arith.constant 0 : i32
      %add3A_114 = arith.addi %mul3A_99, %add3A_113 : i32
      %dma_start3A_115 = arith.constant 0 : i32
      %dma_start3A_116 = arith.constant 0 : i32
      %dma_start3A_117 = arith.constant 0 : i32
      %dma_start3A_118 = tpu.memref_slice %arg8[%dma_start3A_115, %dma_start3A_116, %dma_start3A_117] : memref<2x64x144xf32, #tpu.memory_space<vmem>> -> memref<1x64x144xf32, #tpu.memory_space<vmem>>
      %dma_start3A_119 = tpu.memref_squeeze %dma_start3A_118 : memref<1x64x144xf32, #tpu.memory_space<vmem>> -> memref<64x144xf32, #tpu.memory_space<vmem>>
      %dma_start3A_120 = arith.constant 0 : i32
      %dma_start3A_121 = tpu.memref_slice %arg7[%add3A_114, %dma_start3A_120] : memref<160x64xi32, #tpu.memory_space<vmem>> -> memref<1x64xi32, #tpu.memory_space<vmem>>
      %dma_start3A_122 = tpu.memref_squeeze %dma_start3A_121 : memref<1x64xi32, #tpu.memory_space<vmem>> -> memref<64xi32, #tpu.memory_space<vmem>>
      %dma_start3A_123 = arith.constant 0 : i32
      %dma_start3A_124 = arith.constant 0 : i32
      %dma_start3A_125 = tpu.memref_slice %arg9[%dma_start3A_123, %dma_start3A_124] : memref<10112x144xf32, #tpu.memory_space<vmem_shared>> -> memref<10112x144xf32, #tpu.memory_space<vmem_shared>>
      tpu.enqueue_indirect_dma source(%dma_start3A_119 : memref<64x144xf32, #tpu.memory_space<vmem>>) target(%dma_start3A_125 : memref<10112x144xf32, #tpu.memory_space<vmem_shared>>) offsets(%dma_start3A_122 : memref<64xi32, #tpu.memory_space<vmem>>) semaphore(%arg12 : memref<!tpu.dma_semaphore, #tpu.memory_space<semaphore_mem>>) {add = true}
      %add3A_126 = arith.constant 1 : i32
      %add3A_127 = arith.addi %mul3A_99, %add3A_126 : i32
      %dma_wait3A_128 = arith.constant 1 : i32
      %dma_wait3A_129 = arith.constant 0 : i32
      %dma_wait3A_130 = arith.constant 0 : i32
      %dma_wait3A_131 = tpu.memref_slice %arg8[%dma_wait3A_128, %dma_wait3A_129, %dma_wait3A_130] : memref<2x64x144xf32, #tpu.memory_space<vmem>> -> memref<1x64x144xf32, #tpu.memory_space<vmem>>
      %dma_wait3A_132 = tpu.memref_squeeze %dma_wait3A_131 : memref<1x64x144xf32, #tpu.memory_space<vmem>> -> memref<64x144xf32, #tpu.memory_space<vmem>>
      %dma_wait3A_133 = arith.constant 0 : i32
      %dma_wait3A_134 = tpu.memref_slice %arg6[%add3A_127, %dma_wait3A_133] : memref<160x64xi32, #tpu.memory_space<vmem>> -> memref<1x64xi32, #tpu.memory_space<vmem>>
      %dma_wait3A_135 = tpu.memref_squeeze %dma_wait3A_134 : memref<1x64xi32, #tpu.memory_space<vmem>> -> memref<64xi32, #tpu.memory_space<vmem>>
      %dma_wait3A_136 = arith.constant 0 : i32
      %dma_wait3A_137 = arith.constant 0 : i32
      %dma_wait3A_138 = tpu.memref_slice %arg2[%dma_wait3A_136, %dma_wait3A_137] : memref<20000x144xf32, #tpu.memory_space<hbm>> -> memref<20000x144xf32, #tpu.memory_space<hbm>>
      tpu.wait_indirect_dma semaphore(%arg11 : memref<!tpu.dma_semaphore, #tpu.memory_space<semaphore_mem>>) src(%dma_wait3A_138 : memref<20000x144xf32, #tpu.memory_space<hbm>>) dst(%dma_wait3A_132 : memref<64x144xf32, #tpu.memory_space<vmem>>)
      %add3A_139 = arith.constant 1 : i32
      %add3A_140 = arith.addi %mul3A_99, %add3A_139 : i32
      %dma_start3A_141 = arith.constant 1 : i32
      %dma_start3A_142 = arith.constant 0 : i32
      %dma_start3A_143 = arith.constant 0 : i32
      %dma_start3A_144 = tpu.memref_slice %arg8[%dma_start3A_141, %dma_start3A_142, %dma_start3A_143] : memref<2x64x144xf32, #tpu.memory_space<vmem>> -> memref<1x64x144xf32, #tpu.memory_space<vmem>>
      %dma_start3A_145 = tpu.memref_squeeze %dma_start3A_144 : memref<1x64x144xf32, #tpu.memory_space<vmem>> -> memref<64x144xf32, #tpu.memory_space<vmem>>
      %dma_start3A_146 = arith.constant 0 : i32
      %dma_start3A_147 = tpu.memref_slice %arg7[%add3A_140, %dma_start3A_146] : memref<160x64xi32, #tpu.memory_space<vmem>> -> memref<1x64xi32, #tpu.memory_space<vmem>>
      %dma_start3A_148 = tpu.memref_squeeze %dma_start3A_147 : memref<1x64xi32, #tpu.memory_space<vmem>> -> memref<64xi32, #tpu.memory_space<vmem>>
      %dma_start3A_149 = arith.constant 0 : i32
      %dma_start3A_150 = arith.constant 0 : i32
      %dma_start3A_151 = tpu.memref_slice %arg9[%dma_start3A_149, %dma_start3A_150] : memref<10112x144xf32, #tpu.memory_space<vmem_shared>> -> memref<10112x144xf32, #tpu.memory_space<vmem_shared>>
      tpu.enqueue_indirect_dma source(%dma_start3A_145 : memref<64x144xf32, #tpu.memory_space<vmem>>) target(%dma_start3A_151 : memref<10112x144xf32, #tpu.memory_space<vmem_shared>>) offsets(%dma_start3A_148 : memref<64xi32, #tpu.memory_space<vmem>>) semaphore(%arg13 : memref<!tpu.dma_semaphore, #tpu.memory_space<semaphore_mem>>) {add = true}
      %add3A_152 = arith.constant 2 : i32
      %add3A_153 = arith.addi %mul3A_99, %add3A_152 : i32
      %add3A_154 = arith.constant 0 : i32
      %add3A_155 = arith.addi %add3A_153, %add3A_154 : i32
      %min3A = arith.constant 159 : i32
      %min3A_156 = arith.minsi %add3A_155, %min3A : i32
      %add3A_157 = arith.constant 0 : i32
      %add3A_158 = arith.addi %mul3A_99, %add3A_157 : i32
      %dma_wait3A_159 = arith.constant 0 : i32
      %dma_wait3A_160 = arith.constant 0 : i32
      %dma_wait3A_161 = arith.constant 0 : i32
      %dma_wait3A_162 = tpu.memref_slice %arg8[%dma_wait3A_159, %dma_wait3A_160, %dma_wait3A_161] : memref<2x64x144xf32, #tpu.memory_space<vmem>> -> memref<1x64x144xf32, #tpu.memory_space<vmem>>
      %dma_wait3A_163 = tpu.memref_squeeze %dma_wait3A_162 : memref<1x64x144xf32, #tpu.memory_space<vmem>> -> memref<64x144xf32, #tpu.memory_space<vmem>>
      %dma_wait3A_164 = arith.constant 0 : i32
      %dma_wait3A_165 = tpu.memref_slice %arg7[%add3A_158, %dma_wait3A_164] : memref<160x64xi32, #tpu.memory_space<vmem>> -> memref<1x64xi32, #tpu.memory_space<vmem>>
      %dma_wait3A_166 = tpu.memref_squeeze %dma_wait3A_165 : memref<1x64xi32, #tpu.memory_space<vmem>> -> memref<64xi32, #tpu.memory_space<vmem>>
      %dma_wait3A_167 = arith.constant 0 : i32
      %dma_wait3A_168 = arith.constant 0 : i32
      %dma_wait3A_169 = tpu.memref_slice %arg9[%dma_wait3A_167, %dma_wait3A_168] : memref<10112x144xf32, #tpu.memory_space<vmem_shared>> -> memref<10112x144xf32, #tpu.memory_space<vmem_shared>>
      tpu.wait_indirect_dma semaphore(%arg12 : memref<!tpu.dma_semaphore, #tpu.memory_space<semaphore_mem>>) src(%dma_wait3A_163 : memref<64x144xf32, #tpu.memory_space<vmem>>) dst(%dma_wait3A_169 : memref<10112x144xf32, #tpu.memory_space<vmem_shared>>)
      %dma_start3A_170 = arith.constant 0 : i32
      %dma_start3A_171 = arith.constant 0 : i32
      %dma_start3A_172 = arith.constant 0 : i32
      %dma_start3A_173 = tpu.memref_slice %arg8[%dma_start3A_170, %dma_start3A_171, %dma_start3A_172] : memref<2x64x144xf32, #tpu.memory_space<vmem>> -> memref<1x64x144xf32, #tpu.memory_space<vmem>>
      %dma_start3A_174 = tpu.memref_squeeze %dma_start3A_173 : memref<1x64x144xf32, #tpu.memory_space<vmem>> -> memref<64x144xf32, #tpu.memory_space<vmem>>
      %dma_start3A_175 = arith.constant 0 : i32
      %dma_start3A_176 = tpu.memref_slice %arg6[%min3A_156, %dma_start3A_175] : memref<160x64xi32, #tpu.memory_space<vmem>> -> memref<1x64xi32, #tpu.memory_space<vmem>>
      %dma_start3A_177 = tpu.memref_squeeze %dma_start3A_176 : memref<1x64xi32, #tpu.memory_space<vmem>> -> memref<64xi32, #tpu.memory_space<vmem>>
      %dma_start3A_178 = arith.constant 0 : i32
      %dma_start3A_179 = arith.constant 0 : i32
      %dma_start3A_180 = tpu.memref_slice %arg2[%dma_start3A_178, %dma_start3A_179] : memref<20000x144xf32, #tpu.memory_space<hbm>> -> memref<20000x144xf32, #tpu.memory_space<hbm>>
      tpu.enqueue_indirect_dma source(%dma_start3A_180 : memref<20000x144xf32, #tpu.memory_space<hbm>>) target(%dma_start3A_174 : memref<64x144xf32, #tpu.memory_space<vmem>>) offsets(%dma_start3A_177 : memref<64xi32, #tpu.memory_space<vmem>>) semaphore(%arg10 : memref<!tpu.dma_semaphore, #tpu.memory_space<semaphore_mem>>)
      %add3A_181 = arith.constant 2 : i32
      %add3A_182 = arith.addi %mul3A_99, %add3A_181 : i32
      %add3A_183 = arith.constant 1 : i32
      %add3A_184 = arith.addi %add3A_182, %add3A_183 : i32
      %min3A_185 = arith.constant 159 : i32
      %min3A_186 = arith.minsi %add3A_184, %min3A_185 : i32
      %add3A_187 = arith.constant 1 : i32
      %add3A_188 = arith.addi %mul3A_99, %add3A_187 : i32
      %dma_wait3A_189 = arith.constant 1 : i32
      %dma_wait3A_190 = arith.constant 0 : i32
      %dma_wait3A_191 = arith.constant 0 : i32
      %dma_wait3A_192 = tpu.memref_slice %arg8[%dma_wait3A_189, %dma_wait3A_190, %dma_wait3A_191] : memref<2x64x144xf32, #tpu.memory_space<vmem>> -> memref<1x64x144xf32, #tpu.memory_space<vmem>>
      %dma_wait3A_193 = tpu.memref_squeeze %dma_wait3A_192 : memref<1x64x144xf32, #tpu.memory_space<vmem>> -> memref<64x144xf32, #tpu.memory_space<vmem>>
      %dma_wait3A_194 = arith.constant 0 : i32
      %dma_wait3A_195 = tpu.memref_slice %arg7[%add3A_188, %dma_wait3A_194] : memref<160x64xi32, #tpu.memory_space<vmem>> -> memref<1x64xi32, #tpu.memory_space<vmem>>
      %dma_wait3A_196 = tpu.memref_squeeze %dma_wait3A_195 : memref<1x64xi32, #tpu.memory_space<vmem>> -> memref<64xi32, #tpu.memory_space<vmem>>
      %dma_wait3A_197 = arith.constant 0 : i32
      %dma_wait3A_198 = arith.constant 0 : i32
      %dma_wait3A_199 = tpu.memref_slice %arg9[%dma_wait3A_197, %dma_wait3A_198] : memref<10112x144xf32, #tpu.memory_space<vmem_shared>> -> memref<10112x144xf32, #tpu.memory_space<vmem_shared>>
      tpu.wait_indirect_dma semaphore(%arg13 : memref<!tpu.dma_semaphore, #tpu.memory_space<semaphore_mem>>) src(%dma_wait3A_193 : memref<64x144xf32, #tpu.memory_space<vmem>>) dst(%dma_wait3A_199 : memref<10112x144xf32, #tpu.memory_space<vmem_shared>>)
      %dma_start3A_200 = arith.constant 1 : i32
      %dma_start3A_201 = arith.constant 0 : i32
      %dma_start3A_202 = arith.constant 0 : i32
      %dma_start3A_203 = tpu.memref_slice %arg8[%dma_start3A_200, %dma_start3A_201, %dma_start3A_202] : memref<2x64x144xf32, #tpu.memory_space<vmem>> -> memref<1x64x144xf32, #tpu.memory_space<vmem>>
      %dma_start3A_204 = tpu.memref_squeeze %dma_start3A_203 : memref<1x64x144xf32, #tpu.memory_space<vmem>> -> memref<64x144xf32, #tpu.memory_space<vmem>>
      %dma_start3A_205 = arith.constant 0 : i32
      %dma_start3A_206 = tpu.memref_slice %arg6[%min3A_186, %dma_start3A_205] : memref<160x64xi32, #tpu.memory_space<vmem>> -> memref<1x64xi32, #tpu.memory_space<vmem>>
      %dma_start3A_207 = tpu.memref_squeeze %dma_start3A_206 : memref<1x64xi32, #tpu.memory_space<vmem>> -> memref<64xi32, #tpu.memory_space<vmem>>
      %dma_start3A_208 = arith.constant 0 : i32
      %dma_start3A_209 = arith.constant 0 : i32
      %dma_start3A_210 = tpu.memref_slice %arg2[%dma_start3A_208, %dma_start3A_209] : memref<20000x144xf32, #tpu.memory_space<hbm>> -> memref<20000x144xf32, #tpu.memory_space<hbm>>
      tpu.enqueue_indirect_dma source(%dma_start3A_210 : memref<20000x144xf32, #tpu.memory_space<hbm>>) target(%dma_start3A_204 : memref<64x144xf32, #tpu.memory_space<vmem>>) offsets(%dma_start3A_207 : memref<64xi32, #tpu.memory_space<vmem>>) semaphore(%arg11 : memref<!tpu.dma_semaphore, #tpu.memory_space<semaphore_mem>>)
      %scan3A_211 = arith.constant 0 : i32
      scf.yield %scan3A_211 : i32
    }
    %scan3A_65 = arith.constant 80 : i32
    %dma_wait3A = arith.constant 0 : i32
    %dma_wait3A_66 = arith.constant 0 : i32
    %dma_wait3A_67 = arith.constant 0 : i32
    %dma_wait3A_68 = arith.constant 0 : i32
    %dma_wait3A_69 = tpu.memref_slice %arg8[%dma_wait3A_66, %dma_wait3A_67, %dma_wait3A_68] : memref<2x64x144xf32, #tpu.memory_space<vmem>> -> memref<1x64x144xf32, #tpu.memory_space<vmem>>
    %dma_wait3A_70 = tpu.memref_squeeze %dma_wait3A_69 : memref<1x64x144xf32, #tpu.memory_space<vmem>> -> memref<64x144xf32, #tpu.memory_space<vmem>>
    %dma_wait3A_71 = arith.constant 0 : i32
    %dma_wait3A_72 = tpu.memref_slice %arg6[%dma_wait3A, %dma_wait3A_71] : memref<160x64xi32, #tpu.memory_space<vmem>> -> memref<1x64xi32, #tpu.memory_space<vmem>>
    %dma_wait3A_73 = tpu.memref_squeeze %dma_wait3A_72 : memref<1x64xi32, #tpu.memory_space<vmem>> -> memref<64xi32, #tpu.memory_space<vmem>>
    %dma_wait3A_74 = arith.constant 0 : i32
    %dma_wait3A_75 = arith.constant 0 : i32
    %dma_wait3A_76 = tpu.memref_slice %arg2[%dma_wait3A_74, %dma_wait3A_75] : memref<20000x144xf32, #tpu.memory_space<hbm>> -> memref<20000x144xf32, #tpu.memory_space<hbm>>
    tpu.wait_indirect_dma semaphore(%arg10 : memref<!tpu.dma_semaphore, #tpu.memory_space<semaphore_mem>>) src(%dma_wait3A_76 : memref<20000x144xf32, #tpu.memory_space<hbm>>) dst(%dma_wait3A_70 : memref<64x144xf32, #tpu.memory_space<vmem>>)
    %dma_wait3A_77 = arith.constant 0 : i32
    %dma_wait3A_78 = arith.constant 1 : i32
    %dma_wait3A_79 = arith.constant 0 : i32
    %dma_wait3A_80 = arith.constant 0 : i32
    %dma_wait3A_81 = tpu.memref_slice %arg8[%dma_wait3A_78, %dma_wait3A_79, %dma_wait3A_80] : memref<2x64x144xf32, #tpu.memory_space<vmem>> -> memref<1x64x144xf32, #tpu.memory_space<vmem>>
    %dma_wait3A_82 = tpu.memref_squeeze %dma_wait3A_81 : memref<1x64x144xf32, #tpu.memory_space<vmem>> -> memref<64x144xf32, #tpu.memory_space<vmem>>
    %dma_wait3A_83 = arith.constant 0 : i32
    %dma_wait3A_84 = tpu.memref_slice %arg6[%dma_wait3A_77, %dma_wait3A_83] : memref<160x64xi32, #tpu.memory_space<vmem>> -> memref<1x64xi32, #tpu.memory_space<vmem>>
    %dma_wait3A_85 = tpu.memref_squeeze %dma_wait3A_84 : memref<1x64xi32, #tpu.memory_space<vmem>> -> memref<64xi32, #tpu.memory_space<vmem>>
    %dma_wait3A_86 = arith.constant 0 : i32
    %dma_wait3A_87 = arith.constant 0 : i32
    %dma_wait3A_88 = tpu.memref_slice %arg2[%dma_wait3A_86, %dma_wait3A_87] : memref<20000x144xf32, #tpu.memory_space<hbm>> -> memref<20000x144xf32, #tpu.memory_space<hbm>>
    tpu.wait_indirect_dma semaphore(%arg11 : memref<!tpu.dma_semaphore, #tpu.memory_space<semaphore_mem>>) src(%dma_wait3A_88 : memref<20000x144xf32, #tpu.memory_space<hbm>>) dst(%dma_wait3A_82 : memref<64x144xf32, #tpu.memory_space<vmem>>)
    %barrier3A_89 = arith.constant 0 : index
    tpu.barrier barrier_id(%barrier3A_89)
    %lt3A = arith.constant 15 : i32
    %lt3A_90 = arith.cmpi slt, %arg1, %lt3A : i32
    %convert_element_type3A = arith.extui %lt3A_90 : i1 to i32
    %cond3A = arith.constant 0 : i32
    %cond3A_91 = arith.cmpi ne, %convert_element_type3A, %cond3A : i32
    scf.if %cond3A_91 {
      "tpu.region"() ({
        %run_scoped3A_96 = tpu.sem_alloc : memref<!tpu.dma_semaphore, #tpu.memory_space<semaphore_mem>>
        %dma_start3A_97 = arith.constant 0 : i32
        %dma_start3A_98 = tpu.memref_slice %arg5[%arg0, %mul3A_7, %dma_start3A_97] : memref<2x10000x144xf32, #tpu.memory_space<hbm>> -> memref<1x632x144xf32, #tpu.memory_space<hbm>>
        %dma_start3A_99 = tpu.memref_squeeze %dma_start3A_98 : memref<1x632x144xf32, #tpu.memory_space<hbm>> -> memref<632x144xf32, #tpu.memory_space<hbm>>
        %dma_start3A_100 = arith.constant 0 : i32
        %dma_start3A_101 = tpu.memref_slice %arg9[%mul3A_7, %dma_start3A_100] : memref<10112x144xf32, #tpu.memory_space<vmem_shared>> -> memref<632x144xf32, #tpu.memory_space<vmem_shared>>
        tpu.enqueue_dma source(%dma_start3A_101 : memref<632x144xf32, #tpu.memory_space<vmem_shared>>) target(%dma_start3A_99 : memref<632x144xf32, #tpu.memory_space<hbm>>) target_semaphore(%run_scoped3A_96 : memref<!tpu.dma_semaphore, #tpu.memory_space<semaphore_mem>>)
        %dma_wait3A_102 = arith.constant 0 : i32
        %dma_wait3A_103 = tpu.memref_slice %arg5[%arg0, %mul3A_7, %dma_wait3A_102] : memref<2x10000x144xf32, #tpu.memory_space<hbm>> -> memref<1x632x144xf32, #tpu.memory_space<hbm>>
        %dma_wait3A_104 = tpu.memref_squeeze %dma_wait3A_103 : memref<1x632x144xf32, #tpu.memory_space<hbm>> -> memref<632x144xf32, #tpu.memory_space<hbm>>
        %dma_wait3A_105 = arith.constant 0 : i32
        %dma_wait3A_106 = tpu.memref_slice %arg9[%mul3A_7, %dma_wait3A_105] : memref<10112x144xf32, #tpu.memory_space<vmem_shared>> -> memref<632x144xf32, #tpu.memory_space<vmem_shared>>
        tpu.wait_dma2 semaphore(%run_scoped3A_96 : memref<!tpu.dma_semaphore, #tpu.memory_space<semaphore_mem>>) src(%dma_wait3A_106 : memref<632x144xf32, #tpu.memory_space<vmem_shared>>) dst(%dma_wait3A_104 : memref<632x144xf32, #tpu.memory_space<hbm>>)
        tpu.yield
      }) : () -> ()
    } else {
    }
    %eq3A = arith.constant 15 : i32
    %eq3A_92 = arith.cmpi eq, %arg1, %eq3A : i32
    %convert_element_type3A_93 = arith.extui %eq3A_92 : i1 to i32
    %cond3A_94 = arith.constant 0 : i32
    %cond3A_95 = arith.cmpi ne, %convert_element_type3A_93, %cond3A_94 : i32
    scf.if %cond3A_95 {
      "tpu.region"() ({
        %run_scoped3A_96 = tpu.sem_alloc : memref<!tpu.dma_semaphore, #tpu.memory_space<semaphore_mem>>
        %dma_start3A_97 = arith.constant 0 : i32
        %dma_start3A_98 = tpu.memref_slice %arg5[%arg0, %mul3A_7, %dma_start3A_97] : memref<2x10000x144xf32, #tpu.memory_space<hbm>> -> memref<1x520x144xf32, #tpu.memory_space<hbm>>
        %dma_start3A_99 = tpu.memref_squeeze %dma_start3A_98 : memref<1x520x144xf32, #tpu.memory_space<hbm>> -> memref<520x144xf32, #tpu.memory_space<hbm>>
        %dma_start3A_100 = arith.constant 0 : i32
        %dma_start3A_101 = tpu.memref_slice %arg9[%mul3A_7, %dma_start3A_100] : memref<10112x144xf32, #tpu.memory_space<vmem_shared>> -> memref<520x144xf32, #tpu.memory_space<vmem_shared>>
        tpu.enqueue_dma source(%dma_start3A_101 : memref<520x144xf32, #tpu.memory_space<vmem_shared>>) target(%dma_start3A_99 : memref<520x144xf32, #tpu.memory_space<hbm>>) target_semaphore(%run_scoped3A_96 : memref<!tpu.dma_semaphore, #tpu.memory_space<semaphore_mem>>)
        %dma_wait3A_102 = arith.constant 0 : i32
        %dma_wait3A_103 = tpu.memref_slice %arg5[%arg0, %mul3A_7, %dma_wait3A_102] : memref<2x10000x144xf32, #tpu.memory_space<hbm>> -> memref<1x520x144xf32, #tpu.memory_space<hbm>>
        %dma_wait3A_104 = tpu.memref_squeeze %dma_wait3A_103 : memref<1x520x144xf32, #tpu.memory_space<hbm>> -> memref<520x144xf32, #tpu.memory_space<hbm>>
        %dma_wait3A_105 = arith.constant 0 : i32
        %dma_wait3A_106 = tpu.memref_slice %arg9[%mul3A_7, %dma_wait3A_105] : memref<10112x144xf32, #tpu.memory_space<vmem_shared>> -> memref<520x144xf32, #tpu.memory_space<vmem_shared>>
        tpu.wait_dma2 semaphore(%run_scoped3A_96 : memref<!tpu.dma_semaphore, #tpu.memory_space<semaphore_mem>>) src(%dma_wait3A_106 : memref<520x144xf32, #tpu.memory_space<vmem_shared>>) dst(%dma_wait3A_104 : memref<520x144xf32, #tpu.memory_space<hbm>>)
        tpu.yield
      }) : () -> ()
    } else {
    }
    return
  }
}

#map = affine_map<(d0, d1) -> (0, 0)>
#map1 = affine_map<(d0, d1) -> (0, 0, 0, 0)>
#map2 = affine_map<(d0, d1) -> (0, 0, 0)>
module attributes {stable_mosaic.version = 14 : i64} {
  func.func @_seg_body(%arg0: i32, %arg1: i32, %arg2: memref<20000x144xf32, #tpu.memory_space<hbm>>, %arg3: memref<2x16x160x64xi32, #tpu.memory_space<hbm>>, %arg4: memref<16x160x64xi32, #tpu.memory_space<hbm>>, %arg5: memref<2x10000x144xf32, #tpu.memory_space<hbm>>, %arg6: memref<160x64xi32, #tpu.memory_space<vmem>>, %arg7: memref<160x64xi32, #tpu.memory_space<vmem>>, %arg8: memref<2x64x144xf32, #tpu.memory_space<vmem>>, %arg9: memref<10112x144xf32, #tpu.memory_space<vmem_shared>>, %arg10: memref<!tpu.dma_semaphore, #tpu.memory_space<semaphore_mem>>, %arg11: memref<!tpu.dma_semaphore, #tpu.memory_space<semaphore_mem>>, %arg12: memref<!tpu.dma_semaphore, #tpu.memory_space<semaphore_mem>>, %arg13: memref<!tpu.dma_semaphore, #tpu.memory_space<semaphore_mem>>) attributes {dimension_semantics = [#tpu.dimension_semantics<core_parallel>, #tpu.dimension_semantics<subcore_parallel>], iteration_bounds = array<i64: 2, 16>, scalar_prefetch = 0 : i64, scratch_operands = 8 : i64, tpu.core_type = #tpu.core_type<sc_vector_subcore>, window_params = [{transform_indices = #map}, {transform_indices = #map1}, {transform_indices = #map2}, {transform_indices = #map2}]} {
    "tpu.region"() ({
      %run_scoped3A_96 = tpu.sem_alloc : memref<!tpu.dma_semaphore, #tpu.memory_space<semaphore_mem>>
      %dma_start3A_97 = arith.constant 0 : i32
      %dma_start3A_98 = arith.constant 0 : i32
      %dma_start3A_99 = tpu.memref_slice %arg3[%arg0, %arg1, %dma_start3A_97, %dma_start3A_98] : memref<2x16x160x64xi32, #tpu.memory_space<hbm>> -> memref<1x1x160x64xi32, #tpu.memory_space<hbm>>
      %dma_start3A_100 = tpu.memref_squeeze %dma_start3A_99 : memref<1x1x160x64xi32, #tpu.memory_space<hbm>> -> memref<160x64xi32, #tpu.memory_space<hbm>>
      %dma_start3A_101 = arith.constant 0 : i32
      %dma_start3A_102 = arith.constant 0 : i32
      %dma_start3A_103 = tpu.memref_slice %arg3[%arg0, %arg1, %dma_start3A_101, %dma_start3A_102] : memref<2x16x160x64xi32, #tpu.memory_space<hbm>> -> memref<1x1x160x64xi32, #tpu.memory_space<hbm>>
      %dma_start3A_104 = tpu.memref_squeeze %dma_start3A_103 : memref<1x1x160x64xi32, #tpu.memory_space<hbm>> -> memref<160x64xi32, #tpu.memory_space<hbm>>
      tpu.enqueue_dma source(%dma_start3A_104 : memref<160x64xi32, #tpu.memory_space<hbm>>) target(%arg6 : memref<160x64xi32, #tpu.memory_space<vmem>>) target_semaphore(%run_scoped3A_96 : memref<!tpu.dma_semaphore, #tpu.memory_space<semaphore_mem>>)
      %dma_wait3A_105 = arith.constant 0 : i32
      %dma_wait3A_106 = arith.constant 0 : i32
      %dma_wait3A_107 = tpu.memref_slice %arg3[%arg0, %arg1, %dma_wait3A_105, %dma_wait3A_106] : memref<2x16x160x64xi32, #tpu.memory_space<hbm>> -> memref<1x1x160x64xi32, #tpu.memory_space<hbm>>
      %dma_wait3A_108 = tpu.memref_squeeze %dma_wait3A_107 : memref<1x1x160x64xi32, #tpu.memory_space<hbm>> -> memref<160x64xi32, #tpu.memory_space<hbm>>
      %dma_wait3A_109 = arith.constant 0 : i32
      %dma_wait3A_110 = arith.constant 0 : i32
      %dma_wait3A_111 = tpu.memref_slice %arg3[%arg0, %arg1, %dma_wait3A_109, %dma_wait3A_110] : memref<2x16x160x64xi32, #tpu.memory_space<hbm>> -> memref<1x1x160x64xi32, #tpu.memory_space<hbm>>
      %dma_wait3A_112 = tpu.memref_squeeze %dma_wait3A_111 : memref<1x1x160x64xi32, #tpu.memory_space<hbm>> -> memref<160x64xi32, #tpu.memory_space<hbm>>
      tpu.wait_dma2 semaphore(%run_scoped3A_96 : memref<!tpu.dma_semaphore, #tpu.memory_space<semaphore_mem>>) src(%dma_wait3A_112 : memref<160x64xi32, #tpu.memory_space<hbm>>) dst(%arg6 : memref<160x64xi32, #tpu.memory_space<vmem>>)
      tpu.yield
    }) : () -> ()
    "tpu.region"() ({
      %run_scoped3A_96 = tpu.sem_alloc : memref<!tpu.dma_semaphore, #tpu.memory_space<semaphore_mem>>
      %dma_start3A_97 = arith.constant 0 : i32
      %dma_start3A_98 = arith.constant 0 : i32
      %dma_start3A_99 = tpu.memref_slice %arg4[%arg1, %dma_start3A_97, %dma_start3A_98] : memref<16x160x64xi32, #tpu.memory_space<hbm>> -> memref<1x160x64xi32, #tpu.memory_space<hbm>>
      %dma_start3A_100 = tpu.memref_squeeze %dma_start3A_99 : memref<1x160x64xi32, #tpu.memory_space<hbm>> -> memref<160x64xi32, #tpu.memory_space<hbm>>
      %dma_start3A_101 = arith.constant 0 : i32
      %dma_start3A_102 = arith.constant 0 : i32
      %dma_start3A_103 = tpu.memref_slice %arg4[%arg1, %dma_start3A_101, %dma_start3A_102] : memref<16x160x64xi32, #tpu.memory_space<hbm>> -> memref<1x160x64xi32, #tpu.memory_space<hbm>>
      %dma_start3A_104 = tpu.memref_squeeze %dma_start3A_103 : memref<1x160x64xi32, #tpu.memory_space<hbm>> -> memref<160x64xi32, #tpu.memory_space<hbm>>
      tpu.enqueue_dma source(%dma_start3A_104 : memref<160x64xi32, #tpu.memory_space<hbm>>) target(%arg7 : memref<160x64xi32, #tpu.memory_space<vmem>>) target_semaphore(%run_scoped3A_96 : memref<!tpu.dma_semaphore, #tpu.memory_space<semaphore_mem>>)
      %dma_wait3A_105 = arith.constant 0 : i32
      %dma_wait3A_106 = arith.constant 0 : i32
      %dma_wait3A_107 = tpu.memref_slice %arg4[%arg1, %dma_wait3A_105, %dma_wait3A_106] : memref<16x160x64xi32, #tpu.memory_space<hbm>> -> memref<1x160x64xi32, #tpu.memory_space<hbm>>
      %dma_wait3A_108 = tpu.memref_squeeze %dma_wait3A_107 : memref<1x160x64xi32, #tpu.memory_space<hbm>> -> memref<160x64xi32, #tpu.memory_space<hbm>>
      %dma_wait3A_109 = arith.constant 0 : i32
      %dma_wait3A_110 = arith.constant 0 : i32
      %dma_wait3A_111 = tpu.memref_slice %arg4[%arg1, %dma_wait3A_109, %dma_wait3A_110] : memref<16x160x64xi32, #tpu.memory_space<hbm>> -> memref<1x160x64xi32, #tpu.memory_space<hbm>>
      %dma_wait3A_112 = tpu.memref_squeeze %dma_wait3A_111 : memref<1x160x64xi32, #tpu.memory_space<hbm>> -> memref<160x64xi32, #tpu.memory_space<hbm>>
      tpu.wait_dma2 semaphore(%run_scoped3A_96 : memref<!tpu.dma_semaphore, #tpu.memory_space<semaphore_mem>>) src(%dma_wait3A_112 : memref<160x64xi32, #tpu.memory_space<hbm>>) dst(%arg7 : memref<160x64xi32, #tpu.memory_space<vmem>>)
      tpu.yield
    }) : () -> ()
    %scan3A = arith.constant 0 : i32
    %scan3A_0 = arith.constant 0 : i32
    %scan3A_1 = arith.constant 0 : i32
    %scan3A_2 = arith.constant 64 : i32
    %scan3A_3 = arith.addi %scan3A_1, %scan3A_2 : i32
    %scan3A_4 = arith.constant 1 : i32
    %scan3A_5 = scf.for %scan3A_96 = %scan3A_1 to %scan3A_3 step %scan3A_4 iter_args(%scan3A_97 = %scan3A_0) -> (i32)  : i32 {
      %scan3A_98 = arith.constant 0 : i32
      %scan3A_99 = arith.constant 0 : i32
      %scan3A_100 = arith.constant 9 : i32
      %scan3A_101 = arith.addi %scan3A_99, %scan3A_100 : i32
      %scan3A_102 = arith.constant 1 : i32
      %scan3A_103 = scf.for %scan3A_105 = %scan3A_99 to %scan3A_101 step %scan3A_102 iter_args(%scan3A_106 = %scan3A_98) -> (i32)  : i32 {
        %broadcast_in_dim3A = arith.constant 0.000000e+00 : f32
        %broadcast_in_dim3A_107 = vector.broadcast %broadcast_in_dim3A : f32 to vector<16xf32>
        %mul3A_108 = arith.constant 16 : i32
        %mul3A_109 = arith.muli %scan3A_105, %mul3A_108 : i32
        %swap3A = arith.constant 0 : i32
        %swap3A_110 = arith.constant 0 : i32
        %swap3A_111 = tpu.memref_slice %arg8[%scan3A, %swap3A, %swap3A_110] : memref<2x64x144xf32, #tpu.memory_space<vmem>> -> memref<1x64x144xf32, #tpu.memory_space<vmem>>
        %swap3A_112 = tpu.memref_squeeze %swap3A_111 : memref<1x64x144xf32, #tpu.memory_space<vmem>> -> memref<64x144xf32, #tpu.memory_space<vmem>>
        %swap3A_113 = arith.index_cast %scan3A_96 : i32 to index
        %swap3A_114 = arith.index_cast %mul3A_109 : i32 to index
        %swap3A_115 = tpu.vector_load %swap3A_112[%swap3A_113, %swap3A_114] {strides = array<i32>} : memref<64x144xf32, #tpu.memory_space<vmem>>, vector<1x16xf32>,
        %swap3A_116 = vector.shape_cast %swap3A_115 : vector<1x16xf32> to vector<16xf32>
        %swap3A_117 = vector.shape_cast %broadcast_in_dim3A_107 : vector<16xf32> to vector<1x16xf32>
        tpu.vector_store %swap3A_112[%swap3A_113, %swap3A_114], %swap3A_117 {strides = array<i32>} : memref<64x144xf32, #tpu.memory_space<vmem>>, vector<1x16xf32>,
        %scan3A_118 = arith.constant 0 : i32
        scf.yield %scan3A_118 : i32
      }
      %scan3A_104 = arith.constant 9 : i32
      scf.yield %scan3A_103 : i32
    }
    %scan3A_6 = arith.constant 64 : i32
    %mul3A = arith.constant 632 : i32
    %mul3A_7 = arith.muli %arg1, %mul3A : i32
    %add3A = arith.constant 0 : i32
    %add3A_8 = arith.addi %mul3A_7, %add3A : i32
    %run_scoped3A = arith.constant 0 : i32
    "tpu.region"() ({
      %run_scoped3A_96 = tpu.sem_alloc : memref<!tpu.dma_semaphore, #tpu.memory_space<semaphore_mem>>
      %dma_start3A_97 = arith.constant 0 : i32
      %dma_start3A_98 = arith.constant 0 : i32
      %dma_start3A_99 = tpu.memref_slice %arg8[%run_scoped3A, %dma_start3A_97, %dma_start3A_98] : memref<2x64x144xf32, #tpu.memory_space<vmem>> -> memref<1x64x144xf32, #tpu.memory_space<vmem>>
      %dma_start3A_100 = tpu.memref_squeeze %dma_start3A_99 : memref<1x64x144xf32, #tpu.memory_space<vmem>> -> memref<64x144xf32, #tpu.memory_space<vmem>>
      %dma_start3A_101 = arith.constant 0 : i32
      %dma_start3A_102 = tpu.memref_slice %arg9[%add3A_8, %dma_start3A_101] : memref<10112x144xf32, #tpu.memory_space<vmem_shared>> -> memref<64x144xf32, #tpu.memory_space<vmem_shared>>
      %dma_start3A_103 = arith.constant 0 : i32
      %dma_start3A_104 = tpu.memref_slice %arg9[%add3A_8, %dma_start3A_103] : memref<10112x144xf32, #tpu.memory_space<vmem_shared>> -> memref<64x144xf32, #tpu.memory_space<vmem_shared>>
      %dma_start3A_105 = arith.constant 0 : i32
      %dma_start3A_106 = arith.constant 0 : i32
      %dma_start3A_107 = tpu.memref_slice %arg8[%run_scoped3A, %dma_start3A_105, %dma_start3A_106] : memref<2x64x144xf32, #tpu.memory_space<vmem>> -> memref<1x64x144xf32, #tpu.memory_space<vmem>>
      %dma_start3A_108 = tpu.memref_squeeze %dma_start3A_107 : memref<1x64x144xf32, #tpu.memory_space<vmem>> -> memref<64x144xf32, #tpu.memory_space<vmem>>
      tpu.enqueue_dma source(%dma_start3A_108 : memref<64x144xf32, #tpu.memory_space<vmem>>) target(%dma_start3A_104 : memref<64x144xf32, #tpu.memory_space<vmem_shared>>) target_semaphore(%run_scoped3A_96 : memref<!tpu.dma_semaphore, #tpu.memory_space<semaphore_mem>>)
      %dma_wait3A_109 = arith.constant 0 : i32
      %dma_wait3A_110 = arith.constant 0 : i32
      %dma_wait3A_111 = tpu.memref_slice %arg8[%run_scoped3A, %dma_wait3A_109, %dma_wait3A_110] : memref<2x64x144xf32, #tpu.memory_space<vmem>> -> memref<1x64x144xf32, #tpu.memory_space<vmem>>
      %dma_wait3A_112 = tpu.memref_squeeze %dma_wait3A_111 : memref<1x64x144xf32, #tpu.memory_space<vmem>> -> memref<64x144xf32, #tpu.memory_space<vmem>>
      %dma_wait3A_113 = arith.constant 0 : i32
      %dma_wait3A_114 = tpu.memref_slice %arg9[%add3A_8, %dma_wait3A_113] : memref<10112x144xf32, #tpu.memory_space<vmem_shared>> -> memref<64x144xf32, #tpu.memory_space<vmem_shared>>
      %dma_wait3A_115 = arith.constant 0 : i32
      %dma_wait3A_116 = tpu.memref_slice %arg9[%add3A_8, %dma_wait3A_115] : memref<10112x144xf32, #tpu.memory_space<vmem_shared>> -> memref<64x144xf32, #tpu.memory_space<vmem_shared>>
      %dma_wait3A_117 = arith.constant 0 : i32
      %dma_wait3A_118 = arith.constant 0 : i32
      %dma_wait3A_119 = tpu.memref_slice %arg8[%run_scoped3A, %dma_wait3A_117, %dma_wait3A_118] : memref<2x64x144xf32, #tpu.memory_space<vmem>> -> memref<1x64x144xf32, #tpu.memory_space<vmem>>
      %dma_wait3A_120 = tpu.memref_squeeze %dma_wait3A_119 : memref<1x64x144xf32, #tpu.memory_space<vmem>> -> memref<64x144xf32, #tpu.memory_space<vmem>>
      tpu.wait_dma2 semaphore(%run_scoped3A_96 : memref<!tpu.dma_semaphore, #tpu.memory_space<semaphore_mem>>) src(%dma_wait3A_120 : memref<64x144xf32, #tpu.memory_space<vmem>>) dst(%dma_wait3A_116 : memref<64x144xf32, #tpu.memory_space<vmem_shared>>)
      tpu.yield
    }) : () -> ()
    %add3A_9 = arith.constant 64 : i32
    %add3A_10 = arith.addi %mul3A_7, %add3A_9 : i32
    %run_scoped3A_11 = arith.constant 0 : i32
    "tpu.region"() ({
      %run_scoped3A_96 = tpu.sem_alloc : memref<!tpu.dma_semaphore, #tpu.memory_space<semaphore_mem>>
      %dma_start3A_97 = arith.constant 0 : i32
      %dma_start3A_98 = arith.constant 0 : i32
      %dma_start3A_99 = tpu.memref_slice %arg8[%run_scoped3A_11, %dma_start3A_97, %dma_start3A_98] : memref<2x64x144xf32, #tpu.memory_space<vmem>> -> memref<1x64x144xf32, #tpu.memory_space<vmem>>
      %dma_start3A_100 = tpu.memref_squeeze %dma_start3A_99 : memref<1x64x144xf32, #tpu.memory_space<vmem>> -> memref<64x144xf32, #tpu.memory_space<vmem>>
      %dma_start3A_101 = arith.constant 0 : i32
      %dma_start3A_102 = tpu.memref_slice %arg9[%add3A_10, %dma_start3A_101] : memref<10112x144xf32, #tpu.memory_space<vmem_shared>> -> memref<64x144xf32, #tpu.memory_space<vmem_shared>>
      %dma_start3A_103 = arith.constant 0 : i32
      %dma_start3A_104 = tpu.memref_slice %arg9[%add3A_10, %dma_start3A_103] : memref<10112x144xf32, #tpu.memory_space<vmem_shared>> -> memref<64x144xf32, #tpu.memory_space<vmem_shared>>
      %dma_start3A_105 = arith.constant 0 : i32
      %dma_start3A_106 = arith.constant 0 : i32
      %dma_start3A_107 = tpu.memref_slice %arg8[%run_scoped3A_11, %dma_start3A_105, %dma_start3A_106] : memref<2x64x144xf32, #tpu.memory_space<vmem>> -> memref<1x64x144xf32, #tpu.memory_space<vmem>>
      %dma_start3A_108 = tpu.memref_squeeze %dma_start3A_107 : memref<1x64x144xf32, #tpu.memory_space<vmem>> -> memref<64x144xf32, #tpu.memory_space<vmem>>
      tpu.enqueue_dma source(%dma_start3A_108 : memref<64x144xf32, #tpu.memory_space<vmem>>) target(%dma_start3A_104 : memref<64x144xf32, #tpu.memory_space<vmem_shared>>) target_semaphore(%run_scoped3A_96 : memref<!tpu.dma_semaphore, #tpu.memory_space<semaphore_mem>>)
      %dma_wait3A_109 = arith.constant 0 : i32
      %dma_wait3A_110 = arith.constant 0 : i32
      %dma_wait3A_111 = tpu.memref_slice %arg8[%run_scoped3A_11, %dma_wait3A_109, %dma_wait3A_110] : memref<2x64x144xf32, #tpu.memory_space<vmem>> -> memref<1x64x144xf32, #tpu.memory_space<vmem>>
      %dma_wait3A_112 = tpu.memref_squeeze %dma_wait3A_111 : memref<1x64x144xf32, #tpu.memory_space<vmem>> -> memref<64x144xf32, #tpu.memory_space<vmem>>
      %dma_wait3A_113 = arith.constant 0 : i32
      %dma_wait3A_114 = tpu.memref_slice %arg9[%add3A_10, %dma_wait3A_113] : memref<10112x144xf32, #tpu.memory_space<vmem_shared>> -> memref<64x144xf32, #tpu.memory_space<vmem_shared>>
      %dma_wait3A_115 = arith.constant 0 : i32
      %dma_wait3A_116 = tpu.memref_slice %arg9[%add3A_10, %dma_wait3A_115] : memref<10112x144xf32, #tpu.memory_space<vmem_shared>> -> memref<64x144xf32, #tpu.memory_space<vmem_shared>>
      %dma_wait3A_117 = arith.constant 0 : i32
      %dma_wait3A_118 = arith.constant 0 : i32
      %dma_wait3A_119 = tpu.memref_slice %arg8[%run_scoped3A_11, %dma_wait3A_117, %dma_wait3A_118] : memref<2x64x144xf32, #tpu.memory_space<vmem>> -> memref<1x64x144xf32, #tpu.memory_space<vmem>>
      %dma_wait3A_120 = tpu.memref_squeeze %dma_wait3A_119 : memref<1x64x144xf32, #tpu.memory_space<vmem>> -> memref<64x144xf32, #tpu.memory_space<vmem>>
      tpu.wait_dma2 semaphore(%run_scoped3A_96 : memref<!tpu.dma_semaphore, #tpu.memory_space<semaphore_mem>>) src(%dma_wait3A_120 : memref<64x144xf32, #tpu.memory_space<vmem>>) dst(%dma_wait3A_116 : memref<64x144xf32, #tpu.memory_space<vmem_shared>>)
      tpu.yield
    }) : () -> ()
    %add3A_12 = arith.constant 128 : i32
    %add3A_13 = arith.addi %mul3A_7, %add3A_12 : i32
    %run_scoped3A_14 = arith.constant 0 : i32
    "tpu.region"() ({
      %run_scoped3A_96 = tpu.sem_alloc : memref<!tpu.dma_semaphore, #tpu.memory_space<semaphore_mem>>
      %dma_start3A_97 = arith.constant 0 : i32
      %dma_start3A_98 = arith.constant 0 : i32
      %dma_start3A_99 = tpu.memref_slice %arg8[%run_scoped3A_14, %dma_start3A_97, %dma_start3A_98] : memref<2x64x144xf32, #tpu.memory_space<vmem>> -> memref<1x64x144xf32, #tpu.memory_space<vmem>>
      %dma_start3A_100 = tpu.memref_squeeze %dma_start3A_99 : memref<1x64x144xf32, #tpu.memory_space<vmem>> -> memref<64x144xf32, #tpu.memory_space<vmem>>
      %dma_start3A_101 = arith.constant 0 : i32
      %dma_start3A_102 = tpu.memref_slice %arg9[%add3A_13, %dma_start3A_101] : memref<10112x144xf32, #tpu.memory_space<vmem_shared>> -> memref<64x144xf32, #tpu.memory_space<vmem_shared>>
      %dma_start3A_103 = arith.constant 0 : i32
      %dma_start3A_104 = tpu.memref_slice %arg9[%add3A_13, %dma_start3A_103] : memref<10112x144xf32, #tpu.memory_space<vmem_shared>> -> memref<64x144xf32, #tpu.memory_space<vmem_shared>>
      %dma_start3A_105 = arith.constant 0 : i32
      %dma_start3A_106 = arith.constant 0 : i32
      %dma_start3A_107 = tpu.memref_slice %arg8[%run_scoped3A_14, %dma_start3A_105, %dma_start3A_106] : memref<2x64x144xf32, #tpu.memory_space<vmem>> -> memref<1x64x144xf32, #tpu.memory_space<vmem>>
      %dma_start3A_108 = tpu.memref_squeeze %dma_start3A_107 : memref<1x64x144xf32, #tpu.memory_space<vmem>> -> memref<64x144xf32, #tpu.memory_space<vmem>>
      tpu.enqueue_dma source(%dma_start3A_108 : memref<64x144xf32, #tpu.memory_space<vmem>>) target(%dma_start3A_104 : memref<64x144xf32, #tpu.memory_space<vmem_shared>>) target_semaphore(%run_scoped3A_96 : memref<!tpu.dma_semaphore, #tpu.memory_space<semaphore_mem>>)
      %dma_wait3A_109 = arith.constant 0 : i32
      %dma_wait3A_110 = arith.constant 0 : i32
      %dma_wait3A_111 = tpu.memref_slice %arg8[%run_scoped3A_14, %dma_wait3A_109, %dma_wait3A_110] : memref<2x64x144xf32, #tpu.memory_space<vmem>> -> memref<1x64x144xf32, #tpu.memory_space<vmem>>
      %dma_wait3A_112 = tpu.memref_squeeze %dma_wait3A_111 : memref<1x64x144xf32, #tpu.memory_space<vmem>> -> memref<64x144xf32, #tpu.memory_space<vmem>>
      %dma_wait3A_113 = arith.constant 0 : i32
      %dma_wait3A_114 = tpu.memref_slice %arg9[%add3A_13, %dma_wait3A_113] : memref<10112x144xf32, #tpu.memory_space<vmem_shared>> -> memref<64x144xf32, #tpu.memory_space<vmem_shared>>
      %dma_wait3A_115 = arith.constant 0 : i32
      %dma_wait3A_116 = tpu.memref_slice %arg9[%add3A_13, %dma_wait3A_115] : memref<10112x144xf32, #tpu.memory_space<vmem_shared>> -> memref<64x144xf32, #tpu.memory_space<vmem_shared>>
      %dma_wait3A_117 = arith.constant 0 : i32
      %dma_wait3A_118 = arith.constant 0 : i32
      %dma_wait3A_119 = tpu.memref_slice %arg8[%run_scoped3A_14, %dma_wait3A_117, %dma_wait3A_118] : memref<2x64x144xf32, #tpu.memory_space<vmem>> -> memref<1x64x144xf32, #tpu.memory_space<vmem>>
      %dma_wait3A_120 = tpu.memref_squeeze %dma_wait3A_119 : memref<1x64x144xf32, #tpu.memory_space<vmem>> -> memref<64x144xf32, #tpu.memory_space<vmem>>
      tpu.wait_dma2 semaphore(%run_scoped3A_96 : memref<!tpu.dma_semaphore, #tpu.memory_space<semaphore_mem>>) src(%dma_wait3A_120 : memref<64x144xf32, #tpu.memory_space<vmem>>) dst(%dma_wait3A_116 : memref<64x144xf32, #tpu.memory_space<vmem_shared>>)
      tpu.yield
    }) : () -> ()
    %add3A_15 = arith.constant 192 : i32
    %add3A_16 = arith.addi %mul3A_7, %add3A_15 : i32
    %run_scoped3A_17 = arith.constant 0 : i32
    "tpu.region"() ({
      %run_scoped3A_96 = tpu.sem_alloc : memref<!tpu.dma_semaphore, #tpu.memory_space<semaphore_mem>>
      %dma_start3A_97 = arith.constant 0 : i32
      %dma_start3A_98 = arith.constant 0 : i32
      %dma_start3A_99 = tpu.memref_slice %arg8[%run_scoped3A_17, %dma_start3A_97, %dma_start3A_98] : memref<2x64x144xf32, #tpu.memory_space<vmem>> -> memref<1x64x144xf32, #tpu.memory_space<vmem>>
      %dma_start3A_100 = tpu.memref_squeeze %dma_start3A_99 : memref<1x64x144xf32, #tpu.memory_space<vmem>> -> memref<64x144xf32, #tpu.memory_space<vmem>>
      %dma_start3A_101 = arith.constant 0 : i32
      %dma_start3A_102 = tpu.memref_slice %arg9[%add3A_16, %dma_start3A_101] : memref<10112x144xf32, #tpu.memory_space<vmem_shared>> -> memref<64x144xf32, #tpu.memory_space<vmem_shared>>
      %dma_start3A_103 = arith.constant 0 : i32
      %dma_start3A_104 = tpu.memref_slice %arg9[%add3A_16, %dma_start3A_103] : memref<10112x144xf32, #tpu.memory_space<vmem_shared>> -> memref<64x144xf32, #tpu.memory_space<vmem_shared>>
      %dma_start3A_105 = arith.constant 0 : i32
      %dma_start3A_106 = arith.constant 0 : i32
      %dma_start3A_107 = tpu.memref_slice %arg8[%run_scoped3A_17, %dma_start3A_105, %dma_start3A_106] : memref<2x64x144xf32, #tpu.memory_space<vmem>> -> memref<1x64x144xf32, #tpu.memory_space<vmem>>
      %dma_start3A_108 = tpu.memref_squeeze %dma_start3A_107 : memref<1x64x144xf32, #tpu.memory_space<vmem>> -> memref<64x144xf32, #tpu.memory_space<vmem>>
      tpu.enqueue_dma source(%dma_start3A_108 : memref<64x144xf32, #tpu.memory_space<vmem>>) target(%dma_start3A_104 : memref<64x144xf32, #tpu.memory_space<vmem_shared>>) target_semaphore(%run_scoped3A_96 : memref<!tpu.dma_semaphore, #tpu.memory_space<semaphore_mem>>)
      %dma_wait3A_109 = arith.constant 0 : i32
      %dma_wait3A_110 = arith.constant 0 : i32
      %dma_wait3A_111 = tpu.memref_slice %arg8[%run_scoped3A_17, %dma_wait3A_109, %dma_wait3A_110] : memref<2x64x144xf32, #tpu.memory_space<vmem>> -> memref<1x64x144xf32, #tpu.memory_space<vmem>>
      %dma_wait3A_112 = tpu.memref_squeeze %dma_wait3A_111 : memref<1x64x144xf32, #tpu.memory_space<vmem>> -> memref<64x144xf32, #tpu.memory_space<vmem>>
      %dma_wait3A_113 = arith.constant 0 : i32
      %dma_wait3A_114 = tpu.memref_slice %arg9[%add3A_16, %dma_wait3A_113] : memref<10112x144xf32, #tpu.memory_space<vmem_shared>> -> memref<64x144xf32, #tpu.memory_space<vmem_shared>>
      %dma_wait3A_115 = arith.constant 0 : i32
      %dma_wait3A_116 = tpu.memref_slice %arg9[%add3A_16, %dma_wait3A_115] : memref<10112x144xf32, #tpu.memory_space<vmem_shared>> -> memref<64x144xf32, #tpu.memory_space<vmem_shared>>
      %dma_wait3A_117 = arith.constant 0 : i32
      %dma_wait3A_118 = arith.constant 0 : i32
      %dma_wait3A_119 = tpu.memref_slice %arg8[%run_scoped3A_17, %dma_wait3A_117, %dma_wait3A_118] : memref<2x64x144xf32, #tpu.memory_space<vmem>> -> memref<1x64x144xf32, #tpu.memory_space<vmem>>
      %dma_wait3A_120 = tpu.memref_squeeze %dma_wait3A_119 : memref<1x64x144xf32, #tpu.memory_space<vmem>> -> memref<64x144xf32, #tpu.memory_space<vmem>>
      tpu.wait_dma2 semaphore(%run_scoped3A_96 : memref<!tpu.dma_semaphore, #tpu.memory_space<semaphore_mem>>) src(%dma_wait3A_120 : memref<64x144xf32, #tpu.memory_space<vmem>>) dst(%dma_wait3A_116 : memref<64x144xf32, #tpu.memory_space<vmem_shared>>)
      tpu.yield
    }) : () -> ()
    %add3A_18 = arith.constant 256 : i32
    %add3A_19 = arith.addi %mul3A_7, %add3A_18 : i32
    %run_scoped3A_20 = arith.constant 0 : i32
    "tpu.region"() ({
      %run_scoped3A_96 = tpu.sem_alloc : memref<!tpu.dma_semaphore, #tpu.memory_space<semaphore_mem>>
      %dma_start3A_97 = arith.constant 0 : i32
      %dma_start3A_98 = arith.constant 0 : i32
      %dma_start3A_99 = tpu.memref_slice %arg8[%run_scoped3A_20, %dma_start3A_97, %dma_start3A_98] : memref<2x64x144xf32, #tpu.memory_space<vmem>> -> memref<1x64x144xf32, #tpu.memory_space<vmem>>
      %dma_start3A_100 = tpu.memref_squeeze %dma_start3A_99 : memref<1x64x144xf32, #tpu.memory_space<vmem>> -> memref<64x144xf32, #tpu.memory_space<vmem>>
      %dma_start3A_101 = arith.constant 0 : i32
      %dma_start3A_102 = tpu.memref_slice %arg9[%add3A_19, %dma_start3A_101] : memref<10112x144xf32, #tpu.memory_space<vmem_shared>> -> memref<64x144xf32, #tpu.memory_space<vmem_shared>>
      %dma_start3A_103 = arith.constant 0 : i32
      %dma_start3A_104 = tpu.memref_slice %arg9[%add3A_19, %dma_start3A_103] : memref<10112x144xf32, #tpu.memory_space<vmem_shared>> -> memref<64x144xf32, #tpu.memory_space<vmem_shared>>
      %dma_start3A_105 = arith.constant 0 : i32
      %dma_start3A_106 = arith.constant 0 : i32
      %dma_start3A_107 = tpu.memref_slice %arg8[%run_scoped3A_20, %dma_start3A_105, %dma_start3A_106] : memref<2x64x144xf32, #tpu.memory_space<vmem>> -> memref<1x64x144xf32, #tpu.memory_space<vmem>>
      %dma_start3A_108 = tpu.memref_squeeze %dma_start3A_107 : memref<1x64x144xf32, #tpu.memory_space<vmem>> -> memref<64x144xf32, #tpu.memory_space<vmem>>
      tpu.enqueue_dma source(%dma_start3A_108 : memref<64x144xf32, #tpu.memory_space<vmem>>) target(%dma_start3A_104 : memref<64x144xf32, #tpu.memory_space<vmem_shared>>) target_semaphore(%run_scoped3A_96 : memref<!tpu.dma_semaphore, #tpu.memory_space<semaphore_mem>>)
      %dma_wait3A_109 = arith.constant 0 : i32
      %dma_wait3A_110 = arith.constant 0 : i32
      %dma_wait3A_111 = tpu.memref_slice %arg8[%run_scoped3A_20, %dma_wait3A_109, %dma_wait3A_110] : memref<2x64x144xf32, #tpu.memory_space<vmem>> -> memref<1x64x144xf32, #tpu.memory_space<vmem>>
      %dma_wait3A_112 = tpu.memref_squeeze %dma_wait3A_111 : memref<1x64x144xf32, #tpu.memory_space<vmem>> -> memref<64x144xf32, #tpu.memory_space<vmem>>
      %dma_wait3A_113 = arith.constant 0 : i32
      %dma_wait3A_114 = tpu.memref_slice %arg9[%add3A_19, %dma_wait3A_113] : memref<10112x144xf32, #tpu.memory_space<vmem_shared>> -> memref<64x144xf32, #tpu.memory_space<vmem_shared>>
      %dma_wait3A_115 = arith.constant 0 : i32
      %dma_wait3A_116 = tpu.memref_slice %arg9[%add3A_19, %dma_wait3A_115] : memref<10112x144xf32, #tpu.memory_space<vmem_shared>> -> memref<64x144xf32, #tpu.memory_space<vmem_shared>>
      %dma_wait3A_117 = arith.constant 0 : i32
      %dma_wait3A_118 = arith.constant 0 : i32
      %dma_wait3A_119 = tpu.memref_slice %arg8[%run_scoped3A_20, %dma_wait3A_117, %dma_wait3A_118] : memref<2x64x144xf32, #tpu.memory_space<vmem>> -> memref<1x64x144xf32, #tpu.memory_space<vmem>>
      %dma_wait3A_120 = tpu.memref_squeeze %dma_wait3A_119 : memref<1x64x144xf32, #tpu.memory_space<vmem>> -> memref<64x144xf32, #tpu.memory_space<vmem>>
      tpu.wait_dma2 semaphore(%run_scoped3A_96 : memref<!tpu.dma_semaphore, #tpu.memory_space<semaphore_mem>>) src(%dma_wait3A_120 : memref<64x144xf32, #tpu.memory_space<vmem>>) dst(%dma_wait3A_116 : memref<64x144xf32, #tpu.memory_space<vmem_shared>>)
      tpu.yield
    }) : () -> ()
    %add3A_21 = arith.constant 320 : i32
    %add3A_22 = arith.addi %mul3A_7, %add3A_21 : i32
    %run_scoped3A_23 = arith.constant 0 : i32
    "tpu.region"() ({
      %run_scoped3A_96 = tpu.sem_alloc : memref<!tpu.dma_semaphore, #tpu.memory_space<semaphore_mem>>
      %dma_start3A_97 = arith.constant 0 : i32
      %dma_start3A_98 = arith.constant 0 : i32
      %dma_start3A_99 = tpu.memref_slice %arg8[%run_scoped3A_23, %dma_start3A_97, %dma_start3A_98] : memref<2x64x144xf32, #tpu.memory_space<vmem>> -> memref<1x64x144xf32, #tpu.memory_space<vmem>>
      %dma_start3A_100 = tpu.memref_squeeze %dma_start3A_99 : memref<1x64x144xf32, #tpu.memory_space<vmem>> -> memref<64x144xf32, #tpu.memory_space<vmem>>
      %dma_start3A_101 = arith.constant 0 : i32
      %dma_start3A_102 = tpu.memref_slice %arg9[%add3A_22, %dma_start3A_101] : memref<10112x144xf32, #tpu.memory_space<vmem_shared>> -> memref<64x144xf32, #tpu.memory_space<vmem_shared>>
      %dma_start3A_103 = arith.constant 0 : i32
      %dma_start3A_104 = tpu.memref_slice %arg9[%add3A_22, %dma_start3A_103] : memref<10112x144xf32, #tpu.memory_space<vmem_shared>> -> memref<64x144xf32, #tpu.memory_space<vmem_shared>>
      %dma_start3A_105 = arith.constant 0 : i32
      %dma_start3A_106 = arith.constant 0 : i32
      %dma_start3A_107 = tpu.memref_slice %arg8[%run_scoped3A_23, %dma_start3A_105, %dma_start3A_106] : memref<2x64x144xf32, #tpu.memory_space<vmem>> -> memref<1x64x144xf32, #tpu.memory_space<vmem>>
      %dma_start3A_108 = tpu.memref_squeeze %dma_start3A_107 : memref<1x64x144xf32, #tpu.memory_space<vmem>> -> memref<64x144xf32, #tpu.memory_space<vmem>>
      tpu.enqueue_dma source(%dma_start3A_108 : memref<64x144xf32, #tpu.memory_space<vmem>>) target(%dma_start3A_104 : memref<64x144xf32, #tpu.memory_space<vmem_shared>>) target_semaphore(%run_scoped3A_96 : memref<!tpu.dma_semaphore, #tpu.memory_space<semaphore_mem>>)
      %dma_wait3A_109 = arith.constant 0 : i32
      %dma_wait3A_110 = arith.constant 0 : i32
      %dma_wait3A_111 = tpu.memref_slice %arg8[%run_scoped3A_23, %dma_wait3A_109, %dma_wait3A_110] : memref<2x64x144xf32, #tpu.memory_space<vmem>> -> memref<1x64x144xf32, #tpu.memory_space<vmem>>
      %dma_wait3A_112 = tpu.memref_squeeze %dma_wait3A_111 : memref<1x64x144xf32, #tpu.memory_space<vmem>> -> memref<64x144xf32, #tpu.memory_space<vmem>>
      %dma_wait3A_113 = arith.constant 0 : i32
      %dma_wait3A_114 = tpu.memref_slice %arg9[%add3A_22, %dma_wait3A_113] : memref<10112x144xf32, #tpu.memory_space<vmem_shared>> -> memref<64x144xf32, #tpu.memory_space<vmem_shared>>
      %dma_wait3A_115 = arith.constant 0 : i32
      %dma_wait3A_116 = tpu.memref_slice %arg9[%add3A_22, %dma_wait3A_115] : memref<10112x144xf32, #tpu.memory_space<vmem_shared>> -> memref<64x144xf32, #tpu.memory_space<vmem_shared>>
      %dma_wait3A_117 = arith.constant 0 : i32
      %dma_wait3A_118 = arith.constant 0 : i32
      %dma_wait3A_119 = tpu.memref_slice %arg8[%run_scoped3A_23, %dma_wait3A_117, %dma_wait3A_118] : memref<2x64x144xf32, #tpu.memory_space<vmem>> -> memref<1x64x144xf32, #tpu.memory_space<vmem>>
      %dma_wait3A_120 = tpu.memref_squeeze %dma_wait3A_119 : memref<1x64x144xf32, #tpu.memory_space<vmem>> -> memref<64x144xf32, #tpu.memory_space<vmem>>
      tpu.wait_dma2 semaphore(%run_scoped3A_96 : memref<!tpu.dma_semaphore, #tpu.memory_space<semaphore_mem>>) src(%dma_wait3A_120 : memref<64x144xf32, #tpu.memory_space<vmem>>) dst(%dma_wait3A_116 : memref<64x144xf32, #tpu.memory_space<vmem_shared>>)
      tpu.yield
    }) : () -> ()
    %add3A_24 = arith.constant 384 : i32
    %add3A_25 = arith.addi %mul3A_7, %add3A_24 : i32
    %run_scoped3A_26 = arith.constant 0 : i32
    "tpu.region"() ({
      %run_scoped3A_96 = tpu.sem_alloc : memref<!tpu.dma_semaphore, #tpu.memory_space<semaphore_mem>>
      %dma_start3A_97 = arith.constant 0 : i32
      %dma_start3A_98 = arith.constant 0 : i32
      %dma_start3A_99 = tpu.memref_slice %arg8[%run_scoped3A_26, %dma_start3A_97, %dma_start3A_98] : memref<2x64x144xf32, #tpu.memory_space<vmem>> -> memref<1x64x144xf32, #tpu.memory_space<vmem>>
      %dma_start3A_100 = tpu.memref_squeeze %dma_start3A_99 : memref<1x64x144xf32, #tpu.memory_space<vmem>> -> memref<64x144xf32, #tpu.memory_space<vmem>>
      %dma_start3A_101 = arith.constant 0 : i32
      %dma_start3A_102 = tpu.memref_slice %arg9[%add3A_25, %dma_start3A_101] : memref<10112x144xf32, #tpu.memory_space<vmem_shared>> -> memref<64x144xf32, #tpu.memory_space<vmem_shared>>
      %dma_start3A_103 = arith.constant 0 : i32
      %dma_start3A_104 = tpu.memref_slice %arg9[%add3A_25, %dma_start3A_103] : memref<10112x144xf32, #tpu.memory_space<vmem_shared>> -> memref<64x144xf32, #tpu.memory_space<vmem_shared>>
      %dma_start3A_105 = arith.constant 0 : i32
      %dma_start3A_106 = arith.constant 0 : i32
      %dma_start3A_107 = tpu.memref_slice %arg8[%run_scoped3A_26, %dma_start3A_105, %dma_start3A_106] : memref<2x64x144xf32, #tpu.memory_space<vmem>> -> memref<1x64x144xf32, #tpu.memory_space<vmem>>
      %dma_start3A_108 = tpu.memref_squeeze %dma_start3A_107 : memref<1x64x144xf32, #tpu.memory_space<vmem>> -> memref<64x144xf32, #tpu.memory_space<vmem>>
      tpu.enqueue_dma source(%dma_start3A_108 : memref<64x144xf32, #tpu.memory_space<vmem>>) target(%dma_start3A_104 : memref<64x144xf32, #tpu.memory_space<vmem_shared>>) target_semaphore(%run_scoped3A_96 : memref<!tpu.dma_semaphore, #tpu.memory_space<semaphore_mem>>)
      %dma_wait3A_109 = arith.constant 0 : i32
      %dma_wait3A_110 = arith.constant 0 : i32
      %dma_wait3A_111 = tpu.memref_slice %arg8[%run_scoped3A_26, %dma_wait3A_109, %dma_wait3A_110] : memref<2x64x144xf32, #tpu.memory_space<vmem>> -> memref<1x64x144xf32, #tpu.memory_space<vmem>>
      %dma_wait3A_112 = tpu.memref_squeeze %dma_wait3A_111 : memref<1x64x144xf32, #tpu.memory_space<vmem>> -> memref<64x144xf32, #tpu.memory_space<vmem>>
      %dma_wait3A_113 = arith.constant 0 : i32
      %dma_wait3A_114 = tpu.memref_slice %arg9[%add3A_25, %dma_wait3A_113] : memref<10112x144xf32, #tpu.memory_space<vmem_shared>> -> memref<64x144xf32, #tpu.memory_space<vmem_shared>>
      %dma_wait3A_115 = arith.constant 0 : i32
      %dma_wait3A_116 = tpu.memref_slice %arg9[%add3A_25, %dma_wait3A_115] : memref<10112x144xf32, #tpu.memory_space<vmem_shared>> -> memref<64x144xf32, #tpu.memory_space<vmem_shared>>
      %dma_wait3A_117 = arith.constant 0 : i32
      %dma_wait3A_118 = arith.constant 0 : i32
      %dma_wait3A_119 = tpu.memref_slice %arg8[%run_scoped3A_26, %dma_wait3A_117, %dma_wait3A_118] : memref<2x64x144xf32, #tpu.memory_space<vmem>> -> memref<1x64x144xf32, #tpu.memory_space<vmem>>
      %dma_wait3A_120 = tpu.memref_squeeze %dma_wait3A_119 : memref<1x64x144xf32, #tpu.memory_space<vmem>> -> memref<64x144xf32, #tpu.memory_space<vmem>>
      tpu.wait_dma2 semaphore(%run_scoped3A_96 : memref<!tpu.dma_semaphore, #tpu.memory_space<semaphore_mem>>) src(%dma_wait3A_120 : memref<64x144xf32, #tpu.memory_space<vmem>>) dst(%dma_wait3A_116 : memref<64x144xf32, #tpu.memory_space<vmem_shared>>)
      tpu.yield
    }) : () -> ()
    %add3A_27 = arith.constant 448 : i32
    %add3A_28 = arith.addi %mul3A_7, %add3A_27 : i32
    %run_scoped3A_29 = arith.constant 0 : i32
    "tpu.region"() ({
      %run_scoped3A_96 = tpu.sem_alloc : memref<!tpu.dma_semaphore, #tpu.memory_space<semaphore_mem>>
      %dma_start3A_97 = arith.constant 0 : i32
      %dma_start3A_98 = arith.constant 0 : i32
      %dma_start3A_99 = tpu.memref_slice %arg8[%run_scoped3A_29, %dma_start3A_97, %dma_start3A_98] : memref<2x64x144xf32, #tpu.memory_space<vmem>> -> memref<1x64x144xf32, #tpu.memory_space<vmem>>
      %dma_start3A_100 = tpu.memref_squeeze %dma_start3A_99 : memref<1x64x144xf32, #tpu.memory_space<vmem>> -> memref<64x144xf32, #tpu.memory_space<vmem>>
      %dma_start3A_101 = arith.constant 0 : i32
      %dma_start3A_102 = tpu.memref_slice %arg9[%add3A_28, %dma_start3A_101] : memref<10112x144xf32, #tpu.memory_space<vmem_shared>> -> memref<64x144xf32, #tpu.memory_space<vmem_shared>>
      %dma_start3A_103 = arith.constant 0 : i32
      %dma_start3A_104 = tpu.memref_slice %arg9[%add3A_28, %dma_start3A_103] : memref<10112x144xf32, #tpu.memory_space<vmem_shared>> -> memref<64x144xf32, #tpu.memory_space<vmem_shared>>
      %dma_start3A_105 = arith.constant 0 : i32
      %dma_start3A_106 = arith.constant 0 : i32
      %dma_start3A_107 = tpu.memref_slice %arg8[%run_scoped3A_29, %dma_start3A_105, %dma_start3A_106] : memref<2x64x144xf32, #tpu.memory_space<vmem>> -> memref<1x64x144xf32, #tpu.memory_space<vmem>>
      %dma_start3A_108 = tpu.memref_squeeze %dma_start3A_107 : memref<1x64x144xf32, #tpu.memory_space<vmem>> -> memref<64x144xf32, #tpu.memory_space<vmem>>
      tpu.enqueue_dma source(%dma_start3A_108 : memref<64x144xf32, #tpu.memory_space<vmem>>) target(%dma_start3A_104 : memref<64x144xf32, #tpu.memory_space<vmem_shared>>) target_semaphore(%run_scoped3A_96 : memref<!tpu.dma_semaphore, #tpu.memory_space<semaphore_mem>>)
      %dma_wait3A_109 = arith.constant 0 : i32
      %dma_wait3A_110 = arith.constant 0 : i32
      %dma_wait3A_111 = tpu.memref_slice %arg8[%run_scoped3A_29, %dma_wait3A_109, %dma_wait3A_110] : memref<2x64x144xf32, #tpu.memory_space<vmem>> -> memref<1x64x144xf32, #tpu.memory_space<vmem>>
      %dma_wait3A_112 = tpu.memref_squeeze %dma_wait3A_111 : memref<1x64x144xf32, #tpu.memory_space<vmem>> -> memref<64x144xf32, #tpu.memory_space<vmem>>
      %dma_wait3A_113 = arith.constant 0 : i32
      %dma_wait3A_114 = tpu.memref_slice %arg9[%add3A_28, %dma_wait3A_113] : memref<10112x144xf32, #tpu.memory_space<vmem_shared>> -> memref<64x144xf32, #tpu.memory_space<vmem_shared>>
      %dma_wait3A_115 = arith.constant 0 : i32
      %dma_wait3A_116 = tpu.memref_slice %arg9[%add3A_28, %dma_wait3A_115] : memref<10112x144xf32, #tpu.memory_space<vmem_shared>> -> memref<64x144xf32, #tpu.memory_space<vmem_shared>>
      %dma_wait3A_117 = arith.constant 0 : i32
      %dma_wait3A_118 = arith.constant 0 : i32
      %dma_wait3A_119 = tpu.memref_slice %arg8[%run_scoped3A_29, %dma_wait3A_117, %dma_wait3A_118] : memref<2x64x144xf32, #tpu.memory_space<vmem>> -> memref<1x64x144xf32, #tpu.memory_space<vmem>>
      %dma_wait3A_120 = tpu.memref_squeeze %dma_wait3A_119 : memref<1x64x144xf32, #tpu.memory_space<vmem>> -> memref<64x144xf32, #tpu.memory_space<vmem>>
      tpu.wait_dma2 semaphore(%run_scoped3A_96 : memref<!tpu.dma_semaphore, #tpu.memory_space<semaphore_mem>>) src(%dma_wait3A_120 : memref<64x144xf32, #tpu.memory_space<vmem>>) dst(%dma_wait3A_116 : memref<64x144xf32, #tpu.memory_space<vmem_shared>>)
      tpu.yield
    }) : () -> ()
    %add3A_30 = arith.constant 512 : i32
    %add3A_31 = arith.addi %mul3A_7, %add3A_30 : i32
    %run_scoped3A_32 = arith.constant 0 : i32
    "tpu.region"() ({
      %run_scoped3A_96 = tpu.sem_alloc : memref<!tpu.dma_semaphore, #tpu.memory_space<semaphore_mem>>
      %dma_start3A_97 = arith.constant 0 : i32
      %dma_start3A_98 = arith.constant 0 : i32
      %dma_start3A_99 = tpu.memref_slice %arg8[%run_scoped3A_32, %dma_start3A_97, %dma_start3A_98] : memref<2x64x144xf32, #tpu.memory_space<vmem>> -> memref<1x64x144xf32, #tpu.memory_space<vmem>>
      %dma_start3A_100 = tpu.memref_squeeze %dma_start3A_99 : memref<1x64x144xf32, #tpu.memory_space<vmem>> -> memref<64x144xf32, #tpu.memory_space<vmem>>
      %dma_start3A_101 = arith.constant 0 : i32
      %dma_start3A_102 = tpu.memref_slice %arg9[%add3A_31, %dma_start3A_101] : memref<10112x144xf32, #tpu.memory_space<vmem_shared>> -> memref<64x144xf32, #tpu.memory_space<vmem_shared>>
      %dma_start3A_103 = arith.constant 0 : i32
      %dma_start3A_104 = tpu.memref_slice %arg9[%add3A_31, %dma_start3A_103] : memref<10112x144xf32, #tpu.memory_space<vmem_shared>> -> memref<64x144xf32, #tpu.memory_space<vmem_shared>>
      %dma_start3A_105 = arith.constant 0 : i32
      %dma_start3A_106 = arith.constant 0 : i32
      %dma_start3A_107 = tpu.memref_slice %arg8[%run_scoped3A_32, %dma_start3A_105, %dma_start3A_106] : memref<2x64x144xf32, #tpu.memory_space<vmem>> -> memref<1x64x144xf32, #tpu.memory_space<vmem>>
      %dma_start3A_108 = tpu.memref_squeeze %dma_start3A_107 : memref<1x64x144xf32, #tpu.memory_space<vmem>> -> memref<64x144xf32, #tpu.memory_space<vmem>>
      tpu.enqueue_dma source(%dma_start3A_108 : memref<64x144xf32, #tpu.memory_space<vmem>>) target(%dma_start3A_104 : memref<64x144xf32, #tpu.memory_space<vmem_shared>>) target_semaphore(%run_scoped3A_96 : memref<!tpu.dma_semaphore, #tpu.memory_space<semaphore_mem>>)
      %dma_wait3A_109 = arith.constant 0 : i32
      %dma_wait3A_110 = arith.constant 0 : i32
      %dma_wait3A_111 = tpu.memref_slice %arg8[%run_scoped3A_32, %dma_wait3A_109, %dma_wait3A_110] : memref<2x64x144xf32, #tpu.memory_space<vmem>> -> memref<1x64x144xf32, #tpu.memory_space<vmem>>
      %dma_wait3A_112 = tpu.memref_squeeze %dma_wait3A_111 : memref<1x64x144xf32, #tpu.memory_space<vmem>> -> memref<64x144xf32, #tpu.memory_space<vmem>>
      %dma_wait3A_113 = arith.constant 0 : i32
      %dma_wait3A_114 = tpu.memref_slice %arg9[%add3A_31, %dma_wait3A_113] : memref<10112x144xf32, #tpu.memory_space<vmem_shared>> -> memref<64x144xf32, #tpu.memory_space<vmem_shared>>
      %dma_wait3A_115 = arith.constant 0 : i32
      %dma_wait3A_116 = tpu.memref_slice %arg9[%add3A_31, %dma_wait3A_115] : memref<10112x144xf32, #tpu.memory_space<vmem_shared>> -> memref<64x144xf32, #tpu.memory_space<vmem_shared>>
      %dma_wait3A_117 = arith.constant 0 : i32
      %dma_wait3A_118 = arith.constant 0 : i32
      %dma_wait3A_119 = tpu.memref_slice %arg8[%run_scoped3A_32, %dma_wait3A_117, %dma_wait3A_118] : memref<2x64x144xf32, #tpu.memory_space<vmem>> -> memref<1x64x144xf32, #tpu.memory_space<vmem>>
      %dma_wait3A_120 = tpu.memref_squeeze %dma_wait3A_119 : memref<1x64x144xf32, #tpu.memory_space<vmem>> -> memref<64x144xf32, #tpu.memory_space<vmem>>
      tpu.wait_dma2 semaphore(%run_scoped3A_96 : memref<!tpu.dma_semaphore, #tpu.memory_space<semaphore_mem>>) src(%dma_wait3A_120 : memref<64x144xf32, #tpu.memory_space<vmem>>) dst(%dma_wait3A_116 : memref<64x144xf32, #tpu.memory_space<vmem_shared>>)
      tpu.yield
    }) : () -> ()
    %add3A_33 = arith.constant 576 : i32
    %add3A_34 = arith.addi %mul3A_7, %add3A_33 : i32
    %run_scoped3A_35 = arith.constant 0 : i32
    "tpu.region"() ({
      %run_scoped3A_96 = tpu.sem_alloc : memref<!tpu.dma_semaphore, #tpu.memory_space<semaphore_mem>>
      %dma_start3A_97 = arith.constant 0 : i32
      %dma_start3A_98 = arith.constant 0 : i32
      %dma_start3A_99 = tpu.memref_slice %arg8[%run_scoped3A_35, %dma_start3A_97, %dma_start3A_98] : memref<2x64x144xf32, #tpu.memory_space<vmem>> -> memref<1x56x144xf32, #tpu.memory_space<vmem>>
      %dma_start3A_100 = tpu.memref_squeeze %dma_start3A_99 : memref<1x56x144xf32, #tpu.memory_space<vmem>> -> memref<56x144xf32, #tpu.memory_space<vmem>>
      %dma_start3A_101 = arith.constant 0 : i32
      %dma_start3A_102 = tpu.memref_slice %arg9[%add3A_34, %dma_start3A_101] : memref<10112x144xf32, #tpu.memory_space<vmem_shared>> -> memref<56x144xf32, #tpu.memory_space<vmem_shared>>
      %dma_start3A_103 = arith.constant 0 : i32
      %dma_start3A_104 = tpu.memref_slice %arg9[%add3A_34, %dma_start3A_103] : memref<10112x144xf32, #tpu.memory_space<vmem_shared>> -> memref<56x144xf32, #tpu.memory_space<vmem_shared>>
      %dma_start3A_105 = arith.constant 0 : i32
      %dma_start3A_106 = arith.constant 0 : i32
      %dma_start3A_107 = tpu.memref_slice %arg8[%run_scoped3A_35, %dma_start3A_105, %dma_start3A_106] : memref<2x64x144xf32, #tpu.memory_space<vmem>> -> memref<1x56x144xf32, #tpu.memory_space<vmem>>
      %dma_start3A_108 = tpu.memref_squeeze %dma_start3A_107 : memref<1x56x144xf32, #tpu.memory_space<vmem>> -> memref<56x144xf32, #tpu.memory_space<vmem>>
      tpu.enqueue_dma source(%dma_start3A_108 : memref<56x144xf32, #tpu.memory_space<vmem>>) target(%dma_start3A_104 : memref<56x144xf32, #tpu.memory_space<vmem_shared>>) target_semaphore(%run_scoped3A_96 : memref<!tpu.dma_semaphore, #tpu.memory_space<semaphore_mem>>)
      %dma_wait3A_109 = arith.constant 0 : i32
      %dma_wait3A_110 = arith.constant 0 : i32
      %dma_wait3A_111 = tpu.memref_slice %arg8[%run_scoped3A_35, %dma_wait3A_109, %dma_wait3A_110] : memref<2x64x144xf32, #tpu.memory_space<vmem>> -> memref<1x56x144xf32, #tpu.memory_space<vmem>>
      %dma_wait3A_112 = tpu.memref_squeeze %dma_wait3A_111 : memref<1x56x144xf32, #tpu.memory_space<vmem>> -> memref<56x144xf32, #tpu.memory_space<vmem>>
      %dma_wait3A_113 = arith.constant 0 : i32
      %dma_wait3A_114 = tpu.memref_slice %arg9[%add3A_34, %dma_wait3A_113] : memref<10112x144xf32, #tpu.memory_space<vmem_shared>> -> memref<56x144xf32, #tpu.memory_space<vmem_shared>>
      %dma_wait3A_115 = arith.constant 0 : i32
      %dma_wait3A_116 = tpu.memref_slice %arg9[%add3A_34, %dma_wait3A_115] : memref<10112x144xf32, #tpu.memory_space<vmem_shared>> -> memref<56x144xf32, #tpu.memory_space<vmem_shared>>
      %dma_wait3A_117 = arith.constant 0 : i32
      %dma_wait3A_118 = arith.constant 0 : i32
      %dma_wait3A_119 = tpu.memref_slice %arg8[%run_scoped3A_35, %dma_wait3A_117, %dma_wait3A_118] : memref<2x64x144xf32, #tpu.memory_space<vmem>> -> memref<1x56x144xf32, #tpu.memory_space<vmem>>
      %dma_wait3A_120 = tpu.memref_squeeze %dma_wait3A_119 : memref<1x56x144xf32, #tpu.memory_space<vmem>> -> memref<56x144xf32, #tpu.memory_space<vmem>>
      tpu.wait_dma2 semaphore(%run_scoped3A_96 : memref<!tpu.dma_semaphore, #tpu.memory_space<semaphore_mem>>) src(%dma_wait3A_120 : memref<56x144xf32, #tpu.memory_space<vmem>>) dst(%dma_wait3A_116 : memref<56x144xf32, #tpu.memory_space<vmem_shared>>)
      tpu.yield
    }) : () -> ()
    %barrier3A = arith.constant 0 : index
    tpu.barrier barrier_id(%barrier3A)
    %dma_start3A = arith.constant 0 : i32
    %dma_start3A_36 = arith.constant 0 : i32
    %dma_start3A_37 = arith.constant 0 : i32
    %dma_start3A_38 = arith.constant 0 : i32
    %dma_start3A_39 = tpu.memref_slice %arg8[%dma_start3A_36, %dma_start3A_37, %dma_start3A_38] : memref<2x64x144xf32, #tpu.memory_space<vmem>> -> memref<1x64x144xf32, #tpu.memory_space<vmem>>
    %dma_start3A_40 = tpu.memref_squeeze %dma_start3A_39 : memref<1x64x144xf32, #tpu.memory_space<vmem>> -> memref<64x144xf32, #tpu.memory_space<vmem>>
    %dma_start3A_41 = arith.constant 0 : i32
    %dma_start3A_42 = tpu.memref_slice %arg6[%dma_start3A, %dma_start3A_41] : memref<160x64xi32, #tpu.memory_space<vmem>> -> memref<1x64xi32, #tpu.memory_space<vmem>>
    %dma_start3A_43 = tpu.memref_squeeze %dma_start3A_42 : memref<1x64xi32, #tpu.memory_space<vmem>> -> memref<64xi32, #tpu.memory_space<vmem>>
    %dma_start3A_44 = arith.constant 0 : i32
    %dma_start3A_45 = arith.constant 0 : i32
    %dma_start3A_46 = tpu.memref_slice %arg2[%dma_start3A_44, %dma_start3A_45] : memref<20000x144xf32, #tpu.memory_space<hbm>> -> memref<20000x144xf32, #tpu.memory_space<hbm>>
    tpu.enqueue_indirect_dma source(%dma_start3A_46 : memref<20000x144xf32, #tpu.memory_space<hbm>>) target(%dma_start3A_40 : memref<64x144xf32, #tpu.memory_space<vmem>>) offsets(%dma_start3A_43 : memref<64xi32, #tpu.memory_space<vmem>>) semaphore(%arg10 : memref<!tpu.dma_semaphore, #tpu.memory_space<semaphore_mem>>)
    %dma_start3A_47 = arith.constant 1 : i32
    %dma_start3A_48 = arith.constant 1 : i32
    %dma_start3A_49 = arith.constant 0 : i32
    %dma_start3A_50 = arith.constant 0 : i32
    %dma_start3A_51 = tpu.memref_slice %arg8[%dma_start3A_48, %dma_start3A_49, %dma_start3A_50] : memref<2x64x144xf32, #tpu.memory_space<vmem>> -> memref<1x64x144xf32, #tpu.memory_space<vmem>>
    %dma_start3A_52 = tpu.memref_squeeze %dma_start3A_51 : memref<1x64x144xf32, #tpu.memory_space<vmem>> -> memref<64x144xf32, #tpu.memory_space<vmem>>
    %dma_start3A_53 = arith.constant 0 : i32
    %dma_start3A_54 = tpu.memref_slice %arg6[%dma_start3A_47, %dma_start3A_53] : memref<160x64xi32, #tpu.memory_space<vmem>> -> memref<1x64xi32, #tpu.memory_space<vmem>>
    %dma_start3A_55 = tpu.memref_squeeze %dma_start3A_54 : memref<1x64xi32, #tpu.memory_space<vmem>> -> memref<64xi32, #tpu.memory_space<vmem>>
    %dma_start3A_56 = arith.constant 0 : i32
    %dma_start3A_57 = arith.constant 0 : i32
    %dma_start3A_58 = tpu.memref_slice %arg2[%dma_start3A_56, %dma_start3A_57] : memref<20000x144xf32, #tpu.memory_space<hbm>> -> memref<20000x144xf32, #tpu.memory_space<hbm>>
    tpu.enqueue_indirect_dma source(%dma_start3A_58 : memref<20000x144xf32, #tpu.memory_space<hbm>>) target(%dma_start3A_52 : memref<64x144xf32, #tpu.memory_space<vmem>>) offsets(%dma_start3A_55 : memref<64xi32, #tpu.memory_space<vmem>>) semaphore(%arg11 : memref<!tpu.dma_semaphore, #tpu.memory_space<semaphore_mem>>)
    %scan3A_59 = arith.constant 0 : i32
    %scan3A_60 = arith.constant 0 : i32
    %scan3A_61 = arith.constant 80 : i32
    %scan3A_62 = arith.addi %scan3A_60, %scan3A_61 : i32
    %scan3A_63 = arith.constant 1 : i32
    %scan3A_64 = scf.for %scan3A_96 = %scan3A_60 to %scan3A_62 step %scan3A_63 iter_args(%scan3A_97 = %scan3A_59) -> (i32)  : i32 {
      %mul3A_98 = arith.constant 2 : i32
      %mul3A_99 = arith.muli %scan3A_96, %mul3A_98 : i32
      %add3A_100 = arith.constant 0 : i32
      %add3A_101 = arith.addi %mul3A_99, %add3A_100 : i32
      %dma_wait3A_102 = arith.constant 0 : i32
      %dma_wait3A_103 = arith.constant 0 : i32
      %dma_wait3A_104 = arith.constant 0 : i32
      %dma_wait3A_105 = tpu.memref_slice %arg8[%dma_wait3A_102, %dma_wait3A_103, %dma_wait3A_104] : memref<2x64x144xf32, #tpu.memory_space<vmem>> -> memref<1x64x144xf32, #tpu.memory_space<vmem>>
      %dma_wait3A_106 = tpu.memref_squeeze %dma_wait3A_105 : memref<1x64x144xf32, #tpu.memory_space<vmem>> -> memref<64x144xf32, #tpu.memory_space<vmem>>
      %dma_wait3A_107 = arith.constant 0 : i32
      %dma_wait3A_108 = tpu.memref_slice %arg6[%add3A_101, %dma_wait3A_107] : memref<160x64xi32, #tpu.memory_space<vmem>> -> memref<1x64xi32, #tpu.memory_space<vmem>>
      %dma_wait3A_109 = tpu.memref_squeeze %dma_wait3A_108 : memref<1x64xi32, #tpu.memory_space<vmem>> -> memref<64xi32, #tpu.memory_space<vmem>>
      %dma_wait3A_110 = arith.constant 0 : i32
      %dma_wait3A_111 = arith.constant 0 : i32
      %dma_wait3A_112 = tpu.memref_slice %arg2[%dma_wait3A_110, %dma_wait3A_111] : memref<20000x144xf32, #tpu.memory_space<hbm>> -> memref<20000x144xf32, #tpu.memory_space<hbm>>
      tpu.wait_indirect_dma semaphore(%arg10 : memref<!tpu.dma_semaphore, #tpu.memory_space<semaphore_mem>>) src(%dma_wait3A_112 : memref<20000x144xf32, #tpu.memory_space<hbm>>) dst(%dma_wait3A_106 : memref<64x144xf32, #tpu.memory_space<vmem>>)
      %add3A_113 = arith.constant 0 : i32
      %add3A_114 = arith.addi %mul3A_99, %add3A_113 : i32
      %dma_start3A_115 = arith.constant 0 : i32
      %dma_start3A_116 = arith.constant 0 : i32
      %dma_start3A_117 = arith.constant 0 : i32
      %dma_start3A_118 = tpu.memref_slice %arg8[%dma_start3A_115, %dma_start3A_116, %dma_start3A_117] : memref<2x64x144xf32, #tpu.memory_space<vmem>> -> memref<1x64x144xf32, #tpu.memory_space<vmem>>
      %dma_start3A_119 = tpu.memref_squeeze %dma_start3A_118 : memref<1x64x144xf32, #tpu.memory_space<vmem>> -> memref<64x144xf32, #tpu.memory_space<vmem>>
      %dma_start3A_120 = arith.constant 0 : i32
      %dma_start3A_121 = tpu.memref_slice %arg7[%add3A_114, %dma_start3A_120] : memref<160x64xi32, #tpu.memory_space<vmem>> -> memref<1x64xi32, #tpu.memory_space<vmem>>
      %dma_start3A_122 = tpu.memref_squeeze %dma_start3A_121 : memref<1x64xi32, #tpu.memory_space<vmem>> -> memref<64xi32, #tpu.memory_space<vmem>>
      %dma_start3A_123 = arith.constant 0 : i32
      %dma_start3A_124 = arith.constant 0 : i32
      %dma_start3A_125 = tpu.memref_slice %arg9[%dma_start3A_123, %dma_start3A_124] : memref<10112x144xf32, #tpu.memory_space<vmem_shared>> -> memref<10112x144xf32, #tpu.memory_space<vmem_shared>>
      tpu.enqueue_indirect_dma source(%dma_start3A_119 : memref<64x144xf32, #tpu.memory_space<vmem>>) target(%dma_start3A_125 : memref<10112x144xf32, #tpu.memory_space<vmem_shared>>) offsets(%dma_start3A_122 : memref<64xi32, #tpu.memory_space<vmem>>) semaphore(%arg12 : memref<!tpu.dma_semaphore, #tpu.memory_space<semaphore_mem>>) {add = true}
      %add3A_126 = arith.constant 1 : i32
      %add3A_127 = arith.addi %mul3A_99, %add3A_126 : i32
      %dma_wait3A_128 = arith.constant 1 : i32
      %dma_wait3A_129 = arith.constant 0 : i32
      %dma_wait3A_130 = arith.constant 0 : i32
      %dma_wait3A_131 = tpu.memref_slice %arg8[%dma_wait3A_128, %dma_wait3A_129, %dma_wait3A_130] : memref<2x64x144xf32, #tpu.memory_space<vmem>> -> memref<1x64x144xf32, #tpu.memory_space<vmem>>
      %dma_wait3A_132 = tpu.memref_squeeze %dma_wait3A_131 : memref<1x64x144xf32, #tpu.memory_space<vmem>> -> memref<64x144xf32, #tpu.memory_space<vmem>>
      %dma_wait3A_133 = arith.constant 0 : i32
      %dma_wait3A_134 = tpu.memref_slice %arg6[%add3A_127, %dma_wait3A_133] : memref<160x64xi32, #tpu.memory_space<vmem>> -> memref<1x64xi32, #tpu.memory_space<vmem>>
      %dma_wait3A_135 = tpu.memref_squeeze %dma_wait3A_134 : memref<1x64xi32, #tpu.memory_space<vmem>> -> memref<64xi32, #tpu.memory_space<vmem>>
      %dma_wait3A_136 = arith.constant 0 : i32
      %dma_wait3A_137 = arith.constant 0 : i32
      %dma_wait3A_138 = tpu.memref_slice %arg2[%dma_wait3A_136, %dma_wait3A_137] : memref<20000x144xf32, #tpu.memory_space<hbm>> -> memref<20000x144xf32, #tpu.memory_space<hbm>>
      tpu.wait_indirect_dma semaphore(%arg11 : memref<!tpu.dma_semaphore, #tpu.memory_space<semaphore_mem>>) src(%dma_wait3A_138 : memref<20000x144xf32, #tpu.memory_space<hbm>>) dst(%dma_wait3A_132 : memref<64x144xf32, #tpu.memory_space<vmem>>)
      %add3A_139 = arith.constant 1 : i32
      %add3A_140 = arith.addi %mul3A_99, %add3A_139 : i32
      %dma_start3A_141 = arith.constant 1 : i32
      %dma_start3A_142 = arith.constant 0 : i32
      %dma_start3A_143 = arith.constant 0 : i32
      %dma_start3A_144 = tpu.memref_slice %arg8[%dma_start3A_141, %dma_start3A_142, %dma_start3A_143] : memref<2x64x144xf32, #tpu.memory_space<vmem>> -> memref<1x64x144xf32, #tpu.memory_space<vmem>>
      %dma_start3A_145 = tpu.memref_squeeze %dma_start3A_144 : memref<1x64x144xf32, #tpu.memory_space<vmem>> -> memref<64x144xf32, #tpu.memory_space<vmem>>
      %dma_start3A_146 = arith.constant 0 : i32
      %dma_start3A_147 = tpu.memref_slice %arg7[%add3A_140, %dma_start3A_146] : memref<160x64xi32, #tpu.memory_space<vmem>> -> memref<1x64xi32, #tpu.memory_space<vmem>>
      %dma_start3A_148 = tpu.memref_squeeze %dma_start3A_147 : memref<1x64xi32, #tpu.memory_space<vmem>> -> memref<64xi32, #tpu.memory_space<vmem>>
      %dma_start3A_149 = arith.constant 0 : i32
      %dma_start3A_150 = arith.constant 0 : i32
      %dma_start3A_151 = tpu.memref_slice %arg9[%dma_start3A_149, %dma_start3A_150] : memref<10112x144xf32, #tpu.memory_space<vmem_shared>> -> memref<10112x144xf32, #tpu.memory_space<vmem_shared>>
      tpu.enqueue_indirect_dma source(%dma_start3A_145 : memref<64x144xf32, #tpu.memory_space<vmem>>) target(%dma_start3A_151 : memref<10112x144xf32, #tpu.memory_space<vmem_shared>>) offsets(%dma_start3A_148 : memref<64xi32, #tpu.memory_space<vmem>>) semaphore(%arg13 : memref<!tpu.dma_semaphore, #tpu.memory_space<semaphore_mem>>) {add = true}
      %add3A_152 = arith.constant 2 : i32
      %add3A_153 = arith.addi %mul3A_99, %add3A_152 : i32
      %add3A_154 = arith.constant 0 : i32
      %add3A_155 = arith.addi %add3A_153, %add3A_154 : i32
      %min3A = arith.constant 159 : i32
      %min3A_156 = arith.minsi %add3A_155, %min3A : i32
      %add3A_157 = arith.constant 0 : i32
      %add3A_158 = arith.addi %mul3A_99, %add3A_157 : i32
      %dma_wait3A_159 = arith.constant 0 : i32
      %dma_wait3A_160 = arith.constant 0 : i32
      %dma_wait3A_161 = arith.constant 0 : i32
      %dma_wait3A_162 = tpu.memref_slice %arg8[%dma_wait3A_159, %dma_wait3A_160, %dma_wait3A_161] : memref<2x64x144xf32, #tpu.memory_space<vmem>> -> memref<1x64x144xf32, #tpu.memory_space<vmem>>
      %dma_wait3A_163 = tpu.memref_squeeze %dma_wait3A_162 : memref<1x64x144xf32, #tpu.memory_space<vmem>> -> memref<64x144xf32, #tpu.memory_space<vmem>>
      %dma_wait3A_164 = arith.constant 0 : i32
      %dma_wait3A_165 = tpu.memref_slice %arg7[%add3A_158, %dma_wait3A_164] : memref<160x64xi32, #tpu.memory_space<vmem>> -> memref<1x64xi32, #tpu.memory_space<vmem>>
      %dma_wait3A_166 = tpu.memref_squeeze %dma_wait3A_165 : memref<1x64xi32, #tpu.memory_space<vmem>> -> memref<64xi32, #tpu.memory_space<vmem>>
      %dma_wait3A_167 = arith.constant 0 : i32
      %dma_wait3A_168 = arith.constant 0 : i32
      %dma_wait3A_169 = tpu.memref_slice %arg9[%dma_wait3A_167, %dma_wait3A_168] : memref<10112x144xf32, #tpu.memory_space<vmem_shared>> -> memref<10112x144xf32, #tpu.memory_space<vmem_shared>>
      tpu.wait_indirect_dma semaphore(%arg12 : memref<!tpu.dma_semaphore, #tpu.memory_space<semaphore_mem>>) src(%dma_wait3A_163 : memref<64x144xf32, #tpu.memory_space<vmem>>) dst(%dma_wait3A_169 : memref<10112x144xf32, #tpu.memory_space<vmem_shared>>)
      %dma_start3A_170 = arith.constant 0 : i32
      %dma_start3A_171 = arith.constant 0 : i32
      %dma_start3A_172 = arith.constant 0 : i32
      %dma_start3A_173 = tpu.memref_slice %arg8[%dma_start3A_170, %dma_start3A_171, %dma_start3A_172] : memref<2x64x144xf32, #tpu.memory_space<vmem>> -> memref<1x64x144xf32, #tpu.memory_space<vmem>>
      %dma_start3A_174 = tpu.memref_squeeze %dma_start3A_173 : memref<1x64x144xf32, #tpu.memory_space<vmem>> -> memref<64x144xf32, #tpu.memory_space<vmem>>
      %dma_start3A_175 = arith.constant 0 : i32
      %dma_start3A_176 = tpu.memref_slice %arg6[%min3A_156, %dma_start3A_175] : memref<160x64xi32, #tpu.memory_space<vmem>> -> memref<1x64xi32, #tpu.memory_space<vmem>>
      %dma_start3A_177 = tpu.memref_squeeze %dma_start3A_176 : memref<1x64xi32, #tpu.memory_space<vmem>> -> memref<64xi32, #tpu.memory_space<vmem>>
      %dma_start3A_178 = arith.constant 0 : i32
      %dma_start3A_179 = arith.constant 0 : i32
      %dma_start3A_180 = tpu.memref_slice %arg2[%dma_start3A_178, %dma_start3A_179] : memref<20000x144xf32, #tpu.memory_space<hbm>> -> memref<20000x144xf32, #tpu.memory_space<hbm>>
      tpu.enqueue_indirect_dma source(%dma_start3A_180 : memref<20000x144xf32, #tpu.memory_space<hbm>>) target(%dma_start3A_174 : memref<64x144xf32, #tpu.memory_space<vmem>>) offsets(%dma_start3A_177 : memref<64xi32, #tpu.memory_space<vmem>>) semaphore(%arg10 : memref<!tpu.dma_semaphore, #tpu.memory_space<semaphore_mem>>)
      %add3A_181 = arith.constant 2 : i32
      %add3A_182 = arith.addi %mul3A_99, %add3A_181 : i32
      %add3A_183 = arith.constant 1 : i32
      %add3A_184 = arith.addi %add3A_182, %add3A_183 : i32
      %min3A_185 = arith.constant 159 : i32
      %min3A_186 = arith.minsi %add3A_184, %min3A_185 : i32
      %add3A_187 = arith.constant 1 : i32
      %add3A_188 = arith.addi %mul3A_99, %add3A_187 : i32
      %dma_wait3A_189 = arith.constant 1 : i32
      %dma_wait3A_190 = arith.constant 0 : i32
      %dma_wait3A_191 = arith.constant 0 : i32
      %dma_wait3A_192 = tpu.memref_slice %arg8[%dma_wait3A_189, %dma_wait3A_190, %dma_wait3A_191] : memref<2x64x144xf32, #tpu.memory_space<vmem>> -> memref<1x64x144xf32, #tpu.memory_space<vmem>>
      %dma_wait3A_193 = tpu.memref_squeeze %dma_wait3A_192 : memref<1x64x144xf32, #tpu.memory_space<vmem>> -> memref<64x144xf32, #tpu.memory_space<vmem>>
      %dma_wait3A_194 = arith.constant 0 : i32
      %dma_wait3A_195 = tpu.memref_slice %arg7[%add3A_188, %dma_wait3A_194] : memref<160x64xi32, #tpu.memory_space<vmem>> -> memref<1x64xi32, #tpu.memory_space<vmem>>
      %dma_wait3A_196 = tpu.memref_squeeze %dma_wait3A_195 : memref<1x64xi32, #tpu.memory_space<vmem>> -> memref<64xi32, #tpu.memory_space<vmem>>
      %dma_wait3A_197 = arith.constant 0 : i32
      %dma_wait3A_198 = arith.constant 0 : i32
      %dma_wait3A_199 = tpu.memref_slice %arg9[%dma_wait3A_197, %dma_wait3A_198] : memref<10112x144xf32, #tpu.memory_space<vmem_shared>> -> memref<10112x144xf32, #tpu.memory_space<vmem_shared>>
      tpu.wait_indirect_dma semaphore(%arg13 : memref<!tpu.dma_semaphore, #tpu.memory_space<semaphore_mem>>) src(%dma_wait3A_193 : memref<64x144xf32, #tpu.memory_space<vmem>>) dst(%dma_wait3A_199 : memref<10112x144xf32, #tpu.memory_space<vmem_shared>>)
      %dma_start3A_200 = arith.constant 1 : i32
      %dma_start3A_201 = arith.constant 0 : i32
      %dma_start3A_202 = arith.constant 0 : i32
      %dma_start3A_203 = tpu.memref_slice %arg8[%dma_start3A_200, %dma_start3A_201, %dma_start3A_202] : memref<2x64x144xf32, #tpu.memory_space<vmem>> -> memref<1x64x144xf32, #tpu.memory_space<vmem>>
      %dma_start3A_204 = tpu.memref_squeeze %dma_start3A_203 : memref<1x64x144xf32, #tpu.memory_space<vmem>> -> memref<64x144xf32, #tpu.memory_space<vmem>>
      %dma_start3A_205 = arith.constant 0 : i32
      %dma_start3A_206 = tpu.memref_slice %arg6[%min3A_186, %dma_start3A_205] : memref<160x64xi32, #tpu.memory_space<vmem>> -> memref<1x64xi32, #tpu.memory_space<vmem>>
      %dma_start3A_207 = tpu.memref_squeeze %dma_start3A_206 : memref<1x64xi32, #tpu.memory_space<vmem>> -> memref<64xi32, #tpu.memory_space<vmem>>
      %dma_start3A_208 = arith.constant 0 : i32
      %dma_start3A_209 = arith.constant 0 : i32
      %dma_start3A_210 = tpu.memref_slice %arg2[%dma_start3A_208, %dma_start3A_209] : memref<20000x144xf32, #tpu.memory_space<hbm>> -> memref<20000x144xf32, #tpu.memory_space<hbm>>
      tpu.enqueue_indirect_dma source(%dma_start3A_210 : memref<20000x144xf32, #tpu.memory_space<hbm>>) target(%dma_start3A_204 : memref<64x144xf32, #tpu.memory_space<vmem>>) offsets(%dma_start3A_207 : memref<64xi32, #tpu.memory_space<vmem>>) semaphore(%arg11 : memref<!tpu.dma_semaphore, #tpu.memory_space<semaphore_mem>>)
      %scan3A_211 = arith.constant 0 : i32
      scf.yield %scan3A_211 : i32
    }
    %scan3A_65 = arith.constant 80 : i32
    %dma_wait3A = arith.constant 0 : i32
    %dma_wait3A_66 = arith.constant 0 : i32
    %dma_wait3A_67 = arith.constant 0 : i32
    %dma_wait3A_68 = arith.constant 0 : i32
    %dma_wait3A_69 = tpu.memref_slice %arg8[%dma_wait3A_66, %dma_wait3A_67, %dma_wait3A_68] : memref<2x64x144xf32, #tpu.memory_space<vmem>> -> memref<1x64x144xf32, #tpu.memory_space<vmem>>
    %dma_wait3A_70 = tpu.memref_squeeze %dma_wait3A_69 : memref<1x64x144xf32, #tpu.memory_space<vmem>> -> memref<64x144xf32, #tpu.memory_space<vmem>>
    %dma_wait3A_71 = arith.constant 0 : i32
    %dma_wait3A_72 = tpu.memref_slice %arg6[%dma_wait3A, %dma_wait3A_71] : memref<160x64xi32, #tpu.memory_space<vmem>> -> memref<1x64xi32, #tpu.memory_space<vmem>>
    %dma_wait3A_73 = tpu.memref_squeeze %dma_wait3A_72 : memref<1x64xi32, #tpu.memory_space<vmem>> -> memref<64xi32, #tpu.memory_space<vmem>>
    %dma_wait3A_74 = arith.constant 0 : i32
    %dma_wait3A_75 = arith.constant 0 : i32
    %dma_wait3A_76 = tpu.memref_slice %arg2[%dma_wait3A_74, %dma_wait3A_75] : memref<20000x144xf32, #tpu.memory_space<hbm>> -> memref<20000x144xf32, #tpu.memory_space<hbm>>
    tpu.wait_indirect_dma semaphore(%arg10 : memref<!tpu.dma_semaphore, #tpu.memory_space<semaphore_mem>>) src(%dma_wait3A_76 : memref<20000x144xf32, #tpu.memory_space<hbm>>) dst(%dma_wait3A_70 : memref<64x144xf32, #tpu.memory_space<vmem>>)
    %dma_wait3A_77 = arith.constant 0 : i32
    %dma_wait3A_78 = arith.constant 1 : i32
    %dma_wait3A_79 = arith.constant 0 : i32
    %dma_wait3A_80 = arith.constant 0 : i32
    %dma_wait3A_81 = tpu.memref_slice %arg8[%dma_wait3A_78, %dma_wait3A_79, %dma_wait3A_80] : memref<2x64x144xf32, #tpu.memory_space<vmem>> -> memref<1x64x144xf32, #tpu.memory_space<vmem>>
    %dma_wait3A_82 = tpu.memref_squeeze %dma_wait3A_81 : memref<1x64x144xf32, #tpu.memory_space<vmem>> -> memref<64x144xf32, #tpu.memory_space<vmem>>
    %dma_wait3A_83 = arith.constant 0 : i32
    %dma_wait3A_84 = tpu.memref_slice %arg6[%dma_wait3A_77, %dma_wait3A_83] : memref<160x64xi32, #tpu.memory_space<vmem>> -> memref<1x64xi32, #tpu.memory_space<vmem>>
    %dma_wait3A_85 = tpu.memref_squeeze %dma_wait3A_84 : memref<1x64xi32, #tpu.memory_space<vmem>> -> memref<64xi32, #tpu.memory_space<vmem>>
    %dma_wait3A_86 = arith.constant 0 : i32
    %dma_wait3A_87 = arith.constant 0 : i32
    %dma_wait3A_88 = tpu.memref_slice %arg2[%dma_wait3A_86, %dma_wait3A_87] : memref<20000x144xf32, #tpu.memory_space<hbm>> -> memref<20000x144xf32, #tpu.memory_space<hbm>>
    tpu.wait_indirect_dma semaphore(%arg11 : memref<!tpu.dma_semaphore, #tpu.memory_space<semaphore_mem>>) src(%dma_wait3A_88 : memref<20000x144xf32, #tpu.memory_space<hbm>>) dst(%dma_wait3A_82 : memref<64x144xf32, #tpu.memory_space<vmem>>)
    %barrier3A_89 = arith.constant 0 : index
    tpu.barrier barrier_id(%barrier3A_89)
    %lt3A = arith.constant 15 : i32
    %lt3A_90 = arith.cmpi slt, %arg1, %lt3A : i32
    %convert_element_type3A = arith.extui %lt3A_90 : i1 to i32
    %cond3A = arith.constant 0 : i32
    %cond3A_91 = arith.cmpi ne, %convert_element_type3A, %cond3A : i32
    scf.if %cond3A_91 {
      "tpu.region"() ({
        %run_scoped3A_96 = tpu.sem_alloc : memref<!tpu.dma_semaphore, #tpu.memory_space<semaphore_mem>>
        %dma_start3A_97 = arith.constant 0 : i32
        %dma_start3A_98 = tpu.memref_slice %arg5[%arg0, %mul3A_7, %dma_start3A_97] : memref<2x10000x144xf32, #tpu.memory_space<hbm>> -> memref<1x632x144xf32, #tpu.memory_space<hbm>>
        %dma_start3A_99 = tpu.memref_squeeze %dma_start3A_98 : memref<1x632x144xf32, #tpu.memory_space<hbm>> -> memref<632x144xf32, #tpu.memory_space<hbm>>
        %dma_start3A_100 = arith.constant 0 : i32
        %dma_start3A_101 = tpu.memref_slice %arg9[%mul3A_7, %dma_start3A_100] : memref<10112x144xf32, #tpu.memory_space<vmem_shared>> -> memref<632x144xf32, #tpu.memory_space<vmem_shared>>
        tpu.enqueue_dma source(%dma_start3A_101 : memref<632x144xf32, #tpu.memory_space<vmem_shared>>) target(%dma_start3A_99 : memref<632x144xf32, #tpu.memory_space<hbm>>) target_semaphore(%run_scoped3A_96 : memref<!tpu.dma_semaphore, #tpu.memory_space<semaphore_mem>>)
        %dma_wait3A_102 = arith.constant 0 : i32
        %dma_wait3A_103 = tpu.memref_slice %arg5[%arg0, %mul3A_7, %dma_wait3A_102] : memref<2x10000x144xf32, #tpu.memory_space<hbm>> -> memref<1x632x144xf32, #tpu.memory_space<hbm>>
        %dma_wait3A_104 = tpu.memref_squeeze %dma_wait3A_103 : memref<1x632x144xf32, #tpu.memory_space<hbm>> -> memref<632x144xf32, #tpu.memory_space<hbm>>
        %dma_wait3A_105 = arith.constant 0 : i32
        %dma_wait3A_106 = tpu.memref_slice %arg9[%mul3A_7, %dma_wait3A_105] : memref<10112x144xf32, #tpu.memory_space<vmem_shared>> -> memref<632x144xf32, #tpu.memory_space<vmem_shared>>
        tpu.wait_dma2 semaphore(%run_scoped3A_96 : memref<!tpu.dma_semaphore, #tpu.memory_space<semaphore_mem>>) src(%dma_wait3A_106 : memref<632x144xf32, #tpu.memory_space<vmem_shared>>) dst(%dma_wait3A_104 : memref<632x144xf32, #tpu.memory_space<hbm>>)
        tpu.yield
      }) : () -> ()
    } else {
    }
    %eq3A = arith.constant 15 : i32
    %eq3A_92 = arith.cmpi eq, %arg1, %eq3A : i32
    %convert_element_type3A_93 = arith.extui %eq3A_92 : i1 to i32
    %cond3A_94 = arith.constant 0 : i32
    %cond3A_95 = arith.cmpi ne, %convert_element_type3A_93, %cond3A_94 : i32
    scf.if %cond3A_95 {
      "tpu.region"() ({
        %run_scoped3A_96 = tpu.sem_alloc : memref<!tpu.dma_semaphore, #tpu.memory_space<semaphore_mem>>
        %dma_start3A_97 = arith.constant 0 : i32
        %dma_start3A_98 = tpu.memref_slice %arg5[%arg0, %mul3A_7, %dma_start3A_97] : memref<2x10000x144xf32, #tpu.memory_space<hbm>> -> memref<1x520x144xf32, #tpu.memory_space<hbm>>
        %dma_start3A_99 = tpu.memref_squeeze %dma_start3A_98 : memref<1x520x144xf32, #tpu.memory_space<hbm>> -> memref<520x144xf32, #tpu.memory_space<hbm>>
        %dma_start3A_100 = arith.constant 0 : i32
        %dma_start3A_101 = tpu.memref_slice %arg9[%mul3A_7, %dma_start3A_100] : memref<10112x144xf32, #tpu.memory_space<vmem_shared>> -> memref<520x144xf32, #tpu.memory_space<vmem_shared>>
        tpu.enqueue_dma source(%dma_start3A_101 : memref<520x144xf32, #tpu.memory_space<vmem_shared>>) target(%dma_start3A_99 : memref<520x144xf32, #tpu.memory_space<hbm>>) target_semaphore(%run_scoped3A_96 : memref<!tpu.dma_semaphore, #tpu.memory_space<semaphore_mem>>)
        %dma_wait3A_102 = arith.constant 0 : i32
        %dma_wait3A_103 = tpu.memref_slice %arg5[%arg0, %mul3A_7, %dma_wait3A_102] : memref<2x10000x144xf32, #tpu.memory_space<hbm>> -> memref<1x520x144xf32, #tpu.memory_space<hbm>>
        %dma_wait3A_104 = tpu.memref_squeeze %dma_wait3A_103 : memref<1x520x144xf32, #tpu.memory_space<hbm>> -> memref<520x144xf32, #tpu.memory_space<hbm>>
        %dma_wait3A_105 = arith.constant 0 : i32
        %dma_wait3A_106 = tpu.memref_slice %arg9[%mul3A_7, %dma_wait3A_105] : memref<10112x144xf32, #tpu.memory_space<vmem_shared>> -> memref<520x144xf32, #tpu.memory_space<vmem_shared>>
        tpu.wait_dma2 semaphore(%run_scoped3A_96 : memref<!tpu.dma_semaphore, #tpu.memory_space<semaphore_mem>>) src(%dma_wait3A_106 : memref<520x144xf32, #tpu.memory_space<vmem_shared>>) dst(%dma_wait3A_104 : memref<520x144xf32, #tpu.memory_space<hbm>>)
        tpu.yield
      }) : () -> ()
    } else {
    }
    return
  }
}

#map = affine_map<(d0, d1) -> (0, 0)>
#map1 = affine_map<(d0, d1) -> (0, 0, 0, 0)>
#map2 = affine_map<(d0, d1) -> (0, 0, 0)>
module attributes {stable_mosaic.version = 14 : i64} {
  func.func @_seg_body(%arg0: i32, %arg1: i32, %arg2: memref<20000x144xf32, #tpu.memory_space<hbm>>, %arg3: memref<2x16x160x64xi32, #tpu.memory_space<hbm>>, %arg4: memref<16x160x64xi32, #tpu.memory_space<hbm>>, %arg5: memref<2x10000x144xf32, #tpu.memory_space<hbm>>, %arg6: memref<160x64xi32, #tpu.memory_space<vmem>>, %arg7: memref<160x64xi32, #tpu.memory_space<vmem>>, %arg8: memref<2x64x144xf32, #tpu.memory_space<vmem>>, %arg9: memref<10112x144xf32, #tpu.memory_space<vmem_shared>>, %arg10: memref<!tpu.dma_semaphore, #tpu.memory_space<semaphore_mem>>, %arg11: memref<!tpu.dma_semaphore, #tpu.memory_space<semaphore_mem>>, %arg12: memref<!tpu.dma_semaphore, #tpu.memory_space<semaphore_mem>>, %arg13: memref<!tpu.dma_semaphore, #tpu.memory_space<semaphore_mem>>) attributes {dimension_semantics = [#tpu.dimension_semantics<core_parallel>, #tpu.dimension_semantics<subcore_parallel>], iteration_bounds = array<i64: 2, 16>, scalar_prefetch = 0 : i64, scratch_operands = 8 : i64, tpu.core_type = #tpu.core_type<sc_vector_subcore>, window_params = [{transform_indices = #map}, {transform_indices = #map1}, {transform_indices = #map2}, {transform_indices = #map2}]} {
    "tpu.region"() ({
      %run_scoped3A_96 = tpu.sem_alloc : memref<!tpu.dma_semaphore, #tpu.memory_space<semaphore_mem>>
      %dma_start3A_97 = arith.constant 0 : i32
      %dma_start3A_98 = arith.constant 0 : i32
      %dma_start3A_99 = tpu.memref_slice %arg3[%arg0, %arg1, %dma_start3A_97, %dma_start3A_98] : memref<2x16x160x64xi32, #tpu.memory_space<hbm>> -> memref<1x1x160x64xi32, #tpu.memory_space<hbm>>
      %dma_start3A_100 = tpu.memref_squeeze %dma_start3A_99 : memref<1x1x160x64xi32, #tpu.memory_space<hbm>> -> memref<160x64xi32, #tpu.memory_space<hbm>>
      %dma_start3A_101 = arith.constant 0 : i32
      %dma_start3A_102 = arith.constant 0 : i32
      %dma_start3A_103 = tpu.memref_slice %arg3[%arg0, %arg1, %dma_start3A_101, %dma_start3A_102] : memref<2x16x160x64xi32, #tpu.memory_space<hbm>> -> memref<1x1x160x64xi32, #tpu.memory_space<hbm>>
      %dma_start3A_104 = tpu.memref_squeeze %dma_start3A_103 : memref<1x1x160x64xi32, #tpu.memory_space<hbm>> -> memref<160x64xi32, #tpu.memory_space<hbm>>
      tpu.enqueue_dma source(%dma_start3A_104 : memref<160x64xi32, #tpu.memory_space<hbm>>) target(%arg6 : memref<160x64xi32, #tpu.memory_space<vmem>>) target_semaphore(%run_scoped3A_96 : memref<!tpu.dma_semaphore, #tpu.memory_space<semaphore_mem>>)
      %dma_wait3A_105 = arith.constant 0 : i32
      %dma_wait3A_106 = arith.constant 0 : i32
      %dma_wait3A_107 = tpu.memref_slice %arg3[%arg0, %arg1, %dma_wait3A_105, %dma_wait3A_106] : memref<2x16x160x64xi32, #tpu.memory_space<hbm>> -> memref<1x1x160x64xi32, #tpu.memory_space<hbm>>
      %dma_wait3A_108 = tpu.memref_squeeze %dma_wait3A_107 : memref<1x1x160x64xi32, #tpu.memory_space<hbm>> -> memref<160x64xi32, #tpu.memory_space<hbm>>
      %dma_wait3A_109 = arith.constant 0 : i32
      %dma_wait3A_110 = arith.constant 0 : i32
      %dma_wait3A_111 = tpu.memref_slice %arg3[%arg0, %arg1, %dma_wait3A_109, %dma_wait3A_110] : memref<2x16x160x64xi32, #tpu.memory_space<hbm>> -> memref<1x1x160x64xi32, #tpu.memory_space<hbm>>
      %dma_wait3A_112 = tpu.memref_squeeze %dma_wait3A_111 : memref<1x1x160x64xi32, #tpu.memory_space<hbm>> -> memref<160x64xi32, #tpu.memory_space<hbm>>
      tpu.wait_dma2 semaphore(%run_scoped3A_96 : memref<!tpu.dma_semaphore, #tpu.memory_space<semaphore_mem>>) src(%dma_wait3A_112 : memref<160x64xi32, #tpu.memory_space<hbm>>) dst(%arg6 : memref<160x64xi32, #tpu.memory_space<vmem>>)
      tpu.yield
    }) : () -> ()
    "tpu.region"() ({
      %run_scoped3A_96 = tpu.sem_alloc : memref<!tpu.dma_semaphore, #tpu.memory_space<semaphore_mem>>
      %dma_start3A_97 = arith.constant 0 : i32
      %dma_start3A_98 = arith.constant 0 : i32
      %dma_start3A_99 = tpu.memref_slice %arg4[%arg1, %dma_start3A_97, %dma_start3A_98] : memref<16x160x64xi32, #tpu.memory_space<hbm>> -> memref<1x160x64xi32, #tpu.memory_space<hbm>>
      %dma_start3A_100 = tpu.memref_squeeze %dma_start3A_99 : memref<1x160x64xi32, #tpu.memory_space<hbm>> -> memref<160x64xi32, #tpu.memory_space<hbm>>
      %dma_start3A_101 = arith.constant 0 : i32
      %dma_start3A_102 = arith.constant 0 : i32
      %dma_start3A_103 = tpu.memref_slice %arg4[%arg1, %dma_start3A_101, %dma_start3A_102] : memref<16x160x64xi32, #tpu.memory_space<hbm>> -> memref<1x160x64xi32, #tpu.memory_space<hbm>>
      %dma_start3A_104 = tpu.memref_squeeze %dma_start3A_103 : memref<1x160x64xi32, #tpu.memory_space<hbm>> -> memref<160x64xi32, #tpu.memory_space<hbm>>
      tpu.enqueue_dma source(%dma_start3A_104 : memref<160x64xi32, #tpu.memory_space<hbm>>) target(%arg7 : memref<160x64xi32, #tpu.memory_space<vmem>>) target_semaphore(%run_scoped3A_96 : memref<!tpu.dma_semaphore, #tpu.memory_space<semaphore_mem>>)
      %dma_wait3A_105 = arith.constant 0 : i32
      %dma_wait3A_106 = arith.constant 0 : i32
      %dma_wait3A_107 = tpu.memref_slice %arg4[%arg1, %dma_wait3A_105, %dma_wait3A_106] : memref<16x160x64xi32, #tpu.memory_space<hbm>> -> memref<1x160x64xi32, #tpu.memory_space<hbm>>
      %dma_wait3A_108 = tpu.memref_squeeze %dma_wait3A_107 : memref<1x160x64xi32, #tpu.memory_space<hbm>> -> memref<160x64xi32, #tpu.memory_space<hbm>>
      %dma_wait3A_109 = arith.constant 0 : i32
      %dma_wait3A_110 = arith.constant 0 : i32
      %dma_wait3A_111 = tpu.memref_slice %arg4[%arg1, %dma_wait3A_109, %dma_wait3A_110] : memref<16x160x64xi32, #tpu.memory_space<hbm>> -> memref<1x160x64xi32, #tpu.memory_space<hbm>>
      %dma_wait3A_112 = tpu.memref_squeeze %dma_wait3A_111 : memref<1x160x64xi32, #tpu.memory_space<hbm>> -> memref<160x64xi32, #tpu.memory_space<hbm>>
      tpu.wait_dma2 semaphore(%run_scoped3A_96 : memref<!tpu.dma_semaphore, #tpu.memory_space<semaphore_mem>>) src(%dma_wait3A_112 : memref<160x64xi32, #tpu.memory_space<hbm>>) dst(%arg7 : memref<160x64xi32, #tpu.memory_space<vmem>>)
      tpu.yield
    }) : () -> ()
    %scan3A = arith.constant 0 : i32
    %scan3A_0 = arith.constant 0 : i32
    %scan3A_1 = arith.constant 0 : i32
    %scan3A_2 = arith.constant 64 : i32
    %scan3A_3 = arith.addi %scan3A_1, %scan3A_2 : i32
    %scan3A_4 = arith.constant 1 : i32
    %scan3A_5 = scf.for %scan3A_96 = %scan3A_1 to %scan3A_3 step %scan3A_4 iter_args(%scan3A_97 = %scan3A_0) -> (i32)  : i32 {
      %scan3A_98 = arith.constant 0 : i32
      %scan3A_99 = arith.constant 0 : i32
      %scan3A_100 = arith.constant 9 : i32
      %scan3A_101 = arith.addi %scan3A_99, %scan3A_100 : i32
      %scan3A_102 = arith.constant 1 : i32
      %scan3A_103 = scf.for %scan3A_105 = %scan3A_99 to %scan3A_101 step %scan3A_102 iter_args(%scan3A_106 = %scan3A_98) -> (i32)  : i32 {
        %broadcast_in_dim3A = arith.constant 0.000000e+00 : f32
        %broadcast_in_dim3A_107 = vector.broadcast %broadcast_in_dim3A : f32 to vector<16xf32>
        %mul3A_108 = arith.constant 16 : i32
        %mul3A_109 = arith.muli %scan3A_105, %mul3A_108 : i32
        %swap3A = arith.constant 0 : i32
        %swap3A_110 = arith.constant 0 : i32
        %swap3A_111 = tpu.memref_slice %arg8[%scan3A, %swap3A, %swap3A_110] : memref<2x64x144xf32, #tpu.memory_space<vmem>> -> memref<1x64x144xf32, #tpu.memory_space<vmem>>
        %swap3A_112 = tpu.memref_squeeze %swap3A_111 : memref<1x64x144xf32, #tpu.memory_space<vmem>> -> memref<64x144xf32, #tpu.memory_space<vmem>>
        %swap3A_113 = arith.index_cast %scan3A_96 : i32 to index
        %swap3A_114 = arith.index_cast %mul3A_109 : i32 to index
        %swap3A_115 = tpu.vector_load %swap3A_112[%swap3A_113, %swap3A_114] {strides = array<i32>} : memref<64x144xf32, #tpu.memory_space<vmem>>, vector<1x16xf32>,
        %swap3A_116 = vector.shape_cast %swap3A_115 : vector<1x16xf32> to vector<16xf32>
        %swap3A_117 = vector.shape_cast %broadcast_in_dim3A_107 : vector<16xf32> to vector<1x16xf32>
        tpu.vector_store %swap3A_112[%swap3A_113, %swap3A_114], %swap3A_117 {strides = array<i32>} : memref<64x144xf32, #tpu.memory_space<vmem>>, vector<1x16xf32>,
        %scan3A_118 = arith.constant 0 : i32
        scf.yield %scan3A_118 : i32
      }
      %scan3A_104 = arith.constant 9 : i32
      scf.yield %scan3A_103 : i32
    }
    %scan3A_6 = arith.constant 64 : i32
    %mul3A = arith.constant 632 : i32
    %mul3A_7 = arith.muli %arg1, %mul3A : i32
    %add3A = arith.constant 0 : i32
    %add3A_8 = arith.addi %mul3A_7, %add3A : i32
    %run_scoped3A = arith.constant 0 : i32
    "tpu.region"() ({
      %run_scoped3A_96 = tpu.sem_alloc : memref<!tpu.dma_semaphore, #tpu.memory_space<semaphore_mem>>
      %dma_start3A_97 = arith.constant 0 : i32
      %dma_start3A_98 = arith.constant 0 : i32
      %dma_start3A_99 = tpu.memref_slice %arg8[%run_scoped3A, %dma_start3A_97, %dma_start3A_98] : memref<2x64x144xf32, #tpu.memory_space<vmem>> -> memref<1x64x144xf32, #tpu.memory_space<vmem>>
      %dma_start3A_100 = tpu.memref_squeeze %dma_start3A_99 : memref<1x64x144xf32, #tpu.memory_space<vmem>> -> memref<64x144xf32, #tpu.memory_space<vmem>>
      %dma_start3A_101 = arith.constant 0 : i32
      %dma_start3A_102 = tpu.memref_slice %arg9[%add3A_8, %dma_start3A_101] : memref<10112x144xf32, #tpu.memory_space<vmem_shared>> -> memref<64x144xf32, #tpu.memory_space<vmem_shared>>
      %dma_start3A_103 = arith.constant 0 : i32
      %dma_start3A_104 = tpu.memref_slice %arg9[%add3A_8, %dma_start3A_103] : memref<10112x144xf32, #tpu.memory_space<vmem_shared>> -> memref<64x144xf32, #tpu.memory_space<vmem_shared>>
      %dma_start3A_105 = arith.constant 0 : i32
      %dma_start3A_106 = arith.constant 0 : i32
      %dma_start3A_107 = tpu.memref_slice %arg8[%run_scoped3A, %dma_start3A_105, %dma_start3A_106] : memref<2x64x144xf32, #tpu.memory_space<vmem>> -> memref<1x64x144xf32, #tpu.memory_space<vmem>>
      %dma_start3A_108 = tpu.memref_squeeze %dma_start3A_107 : memref<1x64x144xf32, #tpu.memory_space<vmem>> -> memref<64x144xf32, #tpu.memory_space<vmem>>
      tpu.enqueue_dma source(%dma_start3A_108 : memref<64x144xf32, #tpu.memory_space<vmem>>) target(%dma_start3A_104 : memref<64x144xf32, #tpu.memory_space<vmem_shared>>) target_semaphore(%run_scoped3A_96 : memref<!tpu.dma_semaphore, #tpu.memory_space<semaphore_mem>>)
      %dma_wait3A_109 = arith.constant 0 : i32
      %dma_wait3A_110 = arith.constant 0 : i32
      %dma_wait3A_111 = tpu.memref_slice %arg8[%run_scoped3A, %dma_wait3A_109, %dma_wait3A_110] : memref<2x64x144xf32, #tpu.memory_space<vmem>> -> memref<1x64x144xf32, #tpu.memory_space<vmem>>
      %dma_wait3A_112 = tpu.memref_squeeze %dma_wait3A_111 : memref<1x64x144xf32, #tpu.memory_space<vmem>> -> memref<64x144xf32, #tpu.memory_space<vmem>>
      %dma_wait3A_113 = arith.constant 0 : i32
      %dma_wait3A_114 = tpu.memref_slice %arg9[%add3A_8, %dma_wait3A_113] : memref<10112x144xf32, #tpu.memory_space<vmem_shared>> -> memref<64x144xf32, #tpu.memory_space<vmem_shared>>
      %dma_wait3A_115 = arith.constant 0 : i32
      %dma_wait3A_116 = tpu.memref_slice %arg9[%add3A_8, %dma_wait3A_115] : memref<10112x144xf32, #tpu.memory_space<vmem_shared>> -> memref<64x144xf32, #tpu.memory_space<vmem_shared>>
      %dma_wait3A_117 = arith.constant 0 : i32
      %dma_wait3A_118 = arith.constant 0 : i32
      %dma_wait3A_119 = tpu.memref_slice %arg8[%run_scoped3A, %dma_wait3A_117, %dma_wait3A_118] : memref<2x64x144xf32, #tpu.memory_space<vmem>> -> memref<1x64x144xf32, #tpu.memory_space<vmem>>
      %dma_wait3A_120 = tpu.memref_squeeze %dma_wait3A_119 : memref<1x64x144xf32, #tpu.memory_space<vmem>> -> memref<64x144xf32, #tpu.memory_space<vmem>>
      tpu.wait_dma2 semaphore(%run_scoped3A_96 : memref<!tpu.dma_semaphore, #tpu.memory_space<semaphore_mem>>) src(%dma_wait3A_120 : memref<64x144xf32, #tpu.memory_space<vmem>>) dst(%dma_wait3A_116 : memref<64x144xf32, #tpu.memory_space<vmem_shared>>)
      tpu.yield
    }) : () -> ()
    %add3A_9 = arith.constant 64 : i32
    %add3A_10 = arith.addi %mul3A_7, %add3A_9 : i32
    %run_scoped3A_11 = arith.constant 0 : i32
    "tpu.region"() ({
      %run_scoped3A_96 = tpu.sem_alloc : memref<!tpu.dma_semaphore, #tpu.memory_space<semaphore_mem>>
      %dma_start3A_97 = arith.constant 0 : i32
      %dma_start3A_98 = arith.constant 0 : i32
      %dma_start3A_99 = tpu.memref_slice %arg8[%run_scoped3A_11, %dma_start3A_97, %dma_start3A_98] : memref<2x64x144xf32, #tpu.memory_space<vmem>> -> memref<1x64x144xf32, #tpu.memory_space<vmem>>
      %dma_start3A_100 = tpu.memref_squeeze %dma_start3A_99 : memref<1x64x144xf32, #tpu.memory_space<vmem>> -> memref<64x144xf32, #tpu.memory_space<vmem>>
      %dma_start3A_101 = arith.constant 0 : i32
      %dma_start3A_102 = tpu.memref_slice %arg9[%add3A_10, %dma_start3A_101] : memref<10112x144xf32, #tpu.memory_space<vmem_shared>> -> memref<64x144xf32, #tpu.memory_space<vmem_shared>>
      %dma_start3A_103 = arith.constant 0 : i32
      %dma_start3A_104 = tpu.memref_slice %arg9[%add3A_10, %dma_start3A_103] : memref<10112x144xf32, #tpu.memory_space<vmem_shared>> -> memref<64x144xf32, #tpu.memory_space<vmem_shared>>
      %dma_start3A_105 = arith.constant 0 : i32
      %dma_start3A_106 = arith.constant 0 : i32
      %dma_start3A_107 = tpu.memref_slice %arg8[%run_scoped3A_11, %dma_start3A_105, %dma_start3A_106] : memref<2x64x144xf32, #tpu.memory_space<vmem>> -> memref<1x64x144xf32, #tpu.memory_space<vmem>>
      %dma_start3A_108 = tpu.memref_squeeze %dma_start3A_107 : memref<1x64x144xf32, #tpu.memory_space<vmem>> -> memref<64x144xf32, #tpu.memory_space<vmem>>
      tpu.enqueue_dma source(%dma_start3A_108 : memref<64x144xf32, #tpu.memory_space<vmem>>) target(%dma_start3A_104 : memref<64x144xf32, #tpu.memory_space<vmem_shared>>) target_semaphore(%run_scoped3A_96 : memref<!tpu.dma_semaphore, #tpu.memory_space<semaphore_mem>>)
      %dma_wait3A_109 = arith.constant 0 : i32
      %dma_wait3A_110 = arith.constant 0 : i32
      %dma_wait3A_111 = tpu.memref_slice %arg8[%run_scoped3A_11, %dma_wait3A_109, %dma_wait3A_110] : memref<2x64x144xf32, #tpu.memory_space<vmem>> -> memref<1x64x144xf32, #tpu.memory_space<vmem>>
      %dma_wait3A_112 = tpu.memref_squeeze %dma_wait3A_111 : memref<1x64x144xf32, #tpu.memory_space<vmem>> -> memref<64x144xf32, #tpu.memory_space<vmem>>
      %dma_wait3A_113 = arith.constant 0 : i32
      %dma_wait3A_114 = tpu.memref_slice %arg9[%add3A_10, %dma_wait3A_113] : memref<10112x144xf32, #tpu.memory_space<vmem_shared>> -> memref<64x144xf32, #tpu.memory_space<vmem_shared>>
      %dma_wait3A_115 = arith.constant 0 : i32
      %dma_wait3A_116 = tpu.memref_slice %arg9[%add3A_10, %dma_wait3A_115] : memref<10112x144xf32, #tpu.memory_space<vmem_shared>> -> memref<64x144xf32, #tpu.memory_space<vmem_shared>>
      %dma_wait3A_117 = arith.constant 0 : i32
      %dma_wait3A_118 = arith.constant 0 : i32
      %dma_wait3A_119 = tpu.memref_slice %arg8[%run_scoped3A_11, %dma_wait3A_117, %dma_wait3A_118] : memref<2x64x144xf32, #tpu.memory_space<vmem>> -> memref<1x64x144xf32, #tpu.memory_space<vmem>>
      %dma_wait3A_120 = tpu.memref_squeeze %dma_wait3A_119 : memref<1x64x144xf32, #tpu.memory_space<vmem>> -> memref<64x144xf32, #tpu.memory_space<vmem>>
      tpu.wait_dma2 semaphore(%run_scoped3A_96 : memref<!tpu.dma_semaphore, #tpu.memory_space<semaphore_mem>>) src(%dma_wait3A_120 : memref<64x144xf32, #tpu.memory_space<vmem>>) dst(%dma_wait3A_116 : memref<64x144xf32, #tpu.memory_space<vmem_shared>>)
      tpu.yield
    }) : () -> ()
    %add3A_12 = arith.constant 128 : i32
    %add3A_13 = arith.addi %mul3A_7, %add3A_12 : i32
    %run_scoped3A_14 = arith.constant 0 : i32
    "tpu.region"() ({
      %run_scoped3A_96 = tpu.sem_alloc : memref<!tpu.dma_semaphore, #tpu.memory_space<semaphore_mem>>
      %dma_start3A_97 = arith.constant 0 : i32
      %dma_start3A_98 = arith.constant 0 : i32
      %dma_start3A_99 = tpu.memref_slice %arg8[%run_scoped3A_14, %dma_start3A_97, %dma_start3A_98] : memref<2x64x144xf32, #tpu.memory_space<vmem>> -> memref<1x64x144xf32, #tpu.memory_space<vmem>>
      %dma_start3A_100 = tpu.memref_squeeze %dma_start3A_99 : memref<1x64x144xf32, #tpu.memory_space<vmem>> -> memref<64x144xf32, #tpu.memory_space<vmem>>
      %dma_start3A_101 = arith.constant 0 : i32
      %dma_start3A_102 = tpu.memref_slice %arg9[%add3A_13, %dma_start3A_101] : memref<10112x144xf32, #tpu.memory_space<vmem_shared>> -> memref<64x144xf32, #tpu.memory_space<vmem_shared>>
      %dma_start3A_103 = arith.constant 0 : i32
      %dma_start3A_104 = tpu.memref_slice %arg9[%add3A_13, %dma_start3A_103] : memref<10112x144xf32, #tpu.memory_space<vmem_shared>> -> memref<64x144xf32, #tpu.memory_space<vmem_shared>>
      %dma_start3A_105 = arith.constant 0 : i32
      %dma_start3A_106 = arith.constant 0 : i32
      %dma_start3A_107 = tpu.memref_slice %arg8[%run_scoped3A_14, %dma_start3A_105, %dma_start3A_106] : memref<2x64x144xf32, #tpu.memory_space<vmem>> -> memref<1x64x144xf32, #tpu.memory_space<vmem>>
      %dma_start3A_108 = tpu.memref_squeeze %dma_start3A_107 : memref<1x64x144xf32, #tpu.memory_space<vmem>> -> memref<64x144xf32, #tpu.memory_space<vmem>>
      tpu.enqueue_dma source(%dma_start3A_108 : memref<64x144xf32, #tpu.memory_space<vmem>>) target(%dma_start3A_104 : memref<64x144xf32, #tpu.memory_space<vmem_shared>>) target_semaphore(%run_scoped3A_96 : memref<!tpu.dma_semaphore, #tpu.memory_space<semaphore_mem>>)
      %dma_wait3A_109 = arith.constant 0 : i32
      %dma_wait3A_110 = arith.constant 0 : i32
      %dma_wait3A_111 = tpu.memref_slice %arg8[%run_scoped3A_14, %dma_wait3A_109, %dma_wait3A_110] : memref<2x64x144xf32, #tpu.memory_space<vmem>> -> memref<1x64x144xf32, #tpu.memory_space<vmem>>
      %dma_wait3A_112 = tpu.memref_squeeze %dma_wait3A_111 : memref<1x64x144xf32, #tpu.memory_space<vmem>> -> memref<64x144xf32, #tpu.memory_space<vmem>>
      %dma_wait3A_113 = arith.constant 0 : i32
      %dma_wait3A_114 = tpu.memref_slice %arg9[%add3A_13, %dma_wait3A_113] : memref<10112x144xf32, #tpu.memory_space<vmem_shared>> -> memref<64x144xf32, #tpu.memory_space<vmem_shared>>
      %dma_wait3A_115 = arith.constant 0 : i32
      %dma_wait3A_116 = tpu.memref_slice %arg9[%add3A_13, %dma_wait3A_115] : memref<10112x144xf32, #tpu.memory_space<vmem_shared>> -> memref<64x144xf32, #tpu.memory_space<vmem_shared>>
      %dma_wait3A_117 = arith.constant 0 : i32
      %dma_wait3A_118 = arith.constant 0 : i32
      %dma_wait3A_119 = tpu.memref_slice %arg8[%run_scoped3A_14, %dma_wait3A_117, %dma_wait3A_118] : memref<2x64x144xf32, #tpu.memory_space<vmem>> -> memref<1x64x144xf32, #tpu.memory_space<vmem>>
      %dma_wait3A_120 = tpu.memref_squeeze %dma_wait3A_119 : memref<1x64x144xf32, #tpu.memory_space<vmem>> -> memref<64x144xf32, #tpu.memory_space<vmem>>
      tpu.wait_dma2 semaphore(%run_scoped3A_96 : memref<!tpu.dma_semaphore, #tpu.memory_space<semaphore_mem>>) src(%dma_wait3A_120 : memref<64x144xf32, #tpu.memory_space<vmem>>) dst(%dma_wait3A_116 : memref<64x144xf32, #tpu.memory_space<vmem_shared>>)
      tpu.yield
    }) : () -> ()
    %add3A_15 = arith.constant 192 : i32
    %add3A_16 = arith.addi %mul3A_7, %add3A_15 : i32
    %run_scoped3A_17 = arith.constant 0 : i32
    "tpu.region"() ({
      %run_scoped3A_96 = tpu.sem_alloc : memref<!tpu.dma_semaphore, #tpu.memory_space<semaphore_mem>>
      %dma_start3A_97 = arith.constant 0 : i32
      %dma_start3A_98 = arith.constant 0 : i32
      %dma_start3A_99 = tpu.memref_slice %arg8[%run_scoped3A_17, %dma_start3A_97, %dma_start3A_98] : memref<2x64x144xf32, #tpu.memory_space<vmem>> -> memref<1x64x144xf32, #tpu.memory_space<vmem>>
      %dma_start3A_100 = tpu.memref_squeeze %dma_start3A_99 : memref<1x64x144xf32, #tpu.memory_space<vmem>> -> memref<64x144xf32, #tpu.memory_space<vmem>>
      %dma_start3A_101 = arith.constant 0 : i32
      %dma_start3A_102 = tpu.memref_slice %arg9[%add3A_16, %dma_start3A_101] : memref<10112x144xf32, #tpu.memory_space<vmem_shared>> -> memref<64x144xf32, #tpu.memory_space<vmem_shared>>
      %dma_start3A_103 = arith.constant 0 : i32
      %dma_start3A_104 = tpu.memref_slice %arg9[%add3A_16, %dma_start3A_103] : memref<10112x144xf32, #tpu.memory_space<vmem_shared>> -> memref<64x144xf32, #tpu.memory_space<vmem_shared>>
      %dma_start3A_105 = arith.constant 0 : i32
      %dma_start3A_106 = arith.constant 0 : i32
      %dma_start3A_107 = tpu.memref_slice %arg8[%run_scoped3A_17, %dma_start3A_105, %dma_start3A_106] : memref<2x64x144xf32, #tpu.memory_space<vmem>> -> memref<1x64x144xf32, #tpu.memory_space<vmem>>
      %dma_start3A_108 = tpu.memref_squeeze %dma_start3A_107 : memref<1x64x144xf32, #tpu.memory_space<vmem>> -> memref<64x144xf32, #tpu.memory_space<vmem>>
      tpu.enqueue_dma source(%dma_start3A_108 : memref<64x144xf32, #tpu.memory_space<vmem>>) target(%dma_start3A_104 : memref<64x144xf32, #tpu.memory_space<vmem_shared>>) target_semaphore(%run_scoped3A_96 : memref<!tpu.dma_semaphore, #tpu.memory_space<semaphore_mem>>)
      %dma_wait3A_109 = arith.constant 0 : i32
      %dma_wait3A_110 = arith.constant 0 : i32
      %dma_wait3A_111 = tpu.memref_slice %arg8[%run_scoped3A_17, %dma_wait3A_109, %dma_wait3A_110] : memref<2x64x144xf32, #tpu.memory_space<vmem>> -> memref<1x64x144xf32, #tpu.memory_space<vmem>>
      %dma_wait3A_112 = tpu.memref_squeeze %dma_wait3A_111 : memref<1x64x144xf32, #tpu.memory_space<vmem>> -> memref<64x144xf32, #tpu.memory_space<vmem>>
      %dma_wait3A_113 = arith.constant 0 : i32
      %dma_wait3A_114 = tpu.memref_slice %arg9[%add3A_16, %dma_wait3A_113] : memref<10112x144xf32, #tpu.memory_space<vmem_shared>> -> memref<64x144xf32, #tpu.memory_space<vmem_shared>>
      %dma_wait3A_115 = arith.constant 0 : i32
      %dma_wait3A_116 = tpu.memref_slice %arg9[%add3A_16, %dma_wait3A_115] : memref<10112x144xf32, #tpu.memory_space<vmem_shared>> -> memref<64x144xf32, #tpu.memory_space<vmem_shared>>
      %dma_wait3A_117 = arith.constant 0 : i32
      %dma_wait3A_118 = arith.constant 0 : i32
      %dma_wait3A_119 = tpu.memref_slice %arg8[%run_scoped3A_17, %dma_wait3A_117, %dma_wait3A_118] : memref<2x64x144xf32, #tpu.memory_space<vmem>> -> memref<1x64x144xf32, #tpu.memory_space<vmem>>
      %dma_wait3A_120 = tpu.memref_squeeze %dma_wait3A_119 : memref<1x64x144xf32, #tpu.memory_space<vmem>> -> memref<64x144xf32, #tpu.memory_space<vmem>>
      tpu.wait_dma2 semaphore(%run_scoped3A_96 : memref<!tpu.dma_semaphore, #tpu.memory_space<semaphore_mem>>) src(%dma_wait3A_120 : memref<64x144xf32, #tpu.memory_space<vmem>>) dst(%dma_wait3A_116 : memref<64x144xf32, #tpu.memory_space<vmem_shared>>)
      tpu.yield
    }) : () -> ()
    %add3A_18 = arith.constant 256 : i32
    %add3A_19 = arith.addi %mul3A_7, %add3A_18 : i32
    %run_scoped3A_20 = arith.constant 0 : i32
    "tpu.region"() ({
      %run_scoped3A_96 = tpu.sem_alloc : memref<!tpu.dma_semaphore, #tpu.memory_space<semaphore_mem>>
      %dma_start3A_97 = arith.constant 0 : i32
      %dma_start3A_98 = arith.constant 0 : i32
      %dma_start3A_99 = tpu.memref_slice %arg8[%run_scoped3A_20, %dma_start3A_97, %dma_start3A_98] : memref<2x64x144xf32, #tpu.memory_space<vmem>> -> memref<1x64x144xf32, #tpu.memory_space<vmem>>
      %dma_start3A_100 = tpu.memref_squeeze %dma_start3A_99 : memref<1x64x144xf32, #tpu.memory_space<vmem>> -> memref<64x144xf32, #tpu.memory_space<vmem>>
      %dma_start3A_101 = arith.constant 0 : i32
      %dma_start3A_102 = tpu.memref_slice %arg9[%add3A_19, %dma_start3A_101] : memref<10112x144xf32, #tpu.memory_space<vmem_shared>> -> memref<64x144xf32, #tpu.memory_space<vmem_shared>>
      %dma_start3A_103 = arith.constant 0 : i32
      %dma_start3A_104 = tpu.memref_slice %arg9[%add3A_19, %dma_start3A_103] : memref<10112x144xf32, #tpu.memory_space<vmem_shared>> -> memref<64x144xf32, #tpu.memory_space<vmem_shared>>
      %dma_start3A_105 = arith.constant 0 : i32
      %dma_start3A_106 = arith.constant 0 : i32
      %dma_start3A_107 = tpu.memref_slice %arg8[%run_scoped3A_20, %dma_start3A_105, %dma_start3A_106] : memref<2x64x144xf32, #tpu.memory_space<vmem>> -> memref<1x64x144xf32, #tpu.memory_space<vmem>>
      %dma_start3A_108 = tpu.memref_squeeze %dma_start3A_107 : memref<1x64x144xf32, #tpu.memory_space<vmem>> -> memref<64x144xf32, #tpu.memory_space<vmem>>
      tpu.enqueue_dma source(%dma_start3A_108 : memref<64x144xf32, #tpu.memory_space<vmem>>) target(%dma_start3A_104 : memref<64x144xf32, #tpu.memory_space<vmem_shared>>) target_semaphore(%run_scoped3A_96 : memref<!tpu.dma_semaphore, #tpu.memory_space<semaphore_mem>>)
      %dma_wait3A_109 = arith.constant 0 : i32
      %dma_wait3A_110 = arith.constant 0 : i32
      %dma_wait3A_111 = tpu.memref_slice %arg8[%run_scoped3A_20, %dma_wait3A_109, %dma_wait3A_110] : memref<2x64x144xf32, #tpu.memory_space<vmem>> -> memref<1x64x144xf32, #tpu.memory_space<vmem>>
      %dma_wait3A_112 = tpu.memref_squeeze %dma_wait3A_111 : memref<1x64x144xf32, #tpu.memory_space<vmem>> -> memref<64x144xf32, #tpu.memory_space<vmem>>
      %dma_wait3A_113 = arith.constant 0 : i32
      %dma_wait3A_114 = tpu.memref_slice %arg9[%add3A_19, %dma_wait3A_113] : memref<10112x144xf32, #tpu.memory_space<vmem_shared>> -> memref<64x144xf32, #tpu.memory_space<vmem_shared>>
      %dma_wait3A_115 = arith.constant 0 : i32
      %dma_wait3A_116 = tpu.memref_slice %arg9[%add3A_19, %dma_wait3A_115] : memref<10112x144xf32, #tpu.memory_space<vmem_shared>> -> memref<64x144xf32, #tpu.memory_space<vmem_shared>>
      %dma_wait3A_117 = arith.constant 0 : i32
      %dma_wait3A_118 = arith.constant 0 : i32
      %dma_wait3A_119 = tpu.memref_slice %arg8[%run_scoped3A_20, %dma_wait3A_117, %dma_wait3A_118] : memref<2x64x144xf32, #tpu.memory_space<vmem>> -> memref<1x64x144xf32, #tpu.memory_space<vmem>>
      %dma_wait3A_120 = tpu.memref_squeeze %dma_wait3A_119 : memref<1x64x144xf32, #tpu.memory_space<vmem>> -> memref<64x144xf32, #tpu.memory_space<vmem>>
      tpu.wait_dma2 semaphore(%run_scoped3A_96 : memref<!tpu.dma_semaphore, #tpu.memory_space<semaphore_mem>>) src(%dma_wait3A_120 : memref<64x144xf32, #tpu.memory_space<vmem>>) dst(%dma_wait3A_116 : memref<64x144xf32, #tpu.memory_space<vmem_shared>>)
      tpu.yield
    }) : () -> ()
    %add3A_21 = arith.constant 320 : i32
    %add3A_22 = arith.addi %mul3A_7, %add3A_21 : i32
    %run_scoped3A_23 = arith.constant 0 : i32
    "tpu.region"() ({
      %run_scoped3A_96 = tpu.sem_alloc : memref<!tpu.dma_semaphore, #tpu.memory_space<semaphore_mem>>
      %dma_start3A_97 = arith.constant 0 : i32
      %dma_start3A_98 = arith.constant 0 : i32
      %dma_start3A_99 = tpu.memref_slice %arg8[%run_scoped3A_23, %dma_start3A_97, %dma_start3A_98] : memref<2x64x144xf32, #tpu.memory_space<vmem>> -> memref<1x64x144xf32, #tpu.memory_space<vmem>>
      %dma_start3A_100 = tpu.memref_squeeze %dma_start3A_99 : memref<1x64x144xf32, #tpu.memory_space<vmem>> -> memref<64x144xf32, #tpu.memory_space<vmem>>
      %dma_start3A_101 = arith.constant 0 : i32
      %dma_start3A_102 = tpu.memref_slice %arg9[%add3A_22, %dma_start3A_101] : memref<10112x144xf32, #tpu.memory_space<vmem_shared>> -> memref<64x144xf32, #tpu.memory_space<vmem_shared>>
      %dma_start3A_103 = arith.constant 0 : i32
      %dma_start3A_104 = tpu.memref_slice %arg9[%add3A_22, %dma_start3A_103] : memref<10112x144xf32, #tpu.memory_space<vmem_shared>> -> memref<64x144xf32, #tpu.memory_space<vmem_shared>>
      %dma_start3A_105 = arith.constant 0 : i32
      %dma_start3A_106 = arith.constant 0 : i32
      %dma_start3A_107 = tpu.memref_slice %arg8[%run_scoped3A_23, %dma_start3A_105, %dma_start3A_106] : memref<2x64x144xf32, #tpu.memory_space<vmem>> -> memref<1x64x144xf32, #tpu.memory_space<vmem>>
      %dma_start3A_108 = tpu.memref_squeeze %dma_start3A_107 : memref<1x64x144xf32, #tpu.memory_space<vmem>> -> memref<64x144xf32, #tpu.memory_space<vmem>>
      tpu.enqueue_dma source(%dma_start3A_108 : memref<64x144xf32, #tpu.memory_space<vmem>>) target(%dma_start3A_104 : memref<64x144xf32, #tpu.memory_space<vmem_shared>>) target_semaphore(%run_scoped3A_96 : memref<!tpu.dma_semaphore, #tpu.memory_space<semaphore_mem>>)
      %dma_wait3A_109 = arith.constant 0 : i32
      %dma_wait3A_110 = arith.constant 0 : i32
      %dma_wait3A_111 = tpu.memref_slice %arg8[%run_scoped3A_23, %dma_wait3A_109, %dma_wait3A_110] : memref<2x64x144xf32, #tpu.memory_space<vmem>> -> memref<1x64x144xf32, #tpu.memory_space<vmem>>
      %dma_wait3A_112 = tpu.memref_squeeze %dma_wait3A_111 : memref<1x64x144xf32, #tpu.memory_space<vmem>> -> memref<64x144xf32, #tpu.memory_space<vmem>>
      %dma_wait3A_113 = arith.constant 0 : i32
      %dma_wait3A_114 = tpu.memref_slice %arg9[%add3A_22, %dma_wait3A_113] : memref<10112x144xf32, #tpu.memory_space<vmem_shared>> -> memref<64x144xf32, #tpu.memory_space<vmem_shared>>
      %dma_wait3A_115 = arith.constant 0 : i32
      %dma_wait3A_116 = tpu.memref_slice %arg9[%add3A_22, %dma_wait3A_115] : memref<10112x144xf32, #tpu.memory_space<vmem_shared>> -> memref<64x144xf32, #tpu.memory_space<vmem_shared>>
      %dma_wait3A_117 = arith.constant 0 : i32
      %dma_wait3A_118 = arith.constant 0 : i32
      %dma_wait3A_119 = tpu.memref_slice %arg8[%run_scoped3A_23, %dma_wait3A_117, %dma_wait3A_118] : memref<2x64x144xf32, #tpu.memory_space<vmem>> -> memref<1x64x144xf32, #tpu.memory_space<vmem>>
      %dma_wait3A_120 = tpu.memref_squeeze %dma_wait3A_119 : memref<1x64x144xf32, #tpu.memory_space<vmem>> -> memref<64x144xf32, #tpu.memory_space<vmem>>
      tpu.wait_dma2 semaphore(%run_scoped3A_96 : memref<!tpu.dma_semaphore, #tpu.memory_space<semaphore_mem>>) src(%dma_wait3A_120 : memref<64x144xf32, #tpu.memory_space<vmem>>) dst(%dma_wait3A_116 : memref<64x144xf32, #tpu.memory_space<vmem_shared>>)
      tpu.yield
    }) : () -> ()
    %add3A_24 = arith.constant 384 : i32
    %add3A_25 = arith.addi %mul3A_7, %add3A_24 : i32
    %run_scoped3A_26 = arith.constant 0 : i32
    "tpu.region"() ({
      %run_scoped3A_96 = tpu.sem_alloc : memref<!tpu.dma_semaphore, #tpu.memory_space<semaphore_mem>>
      %dma_start3A_97 = arith.constant 0 : i32
      %dma_start3A_98 = arith.constant 0 : i32
      %dma_start3A_99 = tpu.memref_slice %arg8[%run_scoped3A_26, %dma_start3A_97, %dma_start3A_98] : memref<2x64x144xf32, #tpu.memory_space<vmem>> -> memref<1x64x144xf32, #tpu.memory_space<vmem>>
      %dma_start3A_100 = tpu.memref_squeeze %dma_start3A_99 : memref<1x64x144xf32, #tpu.memory_space<vmem>> -> memref<64x144xf32, #tpu.memory_space<vmem>>
      %dma_start3A_101 = arith.constant 0 : i32
      %dma_start3A_102 = tpu.memref_slice %arg9[%add3A_25, %dma_start3A_101] : memref<10112x144xf32, #tpu.memory_space<vmem_shared>> -> memref<64x144xf32, #tpu.memory_space<vmem_shared>>
      %dma_start3A_103 = arith.constant 0 : i32
      %dma_start3A_104 = tpu.memref_slice %arg9[%add3A_25, %dma_start3A_103] : memref<10112x144xf32, #tpu.memory_space<vmem_shared>> -> memref<64x144xf32, #tpu.memory_space<vmem_shared>>
      %dma_start3A_105 = arith.constant 0 : i32
      %dma_start3A_106 = arith.constant 0 : i32
      %dma_start3A_107 = tpu.memref_slice %arg8[%run_scoped3A_26, %dma_start3A_105, %dma_start3A_106] : memref<2x64x144xf32, #tpu.memory_space<vmem>> -> memref<1x64x144xf32, #tpu.memory_space<vmem>>
      %dma_start3A_108 = tpu.memref_squeeze %dma_start3A_107 : memref<1x64x144xf32, #tpu.memory_space<vmem>> -> memref<64x144xf32, #tpu.memory_space<vmem>>
      tpu.enqueue_dma source(%dma_start3A_108 : memref<64x144xf32, #tpu.memory_space<vmem>>) target(%dma_start3A_104 : memref<64x144xf32, #tpu.memory_space<vmem_shared>>) target_semaphore(%run_scoped3A_96 : memref<!tpu.dma_semaphore, #tpu.memory_space<semaphore_mem>>)
      %dma_wait3A_109 = arith.constant 0 : i32
      %dma_wait3A_110 = arith.constant 0 : i32
      %dma_wait3A_111 = tpu.memref_slice %arg8[%run_scoped3A_26, %dma_wait3A_109, %dma_wait3A_110] : memref<2x64x144xf32, #tpu.memory_space<vmem>> -> memref<1x64x144xf32, #tpu.memory_space<vmem>>
      %dma_wait3A_112 = tpu.memref_squeeze %dma_wait3A_111 : memref<1x64x144xf32, #tpu.memory_space<vmem>> -> memref<64x144xf32, #tpu.memory_space<vmem>>
      %dma_wait3A_113 = arith.constant 0 : i32
      %dma_wait3A_114 = tpu.memref_slice %arg9[%add3A_25, %dma_wait3A_113] : memref<10112x144xf32, #tpu.memory_space<vmem_shared>> -> memref<64x144xf32, #tpu.memory_space<vmem_shared>>
      %dma_wait3A_115 = arith.constant 0 : i32
      %dma_wait3A_116 = tpu.memref_slice %arg9[%add3A_25, %dma_wait3A_115] : memref<10112x144xf32, #tpu.memory_space<vmem_shared>> -> memref<64x144xf32, #tpu.memory_space<vmem_shared>>
      %dma_wait3A_117 = arith.constant 0 : i32
      %dma_wait3A_118 = arith.constant 0 : i32
      %dma_wait3A_119 = tpu.memref_slice %arg8[%run_scoped3A_26, %dma_wait3A_117, %dma_wait3A_118] : memref<2x64x144xf32, #tpu.memory_space<vmem>> -> memref<1x64x144xf32, #tpu.memory_space<vmem>>
      %dma_wait3A_120 = tpu.memref_squeeze %dma_wait3A_119 : memref<1x64x144xf32, #tpu.memory_space<vmem>> -> memref<64x144xf32, #tpu.memory_space<vmem>>
      tpu.wait_dma2 semaphore(%run_scoped3A_96 : memref<!tpu.dma_semaphore, #tpu.memory_space<semaphore_mem>>) src(%dma_wait3A_120 : memref<64x144xf32, #tpu.memory_space<vmem>>) dst(%dma_wait3A_116 : memref<64x144xf32, #tpu.memory_space<vmem_shared>>)
      tpu.yield
    }) : () -> ()
    %add3A_27 = arith.constant 448 : i32
    %add3A_28 = arith.addi %mul3A_7, %add3A_27 : i32
    %run_scoped3A_29 = arith.constant 0 : i32
    "tpu.region"() ({
      %run_scoped3A_96 = tpu.sem_alloc : memref<!tpu.dma_semaphore, #tpu.memory_space<semaphore_mem>>
      %dma_start3A_97 = arith.constant 0 : i32
      %dma_start3A_98 = arith.constant 0 : i32
      %dma_start3A_99 = tpu.memref_slice %arg8[%run_scoped3A_29, %dma_start3A_97, %dma_start3A_98] : memref<2x64x144xf32, #tpu.memory_space<vmem>> -> memref<1x64x144xf32, #tpu.memory_space<vmem>>
      %dma_start3A_100 = tpu.memref_squeeze %dma_start3A_99 : memref<1x64x144xf32, #tpu.memory_space<vmem>> -> memref<64x144xf32, #tpu.memory_space<vmem>>
      %dma_start3A_101 = arith.constant 0 : i32
      %dma_start3A_102 = tpu.memref_slice %arg9[%add3A_28, %dma_start3A_101] : memref<10112x144xf32, #tpu.memory_space<vmem_shared>> -> memref<64x144xf32, #tpu.memory_space<vmem_shared>>
      %dma_start3A_103 = arith.constant 0 : i32
      %dma_start3A_104 = tpu.memref_slice %arg9[%add3A_28, %dma_start3A_103] : memref<10112x144xf32, #tpu.memory_space<vmem_shared>> -> memref<64x144xf32, #tpu.memory_space<vmem_shared>>
      %dma_start3A_105 = arith.constant 0 : i32
      %dma_start3A_106 = arith.constant 0 : i32
      %dma_start3A_107 = tpu.memref_slice %arg8[%run_scoped3A_29, %dma_start3A_105, %dma_start3A_106] : memref<2x64x144xf32, #tpu.memory_space<vmem>> -> memref<1x64x144xf32, #tpu.memory_space<vmem>>
      %dma_start3A_108 = tpu.memref_squeeze %dma_start3A_107 : memref<1x64x144xf32, #tpu.memory_space<vmem>> -> memref<64x144xf32, #tpu.memory_space<vmem>>
      tpu.enqueue_dma source(%dma_start3A_108 : memref<64x144xf32, #tpu.memory_space<vmem>>) target(%dma_start3A_104 : memref<64x144xf32, #tpu.memory_space<vmem_shared>>) target_semaphore(%run_scoped3A_96 : memref<!tpu.dma_semaphore, #tpu.memory_space<semaphore_mem>>)
      %dma_wait3A_109 = arith.constant 0 : i32
      %dma_wait3A_110 = arith.constant 0 : i32
      %dma_wait3A_111 = tpu.memref_slice %arg8[%run_scoped3A_29, %dma_wait3A_109, %dma_wait3A_110] : memref<2x64x144xf32, #tpu.memory_space<vmem>> -> memref<1x64x144xf32, #tpu.memory_space<vmem>>
      %dma_wait3A_112 = tpu.memref_squeeze %dma_wait3A_111 : memref<1x64x144xf32, #tpu.memory_space<vmem>> -> memref<64x144xf32, #tpu.memory_space<vmem>>
      %dma_wait3A_113 = arith.constant 0 : i32
      %dma_wait3A_114 = tpu.memref_slice %arg9[%add3A_28, %dma_wait3A_113] : memref<10112x144xf32, #tpu.memory_space<vmem_shared>> -> memref<64x144xf32, #tpu.memory_space<vmem_shared>>
      %dma_wait3A_115 = arith.constant 0 : i32
      %dma_wait3A_116 = tpu.memref_slice %arg9[%add3A_28, %dma_wait3A_115] : memref<10112x144xf32, #tpu.memory_space<vmem_shared>> -> memref<64x144xf32, #tpu.memory_space<vmem_shared>>
      %dma_wait3A_117 = arith.constant 0 : i32
      %dma_wait3A_118 = arith.constant 0 : i32
      %dma_wait3A_119 = tpu.memref_slice %arg8[%run_scoped3A_29, %dma_wait3A_117, %dma_wait3A_118] : memref<2x64x144xf32, #tpu.memory_space<vmem>> -> memref<1x64x144xf32, #tpu.memory_space<vmem>>
      %dma_wait3A_120 = tpu.memref_squeeze %dma_wait3A_119 : memref<1x64x144xf32, #tpu.memory_space<vmem>> -> memref<64x144xf32, #tpu.memory_space<vmem>>
      tpu.wait_dma2 semaphore(%run_scoped3A_96 : memref<!tpu.dma_semaphore, #tpu.memory_space<semaphore_mem>>) src(%dma_wait3A_120 : memref<64x144xf32, #tpu.memory_space<vmem>>) dst(%dma_wait3A_116 : memref<64x144xf32, #tpu.memory_space<vmem_shared>>)
      tpu.yield
    }) : () -> ()
    %add3A_30 = arith.constant 512 : i32
    %add3A_31 = arith.addi %mul3A_7, %add3A_30 : i32
    %run_scoped3A_32 = arith.constant 0 : i32
    "tpu.region"() ({
      %run_scoped3A_96 = tpu.sem_alloc : memref<!tpu.dma_semaphore, #tpu.memory_space<semaphore_mem>>
      %dma_start3A_97 = arith.constant 0 : i32
      %dma_start3A_98 = arith.constant 0 : i32
      %dma_start3A_99 = tpu.memref_slice %arg8[%run_scoped3A_32, %dma_start3A_97, %dma_start3A_98] : memref<2x64x144xf32, #tpu.memory_space<vmem>> -> memref<1x64x144xf32, #tpu.memory_space<vmem>>
      %dma_start3A_100 = tpu.memref_squeeze %dma_start3A_99 : memref<1x64x144xf32, #tpu.memory_space<vmem>> -> memref<64x144xf32, #tpu.memory_space<vmem>>
      %dma_start3A_101 = arith.constant 0 : i32
      %dma_start3A_102 = tpu.memref_slice %arg9[%add3A_31, %dma_start3A_101] : memref<10112x144xf32, #tpu.memory_space<vmem_shared>> -> memref<64x144xf32, #tpu.memory_space<vmem_shared>>
      %dma_start3A_103 = arith.constant 0 : i32
      %dma_start3A_104 = tpu.memref_slice %arg9[%add3A_31, %dma_start3A_103] : memref<10112x144xf32, #tpu.memory_space<vmem_shared>> -> memref<64x144xf32, #tpu.memory_space<vmem_shared>>
      %dma_start3A_105 = arith.constant 0 : i32
      %dma_start3A_106 = arith.constant 0 : i32
      %dma_start3A_107 = tpu.memref_slice %arg8[%run_scoped3A_32, %dma_start3A_105, %dma_start3A_106] : memref<2x64x144xf32, #tpu.memory_space<vmem>> -> memref<1x64x144xf32, #tpu.memory_space<vmem>>
      %dma_start3A_108 = tpu.memref_squeeze %dma_start3A_107 : memref<1x64x144xf32, #tpu.memory_space<vmem>> -> memref<64x144xf32, #tpu.memory_space<vmem>>
      tpu.enqueue_dma source(%dma_start3A_108 : memref<64x144xf32, #tpu.memory_space<vmem>>) target(%dma_start3A_104 : memref<64x144xf32, #tpu.memory_space<vmem_shared>>) target_semaphore(%run_scoped3A_96 : memref<!tpu.dma_semaphore, #tpu.memory_space<semaphore_mem>>)
      %dma_wait3A_109 = arith.constant 0 : i32
      %dma_wait3A_110 = arith.constant 0 : i32
      %dma_wait3A_111 = tpu.memref_slice %arg8[%run_scoped3A_32, %dma_wait3A_109, %dma_wait3A_110] : memref<2x64x144xf32, #tpu.memory_space<vmem>> -> memref<1x64x144xf32, #tpu.memory_space<vmem>>
      %dma_wait3A_112 = tpu.memref_squeeze %dma_wait3A_111 : memref<1x64x144xf32, #tpu.memory_space<vmem>> -> memref<64x144xf32, #tpu.memory_space<vmem>>
      %dma_wait3A_113 = arith.constant 0 : i32
      %dma_wait3A_114 = tpu.memref_slice %arg9[%add3A_31, %dma_wait3A_113] : memref<10112x144xf32, #tpu.memory_space<vmem_shared>> -> memref<64x144xf32, #tpu.memory_space<vmem_shared>>
      %dma_wait3A_115 = arith.constant 0 : i32
      %dma_wait3A_116 = tpu.memref_slice %arg9[%add3A_31, %dma_wait3A_115] : memref<10112x144xf32, #tpu.memory_space<vmem_shared>> -> memref<64x144xf32, #tpu.memory_space<vmem_shared>>
      %dma_wait3A_117 = arith.constant 0 : i32
      %dma_wait3A_118 = arith.constant 0 : i32
      %dma_wait3A_119 = tpu.memref_slice %arg8[%run_scoped3A_32, %dma_wait3A_117, %dma_wait3A_118] : memref<2x64x144xf32, #tpu.memory_space<vmem>> -> memref<1x64x144xf32, #tpu.memory_space<vmem>>
      %dma_wait3A_120 = tpu.memref_squeeze %dma_wait3A_119 : memref<1x64x144xf32, #tpu.memory_space<vmem>> -> memref<64x144xf32, #tpu.memory_space<vmem>>
      tpu.wait_dma2 semaphore(%run_scoped3A_96 : memref<!tpu.dma_semaphore, #tpu.memory_space<semaphore_mem>>) src(%dma_wait3A_120 : memref<64x144xf32, #tpu.memory_space<vmem>>) dst(%dma_wait3A_116 : memref<64x144xf32, #tpu.memory_space<vmem_shared>>)
      tpu.yield
    }) : () -> ()
    %add3A_33 = arith.constant 576 : i32
    %add3A_34 = arith.addi %mul3A_7, %add3A_33 : i32
    %run_scoped3A_35 = arith.constant 0 : i32
    "tpu.region"() ({
      %run_scoped3A_96 = tpu.sem_alloc : memref<!tpu.dma_semaphore, #tpu.memory_space<semaphore_mem>>
      %dma_start3A_97 = arith.constant 0 : i32
      %dma_start3A_98 = arith.constant 0 : i32
      %dma_start3A_99 = tpu.memref_slice %arg8[%run_scoped3A_35, %dma_start3A_97, %dma_start3A_98] : memref<2x64x144xf32, #tpu.memory_space<vmem>> -> memref<1x56x144xf32, #tpu.memory_space<vmem>>
      %dma_start3A_100 = tpu.memref_squeeze %dma_start3A_99 : memref<1x56x144xf32, #tpu.memory_space<vmem>> -> memref<56x144xf32, #tpu.memory_space<vmem>>
      %dma_start3A_101 = arith.constant 0 : i32
      %dma_start3A_102 = tpu.memref_slice %arg9[%add3A_34, %dma_start3A_101] : memref<10112x144xf32, #tpu.memory_space<vmem_shared>> -> memref<56x144xf32, #tpu.memory_space<vmem_shared>>
      %dma_start3A_103 = arith.constant 0 : i32
      %dma_start3A_104 = tpu.memref_slice %arg9[%add3A_34, %dma_start3A_103] : memref<10112x144xf32, #tpu.memory_space<vmem_shared>> -> memref<56x144xf32, #tpu.memory_space<vmem_shared>>
      %dma_start3A_105 = arith.constant 0 : i32
      %dma_start3A_106 = arith.constant 0 : i32
      %dma_start3A_107 = tpu.memref_slice %arg8[%run_scoped3A_35, %dma_start3A_105, %dma_start3A_106] : memref<2x64x144xf32, #tpu.memory_space<vmem>> -> memref<1x56x144xf32, #tpu.memory_space<vmem>>
      %dma_start3A_108 = tpu.memref_squeeze %dma_start3A_107 : memref<1x56x144xf32, #tpu.memory_space<vmem>> -> memref<56x144xf32, #tpu.memory_space<vmem>>
      tpu.enqueue_dma source(%dma_start3A_108 : memref<56x144xf32, #tpu.memory_space<vmem>>) target(%dma_start3A_104 : memref<56x144xf32, #tpu.memory_space<vmem_shared>>) target_semaphore(%run_scoped3A_96 : memref<!tpu.dma_semaphore, #tpu.memory_space<semaphore_mem>>)
      %dma_wait3A_109 = arith.constant 0 : i32
      %dma_wait3A_110 = arith.constant 0 : i32
      %dma_wait3A_111 = tpu.memref_slice %arg8[%run_scoped3A_35, %dma_wait3A_109, %dma_wait3A_110] : memref<2x64x144xf32, #tpu.memory_space<vmem>> -> memref<1x56x144xf32, #tpu.memory_space<vmem>>
      %dma_wait3A_112 = tpu.memref_squeeze %dma_wait3A_111 : memref<1x56x144xf32, #tpu.memory_space<vmem>> -> memref<56x144xf32, #tpu.memory_space<vmem>>
      %dma_wait3A_113 = arith.constant 0 : i32
      %dma_wait3A_114 = tpu.memref_slice %arg9[%add3A_34, %dma_wait3A_113] : memref<10112x144xf32, #tpu.memory_space<vmem_shared>> -> memref<56x144xf32, #tpu.memory_space<vmem_shared>>
      %dma_wait3A_115 = arith.constant 0 : i32
      %dma_wait3A_116 = tpu.memref_slice %arg9[%add3A_34, %dma_wait3A_115] : memref<10112x144xf32, #tpu.memory_space<vmem_shared>> -> memref<56x144xf32, #tpu.memory_space<vmem_shared>>
      %dma_wait3A_117 = arith.constant 0 : i32
      %dma_wait3A_118 = arith.constant 0 : i32
      %dma_wait3A_119 = tpu.memref_slice %arg8[%run_scoped3A_35, %dma_wait3A_117, %dma_wait3A_118] : memref<2x64x144xf32, #tpu.memory_space<vmem>> -> memref<1x56x144xf32, #tpu.memory_space<vmem>>
      %dma_wait3A_120 = tpu.memref_squeeze %dma_wait3A_119 : memref<1x56x144xf32, #tpu.memory_space<vmem>> -> memref<56x144xf32, #tpu.memory_space<vmem>>
      tpu.wait_dma2 semaphore(%run_scoped3A_96 : memref<!tpu.dma_semaphore, #tpu.memory_space<semaphore_mem>>) src(%dma_wait3A_120 : memref<56x144xf32, #tpu.memory_space<vmem>>) dst(%dma_wait3A_116 : memref<56x144xf32, #tpu.memory_space<vmem_shared>>)
      tpu.yield
    }) : () -> ()
    %barrier3A = arith.constant 0 : index
    tpu.barrier barrier_id(%barrier3A)
    %dma_start3A = arith.constant 0 : i32
    %dma_start3A_36 = arith.constant 0 : i32
    %dma_start3A_37 = arith.constant 0 : i32
    %dma_start3A_38 = arith.constant 0 : i32
    %dma_start3A_39 = tpu.memref_slice %arg8[%dma_start3A_36, %dma_start3A_37, %dma_start3A_38] : memref<2x64x144xf32, #tpu.memory_space<vmem>> -> memref<1x64x144xf32, #tpu.memory_space<vmem>>
    %dma_start3A_40 = tpu.memref_squeeze %dma_start3A_39 : memref<1x64x144xf32, #tpu.memory_space<vmem>> -> memref<64x144xf32, #tpu.memory_space<vmem>>
    %dma_start3A_41 = arith.constant 0 : i32
    %dma_start3A_42 = tpu.memref_slice %arg6[%dma_start3A, %dma_start3A_41] : memref<160x64xi32, #tpu.memory_space<vmem>> -> memref<1x64xi32, #tpu.memory_space<vmem>>
    %dma_start3A_43 = tpu.memref_squeeze %dma_start3A_42 : memref<1x64xi32, #tpu.memory_space<vmem>> -> memref<64xi32, #tpu.memory_space<vmem>>
    %dma_start3A_44 = arith.constant 0 : i32
    %dma_start3A_45 = arith.constant 0 : i32
    %dma_start3A_46 = tpu.memref_slice %arg2[%dma_start3A_44, %dma_start3A_45] : memref<20000x144xf32, #tpu.memory_space<hbm>> -> memref<20000x144xf32, #tpu.memory_space<hbm>>
    tpu.enqueue_indirect_dma source(%dma_start3A_46 : memref<20000x144xf32, #tpu.memory_space<hbm>>) target(%dma_start3A_40 : memref<64x144xf32, #tpu.memory_space<vmem>>) offsets(%dma_start3A_43 : memref<64xi32, #tpu.memory_space<vmem>>) semaphore(%arg10 : memref<!tpu.dma_semaphore, #tpu.memory_space<semaphore_mem>>)
    %dma_start3A_47 = arith.constant 1 : i32
    %dma_start3A_48 = arith.constant 1 : i32
    %dma_start3A_49 = arith.constant 0 : i32
    %dma_start3A_50 = arith.constant 0 : i32
    %dma_start3A_51 = tpu.memref_slice %arg8[%dma_start3A_48, %dma_start3A_49, %dma_start3A_50] : memref<2x64x144xf32, #tpu.memory_space<vmem>> -> memref<1x64x144xf32, #tpu.memory_space<vmem>>
    %dma_start3A_52 = tpu.memref_squeeze %dma_start3A_51 : memref<1x64x144xf32, #tpu.memory_space<vmem>> -> memref<64x144xf32, #tpu.memory_space<vmem>>
    %dma_start3A_53 = arith.constant 0 : i32
    %dma_start3A_54 = tpu.memref_slice %arg6[%dma_start3A_47, %dma_start3A_53] : memref<160x64xi32, #tpu.memory_space<vmem>> -> memref<1x64xi32, #tpu.memory_space<vmem>>
    %dma_start3A_55 = tpu.memref_squeeze %dma_start3A_54 : memref<1x64xi32, #tpu.memory_space<vmem>> -> memref<64xi32, #tpu.memory_space<vmem>>
    %dma_start3A_56 = arith.constant 0 : i32
    %dma_start3A_57 = arith.constant 0 : i32
    %dma_start3A_58 = tpu.memref_slice %arg2[%dma_start3A_56, %dma_start3A_57] : memref<20000x144xf32, #tpu.memory_space<hbm>> -> memref<20000x144xf32, #tpu.memory_space<hbm>>
    tpu.enqueue_indirect_dma source(%dma_start3A_58 : memref<20000x144xf32, #tpu.memory_space<hbm>>) target(%dma_start3A_52 : memref<64x144xf32, #tpu.memory_space<vmem>>) offsets(%dma_start3A_55 : memref<64xi32, #tpu.memory_space<vmem>>) semaphore(%arg11 : memref<!tpu.dma_semaphore, #tpu.memory_space<semaphore_mem>>)
    %scan3A_59 = arith.constant 0 : i32
    %scan3A_60 = arith.constant 0 : i32
    %scan3A_61 = arith.constant 80 : i32
    %scan3A_62 = arith.addi %scan3A_60, %scan3A_61 : i32
    %scan3A_63 = arith.constant 1 : i32
    %scan3A_64 = scf.for %scan3A_96 = %scan3A_60 to %scan3A_62 step %scan3A_63 iter_args(%scan3A_97 = %scan3A_59) -> (i32)  : i32 {
      %mul3A_98 = arith.constant 2 : i32
      %mul3A_99 = arith.muli %scan3A_96, %mul3A_98 : i32
      %add3A_100 = arith.constant 0 : i32
      %add3A_101 = arith.addi %mul3A_99, %add3A_100 : i32
      %dma_wait3A_102 = arith.constant 0 : i32
      %dma_wait3A_103 = arith.constant 0 : i32
      %dma_wait3A_104 = arith.constant 0 : i32
      %dma_wait3A_105 = tpu.memref_slice %arg8[%dma_wait3A_102, %dma_wait3A_103, %dma_wait3A_104] : memref<2x64x144xf32, #tpu.memory_space<vmem>> -> memref<1x64x144xf32, #tpu.memory_space<vmem>>
      %dma_wait3A_106 = tpu.memref_squeeze %dma_wait3A_105 : memref<1x64x144xf32, #tpu.memory_space<vmem>> -> memref<64x144xf32, #tpu.memory_space<vmem>>
      %dma_wait3A_107 = arith.constant 0 : i32
      %dma_wait3A_108 = tpu.memref_slice %arg6[%add3A_101, %dma_wait3A_107] : memref<160x64xi32, #tpu.memory_space<vmem>> -> memref<1x64xi32, #tpu.memory_space<vmem>>
      %dma_wait3A_109 = tpu.memref_squeeze %dma_wait3A_108 : memref<1x64xi32, #tpu.memory_space<vmem>> -> memref<64xi32, #tpu.memory_space<vmem>>
      %dma_wait3A_110 = arith.constant 0 : i32
      %dma_wait3A_111 = arith.constant 0 : i32
      %dma_wait3A_112 = tpu.memref_slice %arg2[%dma_wait3A_110, %dma_wait3A_111] : memref<20000x144xf32, #tpu.memory_space<hbm>> -> memref<20000x144xf32, #tpu.memory_space<hbm>>
      tpu.wait_indirect_dma semaphore(%arg10 : memref<!tpu.dma_semaphore, #tpu.memory_space<semaphore_mem>>) src(%dma_wait3A_112 : memref<20000x144xf32, #tpu.memory_space<hbm>>) dst(%dma_wait3A_106 : memref<64x144xf32, #tpu.memory_space<vmem>>)
      %add3A_113 = arith.constant 0 : i32
      %add3A_114 = arith.addi %mul3A_99, %add3A_113 : i32
      %dma_start3A_115 = arith.constant 0 : i32
      %dma_start3A_116 = arith.constant 0 : i32
      %dma_start3A_117 = arith.constant 0 : i32
      %dma_start3A_118 = tpu.memref_slice %arg8[%dma_start3A_115, %dma_start3A_116, %dma_start3A_117] : memref<2x64x144xf32, #tpu.memory_space<vmem>> -> memref<1x64x144xf32, #tpu.memory_space<vmem>>
      %dma_start3A_119 = tpu.memref_squeeze %dma_start3A_118 : memref<1x64x144xf32, #tpu.memory_space<vmem>> -> memref<64x144xf32, #tpu.memory_space<vmem>>
      %dma_start3A_120 = arith.constant 0 : i32
      %dma_start3A_121 = tpu.memref_slice %arg7[%add3A_114, %dma_start3A_120] : memref<160x64xi32, #tpu.memory_space<vmem>> -> memref<1x64xi32, #tpu.memory_space<vmem>>
      %dma_start3A_122 = tpu.memref_squeeze %dma_start3A_121 : memref<1x64xi32, #tpu.memory_space<vmem>> -> memref<64xi32, #tpu.memory_space<vmem>>
      %dma_start3A_123 = arith.constant 0 : i32
      %dma_start3A_124 = arith.constant 0 : i32
      %dma_start3A_125 = tpu.memref_slice %arg9[%dma_start3A_123, %dma_start3A_124] : memref<10112x144xf32, #tpu.memory_space<vmem_shared>> -> memref<10112x144xf32, #tpu.memory_space<vmem_shared>>
      tpu.enqueue_indirect_dma source(%dma_start3A_119 : memref<64x144xf32, #tpu.memory_space<vmem>>) target(%dma_start3A_125 : memref<10112x144xf32, #tpu.memory_space<vmem_shared>>) offsets(%dma_start3A_122 : memref<64xi32, #tpu.memory_space<vmem>>) semaphore(%arg12 : memref<!tpu.dma_semaphore, #tpu.memory_space<semaphore_mem>>) {add = true}
      %add3A_126 = arith.constant 1 : i32
      %add3A_127 = arith.addi %mul3A_99, %add3A_126 : i32
      %dma_wait3A_128 = arith.constant 1 : i32
      %dma_wait3A_129 = arith.constant 0 : i32
      %dma_wait3A_130 = arith.constant 0 : i32
      %dma_wait3A_131 = tpu.memref_slice %arg8[%dma_wait3A_128, %dma_wait3A_129, %dma_wait3A_130] : memref<2x64x144xf32, #tpu.memory_space<vmem>> -> memref<1x64x144xf32, #tpu.memory_space<vmem>>
      %dma_wait3A_132 = tpu.memref_squeeze %dma_wait3A_131 : memref<1x64x144xf32, #tpu.memory_space<vmem>> -> memref<64x144xf32, #tpu.memory_space<vmem>>
      %dma_wait3A_133 = arith.constant 0 : i32
      %dma_wait3A_134 = tpu.memref_slice %arg6[%add3A_127, %dma_wait3A_133] : memref<160x64xi32, #tpu.memory_space<vmem>> -> memref<1x64xi32, #tpu.memory_space<vmem>>
      %dma_wait3A_135 = tpu.memref_squeeze %dma_wait3A_134 : memref<1x64xi32, #tpu.memory_space<vmem>> -> memref<64xi32, #tpu.memory_space<vmem>>
      %dma_wait3A_136 = arith.constant 0 : i32
      %dma_wait3A_137 = arith.constant 0 : i32
      %dma_wait3A_138 = tpu.memref_slice %arg2[%dma_wait3A_136, %dma_wait3A_137] : memref<20000x144xf32, #tpu.memory_space<hbm>> -> memref<20000x144xf32, #tpu.memory_space<hbm>>
      tpu.wait_indirect_dma semaphore(%arg11 : memref<!tpu.dma_semaphore, #tpu.memory_space<semaphore_mem>>) src(%dma_wait3A_138 : memref<20000x144xf32, #tpu.memory_space<hbm>>) dst(%dma_wait3A_132 : memref<64x144xf32, #tpu.memory_space<vmem>>)
      %add3A_139 = arith.constant 1 : i32
      %add3A_140 = arith.addi %mul3A_99, %add3A_139 : i32
      %dma_start3A_141 = arith.constant 1 : i32
      %dma_start3A_142 = arith.constant 0 : i32
      %dma_start3A_143 = arith.constant 0 : i32
      %dma_start3A_144 = tpu.memref_slice %arg8[%dma_start3A_141, %dma_start3A_142, %dma_start3A_143] : memref<2x64x144xf32, #tpu.memory_space<vmem>> -> memref<1x64x144xf32, #tpu.memory_space<vmem>>
      %dma_start3A_145 = tpu.memref_squeeze %dma_start3A_144 : memref<1x64x144xf32, #tpu.memory_space<vmem>> -> memref<64x144xf32, #tpu.memory_space<vmem>>
      %dma_start3A_146 = arith.constant 0 : i32
      %dma_start3A_147 = tpu.memref_slice %arg7[%add3A_140, %dma_start3A_146] : memref<160x64xi32, #tpu.memory_space<vmem>> -> memref<1x64xi32, #tpu.memory_space<vmem>>
      %dma_start3A_148 = tpu.memref_squeeze %dma_start3A_147 : memref<1x64xi32, #tpu.memory_space<vmem>> -> memref<64xi32, #tpu.memory_space<vmem>>
      %dma_start3A_149 = arith.constant 0 : i32
      %dma_start3A_150 = arith.constant 0 : i32
      %dma_start3A_151 = tpu.memref_slice %arg9[%dma_start3A_149, %dma_start3A_150] : memref<10112x144xf32, #tpu.memory_space<vmem_shared>> -> memref<10112x144xf32, #tpu.memory_space<vmem_shared>>
      tpu.enqueue_indirect_dma source(%dma_start3A_145 : memref<64x144xf32, #tpu.memory_space<vmem>>) target(%dma_start3A_151 : memref<10112x144xf32, #tpu.memory_space<vmem_shared>>) offsets(%dma_start3A_148 : memref<64xi32, #tpu.memory_space<vmem>>) semaphore(%arg13 : memref<!tpu.dma_semaphore, #tpu.memory_space<semaphore_mem>>) {add = true}
      %add3A_152 = arith.constant 2 : i32
      %add3A_153 = arith.addi %mul3A_99, %add3A_152 : i32
      %add3A_154 = arith.constant 0 : i32
      %add3A_155 = arith.addi %add3A_153, %add3A_154 : i32
      %min3A = arith.constant 159 : i32
      %min3A_156 = arith.minsi %add3A_155, %min3A : i32
      %add3A_157 = arith.constant 0 : i32
      %add3A_158 = arith.addi %mul3A_99, %add3A_157 : i32
      %dma_wait3A_159 = arith.constant 0 : i32
      %dma_wait3A_160 = arith.constant 0 : i32
      %dma_wait3A_161 = arith.constant 0 : i32
      %dma_wait3A_162 = tpu.memref_slice %arg8[%dma_wait3A_159, %dma_wait3A_160, %dma_wait3A_161] : memref<2x64x144xf32, #tpu.memory_space<vmem>> -> memref<1x64x144xf32, #tpu.memory_space<vmem>>
      %dma_wait3A_163 = tpu.memref_squeeze %dma_wait3A_162 : memref<1x64x144xf32, #tpu.memory_space<vmem>> -> memref<64x144xf32, #tpu.memory_space<vmem>>
      %dma_wait3A_164 = arith.constant 0 : i32
      %dma_wait3A_165 = tpu.memref_slice %arg7[%add3A_158, %dma_wait3A_164] : memref<160x64xi32, #tpu.memory_space<vmem>> -> memref<1x64xi32, #tpu.memory_space<vmem>>
      %dma_wait3A_166 = tpu.memref_squeeze %dma_wait3A_165 : memref<1x64xi32, #tpu.memory_space<vmem>> -> memref<64xi32, #tpu.memory_space<vmem>>
      %dma_wait3A_167 = arith.constant 0 : i32
      %dma_wait3A_168 = arith.constant 0 : i32
      %dma_wait3A_169 = tpu.memref_slice %arg9[%dma_wait3A_167, %dma_wait3A_168] : memref<10112x144xf32, #tpu.memory_space<vmem_shared>> -> memref<10112x144xf32, #tpu.memory_space<vmem_shared>>
      tpu.wait_indirect_dma semaphore(%arg12 : memref<!tpu.dma_semaphore, #tpu.memory_space<semaphore_mem>>) src(%dma_wait3A_163 : memref<64x144xf32, #tpu.memory_space<vmem>>) dst(%dma_wait3A_169 : memref<10112x144xf32, #tpu.memory_space<vmem_shared>>)
      %dma_start3A_170 = arith.constant 0 : i32
      %dma_start3A_171 = arith.constant 0 : i32
      %dma_start3A_172 = arith.constant 0 : i32
      %dma_start3A_173 = tpu.memref_slice %arg8[%dma_start3A_170, %dma_start3A_171, %dma_start3A_172] : memref<2x64x144xf32, #tpu.memory_space<vmem>> -> memref<1x64x144xf32, #tpu.memory_space<vmem>>
      %dma_start3A_174 = tpu.memref_squeeze %dma_start3A_173 : memref<1x64x144xf32, #tpu.memory_space<vmem>> -> memref<64x144xf32, #tpu.memory_space<vmem>>
      %dma_start3A_175 = arith.constant 0 : i32
      %dma_start3A_176 = tpu.memref_slice %arg6[%min3A_156, %dma_start3A_175] : memref<160x64xi32, #tpu.memory_space<vmem>> -> memref<1x64xi32, #tpu.memory_space<vmem>>
      %dma_start3A_177 = tpu.memref_squeeze %dma_start3A_176 : memref<1x64xi32, #tpu.memory_space<vmem>> -> memref<64xi32, #tpu.memory_space<vmem>>
      %dma_start3A_178 = arith.constant 0 : i32
      %dma_start3A_179 = arith.constant 0 : i32
      %dma_start3A_180 = tpu.memref_slice %arg2[%dma_start3A_178, %dma_start3A_179] : memref<20000x144xf32, #tpu.memory_space<hbm>> -> memref<20000x144xf32, #tpu.memory_space<hbm>>
      tpu.enqueue_indirect_dma source(%dma_start3A_180 : memref<20000x144xf32, #tpu.memory_space<hbm>>) target(%dma_start3A_174 : memref<64x144xf32, #tpu.memory_space<vmem>>) offsets(%dma_start3A_177 : memref<64xi32, #tpu.memory_space<vmem>>) semaphore(%arg10 : memref<!tpu.dma_semaphore, #tpu.memory_space<semaphore_mem>>)
      %add3A_181 = arith.constant 2 : i32
      %add3A_182 = arith.addi %mul3A_99, %add3A_181 : i32
      %add3A_183 = arith.constant 1 : i32
      %add3A_184 = arith.addi %add3A_182, %add3A_183 : i32
      %min3A_185 = arith.constant 159 : i32
      %min3A_186 = arith.minsi %add3A_184, %min3A_185 : i32
      %add3A_187 = arith.constant 1 : i32
      %add3A_188 = arith.addi %mul3A_99, %add3A_187 : i32
      %dma_wait3A_189 = arith.constant 1 : i32
      %dma_wait3A_190 = arith.constant 0 : i32
      %dma_wait3A_191 = arith.constant 0 : i32
      %dma_wait3A_192 = tpu.memref_slice %arg8[%dma_wait3A_189, %dma_wait3A_190, %dma_wait3A_191] : memref<2x64x144xf32, #tpu.memory_space<vmem>> -> memref<1x64x144xf32, #tpu.memory_space<vmem>>
      %dma_wait3A_193 = tpu.memref_squeeze %dma_wait3A_192 : memref<1x64x144xf32, #tpu.memory_space<vmem>> -> memref<64x144xf32, #tpu.memory_space<vmem>>
      %dma_wait3A_194 = arith.constant 0 : i32
      %dma_wait3A_195 = tpu.memref_slice %arg7[%add3A_188, %dma_wait3A_194] : memref<160x64xi32, #tpu.memory_space<vmem>> -> memref<1x64xi32, #tpu.memory_space<vmem>>
      %dma_wait3A_196 = tpu.memref_squeeze %dma_wait3A_195 : memref<1x64xi32, #tpu.memory_space<vmem>> -> memref<64xi32, #tpu.memory_space<vmem>>
      %dma_wait3A_197 = arith.constant 0 : i32
      %dma_wait3A_198 = arith.constant 0 : i32
      %dma_wait3A_199 = tpu.memref_slice %arg9[%dma_wait3A_197, %dma_wait3A_198] : memref<10112x144xf32, #tpu.memory_space<vmem_shared>> -> memref<10112x144xf32, #tpu.memory_space<vmem_shared>>
      tpu.wait_indirect_dma semaphore(%arg13 : memref<!tpu.dma_semaphore, #tpu.memory_space<semaphore_mem>>) src(%dma_wait3A_193 : memref<64x144xf32, #tpu.memory_space<vmem>>) dst(%dma_wait3A_199 : memref<10112x144xf32, #tpu.memory_space<vmem_shared>>)
      %dma_start3A_200 = arith.constant 1 : i32
      %dma_start3A_201 = arith.constant 0 : i32
      %dma_start3A_202 = arith.constant 0 : i32
      %dma_start3A_203 = tpu.memref_slice %arg8[%dma_start3A_200, %dma_start3A_201, %dma_start3A_202] : memref<2x64x144xf32, #tpu.memory_space<vmem>> -> memref<1x64x144xf32, #tpu.memory_space<vmem>>
      %dma_start3A_204 = tpu.memref_squeeze %dma_start3A_203 : memref<1x64x144xf32, #tpu.memory_space<vmem>> -> memref<64x144xf32, #tpu.memory_space<vmem>>
      %dma_start3A_205 = arith.constant 0 : i32
      %dma_start3A_206 = tpu.memref_slice %arg6[%min3A_186, %dma_start3A_205] : memref<160x64xi32, #tpu.memory_space<vmem>> -> memref<1x64xi32, #tpu.memory_space<vmem>>
      %dma_start3A_207 = tpu.memref_squeeze %dma_start3A_206 : memref<1x64xi32, #tpu.memory_space<vmem>> -> memref<64xi32, #tpu.memory_space<vmem>>
      %dma_start3A_208 = arith.constant 0 : i32
      %dma_start3A_209 = arith.constant 0 : i32
      %dma_start3A_210 = tpu.memref_slice %arg2[%dma_start3A_208, %dma_start3A_209] : memref<20000x144xf32, #tpu.memory_space<hbm>> -> memref<20000x144xf32, #tpu.memory_space<hbm>>
      tpu.enqueue_indirect_dma source(%dma_start3A_210 : memref<20000x144xf32, #tpu.memory_space<hbm>>) target(%dma_start3A_204 : memref<64x144xf32, #tpu.memory_space<vmem>>) offsets(%dma_start3A_207 : memref<64xi32, #tpu.memory_space<vmem>>) semaphore(%arg11 : memref<!tpu.dma_semaphore, #tpu.memory_space<semaphore_mem>>)
      %scan3A_211 = arith.constant 0 : i32
      scf.yield %scan3A_211 : i32
    }
    %scan3A_65 = arith.constant 80 : i32
    %dma_wait3A = arith.constant 0 : i32
    %dma_wait3A_66 = arith.constant 0 : i32
    %dma_wait3A_67 = arith.constant 0 : i32
    %dma_wait3A_68 = arith.constant 0 : i32
    %dma_wait3A_69 = tpu.memref_slice %arg8[%dma_wait3A_66, %dma_wait3A_67, %dma_wait3A_68] : memref<2x64x144xf32, #tpu.memory_space<vmem>> -> memref<1x64x144xf32, #tpu.memory_space<vmem>>
    %dma_wait3A_70 = tpu.memref_squeeze %dma_wait3A_69 : memref<1x64x144xf32, #tpu.memory_space<vmem>> -> memref<64x144xf32, #tpu.memory_space<vmem>>
    %dma_wait3A_71 = arith.constant 0 : i32
    %dma_wait3A_72 = tpu.memref_slice %arg6[%dma_wait3A, %dma_wait3A_71] : memref<160x64xi32, #tpu.memory_space<vmem>> -> memref<1x64xi32, #tpu.memory_space<vmem>>
    %dma_wait3A_73 = tpu.memref_squeeze %dma_wait3A_72 : memref<1x64xi32, #tpu.memory_space<vmem>> -> memref<64xi32, #tpu.memory_space<vmem>>
    %dma_wait3A_74 = arith.constant 0 : i32
    %dma_wait3A_75 = arith.constant 0 : i32
    %dma_wait3A_76 = tpu.memref_slice %arg2[%dma_wait3A_74, %dma_wait3A_75] : memref<20000x144xf32, #tpu.memory_space<hbm>> -> memref<20000x144xf32, #tpu.memory_space<hbm>>
    tpu.wait_indirect_dma semaphore(%arg10 : memref<!tpu.dma_semaphore, #tpu.memory_space<semaphore_mem>>) src(%dma_wait3A_76 : memref<20000x144xf32, #tpu.memory_space<hbm>>) dst(%dma_wait3A_70 : memref<64x144xf32, #tpu.memory_space<vmem>>)
    %dma_wait3A_77 = arith.constant 0 : i32
    %dma_wait3A_78 = arith.constant 1 : i32
    %dma_wait3A_79 = arith.constant 0 : i32
    %dma_wait3A_80 = arith.constant 0 : i32
    %dma_wait3A_81 = tpu.memref_slice %arg8[%dma_wait3A_78, %dma_wait3A_79, %dma_wait3A_80] : memref<2x64x144xf32, #tpu.memory_space<vmem>> -> memref<1x64x144xf32, #tpu.memory_space<vmem>>
    %dma_wait3A_82 = tpu.memref_squeeze %dma_wait3A_81 : memref<1x64x144xf32, #tpu.memory_space<vmem>> -> memref<64x144xf32, #tpu.memory_space<vmem>>
    %dma_wait3A_83 = arith.constant 0 : i32
    %dma_wait3A_84 = tpu.memref_slice %arg6[%dma_wait3A_77, %dma_wait3A_83] : memref<160x64xi32, #tpu.memory_space<vmem>> -> memref<1x64xi32, #tpu.memory_space<vmem>>
    %dma_wait3A_85 = tpu.memref_squeeze %dma_wait3A_84 : memref<1x64xi32, #tpu.memory_space<vmem>> -> memref<64xi32, #tpu.memory_space<vmem>>
    %dma_wait3A_86 = arith.constant 0 : i32
    %dma_wait3A_87 = arith.constant 0 : i32
    %dma_wait3A_88 = tpu.memref_slice %arg2[%dma_wait3A_86, %dma_wait3A_87] : memref<20000x144xf32, #tpu.memory_space<hbm>> -> memref<20000x144xf32, #tpu.memory_space<hbm>>
    tpu.wait_indirect_dma semaphore(%arg11 : memref<!tpu.dma_semaphore, #tpu.memory_space<semaphore_mem>>) src(%dma_wait3A_88 : memref<20000x144xf32, #tpu.memory_space<hbm>>) dst(%dma_wait3A_82 : memref<64x144xf32, #tpu.memory_space<vmem>>)
    %barrier3A_89 = arith.constant 0 : index
    tpu.barrier barrier_id(%barrier3A_89)
    %lt3A = arith.constant 15 : i32
    %lt3A_90 = arith.cmpi slt, %arg1, %lt3A : i32
    %convert_element_type3A = arith.extui %lt3A_90 : i1 to i32
    %cond3A = arith.constant 0 : i32
    %cond3A_91 = arith.cmpi ne, %convert_element_type3A, %cond3A : i32
    scf.if %cond3A_91 {
      "tpu.region"() ({
        %run_scoped3A_96 = tpu.sem_alloc : memref<!tpu.dma_semaphore, #tpu.memory_space<semaphore_mem>>
        %dma_start3A_97 = arith.constant 0 : i32
        %dma_start3A_98 = tpu.memref_slice %arg5[%arg0, %mul3A_7, %dma_start3A_97] : memref<2x10000x144xf32, #tpu.memory_space<hbm>> -> memref<1x632x144xf32, #tpu.memory_space<hbm>>
        %dma_start3A_99 = tpu.memref_squeeze %dma_start3A_98 : memref<1x632x144xf32, #tpu.memory_space<hbm>> -> memref<632x144xf32, #tpu.memory_space<hbm>>
        %dma_start3A_100 = arith.constant 0 : i32
        %dma_start3A_101 = tpu.memref_slice %arg9[%mul3A_7, %dma_start3A_100] : memref<10112x144xf32, #tpu.memory_space<vmem_shared>> -> memref<632x144xf32, #tpu.memory_space<vmem_shared>>
        tpu.enqueue_dma source(%dma_start3A_101 : memref<632x144xf32, #tpu.memory_space<vmem_shared>>) target(%dma_start3A_99 : memref<632x144xf32, #tpu.memory_space<hbm>>) target_semaphore(%run_scoped3A_96 : memref<!tpu.dma_semaphore, #tpu.memory_space<semaphore_mem>>)
        %dma_wait3A_102 = arith.constant 0 : i32
        %dma_wait3A_103 = tpu.memref_slice %arg5[%arg0, %mul3A_7, %dma_wait3A_102] : memref<2x10000x144xf32, #tpu.memory_space<hbm>> -> memref<1x632x144xf32, #tpu.memory_space<hbm>>
        %dma_wait3A_104 = tpu.memref_squeeze %dma_wait3A_103 : memref<1x632x144xf32, #tpu.memory_space<hbm>> -> memref<632x144xf32, #tpu.memory_space<hbm>>
        %dma_wait3A_105 = arith.constant 0 : i32
        %dma_wait3A_106 = tpu.memref_slice %arg9[%mul3A_7, %dma_wait3A_105] : memref<10112x144xf32, #tpu.memory_space<vmem_shared>> -> memref<632x144xf32, #tpu.memory_space<vmem_shared>>
        tpu.wait_dma2 semaphore(%run_scoped3A_96 : memref<!tpu.dma_semaphore, #tpu.memory_space<semaphore_mem>>) src(%dma_wait3A_106 : memref<632x144xf32, #tpu.memory_space<vmem_shared>>) dst(%dma_wait3A_104 : memref<632x144xf32, #tpu.memory_space<hbm>>)
        tpu.yield
      }) : () -> ()
    } else {
    }
    %eq3A = arith.constant 15 : i32
    %eq3A_92 = arith.cmpi eq, %arg1, %eq3A : i32
    %convert_element_type3A_93 = arith.extui %eq3A_92 : i1 to i32
    %cond3A_94 = arith.constant 0 : i32
    %cond3A_95 = arith.cmpi ne, %convert_element_type3A_93, %cond3A_94 : i32
    scf.if %cond3A_95 {
      "tpu.region"() ({
        %run_scoped3A_96 = tpu.sem_alloc : memref<!tpu.dma_semaphore, #tpu.memory_space<semaphore_mem>>
        %dma_start3A_97 = arith.constant 0 : i32
        %dma_start3A_98 = tpu.memref_slice %arg5[%arg0, %mul3A_7, %dma_start3A_97] : memref<2x10000x144xf32, #tpu.memory_space<hbm>> -> memref<1x520x144xf32, #tpu.memory_space<hbm>>
        %dma_start3A_99 = tpu.memref_squeeze %dma_start3A_98 : memref<1x520x144xf32, #tpu.memory_space<hbm>> -> memref<520x144xf32, #tpu.memory_space<hbm>>
        %dma_start3A_100 = arith.constant 0 : i32
        %dma_start3A_101 = tpu.memref_slice %arg9[%mul3A_7, %dma_start3A_100] : memref<10112x144xf32, #tpu.memory_space<vmem_shared>> -> memref<520x144xf32, #tpu.memory_space<vmem_shared>>
        tpu.enqueue_dma source(%dma_start3A_101 : memref<520x144xf32, #tpu.memory_space<vmem_shared>>) target(%dma_start3A_99 : memref<520x144xf32, #tpu.memory_space<hbm>>) target_semaphore(%run_scoped3A_96 : memref<!tpu.dma_semaphore, #tpu.memory_space<semaphore_mem>>)
        %dma_wait3A_102 = arith.constant 0 : i32
        %dma_wait3A_103 = tpu.memref_slice %arg5[%arg0, %mul3A_7, %dma_wait3A_102] : memref<2x10000x144xf32, #tpu.memory_space<hbm>> -> memref<1x520x144xf32, #tpu.memory_space<hbm>>
        %dma_wait3A_104 = tpu.memref_squeeze %dma_wait3A_103 : memref<1x520x144xf32, #tpu.memory_space<hbm>> -> memref<520x144xf32, #tpu.memory_space<hbm>>
        %dma_wait3A_105 = arith.constant 0 : i32
        %dma_wait3A_106 = tpu.memref_slice %arg9[%mul3A_7, %dma_wait3A_105] : memref<10112x144xf32, #tpu.memory_space<vmem_shared>> -> memref<520x144xf32, #tpu.memory_space<vmem_shared>>
        tpu.wait_dma2 semaphore(%run_scoped3A_96 : memref<!tpu.dma_semaphore, #tpu.memory_space<semaphore_mem>>) src(%dma_wait3A_106 : memref<520x144xf32, #tpu.memory_space<vmem_shared>>) dst(%dma_wait3A_104 : memref<520x144xf32, #tpu.memory_space<hbm>>)
        tpu.yield
      }) : () -> ()
    } else {
    }
    return
  }
}

module attributes {stable_mosaic.version = 14 : i64} {
  func.func @_layer_body(%arg0: i32, %arg1: memref<2x400x144xf32, #tpu.memory_space<vmem>>, %arg2: memref<2x400x144xf32, #tpu.memory_space<vmem>>, %arg3: memref<400x1xf32, #tpu.memory_space<vmem>>, %arg4: memref<288x288xf32, #tpu.memory_space<vmem>>, %arg5: memref<288x288xf32, #tpu.memory_space<vmem>>, %arg6: memref<1x288xf32, #tpu.memory_space<vmem>>, %arg7: memref<2x400x144xf32, #tpu.memory_space<vmem>>) attributes {dimension_semantics = [#tpu.dimension_semantics<arbitrary>], iteration_bounds = array<i64: 25>, scalar_prefetch = 0 : i64, scratch_operands = 0 : i64, tpu.core_type = #tpu.core_type<tc>, window_params = [{transform_indices = @transform_0, window_bounds = array<i64: 2, 400, 144>}, {transform_indices = @transform_1, window_bounds = array<i64: 2, 400, 144>}, {transform_indices = @transform_2, window_bounds = array<i64: 400, 1>}, {pipeline_mode = #tpu.pipeline_mode<synchronous>, transform_indices = @transform_3, window_bounds = array<i64: 288, 288>}, {pipeline_mode = #tpu.pipeline_mode<synchronous>, transform_indices = @transform_4, window_bounds = array<i64: 288, 288>}, {pipeline_mode = #tpu.pipeline_mode<synchronous>, transform_indices = @transform_5, window_bounds = array<i64: 1, 288>}, {transform_indices = @transform_6, window_bounds = array<i64: 2, 400, 144>}]} {
    %get3A = arith.constant 0 : index
    %get3A_0 = arith.constant 0 : index
    %get3A_1 = arith.constant 0 : index
    %get3A_2 = vector.load %arg1[%get3A, %get3A_0, %get3A_1] : memref<2x400x144xf32, #tpu.memory_space<vmem>>, vector<1x400x144xf32>
    %get3A_3 = vector.shape_cast %get3A_2 : vector<1x400x144xf32> to vector<400x144xf32>
    %get3A_4 = arith.constant 1 : index
    %get3A_5 = arith.constant 0 : index
    %get3A_6 = arith.constant 0 : index
    %get3A_7 = vector.load %arg1[%get3A_4, %get3A_5, %get3A_6] : memref<2x400x144xf32, #tpu.memory_space<vmem>>, vector<1x400x144xf32>
    %get3A_8 = vector.shape_cast %get3A_7 : vector<1x400x144xf32> to vector<400x144xf32>
    %concatenate3A = tpu.concatenate %get3A_3, %get3A_8 in 1 : vector<400x144xf32>, vector<400x144xf32> -> vector<400x288xf32>
    %get3A_9 = arith.constant 0 : index
    %get3A_10 = arith.constant 0 : index
    %get3A_11 = arith.constant 0 : index
    %get3A_12 = vector.load %arg2[%get3A_9, %get3A_10, %get3A_11] : memref<2x400x144xf32, #tpu.memory_space<vmem>>, vector<1x400x144xf32>
    %get3A_13 = vector.shape_cast %get3A_12 : vector<1x400x144xf32> to vector<400x144xf32>
    %get3A_14 = arith.constant 1 : index
    %get3A_15 = arith.constant 0 : index
    %get3A_16 = arith.constant 0 : index
    %get3A_17 = vector.load %arg2[%get3A_14, %get3A_15, %get3A_16] : memref<2x400x144xf32, #tpu.memory_space<vmem>>, vector<1x400x144xf32>
    %get3A_18 = vector.shape_cast %get3A_17 : vector<1x400x144xf32> to vector<400x144xf32>
    %concatenate3A_19 = tpu.concatenate %get3A_13, %get3A_18 in 1 : vector<400x144xf32>, vector<400x144xf32> -> vector<400x288xf32>
    %add3A = arith.addf %concatenate3A, %concatenate3A_19 : vector<400x288xf32>
    %get3A_20 = arith.constant 0 : index
    %get3A_21 = arith.constant 0 : index
    %get3A_22 = vector.load %arg3[%get3A_20, %get3A_21] : memref<400x1xf32, #tpu.memory_space<vmem>>, vector<400x1xf32>
    %mul3A = vector.broadcast %get3A_22 : vector<400x1xf32> to vector<400x288xf32>
    %mul3A_23 = arith.mulf %add3A, %mul3A : vector<400x288xf32>
    %get3A_24 = arith.constant 0 : index
    %get3A_25 = arith.constant 0 : index
    %get3A_26 = vector.load %arg4[%get3A_24, %get3A_25] : memref<288x288xf32, #tpu.memory_space<vmem>>, vector<288x288xf32>
    %dot_general3A = arith.constant dense<0.000000e+00> : vector<400x288xf32>
    %dot_general3A_27 = tpu.matmul %mul3A_23, %get3A_26, %dot_general3A {dimension_numbers = #tpu.dot_dimension_numbers<[1], [0], [0], [1], [0, 0, 1, 1], [], []>, transpose_lhs_hint = false} : vector<400x288xf32>, vector<288x288xf32>, vector<400x288xf32> -> vector<400x288xf32>
    %get3A_28 = arith.constant 0 : index
    %get3A_29 = arith.constant 0 : index
    %get3A_30 = vector.load %arg6[%get3A_28, %get3A_29] : memref<1x288xf32, #tpu.memory_space<vmem>>, vector<1x288xf32>
    %add3A_31 = vector.broadcast %get3A_30 : vector<1x288xf32> to vector<400x288xf32>
    %add3A_32 = arith.addf %dot_general3A_27, %add3A_31 : vector<400x288xf32>
    %get3A_33 = arith.constant 0 : index
    %get3A_34 = arith.constant 0 : index
    %get3A_35 = vector.load %arg5[%get3A_33, %get3A_34] : memref<288x288xf32, #tpu.memory_space<vmem>>, vector<288x288xf32>
    %dot_general3A_36 = arith.constant dense<0.000000e+00> : vector<400x288xf32>
    %dot_general3A_37 = tpu.matmul %add3A_32, %get3A_35, %dot_general3A_36 {dimension_numbers = #tpu.dot_dimension_numbers<[1], [0], [0], [1], [0, 0, 1, 1], [], []>, transpose_lhs_hint = false} : vector<400x288xf32>, vector<288x288xf32>, vector<400x288xf32> -> vector<400x288xf32>
    %sub3A = arith.subf %add3A_32, %dot_general3A_37 : vector<400x288xf32>
    %mul3A_38 = arith.mulf %sub3A, %sub3A : vector<400x288xf32>
    %get3A_39 = arith.constant 0 : index
    %get3A_40 = arith.constant 0 : index
    %get3A_41 = vector.load %arg5[%get3A_39, %get3A_40] : memref<288x288xf32, #tpu.memory_space<vmem>>, vector<288x288xf32>
    %dot_general3A_42 = arith.constant dense<0.000000e+00> : vector<400x288xf32>
    %dot_general3A_43 = tpu.matmul %mul3A_38, %get3A_41, %dot_general3A_42 {dimension_numbers = #tpu.dot_dimension_numbers<[1], [0], [0], [1], [0, 0, 1, 1], [], []>, transpose_lhs_hint = false} : vector<400x288xf32>, vector<288x288xf32>, vector<400x288xf32> -> vector<400x288xf32>
    %add3A_44 = arith.constant 9.99999974E-6 : f32
    %add3A_45 = vector.broadcast %add3A_44 : f32 to vector<400x288xf32>
    %add3A_46 = arith.addf %dot_general3A_43, %add3A_45 : vector<400x288xf32>
    %rsqrt3A = math.rsqrt %add3A_46 : vector<400x288xf32>
    %mul3A_47 = arith.mulf %sub3A, %rsqrt3A : vector<400x288xf32>
    %max3A = arith.constant 0.000000e+00 : f32
    %max3A_48 = vector.broadcast %max3A : f32 to vector<400x288xf32>
    %max3A_49 = arith.maximumf %mul3A_47, %max3A_48 : vector<400x288xf32>
    %get3A_50 = arith.constant 0 : index
    %get3A_51 = arith.constant 0 : index
    %get3A_52 = vector.load %arg3[%get3A_50, %get3A_51] : memref<400x1xf32, #tpu.memory_space<vmem>>, vector<400x1xf32>
    %mul3A_53 = vector.broadcast %get3A_52 : vector<400x1xf32> to vector<400x288xf32>
    %mul3A_54 = arith.mulf %max3A_49, %mul3A_53 : vector<400x288xf32>
    %slice3A = vector.extract_strided_slice %mul3A_54 {offsets = [0, 0], sizes = [400, 144], strides = [1, 1]} : vector<400x288xf32> to vector<400x144xf32>
    %swap3A = arith.constant 0 : index
    %swap3A_55 = arith.constant 0 : index
    %swap3A_56 = arith.constant 0 : index
    %swap3A_57 = vector.load %arg7[%swap3A, %swap3A_55, %swap3A_56] : memref<2x400x144xf32, #tpu.memory_space<vmem>>, vector<1x400x144xf32>
    %swap3A_58 = vector.shape_cast %swap3A_57 : vector<1x400x144xf32> to vector<400x144xf32>
    %swap3A_59 = vector.shape_cast %slice3A : vector<400x144xf32> to vector<1x400x144xf32>
    tpu.vector_store %arg7[%swap3A, %swap3A_55, %swap3A_56], %swap3A_59 {strides = array<i32>} : memref<2x400x144xf32, #tpu.memory_space<vmem>>, vector<1x400x144xf32>,
    %slice3A_60 = vector.extract_strided_slice %mul3A_54 {offsets = [0, 144], sizes = [400, 144], strides = [1, 1]} : vector<400x288xf32> to vector<400x144xf32>
    %swap3A_61 = arith.constant 1 : index
    %swap3A_62 = arith.constant 0 : index
    %swap3A_63 = arith.constant 0 : index
    %swap3A_64 = vector.load %arg7[%swap3A_61, %swap3A_62, %swap3A_63] : memref<2x400x144xf32, #tpu.memory_space<vmem>>, vector<1x400x144xf32>
    %swap3A_65 = vector.shape_cast %swap3A_64 : vector<1x400x144xf32> to vector<400x144xf32>
    %swap3A_66 = vector.shape_cast %slice3A_60 : vector<400x144xf32> to vector<1x400x144xf32>
    tpu.vector_store %arg7[%swap3A_61, %swap3A_62, %swap3A_63], %swap3A_66 {strides = array<i32>} : memref<2x400x144xf32, #tpu.memory_space<vmem>>, vector<1x400x144xf32>,
    return
  }
  func.func @transform_0(%arg0: i32) -> (i32, i32, i32) {
    %c0_i32 = arith.constant 0 : i32
    %c0_i32_0 = arith.constant 0 : i32
    %c0_i32_1 = arith.constant 0 : i32
    return %c0_i32, %arg0, %c0_i32_0 : i32, i32, i32
  }
  func.func @transform_1(%arg0: i32) -> (i32, i32, i32) {
    %c0_i32 = arith.constant 0 : i32
    %c0_i32_0 = arith.constant 0 : i32
    %c0_i32_1 = arith.constant 0 : i32
    return %c0_i32, %arg0, %c0_i32_0 : i32, i32, i32
  }
  func.func @transform_2(%arg0: i32) -> (i32, i32) {
    %c0_i32 = arith.constant 0 : i32
    %c0_i32_0 = arith.constant 0 : i32
    return %arg0, %c0_i32 : i32, i32
  }
  func.func @transform_3(%arg0: i32) -> (i32, i32) {
    %c0_i32 = arith.constant 0 : i32
    %c0_i32_0 = arith.constant 0 : i32
    %c0_i32_1 = arith.constant 0 : i32
    return %c0_i32, %c0_i32_0 : i32, i32
  }
  func.func @transform_4(%arg0: i32) -> (i32, i32) {
    %c0_i32 = arith.constant 0 : i32
    %c0_i32_0 = arith.constant 0 : i32
    %c0_i32_1 = arith.constant 0 : i32
    return %c0_i32, %c0_i32_0 : i32, i32
  }
  func.func @transform_5(%arg0: i32) -> (i32, i32) {
    %c0_i32 = arith.constant 0 : i32
    %c0_i32_0 = arith.constant 0 : i32
    %c0_i32_1 = arith.constant 0 : i32
    return %c0_i32, %c0_i32_0 : i32, i32
  }
  func.func @transform_6(%arg0: i32) -> (i32, i32, i32) {
    %c0_i32 = arith.constant 0 : i32
    %c0_i32_0 = arith.constant 0 : i32
    %c0_i32_1 = arith.constant 0 : i32
    return %c0_i32, %arg0, %c0_i32_0 : i32, i32, i32
  }
}

module attributes {stable_mosaic.version = 14 : i64} {
  func.func @_layer3_body(%arg0: i32, %arg1: memref<2x400x144xf32, #tpu.memory_space<vmem>>, %arg2: memref<2x400x144xf32, #tpu.memory_space<vmem>>, %arg3: memref<400x1xf32, #tpu.memory_space<vmem>>, %arg4: memref<288x288xf32, #tpu.memory_space<vmem>>, %arg5: memref<288x288xf32, #tpu.memory_space<vmem>>, %arg6: memref<1x288xf32, #tpu.memory_space<vmem>>, %arg7: memref<288x288xf32, #tpu.memory_space<vmem>>, %arg8: memref<400x9x256xf32, #tpu.memory_space<vmem>>, %arg9: memref<400x9x256xf32, #tpu.memory_space<vmem>>, %arg10: memref<1x256xf32, #tpu.memory_space<vmem>>, %arg11: memref<1x256xf32, #tpu.memory_space<vmem>>, %arg12: memref<32x256xf32, #tpu.memory_space<vmem>>, %arg13: memref<32x256xf32, #tpu.memory_space<vmem>>, %arg14: memref<32x256xf32, #tpu.memory_space<vmem>>, %arg15: memref<32x256xf32, #tpu.memory_space<vmem>>) attributes {dimension_semantics = [#tpu.dimension_semantics<arbitrary>], iteration_bounds = array<i64: 25>, scalar_prefetch = 0 : i64, scratch_operands = 2 : i64, tpu.core_type = #tpu.core_type<tc>, window_params = [{transform_indices = @transform_0, window_bounds = array<i64: 2, 400, 144>}, {transform_indices = @transform_1, window_bounds = array<i64: 2, 400, 144>}, {transform_indices = @transform_2, window_bounds = array<i64: 400, 1>}, {pipeline_mode = #tpu.pipeline_mode<synchronous>, transform_indices = @transform_3, window_bounds = array<i64: 288, 288>}, {pipeline_mode = #tpu.pipeline_mode<synchronous>, transform_indices = @transform_4, window_bounds = array<i64: 288, 288>}, {pipeline_mode = #tpu.pipeline_mode<synchronous>, transform_indices = @transform_5, window_bounds = array<i64: 1, 288>}, {pipeline_mode = #tpu.pipeline_mode<synchronous>, transform_indices = @transform_6, window_bounds = array<i64: 288, 288>}, {transform_indices = @transform_7, window_bounds = array<i64: 400, 9, 256>}, {transform_indices = @transform_8, window_bounds = array<i64: 400, 9, 256>}, {pipeline_mode = #tpu.pipeline_mode<synchronous>, transform_indices = @transform_9, window_bounds = array<i64: 1, 256>}, {pipeline_mode = #tpu.pipeline_mode<synchronous>, transform_indices = @transform_10, window_bounds = array<i64: 1, 256>}, {pipeline_mode = #tpu.pipeline_mode<synchronous>, transform_indices = @transform_11, window_bounds = array<i64: 32, 256>}, {pipeline_mode = #tpu.pipeline_mode<synchronous>, transform_indices = @transform_12, window_bounds = array<i64: 32, 256>}]} {
    %eq3A = arith.constant 0 : i32
    %eq3A_0 = arith.cmpi eq, %arg0, %eq3A : i32
    %convert_element_type3A = arith.extui %eq3A_0 : i1 to i32
    %cond3A = arith.constant 0 : i32
    %cond3A_1 = arith.cmpi ne, %convert_element_type3A, %cond3A : i32
    scf.if %cond3A_1 {
      %broadcast_in_dim3A = arith.constant 0.000000e+00 : f32
      %broadcast_in_dim3A_225 = vector.broadcast %broadcast_in_dim3A : f32 to vector<32x256xf32>
      %swap3A_226 = arith.constant 0 : index
      %swap3A_227 = arith.constant 0 : index
      %swap3A_228 = vector.load %arg14[%swap3A_226, %swap3A_227] : memref<32x256xf32, #tpu.memory_space<vmem>>, vector<32x256xf32>
      tpu.vector_store %arg14[%swap3A_226, %swap3A_227], %broadcast_in_dim3A_225 {strides = array<i32>} : memref<32x256xf32, #tpu.memory_space<vmem>>, vector<32x256xf32>,
      %broadcast_in_dim3A_229 = arith.constant 0.000000e+00 : f32
      %broadcast_in_dim3A_230 = vector.broadcast %broadcast_in_dim3A_229 : f32 to vector<32x256xf32>
      %swap3A_231 = arith.constant 0 : index
      %swap3A_232 = arith.constant 0 : index
      %swap3A_233 = vector.load %arg15[%swap3A_231, %swap3A_232] : memref<32x256xf32, #tpu.memory_space<vmem>>, vector<32x256xf32>
      tpu.vector_store %arg15[%swap3A_231, %swap3A_232], %broadcast_in_dim3A_230 {strides = array<i32>} : memref<32x256xf32, #tpu.memory_space<vmem>>, vector<32x256xf32>,
    } else {
    }
    %get3A = arith.constant 0 : index
    %get3A_2 = arith.constant 0 : index
    %get3A_3 = arith.constant 0 : index
    %get3A_4 = vector.load %arg1[%get3A, %get3A_2, %get3A_3] : memref<2x400x144xf32, #tpu.memory_space<vmem>>, vector<1x400x144xf32>
    %get3A_5 = vector.shape_cast %get3A_4 : vector<1x400x144xf32> to vector<400x144xf32>
    %get3A_6 = arith.constant 1 : index
    %get3A_7 = arith.constant 0 : index
    %get3A_8 = arith.constant 0 : index
    %get3A_9 = vector.load %arg1[%get3A_6, %get3A_7, %get3A_8] : memref<2x400x144xf32, #tpu.memory_space<vmem>>, vector<1x400x144xf32>
    %get3A_10 = vector.shape_cast %get3A_9 : vector<1x400x144xf32> to vector<400x144xf32>
    %concatenate3A = tpu.concatenate %get3A_5, %get3A_10 in 1 : vector<400x144xf32>, vector<400x144xf32> -> vector<400x288xf32>
    %get3A_11 = arith.constant 0 : index
    %get3A_12 = arith.constant 0 : index
    %get3A_13 = arith.constant 0 : index
    %get3A_14 = vector.load %arg2[%get3A_11, %get3A_12, %get3A_13] : memref<2x400x144xf32, #tpu.memory_space<vmem>>, vector<1x400x144xf32>
    %get3A_15 = vector.shape_cast %get3A_14 : vector<1x400x144xf32> to vector<400x144xf32>
    %get3A_16 = arith.constant 1 : index
    %get3A_17 = arith.constant 0 : index
    %get3A_18 = arith.constant 0 : index
    %get3A_19 = vector.load %arg2[%get3A_16, %get3A_17, %get3A_18] : memref<2x400x144xf32, #tpu.memory_space<vmem>>, vector<1x400x144xf32>
    %get3A_20 = vector.shape_cast %get3A_19 : vector<1x400x144xf32> to vector<400x144xf32>
    %concatenate3A_21 = tpu.concatenate %get3A_15, %get3A_20 in 1 : vector<400x144xf32>, vector<400x144xf32> -> vector<400x288xf32>
    %add3A = arith.addf %concatenate3A, %concatenate3A_21 : vector<400x288xf32>
    %get3A_22 = arith.constant 0 : index
    %get3A_23 = arith.constant 0 : index
    %get3A_24 = vector.load %arg3[%get3A_22, %get3A_23] : memref<400x1xf32, #tpu.memory_space<vmem>>, vector<400x1xf32>
    %mul3A = vector.broadcast %get3A_24 : vector<400x1xf32> to vector<400x288xf32>
    %mul3A_25 = arith.mulf %add3A, %mul3A : vector<400x288xf32>
    %get3A_26 = arith.constant 0 : index
    %get3A_27 = arith.constant 0 : index
    %get3A_28 = vector.load %arg4[%get3A_26, %get3A_27] : memref<288x288xf32, #tpu.memory_space<vmem>>, vector<288x288xf32>
    %dot_general3A = arith.constant dense<0.000000e+00> : vector<400x288xf32>
    %dot_general3A_29 = tpu.matmul %mul3A_25, %get3A_28, %dot_general3A {dimension_numbers = #tpu.dot_dimension_numbers<[1], [0], [0], [1], [0, 0, 1, 1], [], []>, transpose_lhs_hint = false} : vector<400x288xf32>, vector<288x288xf32>, vector<400x288xf32> -> vector<400x288xf32>
    %get3A_30 = arith.constant 0 : index
    %get3A_31 = arith.constant 0 : index
    %get3A_32 = vector.load %arg6[%get3A_30, %get3A_31] : memref<1x288xf32, #tpu.memory_space<vmem>>, vector<1x288xf32>
    %add3A_33 = vector.broadcast %get3A_32 : vector<1x288xf32> to vector<400x288xf32>
    %add3A_34 = arith.addf %dot_general3A_29, %add3A_33 : vector<400x288xf32>
    %get3A_35 = arith.constant 0 : index
    %get3A_36 = arith.constant 0 : index
    %get3A_37 = vector.load %arg5[%get3A_35, %get3A_36] : memref<288x288xf32, #tpu.memory_space<vmem>>, vector<288x288xf32>
    %dot_general3A_38 = arith.constant dense<0.000000e+00> : vector<400x288xf32>
    %dot_general3A_39 = tpu.matmul %add3A_34, %get3A_37, %dot_general3A_38 {dimension_numbers = #tpu.dot_dimension_numbers<[1], [0], [0], [1], [0, 0, 1, 1], [], []>, transpose_lhs_hint = false} : vector<400x288xf32>, vector<288x288xf32>, vector<400x288xf32> -> vector<400x288xf32>
    %sub3A = arith.subf %add3A_34, %dot_general3A_39 : vector<400x288xf32>
    %mul3A_40 = arith.mulf %sub3A, %sub3A : vector<400x288xf32>
    %get3A_41 = arith.constant 0 : index
    %get3A_42 = arith.constant 0 : index
    %get3A_43 = vector.load %arg5[%get3A_41, %get3A_42] : memref<288x288xf32, #tpu.memory_space<vmem>>, vector<288x288xf32>
    %dot_general3A_44 = arith.constant dense<0.000000e+00> : vector<400x288xf32>
    %dot_general3A_45 = tpu.matmul %mul3A_40, %get3A_43, %dot_general3A_44 {dimension_numbers = #tpu.dot_dimension_numbers<[1], [0], [0], [1], [0, 0, 1, 1], [], []>, transpose_lhs_hint = false} : vector<400x288xf32>, vector<288x288xf32>, vector<400x288xf32> -> vector<400x288xf32>
    %add3A_46 = arith.constant 9.99999974E-6 : f32
    %add3A_47 = vector.broadcast %add3A_46 : f32 to vector<400x288xf32>
    %add3A_48 = arith.addf %dot_general3A_45, %add3A_47 : vector<400x288xf32>
    %rsqrt3A = math.rsqrt %add3A_48 : vector<400x288xf32>
    %mul3A_49 = arith.mulf %sub3A, %rsqrt3A : vector<400x288xf32>
    %max3A = arith.constant 0.000000e+00 : f32
    %max3A_50 = vector.broadcast %max3A : f32 to vector<400x288xf32>
    %max3A_51 = arith.maximumf %mul3A_49, %max3A_50 : vector<400x288xf32>
    %get3A_52 = arith.constant 0 : index
    %get3A_53 = arith.constant 0 : index
    %get3A_54 = vector.load %arg7[%get3A_52, %get3A_53] : memref<288x288xf32, #tpu.memory_space<vmem>>, vector<288x288xf32>
    %dot_general3A_55 = arith.constant dense<0.000000e+00> : vector<400x288xf32>
    %dot_general3A_56 = tpu.matmul %max3A_51, %get3A_54, %dot_general3A_55 {dimension_numbers = #tpu.dot_dimension_numbers<[1], [0], [0], [1], [0, 0, 1, 1], [], []>, transpose_lhs_hint = false} : vector<400x288xf32>, vector<288x288xf32>, vector<400x288xf32> -> vector<400x288xf32>
    %get3A_57 = arith.constant 0 : index
    %get3A_58 = arith.constant 0 : index
    %get3A_59 = vector.load %arg14[%get3A_57, %get3A_58] : memref<32x256xf32, #tpu.memory_space<vmem>>, vector<32x256xf32>
    %get3A_60 = arith.constant 0 : index
    %get3A_61 = arith.constant 0 : index
    %get3A_62 = vector.load %arg15[%get3A_60, %get3A_61] : memref<32x256xf32, #tpu.memory_space<vmem>>, vector<32x256xf32>
    %slice3A = vector.extract_strided_slice %dot_general3A_56 {offsets = [0, 0], sizes = [400, 32], strides = [1, 1]} : vector<400x288xf32> to vector<400x32xf32>
    %get3A_63 = arith.constant 0 : index
    %get3A_64 = arith.constant 0 : index
    %get3A_65 = arith.constant 0 : index
    %get3A_66 = vector.load %arg8[%get3A_63, %get3A_64, %get3A_65] : memref<400x9x256xf32, #tpu.memory_space<vmem>>, vector<400x1x256xf32>
    %get3A_67 = vector.shape_cast %get3A_66 : vector<400x1x256xf32> to vector<400x256xf32>
    %dot_general3A_68 = arith.constant dense<0.000000e+00> : vector<32x256xf32>
    %dot_general3A_69 = tpu.matmul %slice3A, %get3A_67, %dot_general3A_68 {dimension_numbers = #tpu.dot_dimension_numbers<[0], [0], [1], [1], [0, 1, 1, 1], [], []>, transpose_lhs_hint = false} : vector<400x32xf32>, vector<400x256xf32>, vector<32x256xf32> -> vector<32x256xf32>
    %add3A_70 = arith.addf %get3A_59, %dot_general3A_69 : vector<32x256xf32>
    %get3A_71 = arith.constant 0 : index
    %get3A_72 = arith.constant 0 : index
    %get3A_73 = arith.constant 0 : index
    %get3A_74 = vector.load %arg9[%get3A_71, %get3A_72, %get3A_73] : memref<400x9x256xf32, #tpu.memory_space<vmem>>, vector<400x1x256xf32>
    %get3A_75 = vector.shape_cast %get3A_74 : vector<400x1x256xf32> to vector<400x256xf32>
    %dot_general3A_76 = arith.constant dense<0.000000e+00> : vector<32x256xf32>
    %dot_general3A_77 = tpu.matmul %slice3A, %get3A_75, %dot_general3A_76 {dimension_numbers = #tpu.dot_dimension_numbers<[0], [0], [1], [1], [0, 1, 1, 1], [], []>, transpose_lhs_hint = false} : vector<400x32xf32>, vector<400x256xf32>, vector<32x256xf32> -> vector<32x256xf32>
    %add3A_78 = arith.addf %get3A_62, %dot_general3A_77 : vector<32x256xf32>
    %slice3A_79 = vector.extract_strided_slice %dot_general3A_56 {offsets = [0, 32], sizes = [400, 32], strides = [1, 1]} : vector<400x288xf32> to vector<400x32xf32>
    %get3A_80 = arith.constant 0 : index
    %get3A_81 = arith.constant 1 : index
    %get3A_82 = arith.constant 0 : index
    %get3A_83 = vector.load %arg8[%get3A_80, %get3A_81, %get3A_82] : memref<400x9x256xf32, #tpu.memory_space<vmem>>, vector<400x1x256xf32>
    %get3A_84 = vector.shape_cast %get3A_83 : vector<400x1x256xf32> to vector<400x256xf32>
    %dot_general3A_85 = arith.constant dense<0.000000e+00> : vector<32x256xf32>
    %dot_general3A_86 = tpu.matmul %slice3A_79, %get3A_84, %dot_general3A_85 {dimension_numbers = #tpu.dot_dimension_numbers<[0], [0], [1], [1], [0, 1, 1, 1], [], []>, transpose_lhs_hint = false} : vector<400x32xf32>, vector<400x256xf32>, vector<32x256xf32> -> vector<32x256xf32>
    %add3A_87 = arith.addf %add3A_70, %dot_general3A_86 : vector<32x256xf32>
    %get3A_88 = arith.constant 0 : index
    %get3A_89 = arith.constant 1 : index
    %get3A_90 = arith.constant 0 : index
    %get3A_91 = vector.load %arg9[%get3A_88, %get3A_89, %get3A_90] : memref<400x9x256xf32, #tpu.memory_space<vmem>>, vector<400x1x256xf32>
    %get3A_92 = vector.shape_cast %get3A_91 : vector<400x1x256xf32> to vector<400x256xf32>
    %dot_general3A_93 = arith.constant dense<0.000000e+00> : vector<32x256xf32>
    %dot_general3A_94 = tpu.matmul %slice3A_79, %get3A_92, %dot_general3A_93 {dimension_numbers = #tpu.dot_dimension_numbers<[0], [0], [1], [1], [0, 1, 1, 1], [], []>, transpose_lhs_hint = false} : vector<400x32xf32>, vector<400x256xf32>, vector<32x256xf32> -> vector<32x256xf32>
    %add3A_95 = arith.addf %add3A_78, %dot_general3A_94 : vector<32x256xf32>
    %slice3A_96 = vector.extract_strided_slice %dot_general3A_56 {offsets = [0, 64], sizes = [400, 32], strides = [1, 1]} : vector<400x288xf32> to vector<400x32xf32>
    %get3A_97 = arith.constant 0 : index
    %get3A_98 = arith.constant 2 : index
    %get3A_99 = arith.constant 0 : index
    %get3A_100 = vector.load %arg8[%get3A_97, %get3A_98, %get3A_99] : memref<400x9x256xf32, #tpu.memory_space<vmem>>, vector<400x1x256xf32>
    %get3A_101 = vector.shape_cast %get3A_100 : vector<400x1x256xf32> to vector<400x256xf32>
    %dot_general3A_102 = arith.constant dense<0.000000e+00> : vector<32x256xf32>
    %dot_general3A_103 = tpu.matmul %slice3A_96, %get3A_101, %dot_general3A_102 {dimension_numbers = #tpu.dot_dimension_numbers<[0], [0], [1], [1], [0, 1, 1, 1], [], []>, transpose_lhs_hint = false} : vector<400x32xf32>, vector<400x256xf32>, vector<32x256xf32> -> vector<32x256xf32>
    %add3A_104 = arith.addf %add3A_87, %dot_general3A_103 : vector<32x256xf32>
    %get3A_105 = arith.constant 0 : index
    %get3A_106 = arith.constant 2 : index
    %get3A_107 = arith.constant 0 : index
    %get3A_108 = vector.load %arg9[%get3A_105, %get3A_106, %get3A_107] : memref<400x9x256xf32, #tpu.memory_space<vmem>>, vector<400x1x256xf32>
    %get3A_109 = vector.shape_cast %get3A_108 : vector<400x1x256xf32> to vector<400x256xf32>
    %dot_general3A_110 = arith.constant dense<0.000000e+00> : vector<32x256xf32>
    %dot_general3A_111 = tpu.matmul %slice3A_96, %get3A_109, %dot_general3A_110 {dimension_numbers = #tpu.dot_dimension_numbers<[0], [0], [1], [1], [0, 1, 1, 1], [], []>, transpose_lhs_hint = false} : vector<400x32xf32>, vector<400x256xf32>, vector<32x256xf32> -> vector<32x256xf32>
    %add3A_112 = arith.addf %add3A_95, %dot_general3A_111 : vector<32x256xf32>
    %slice3A_113 = vector.extract_strided_slice %dot_general3A_56 {offsets = [0, 96], sizes = [400, 32], strides = [1, 1]} : vector<400x288xf32> to vector<400x32xf32>
    %get3A_114 = arith.constant 0 : index
    %get3A_115 = arith.constant 3 : index
    %get3A_116 = arith.constant 0 : index
    %get3A_117 = vector.load %arg8[%get3A_114, %get3A_115, %get3A_116] : memref<400x9x256xf32, #tpu.memory_space<vmem>>, vector<400x1x256xf32>
    %get3A_118 = vector.shape_cast %get3A_117 : vector<400x1x256xf32> to vector<400x256xf32>
    %dot_general3A_119 = arith.constant dense<0.000000e+00> : vector<32x256xf32>
    %dot_general3A_120 = tpu.matmul %slice3A_113, %get3A_118, %dot_general3A_119 {dimension_numbers = #tpu.dot_dimension_numbers<[0], [0], [1], [1], [0, 1, 1, 1], [], []>, transpose_lhs_hint = false} : vector<400x32xf32>, vector<400x256xf32>, vector<32x256xf32> -> vector<32x256xf32>
    %add3A_121 = arith.addf %add3A_104, %dot_general3A_120 : vector<32x256xf32>
    %get3A_122 = arith.constant 0 : index
    %get3A_123 = arith.constant 3 : index
    %get3A_124 = arith.constant 0 : index
    %get3A_125 = vector.load %arg9[%get3A_122, %get3A_123, %get3A_124] : memref<400x9x256xf32, #tpu.memory_space<vmem>>, vector<400x1x256xf32>
    %get3A_126 = vector.shape_cast %get3A_125 : vector<400x1x256xf32> to vector<400x256xf32>
    %dot_general3A_127 = arith.constant dense<0.000000e+00> : vector<32x256xf32>
    %dot_general3A_128 = tpu.matmul %slice3A_113, %get3A_126, %dot_general3A_127 {dimension_numbers = #tpu.dot_dimension_numbers<[0], [0], [1], [1], [0, 1, 1, 1], [], []>, transpose_lhs_hint = false} : vector<400x32xf32>, vector<400x256xf32>, vector<32x256xf32> -> vector<32x256xf32>
    %add3A_129 = arith.addf %add3A_112, %dot_general3A_128 : vector<32x256xf32>
    %slice3A_130 = vector.extract_strided_slice %dot_general3A_56 {offsets = [0, 128], sizes = [400, 32], strides = [1, 1]} : vector<400x288xf32> to vector<400x32xf32>
    %get3A_131 = arith.constant 0 : index
    %get3A_132 = arith.constant 4 : index
    %get3A_133 = arith.constant 0 : index
    %get3A_134 = vector.load %arg8[%get3A_131, %get3A_132, %get3A_133] : memref<400x9x256xf32, #tpu.memory_space<vmem>>, vector<400x1x256xf32>
    %get3A_135 = vector.shape_cast %get3A_134 : vector<400x1x256xf32> to vector<400x256xf32>
    %dot_general3A_136 = arith.constant dense<0.000000e+00> : vector<32x256xf32>
    %dot_general3A_137 = tpu.matmul %slice3A_130, %get3A_135, %dot_general3A_136 {dimension_numbers = #tpu.dot_dimension_numbers<[0], [0], [1], [1], [0, 1, 1, 1], [], []>, transpose_lhs_hint = false} : vector<400x32xf32>, vector<400x256xf32>, vector<32x256xf32> -> vector<32x256xf32>
    %add3A_138 = arith.addf %add3A_121, %dot_general3A_137 : vector<32x256xf32>
    %get3A_139 = arith.constant 0 : index
    %get3A_140 = arith.constant 4 : index
    %get3A_141 = arith.constant 0 : index
    %get3A_142 = vector.load %arg9[%get3A_139, %get3A_140, %get3A_141] : memref<400x9x256xf32, #tpu.memory_space<vmem>>, vector<400x1x256xf32>
    %get3A_143 = vector.shape_cast %get3A_142 : vector<400x1x256xf32> to vector<400x256xf32>
    %dot_general3A_144 = arith.constant dense<0.000000e+00> : vector<32x256xf32>
    %dot_general3A_145 = tpu.matmul %slice3A_130, %get3A_143, %dot_general3A_144 {dimension_numbers = #tpu.dot_dimension_numbers<[0], [0], [1], [1], [0, 1, 1, 1], [], []>, transpose_lhs_hint = false} : vector<400x32xf32>, vector<400x256xf32>, vector<32x256xf32> -> vector<32x256xf32>
    %add3A_146 = arith.addf %add3A_129, %dot_general3A_145 : vector<32x256xf32>
    %slice3A_147 = vector.extract_strided_slice %dot_general3A_56 {offsets = [0, 160], sizes = [400, 32], strides = [1, 1]} : vector<400x288xf32> to vector<400x32xf32>
    %get3A_148 = arith.constant 0 : index
    %get3A_149 = arith.constant 5 : index
    %get3A_150 = arith.constant 0 : index
    %get3A_151 = vector.load %arg8[%get3A_148, %get3A_149, %get3A_150] : memref<400x9x256xf32, #tpu.memory_space<vmem>>, vector<400x1x256xf32>
    %get3A_152 = vector.shape_cast %get3A_151 : vector<400x1x256xf32> to vector<400x256xf32>
    %dot_general3A_153 = arith.constant dense<0.000000e+00> : vector<32x256xf32>
    %dot_general3A_154 = tpu.matmul %slice3A_147, %get3A_152, %dot_general3A_153 {dimension_numbers = #tpu.dot_dimension_numbers<[0], [0], [1], [1], [0, 1, 1, 1], [], []>, transpose_lhs_hint = false} : vector<400x32xf32>, vector<400x256xf32>, vector<32x256xf32> -> vector<32x256xf32>
    %add3A_155 = arith.addf %add3A_138, %dot_general3A_154 : vector<32x256xf32>
    %get3A_156 = arith.constant 0 : index
    %get3A_157 = arith.constant 5 : index
    %get3A_158 = arith.constant 0 : index
    %get3A_159 = vector.load %arg9[%get3A_156, %get3A_157, %get3A_158] : memref<400x9x256xf32, #tpu.memory_space<vmem>>, vector<400x1x256xf32>
    %get3A_160 = vector.shape_cast %get3A_159 : vector<400x1x256xf32> to vector<400x256xf32>
    %dot_general3A_161 = arith.constant dense<0.000000e+00> : vector<32x256xf32>
    %dot_general3A_162 = tpu.matmul %slice3A_147, %get3A_160, %dot_general3A_161 {dimension_numbers = #tpu.dot_dimension_numbers<[0], [0], [1], [1], [0, 1, 1, 1], [], []>, transpose_lhs_hint = false} : vector<400x32xf32>, vector<400x256xf32>, vector<32x256xf32> -> vector<32x256xf32>
    %add3A_163 = arith.addf %add3A_146, %dot_general3A_162 : vector<32x256xf32>
    %slice3A_164 = vector.extract_strided_slice %dot_general3A_56 {offsets = [0, 192], sizes = [400, 32], strides = [1, 1]} : vector<400x288xf32> to vector<400x32xf32>
    %get3A_165 = arith.constant 0 : index
    %get3A_166 = arith.constant 6 : index
    %get3A_167 = arith.constant 0 : index
    %get3A_168 = vector.load %arg8[%get3A_165, %get3A_166, %get3A_167] : memref<400x9x256xf32, #tpu.memory_space<vmem>>, vector<400x1x256xf32>
    %get3A_169 = vector.shape_cast %get3A_168 : vector<400x1x256xf32> to vector<400x256xf32>
    %dot_general3A_170 = arith.constant dense<0.000000e+00> : vector<32x256xf32>
    %dot_general3A_171 = tpu.matmul %slice3A_164, %get3A_169, %dot_general3A_170 {dimension_numbers = #tpu.dot_dimension_numbers<[0], [0], [1], [1], [0, 1, 1, 1], [], []>, transpose_lhs_hint = false} : vector<400x32xf32>, vector<400x256xf32>, vector<32x256xf32> -> vector<32x256xf32>
    %add3A_172 = arith.addf %add3A_155, %dot_general3A_171 : vector<32x256xf32>
    %get3A_173 = arith.constant 0 : index
    %get3A_174 = arith.constant 6 : index
    %get3A_175 = arith.constant 0 : index
    %get3A_176 = vector.load %arg9[%get3A_173, %get3A_174, %get3A_175] : memref<400x9x256xf32, #tpu.memory_space<vmem>>, vector<400x1x256xf32>
    %get3A_177 = vector.shape_cast %get3A_176 : vector<400x1x256xf32> to vector<400x256xf32>
    %dot_general3A_178 = arith.constant dense<0.000000e+00> : vector<32x256xf32>
    %dot_general3A_179 = tpu.matmul %slice3A_164, %get3A_177, %dot_general3A_178 {dimension_numbers = #tpu.dot_dimension_numbers<[0], [0], [1], [1], [0, 1, 1, 1], [], []>, transpose_lhs_hint = false} : vector<400x32xf32>, vector<400x256xf32>, vector<32x256xf32> -> vector<32x256xf32>
    %add3A_180 = arith.addf %add3A_163, %dot_general3A_179 : vector<32x256xf32>
    %slice3A_181 = vector.extract_strided_slice %dot_general3A_56 {offsets = [0, 224], sizes = [400, 32], strides = [1, 1]} : vector<400x288xf32> to vector<400x32xf32>
    %get3A_182 = arith.constant 0 : index
    %get3A_183 = arith.constant 7 : index
    %get3A_184 = arith.constant 0 : index
    %get3A_185 = vector.load %arg8[%get3A_182, %get3A_183, %get3A_184] : memref<400x9x256xf32, #tpu.memory_space<vmem>>, vector<400x1x256xf32>
    %get3A_186 = vector.shape_cast %get3A_185 : vector<400x1x256xf32> to vector<400x256xf32>
    %dot_general3A_187 = arith.constant dense<0.000000e+00> : vector<32x256xf32>
    %dot_general3A_188 = tpu.matmul %slice3A_181, %get3A_186, %dot_general3A_187 {dimension_numbers = #tpu.dot_dimension_numbers<[0], [0], [1], [1], [0, 1, 1, 1], [], []>, transpose_lhs_hint = false} : vector<400x32xf32>, vector<400x256xf32>, vector<32x256xf32> -> vector<32x256xf32>
    %add3A_189 = arith.addf %add3A_172, %dot_general3A_188 : vector<32x256xf32>
    %get3A_190 = arith.constant 0 : index
    %get3A_191 = arith.constant 7 : index
    %get3A_192 = arith.constant 0 : index
    %get3A_193 = vector.load %arg9[%get3A_190, %get3A_191, %get3A_192] : memref<400x9x256xf32, #tpu.memory_space<vmem>>, vector<400x1x256xf32>
    %get3A_194 = vector.shape_cast %get3A_193 : vector<400x1x256xf32> to vector<400x256xf32>
    %dot_general3A_195 = arith.constant dense<0.000000e+00> : vector<32x256xf32>
    %dot_general3A_196 = tpu.matmul %slice3A_181, %get3A_194, %dot_general3A_195 {dimension_numbers = #tpu.dot_dimension_numbers<[0], [0], [1], [1], [0, 1, 1, 1], [], []>, transpose_lhs_hint = false} : vector<400x32xf32>, vector<400x256xf32>, vector<32x256xf32> -> vector<32x256xf32>
    %add3A_197 = arith.addf %add3A_180, %dot_general3A_196 : vector<32x256xf32>
    %slice3A_198 = vector.extract_strided_slice %dot_general3A_56 {offsets = [0, 256], sizes = [400, 32], strides = [1, 1]} : vector<400x288xf32> to vector<400x32xf32>
    %get3A_199 = arith.constant 0 : index
    %get3A_200 = arith.constant 8 : index
    %get3A_201 = arith.constant 0 : index
    %get3A_202 = vector.load %arg8[%get3A_199, %get3A_200, %get3A_201] : memref<400x9x256xf32, #tpu.memory_space<vmem>>, vector<400x1x256xf32>
    %get3A_203 = vector.shape_cast %get3A_202 : vector<400x1x256xf32> to vector<400x256xf32>
    %dot_general3A_204 = arith.constant dense<0.000000e+00> : vector<32x256xf32>
    %dot_general3A_205 = tpu.matmul %slice3A_198, %get3A_203, %dot_general3A_204 {dimension_numbers = #tpu.dot_dimension_numbers<[0], [0], [1], [1], [0, 1, 1, 1], [], []>, transpose_lhs_hint = false} : vector<400x32xf32>, vector<400x256xf32>, vector<32x256xf32> -> vector<32x256xf32>
    %add3A_206 = arith.addf %add3A_189, %dot_general3A_205 : vector<32x256xf32>
    %get3A_207 = arith.constant 0 : index
    %get3A_208 = arith.constant 8 : index
    %get3A_209 = arith.constant 0 : index
    %get3A_210 = vector.load %arg9[%get3A_207, %get3A_208, %get3A_209] : memref<400x9x256xf32, #tpu.memory_space<vmem>>, vector<400x1x256xf32>
    %get3A_211 = vector.shape_cast %get3A_210 : vector<400x1x256xf32> to vector<400x256xf32>
    %dot_general3A_212 = arith.constant dense<0.000000e+00> : vector<32x256xf32>
    %dot_general3A_213 = tpu.matmul %slice3A_198, %get3A_211, %dot_general3A_212 {dimension_numbers = #tpu.dot_dimension_numbers<[0], [0], [1], [1], [0, 1, 1, 1], [], []>, transpose_lhs_hint = false} : vector<400x32xf32>, vector<400x256xf32>, vector<32x256xf32> -> vector<32x256xf32>
    %add3A_214 = arith.addf %add3A_197, %dot_general3A_213 : vector<32x256xf32>
    %swap3A = arith.constant 0 : index
    %swap3A_215 = arith.constant 0 : index
    %swap3A_216 = vector.load %arg14[%swap3A, %swap3A_215] : memref<32x256xf32, #tpu.memory_space<vmem>>, vector<32x256xf32>
    tpu.vector_store %arg14[%swap3A, %swap3A_215], %add3A_206 {strides = array<i32>} : memref<32x256xf32, #tpu.memory_space<vmem>>, vector<32x256xf32>,
    %swap3A_217 = arith.constant 0 : index
    %swap3A_218 = arith.constant 0 : index
    %swap3A_219 = vector.load %arg15[%swap3A_217, %swap3A_218] : memref<32x256xf32, #tpu.memory_space<vmem>>, vector<32x256xf32>
    tpu.vector_store %arg15[%swap3A_217, %swap3A_218], %add3A_214 {strides = array<i32>} : memref<32x256xf32, #tpu.memory_space<vmem>>, vector<32x256xf32>,
    %eq3A_220 = arith.constant 24 : i32
    %eq3A_221 = arith.cmpi eq, %arg0, %eq3A_220 : i32
    %convert_element_type3A_222 = arith.extui %eq3A_221 : i1 to i32
    %cond3A_223 = arith.constant 0 : i32
    %cond3A_224 = arith.cmpi ne, %convert_element_type3A_222, %cond3A_223 : i32
    scf.if %cond3A_224 {
      %get3A_225 = arith.constant 0 : index
      %get3A_226 = arith.constant 0 : index
      %get3A_227 = vector.load %arg14[%get3A_225, %get3A_226] : memref<32x256xf32, #tpu.memory_space<vmem>>, vector<32x256xf32>
      %get3A_228 = arith.constant 0 : index
      %get3A_229 = arith.constant 0 : index
      %get3A_230 = vector.load %arg10[%get3A_228, %get3A_229] : memref<1x256xf32, #tpu.memory_space<vmem>>, vector<1x256xf32>
      %add3A_231 = vector.broadcast %get3A_230 : vector<1x256xf32> to vector<32x256xf32>
      %add3A_232 = arith.addf %get3A_227, %add3A_231 : vector<32x256xf32>
      %swap3A_233 = arith.constant 0 : index
      %swap3A_234 = arith.constant 0 : index
      %swap3A_235 = vector.load %arg12[%swap3A_233, %swap3A_234] : memref<32x256xf32, #tpu.memory_space<vmem>>, vector<32x256xf32>
      tpu.vector_store %arg12[%swap3A_233, %swap3A_234], %add3A_232 {strides = array<i32>} : memref<32x256xf32, #tpu.memory_space<vmem>>, vector<32x256xf32>,
      %get3A_236 = arith.constant 0 : index
      %get3A_237 = arith.constant 0 : index
      %get3A_238 = vector.load %arg15[%get3A_236, %get3A_237] : memref<32x256xf32, #tpu.memory_space<vmem>>, vector<32x256xf32>
      %get3A_239 = arith.constant 0 : index
      %get3A_240 = arith.constant 0 : index
      %get3A_241 = vector.load %arg11[%get3A_239, %get3A_240] : memref<1x256xf32, #tpu.memory_space<vmem>>, vector<1x256xf32>
      %add3A_242 = vector.broadcast %get3A_241 : vector<1x256xf32> to vector<32x256xf32>
      %add3A_243 = arith.addf %get3A_238, %add3A_242 : vector<32x256xf32>
      %swap3A_244 = arith.constant 0 : index
      %swap3A_245 = arith.constant 0 : index
      %swap3A_246 = vector.load %arg13[%swap3A_244, %swap3A_245] : memref<32x256xf32, #tpu.memory_space<vmem>>, vector<32x256xf32>
      tpu.vector_store %arg13[%swap3A_244, %swap3A_245], %add3A_243 {strides = array<i32>} : memref<32x256xf32, #tpu.memory_space<vmem>>, vector<32x256xf32>,
    } else {
    }
    return
  }
  func.func @transform_0(%arg0: i32) -> (i32, i32, i32) {
    %c0_i32 = arith.constant 0 : i32
    %c0_i32_0 = arith.constant 0 : i32
    %c0_i32_1 = arith.constant 0 : i32
    return %c0_i32, %arg0, %c0_i32_0 : i32, i32, i32
  }
  func.func @transform_1(%arg0: i32) -> (i32, i32, i32) {
    %c0_i32 = arith.constant 0 : i32
    %c0_i32_0 = arith.constant 0 : i32
    %c0_i32_1 = arith.constant 0 : i32
    return %c0_i32, %arg0, %c0_i32_0 : i32, i32, i32
  }
  func.func @transform_2(%arg0: i32) -> (i32, i32) {
    %c0_i32 = arith.constant 0 : i32
    %c0_i32_0 = arith.constant 0 : i32
    return %arg0, %c0_i32 : i32, i32
  }
  func.func @transform_3(%arg0: i32) -> (i32, i32) {
    %c0_i32 = arith.constant 0 : i32
    %c0_i32_0 = arith.constant 0 : i32
    %c0_i32_1 = arith.constant 0 : i32
    return %c0_i32, %c0_i32_0 : i32, i32
  }
  func.func @transform_4(%arg0: i32) -> (i32, i32) {
    %c0_i32 = arith.constant 0 : i32
    %c0_i32_0 = arith.constant 0 : i32
    %c0_i32_1 = arith.constant 0 : i32
    return %c0_i32, %c0_i32_0 : i32, i32
  }
  func.func @transform_5(%arg0: i32) -> (i32, i32) {
    %c0_i32 = arith.constant 0 : i32
    %c0_i32_0 = arith.constant 0 : i32
    %c0_i32_1 = arith.constant 0 : i32
    return %c0_i32, %c0_i32_0 : i32, i32
  }
  func.func @transform_6(%arg0: i32) -> (i32, i32) {
    %c0_i32 = arith.constant 0 : i32
    %c0_i32_0 = arith.constant 0 : i32
    %c0_i32_1 = arith.constant 0 : i32
    return %c0_i32, %c0_i32_0 : i32, i32
  }
  func.func @transform_7(%arg0: i32) -> (i32, i32, i32) {
    %c0_i32 = arith.constant 0 : i32
    %c0_i32_0 = arith.constant 0 : i32
    %c0_i32_1 = arith.constant 0 : i32
    return %arg0, %c0_i32, %c0_i32_0 : i32, i32, i32
  }
  func.func @transform_8(%arg0: i32) -> (i32, i32, i32) {
    %c0_i32 = arith.constant 0 : i32
    %c0_i32_0 = arith.constant 0 : i32
    %c0_i32_1 = arith.constant 0 : i32
    return %arg0, %c0_i32, %c0_i32_0 : i32, i32, i32
  }
  func.func @transform_9(%arg0: i32) -> (i32, i32) {
    %c0_i32 = arith.constant 0 : i32
    %c0_i32_0 = arith.constant 0 : i32
    %c0_i32_1 = arith.constant 0 : i32
    return %c0_i32, %c0_i32_0 : i32, i32
  }
  func.func @transform_10(%arg0: i32) -> (i32, i32) {
    %c0_i32 = arith.constant 0 : i32
    %c0_i32_0 = arith.constant 0 : i32
    %c0_i32_1 = arith.constant 0 : i32
    return %c0_i32, %c0_i32_0 : i32, i32
  }
  func.func @transform_11(%arg0: i32) -> (i32, i32) {
    %c0_i32 = arith.constant 0 : i32
    %c0_i32_0 = arith.constant 0 : i32
    %c0_i32_1 = arith.constant 0 : i32
    return %c0_i32, %c0_i32_0 : i32, i32
  }
  func.func @transform_12(%arg0: i32) -> (i32, i32) {
    %c0_i32 = arith.constant 0 : i32
    %c0_i32_0 = arith.constant 0 : i32
    %c0_i32_1 = arith.constant 0 : i32
    return %c0_i32, %c0_i32_0 : i32, i32
  }
}

</mosaic_0001>

<sc_bundles>
// kernel: kernel.12.cloned.1.call-start
scs
__scs_entry_jumppad:
0x0: {  	(pc) =	sbr.rel $0x88, $3  }
0x1: {  	(tag) =	ssettag $0x0;
	lr =	simm.s32 $0x1  }
0x2: {  	[smem:$0x3F95] =	sst lr;
	_ =	strace $0xD0000000  }
0x3: {  	_ = 	snop  }
0x4: {  	_ = 	snop  }
0x5: {  	_ = 	snop  }
0x6: {  	_ = 	snop  }
0x7: {  	_ = 	snop  }
__scs_overlays_trampoline_lowered:
0x8: {  	[smem:$0x3FA4] =	sst s0  }
0x9: {  	[smem:$0x3FA5] =	sst s1  }
0xa: {  	[smem:$0x3FA6] =	sst s2  }
0xb: {  	[smem:$0x3FA7] =	sst s3  }
0xc: {  	[smem:$0x3FA8] =	sst s4  }
0xd: {  	[smem:$0x3FA9] =	sst s5  }
0xe: {  	[smem:$0x3FAA] =	sst s6  }
0xf: {  	[smem:$0x3FAB] =	sst s7  }
0x10: {  	[smem:$0x3FAC] =	sst s8  }
0x11: {  	[smem:$0x3FAD] =	sst s9;
	s0 =	simm.s32 @!p0 $0x0  }
0x12: {  	s1 =	sld [smem:$0x3F93];
	s0 =	simm.s32 @p0 $0x1  }
0x13: {  	[smem:$0x3FAE] =	sst s0;
	s0 =	simm.s32 @!p1 $0x0  }
0x14: {  	s2 =	sld [smem:$0x3F92];
	s0 =	simm.s32 @p1 $0x1  }
0x15: {  	[smem:$0x3FAF] =	sst s0;
	s0 =	simm.s32 @!p2 $0x0  }
0x16: {  	s3 =	sld [smem:$0x3FDB];
	s0 =	simm.s32 @p2 $0x1  }
0x17: {  	s4 =	simm.s32 $0x1BF5;
	[smem:$0x3FB1] =	sst s0  }
0x18: {  	s0 =	sld [smem:$0x3F94];
	_ =	swait.ge [sflag:s4], $0x0  }
0x19: {  	s7 =	sld [smem:$0x3F95]  }
0x1a: {  	s8 =	sadd.s32 $0xFFFFE003, lr  }
0x1b: {  	s9 =	sadd.s32 $0xFFFFFEF7, lr;
	s5 =	simm.s32 $0xFFFFFFFF;
	p2 =	slt.u32 s8, $0xFFFFF086  }
0x1c: {  	p1 =	slt.u32 s9, $0xF7A;
	s5 =	simm.s32 @!p2 $0x0  }
0x1d: {  	s5 =	simm.s32 @p1 $0x1;
	p0 =	seq.s32 s7, s2  }
0x1e: {  	s7 =	smul.u32 @!p0 $0xF7A, s2;
	p2 =	seq.s32 @!p0 s5, $0x0  }
0x1f: {  	s9 =	smul.u32 $0xF7A, s1;
	s8 =	simm.s32 @!p0 $0x1BF5;
	p2 =	por !p2, p0  }
0x20: {  	[sflag:s8] =	ssyncset.s32 @!p0 $0xFFFFF086;
	s6 =	sadd.s32 @!p0 s3, s7;
	s7 =	simm.s32 @!p0 $0x108  }
0x21: {  	s3 =	sadd.s32 s3, s9;
	s6 =	sadd.s32 @!p0 $0x88, s6;
	s7 =	simm.s32 @p2 $0x1082  }
0x22: {  	[simem:s7], [sflag:s8] =	dma.local @!p0 [hbm:s6], $0xF7A  }
0x23: {  	s9 =	sor.u32 $0xD0000000, s2;
	s6 =	simm.s32 $0x108;
	_ =	swait.ge @!p0 [sflag:s8], $0x0  }
0x24: {  	s3 =	sadd.s32 $0x88, s3;
	s6 =	simm.s32 @!p1 $0x1082;
	[sflag:s4] =	ssyncset.s32 $0xFFFFF086  }
0x25: {  	[simem:s6], [sflag:s4] =	dma.local [hbm:s3], $0xF7A  }
0x26: {  	[smem:$0x3F95] =	sst s1;
	(tag) =	ssettag s2;
	_ =	strace s9  }
0x27: {  	s1 =	sld [smem:$0x3FA5]  }
0x28: {  	s2 =	sld [smem:$0x3FA6]  }
0x29: {  	s4 =	sld [smem:$0x3FA8]  }
0x2a: {  	p0 =	seq.s32 s5, $0x0;
	s5 =	sld [smem:$0x3FA9]  }
0x2b: {  	s6 =	sld [smem:$0x3FAA]  }
0x2c: {  	s7 =	sld [smem:$0x3FAB]  }
0x2d: {  	s3 =	simm.s32 $0x108;
	s8 =	sld [smem:$0x3FAC]  }
0x2e: {  	s3 =	simm.s32 @!p0 $0x1082;
	s9 =	sld [smem:$0x3FAD]  }
0x2f: {  	lr =	sadd.s32 s0, s3;
	s0 =	sld [smem:$0x3FA4]  }
0x30: {  	s3 =	sld [smem:$0x3FA7]  }
0x31: {  	[smem:$0x3FB0] =	sst s10  }
0x32: {  	s10 =	sld [smem:$0x3FAE];
	_ =	sdelay $0x3  }
0x33: {  	p0 =	seq.s32 s10, $0x1;
	s10 =	sld [smem:$0x3FB0];
	_ =	sdelay $0x3  }
0x34: {  	[smem:$0x3FB0] =	sst s10  }
0x35: {  	s10 =	sld [smem:$0x3FAF];
	_ =	sdelay $0x3  }
0x36: {  	p1 =	seq.s32 s10, $0x1;
	s10 =	sld [smem:$0x3FB0];
	_ =	sdelay $0x3  }
0x37: {  	[smem:$0x3FB0] =	sst s10  }
0x38: {  	s10 =	sld [smem:$0x3FB1]  }
0x39: {  	_ = 	snop;
	(pc) =	sbr.ind lr, $3  }
0x3a: {  	_ = 	snop  }
0x3b: {  	_ = 	snop  }
0x3c: {  	p2 =	seq.s32 s10, $0x1;
	s10 =	sld [smem:$0x3FB0]  }
0x3d: {  	_ =	shalt  }
0x3e: {  	_ =	shalt  }
0x3f: {  	_ =	shalt  }
0x40: {  	_ =	shalt  }
0x41: {  	_ =	shalt  }
0x42: {  	_ =	shalt  }
0x43: {  	_ =	shalt  }
0x44: {  	_ =	shalt  }
0x45: {  	_ =	shalt  }
0x46: {  	_ =	shalt  }
0x47: {  	_ =	shalt  }
0x48: {  	_ =	shalt  }
0x49: {  	_ =	shalt  }
0x4a: {  	_ =	shalt  }
0x4b: {  	_ =	shalt  }
0x4c: {  	_ =	shalt  }
0x4d: {  	_ =	shalt  }
0x4e: {  	_ =	shalt  }
0x4f: {  	_ =	shalt  }
0x50: {  	_ =	shalt  }
0x51: {  	_ =	shalt  }
0x52: {  	_ =	shalt  }
0x53: {  	_ =	shalt  }
0x54: {  	_ =	shalt  }
0x55: {  	_ =	shalt  }
0x56: {  	_ =	shalt  }
0x57: {  	_ =	shalt  }
0x58: {  	_ =	shalt  }
0x59: {  	_ =	shalt  }
0x5a: {  	_ =	shalt  }
0x5b: {  	_ =	shalt  }
0x5c: {  	_ =	shalt  }
0x5d: {  	_ =	shalt  }
0x5e: {  	_ =	shalt  }
0x5f: {  	_ =	shalt  }
0x60: {  	_ =	shalt  }
0x61: {  	_ =	shalt  }
0x62: {  	_ =	shalt  }
0x63: {  	_ =	shalt  }
0x64: {  	_ =	shalt  }
0x65: {  	_ =	shalt  }
0x66: {  	_ =	shalt  }
0x67: {  	_ =	shalt  }
0x68: {  	_ =	shalt  }
0x69: {  	_ =	shalt  }
0x6a: {  	_ =	shalt  }
0x6b: {  	_ =	shalt  }
0x6c: {  	_ =	shalt  }
0x6d: {  	_ =	shalt  }
0x6e: {  	_ =	shalt  }
0x6f: {  	_ =	shalt  }
0x70: {  	_ =	shalt  }
0x71: {  	_ =	shalt  }
0x72: {  	_ =	shalt  }
0x73: {  	_ =	shalt  }
0x74: {  	_ =	shalt  }
0x75: {  	_ =	shalt  }
0x76: {  	_ =	shalt  }
0x77: {  	_ =	shalt  }
0x78: {  	_ =	shalt  }
0x79: {  	_ =	shalt  }
0x7a: {  	_ =	shalt  }
0x7b: {  	_ =	shalt  }
0x7c: {  	_ =	shalt  }
0x7d: {  	_ =	shalt  }
0x7e: {  	_ =	shalt  }
0x7f: {  	_ =	shalt  }
0x80: {  	_ =	shalt  }
0x81: {  	_ =	shalt  }
0x82: {  	_ =	shalt  }
0x83: {  	_ =	shalt  }
0x84: {  	_ =	shalt  }
0x85: {  	_ =	shalt  }
0x86: {  	_ =	shalt  }
0x87: {  	_ =	shalt  }
.Lfunc_end0:
.L_simem_size_0:
called_computation.1_lowered:
.L_overlay_start_0:
0x88: {  	s2 =	sld [smem:$0x3FD9]  }
0x89: {  	s3 =	sld [smem:$0x3FFE];
	_ =	sdelay $0x1  }
0x8a: {  	s1 =	srdreg.scid  }
0x8b: {  	s0 =	sand.u32 $0x1, s1  }
0x8c: {  	s16 =	sshll.u32 s0, $0xA;
	s2 =	sadd.s32 s3, s2  }
0x8d: {  	s2 =	sadd.s32 s2, s16  }
0x8e: {  	[smem:$0x3FBC] =	sst s2  }
0x8f: {  	_ = 	snop  }
0x90: {  	(tm) =	ssettm $0x1  }
0x91: {  	s17 =	sld [smem:$0x3FFB];
	_ =	sdelay $0x3  }
0x92: {  	_ =	strace s17  }
0x93: {  	s2 =	sld [smem:$0x3FFC];
	_ =	sdelay $0x3  }
0x94: {  	_ =	strace s2  }
0x95: {  	s2 =	sld [smem:$0x3FFD];
	_ =	sdelay $0x3  }
0x96: {  	_ =	strace s2  }
0x97: {  	_ =	strace $0x8FFFFFFF  }
0x98: {  	s18 =	sld [smem:$0x3FDB];
	_ =	sdelay $0x1  }
0x99: {  	s19 =	simm.s32 $_scs_section_size  }
0x9a: {  	s4 =	simm.s32 $_size__tile_overlayer_lowered;
	s5 =	simm.s32 $_tile_overlayer_lowered  }
0x9b: {  	s22 =	simm.s32 $0x1BFF;
	s21 =	sshll.u32 s5, $0x1;
	s2 =	sadd.s32 s19, s18  }
0x9c: {  	s6 =	simm.s32 $0x0;
	s20 =	sshll.u32 s4, $0x1;
	s4 =	sadd.s32 s21, s2  }
0x9d: {  	[timem:s6], [sflag:s22] =	dma.local [hbm:s4], s20  }
0x9e: {  	_ =	swait.ge [sflag:s22], s20  }
0x9f: {  	s3 =	ssub.s32 $0x0, s20;
	[sflag:s22] =	ssyncset.done $0x0  }
0xa0: {  	[sflag:s22] =	ssyncadd.s32 s3;
	_ =	sdelay $0x1  }
0xa1: {  	s23 =	simm.s32 $0x1B8B  }
0xa2: {  	_ =	swait.ge [sflag:s23], $0x1  }
0xa3: {  	[sflag:s23] =	ssyncset.done $0x0  }
0xa4: {  	s25 =	simm.s32 $0x1B8E;
	s24 =	sld [smem:$0x3FFE];
	[sflag:s23] =	ssyncadd.s32 $0xFFFFFFFF  }
0xa5: {  	s26 =	simm.s32 $execute0_lowered;
	[smem:$0x3FD2] =	sst s25  }
0xa6: {  	s4 =	sshll.u32 s26, $0x1;
	_ =	strace $0x80000049;
	[dreg:$0x1] =	wrdreg $0xFFFFFFFF  }
0xa7: {  	s28 =	simm.s32 $_size_execute0_lowered;
	s2 =	sadd.s32 s2, s4;
	[dreg:$0x0] =	wrdreg $0x0  }
0xa8: {  	s4 =	sshll.u32 s28, $0x1;
	[dreg:$0x2] =	wrdreg s2  }
0xa9: {  	[dreg:$0x3] =	wrdreg s4  }
0xaa: {  	[dreg:$0x4] =	wrdreg $0xC0  }
0xab: {  	_ =	task [dreg:s6], $0x5FFFF  }
0xac: {  	[dreg:$0x1] =	wrdreg $0xFFFFFFFF  }
0xad: {  	[dreg:$0x0] =	wrdreg $0x60  }
0xae: {  	[dreg:$0x2] =	wrdreg s24  }
0xaf: {  	[dreg:$0x3] =	wrdreg $0x98000  }
0xb0: {  	[dreg:$0x4] =	wrdreg $0x9  }
0xb1: {  	_ =	task.clear_ibuf [dreg:s6], $0x5FFFF;
	_ =	strace $0x90000049  }
0xb2: {  	s29 =	simm.s32 $0x9;
	_ =	strace $0x8000004B  }
0xb3: {  	_ =	swait.ge [sflag:s29], $0x1  }
0xb4: {  	[sflag:s29] =	ssyncadd.s32 $0xFFFFFFFF  }
0xb5: {  	_ =	strace $0x9000004B  }
0xb6: {  	_ =	sfence  }
0xb7: {  	s30 =	sld [smem:$0x0];
	_ =	sdelay $0x2  }
0xb8: {  	s31 =	sshll.u32 s1, $0xD;
	s1 =	sshrl.u32 s1, $0x2  }
0xb9: {  	s3 =	sand.u32 $0x4000, s31;
	s1 =	sadd.s32 s1, s30  }
0xba: {  	s0 =	sor.u32 s3, s0;
	s1 =	sshll.u32 s1, $0x11  }
0xbb: {  	s0 =	sor.u32 s1, s0  }
0xbc: {  	s0 =	sadd.s32 $0x8F2B, s0  }
0xbd: {  	[sflag:s0] =	ssyncadd.remote.s32 $0x1  }
0xbe: {  	_ =	sfence.sel $0xFFFF  }
0xbf: {  	[dreg:$0x0] =	wrdreg $0xFFFFFFFF;
	(pc) =	sbr.abs _section_cstart, $3  }
0xc0: {  	[dreg:$0x1] =	wrdreg $0xFFFFFFFF  }
0xc1: {  	_ =	task.clear_ibuf [dreg:s6], $0x2FFFF;
	_ =	strace $0x9FFFFFFF  }
0xc2: {  	(tm) =	ssettm $0x7FFFFFFF  }
0xc3: {  	_ =	shalt  }
tec
execute0_lowered:
.L_overlay_start_1:
0x0: {  	(tag) =	ssettag $0x1  }
0x1: {  	s0 =	srdreg.scid;
	s1 =	rddreg [dreg:$0x0]  }
0x2: {  	s21 =	stileid.u32;
	s2 =	rddreg [dreg:$0x1]  }
0x3: {  	s3 =	simm.s32 $0x0;
	s20 =	simm.s32 $0x5;
	s22 =	simm.s32 $0x5000  }
0x4: {  	s23 =	simm.s32 $0x40;
	s24 =	simm.s32 $0x7400;
	s25 =	simm.s32 $0x1  }
0x5: {  	s26 =	simm.s32 $0x2;
	s28 =	simm.s32 $0x3;
	s5 =	smul.u32 $0x2800, s21  }
0x6: {  	s29 =	simm.s32 $0x4;
	s31 =	simm.s32 $0x0;
	s7 =	smul.u32 $0x58E00, s21  }
0x7: {  	s0 =	sand.u32 $0x1, s0;
	[smem:$0x7FF] =	sst s3;
	s15 =	smul.u32 $0x16380, s21  }
0x8: {  	p0 =	seq.s32 s21, $0xF;
	s4 =	smul.u32 $0x28000, s0;
	s30 =	ssub.s32 $0x2, s0  }
0x9: {  	_ =	strace $0x8000004A;
	s0 =	smul.u32 $0x15F900, s0;
	s9 =	sshrl.u32 s30, $0x1  }
0xa: {  	s7 =	sshrl.u32 s7, $0x2;
	s6 =	sadd.s32 s5, s4;
	s4 =	sadd.s32 $0xDF800, s1  }
0xb: {  	s5 =	sshrl.u32 s5, $0x3;
	s19 =	ssub.s32 s30, s9;
	s16 =	sadd.s32 s7, s2  }
0xc: {  	s7 =	sadd.s32 s15, s2;
	s17 =	sadd.s32 s15, s0;
	s0 =	sshrl.u32 s0, $0x3  }
0xd: {  	s6 =	sshrl.u32 s6, $0x3;
	s8 =	sadd.s32 s5, s1;
	s9 =	sadd.s32 $0x4800, s16  }
0xe: {  	s10 =	sadd.s32 $0x6C00, s16;
	s11 =	sadd.s32 $0x9000, s16;
	s12 =	sadd.s32 $0xB400, s16  }
0xf: {  	s13 =	sadd.s32 $0xD800, s16;
	s14 =	sadd.s32 $0xFC00, s16;
	s15 =	sadd.s32 $0x12000, s16  }
0x10: {  	s17 =	sshrl.u32 s17, $0x3;
	s19 =	smax.u32 s19, $0x1;
	s6 =	sadd.s32 s6, s1  }
0x11: {  	s1 =	sadd.s32 $0x43400, s1;
	s5 =	sadd.s32 $0x12200, s6;
	s6 =	sadd.s32 $0x3200, s8  }
0x12: {  	s8 =	sadd.s32 $0x2400, s16;
	s0 =	sadd.s32 s1, s0;
	s16 =	sadd.s32 $0x14400, s16  }
0x13: {  	v0 =	vimm.f32 $0.0e+00;
	s17 =	sadd.s32 s1, s17;
	s18 =	sadd.s32 $0x29A90, s0;
	s0 =	simm.s32 $0x27C0  }
.LBB2_1:
0x14: {  	[tilespmem:s3], [sflag:$0x5] =	stream.linear.gather [hbm4b:s5+s3], $0x2800, $0x38;
	[tilespmem:$0x1FB80] =	vst v63  }
0x15: {  	_ =	swait.ge [sflag:s20], $0x2800  }
0x16: {  	[sflag:s20] =	ssyncset.done $0x0  }
0x17: {  	s1 =	simm.s32 $0x2800;
	[sflag:s20] =	ssyncadd.s32 $0xFFFFD800  }
0x18: {  	[tilespmem:s1], [sflag:$0x5] =	stream.linear.gather [hbm4b:s6+s3], $0x2800, $0x38;
	[tilespmem:$0x1FB80] =	vst v63  }
0x19: {  	_ =	swait.ge [sflag:s20], $0x2800  }
0x1a: {  	[sflag:s20] =	ssyncset.done $0x0  }
0x1b: {  	s21 =	simm.s32 $0x440;
	s1 =	simm.s32 $0x80;
	[sflag:s20] =	ssyncadd.s32 $0xFFFFD800  }
.LBB2_2:
0x1c: {  	p1 =	sne.s32 s21, $0x8FC0;
	[tilespmem:s1+$0x5000] =	vst v0  }
0x1d: {  	[tilespmem:s1+$0x4F80] =	vst v0  }
0x1e: {  	[tilespmem:s1+$0x4F90] =	vst v0  }
0x1f: {  	[tilespmem:s1+$0x4FA0] =	vst v0  }
.Ltmp0:
0x20: {  	[tilespmem:s1+$0x4FB0] =	vst v0;
	(pc) =	sbr.rel @p1 .LBB2_2-.Ltmp0, $4  }
0x21: {  	[tilespmem:s1+$0x4FC0] =	vst v0  }
0x22: {  	[tilespmem:s1+$0x4FD0] =	vst v0  }
0x23: {  	[tilespmem:s1+$0x4FE0] =	vst v0  }
0x24: {  	[tilespmem:s1+$0x4FF0] =	vst v0;
	s1 =	sshra.s32 s21, $0x2;
	s21 =	sadd.s32 $0x240, s21  }
0x25: {  	[tilespmem:s1+$0x5000] =	vst v0  }
0x26: {  	[tilespmem:s1+$0x4F80] =	vst v0  }
0x27: {  	[tilespmem:s1+$0x4F90] =	vst v0  }
0x28: {  	[tilespmem:s1+$0x4FA0] =	vst v0  }
0x29: {  	[tilespmem:s1+$0x4FB0] =	vst v0  }
0x2a: {  	[tilespmem:s1+$0x4FC0] =	vst v0  }
0x2b: {  	[tilespmem:s1+$0x4FD0] =	vst v0  }
0x2c: {  	[tilespmem:s1+$0x4FE0] =	vst v0  }
0x2d: {  	[tilespmem:s1+$0x4FF0] =	vst v0  }
0x2e: {  	[spmem:s7] =	stream.linear.scatter [tilespmem:s22], [sflag:$0x5], $0x2400, $0x38;
	[tilespmem:$0x1FB80] =	vst v63  }
0x2f: {  	_ =	swait.ge [sflag:s20], $0x2400  }
0x30: {  	[sflag:s20] =	ssyncset.done $0x0  }
0x31: {  	[sflag:s20] =	ssyncadd.s32 $0xFFFFDC00  }
0x32: {  	[spmem:s8] =	stream.linear.scatter [tilespmem:s22], [sflag:$0x5], $0x2400, $0x38;
	[tilespmem:$0x1FB80] =	vst v63  }
0x33: {  	_ =	swait.ge [sflag:s20], $0x2400  }
0x34: {  	[sflag:s20] =	ssyncset.done $0x0  }
0x35: {  	[sflag:s20] =	ssyncadd.s32 $0xFFFFDC00  }
0x36: {  	[spmem:s9] =	stream.linear.scatter [tilespmem:s22], [sflag:$0x5], $0x2400, $0x38;
	[tilespmem:$0x1FB80] =	vst v63  }
0x37: {  	_ =	swait.ge [sflag:s20], $0x2400  }
0x38: {  	[sflag:s20] =	ssyncset.done $0x0  }
0x39: {  	[sflag:s20] =	ssyncadd.s32 $0xFFFFDC00  }
0x3a: {  	[spmem:s10] =	stream.linear.scatter [tilespmem:s22], [sflag:$0x5], $0x2400, $0x38;
	[tilespmem:$0x1FB80] =	vst v63  }
0x3b: {  	_ =	swait.ge [sflag:s20], $0x2400  }
0x3c: {  	[sflag:s20] =	ssyncset.done $0x0  }
0x3d: {  	[sflag:s20] =	ssyncadd.s32 $0xFFFFDC00  }
0x3e: {  	[spmem:s11] =	stream.linear.scatter [tilespmem:s22], [sflag:$0x5], $0x2400, $0x38;
	[tilespmem:$0x1FB80] =	vst v63  }
0x3f: {  	_ =	swait.ge [sflag:s20], $0x2400  }
0x40: {  	[sflag:s20] =	ssyncset.done $0x0  }
0x41: {  	[sflag:s20] =	ssyncadd.s32 $0xFFFFDC00  }
0x42: {  	[spmem:s12] =	stream.linear.scatter [tilespmem:s22], [sflag:$0x5], $0x2400, $0x38;
	[tilespmem:$0x1FB80] =	vst v63  }
0x43: {  	_ =	swait.ge [sflag:s20], $0x2400  }
0x44: {  	[sflag:s20] =	ssyncset.done $0x0  }
0x45: {  	[sflag:s20] =	ssyncadd.s32 $0xFFFFDC00  }
0x46: {  	[spmem:s13] =	stream.linear.scatter [tilespmem:s22], [sflag:$0x5], $0x2400, $0x38;
	[tilespmem:$0x1FB80] =	vst v63  }
0x47: {  	_ =	swait.ge [sflag:s20], $0x2400  }
0x48: {  	[sflag:s20] =	ssyncset.done $0x0  }
0x49: {  	[sflag:s20] =	ssyncadd.s32 $0xFFFFDC00  }
0x4a: {  	[spmem:s14] =	stream.linear.scatter [tilespmem:s22], [sflag:$0x5], $0x2400, $0x38;
	[tilespmem:$0x1FB80] =	vst v63  }
0x4b: {  	_ =	swait.ge [sflag:s20], $0x2400  }
0x4c: {  	[sflag:s20] =	ssyncset.done $0x0  }
0x4d: {  	[sflag:s20] =	ssyncadd.s32 $0xFFFFDC00  }
0x4e: {  	[spmem:s15] =	stream.linear.scatter [tilespmem:s22], [sflag:$0x5], $0x2400, $0x38;
	[tilespmem:$0x1FB80] =	vst v63  }
0x4f: {  	_ =	swait.ge [sflag:s20], $0x2400  }
0x50: {  	[sflag:s20] =	ssyncset.done $0x0  }
0x51: {  	[sflag:s20] =	ssyncadd.s32 $0xFFFFDC00  }
0x52: {  	[spmem:s16] =	stream.linear.scatter [tilespmem:s22], [sflag:$0x5], $0x1F80, $0x38;
	[tilespmem:$0x1FB80] =	vst v63  }
0x53: {  	_ =	swait.ge [sflag:s20], $0x1F80  }
0x54: {  	[sflag:s20] =	ssyncset.done $0x0  }
0x55: {  	[sflag:s20] =	ssyncadd.s32 $0xFFFFE080  }
0x56: {  	s21 =	simm.s32 $0x0;
	[bflag:$0x0] =	sbarrier.arrive $0xFFFF  }
0x57: {  	[tilespmem:s22], [sflag:$0x1] =	stream.indirect.gather [hbm4b:s4+s23], $0x90, s21, s23, $0xb8;
	[tilespmem:$0x1FB80] =	vst v63  }
0x58: {  	_ = 	snop  }
0x59: {  	[tilespmem:s24], [sflag:$0x2] =	stream.indirect.gather [hbm4b:s4+s23], $0x90, s23, s23, $0xb8;
	[tilespmem:$0x1FB80] =	vst v63  }
0x5a: {  	_ =	swait.ge [sflag:s25], $0x2400  }
0x5b: {  	[sflag:s25] =	ssyncset.done $0x0  }
0x5c: {  	s30 =	simm.s32 $0x2800;
	[sflag:s25] =	ssyncadd.s32 $0xFFFFDC00  }
0x5d: {  	[spmem:s2] =	stream.indirect.scatter.add.f32 [tilespmem:s22], [sflag:$0x3], $0x90, s30, s23, $0xb8;
	[tilespmem:$0x1FB80] =	vst v63  }
0x5e: {  	_ =	swait.ge [sflag:s26], $0x2400  }
0x5f: {  	[sflag:s26] =	ssyncset.done $0x0  }
0x60: {  	s21 =	simm.s32 $0x2840;
	[sflag:s26] =	ssyncadd.s32 $0xFFFFDC00  }
0x61: {  	[spmem:s2] =	stream.indirect.scatter.add.f32 [tilespmem:s24], [sflag:$0x4], $0x90, s21, s23, $0xb8;
	[tilespmem:$0x1FB80] =	vst v63  }
0x62: {  	_ =	swait.ge [sflag:s28], $0x2400  }
0x63: {  	[sflag:s28] =	ssyncset.done $0x0  }
0x64: {  	s30 =	simm.s32 $0x80;
	[sflag:s28] =	ssyncadd.s32 $0xFFFFDC00  }
0x65: {  	[tilespmem:s22], [sflag:$0x1] =	stream.indirect.gather [hbm4b:s4+s23], $0x90, s30, s23, $0xb8;
	[tilespmem:$0x1FB80] =	vst v63  }
0x66: {  	_ =	swait.ge [sflag:s29], $0x2400  }
0x67: {  	[sflag:s29] =	ssyncset.done $0x0  }
0x68: {  	s1 =	simm.s32 $0x200;
	s21 =	simm.s32 $0xC0;
	[sflag:s29] =	ssyncadd.s32 $0xFFFFDC00  }
.LBB2_4:
0x69: {  	[tilespmem:s24], [sflag:$0x2] =	stream.indirect.gather [hbm4b:s4+s23], $0x90, s21, s23, $0xb8;
	[tilespmem:$0x1FB80] =	vst v63  }
0x6a: {  	s21 =	smov.u32 s1  }
0x6b: {  	p1 =	sne.s32 s1, $0x9A00;
	s1 =	sadd.s32 $0x200, s1;
	_ =	swait.ge [sflag:s25], $0x2400  }
0x6c: {  	s21 =	sshra.s32 s21, $0x2;
	[sflag:s25] =	ssyncset.done $0x0  }
0x6d: {  	s30 =	sadd.s32 $0x2800, s21;
	[sflag:s25] =	ssyncadd.s32 $0xFFFFDC00  }
0x6e: {  	[spmem:s2] =	stream.indirect.scatter.add.f32 [tilespmem:s22], [sflag:$0x3], $0x90, s30, s23, $0xb8;
	[tilespmem:$0x1FB80] =	vst v63  }
0x6f: {  	_ =	swait.ge [sflag:s26], $0x2400  }
0x70: {  	[sflag:s26] =	ssyncset.done $0x0  }
0x71: {  	s30 =	sadd.s32 $0x2840, s21;
	[sflag:s26] =	ssyncadd.s32 $0xFFFFDC00  }
0x72: {  	[spmem:s2] =	stream.indirect.scatter.add.f32 [tilespmem:s24], [sflag:$0x4], $0x90, s30, s23, $0xb8;
	[tilespmem:$0x1FB80] =	vst v63  }
0x73: {  	_ =	swait.ge [sflag:s28], $0x2400  }
0x74: {  	[sflag:s28] =	ssyncset.done $0x0  }
.Ltmp1:
0x75: {  	s30 =	sadd.s32 $0x80, s21;
	[sflag:s28] =	ssyncadd.s32 $0xFFFFDC00;
	(pc) =	sbr.rel @p1 .LBB2_4-.Ltmp1, $4  }
0x76: {  	[tilespmem:s22], [sflag:$0x1] =	stream.indirect.gather [hbm4b:s4+s23], $0x90, s30, s23, $0xb8;
	[tilespmem:$0x1FB80] =	vst v63  }
0x77: {  	_ =	swait.ge [sflag:s29], $0x2400  }
0x78: {  	[sflag:s29] =	ssyncset.done $0x0  }
0x79: {  	s21 =	sadd.s32 $0xC0, s21;
	[sflag:s29] =	ssyncadd.s32 $0xFFFFDC00  }
0x7a: {  	[tilespmem:s24], [sflag:$0x2] =	stream.indirect.gather [hbm4b:s4+s23], $0x90, s21, s23, $0xb8;
	[tilespmem:$0x1FB80] =	vst v63  }
0x7b: {  	_ =	swait.ge [sflag:s25], $0x2400  }
0x7c: {  	[sflag:s25] =	ssyncset.done $0x0  }
0x7d: {  	s1 =	simm.s32 $0x4F00;
	[sflag:s25] =	ssyncadd.s32 $0xFFFFDC00  }
0x7e: {  	[spmem:s2] =	stream.indirect.scatter.add.f32 [tilespmem:s22], [sflag:$0x3], $0x90, s1, s23, $0xb8;
	[tilespmem:$0x1FB80] =	vst v63  }
0x7f: {  	_ =	swait.ge [sflag:s26], $0x2400  }
0x80: {  	[sflag:s26] =	ssyncset.done $0x0  }
0x81: {  	s21 =	simm.s32 $0x4F40;
	[sflag:s26] =	ssyncadd.s32 $0xFFFFDC00  }
0x82: {  	[spmem:s2] =	stream.indirect.scatter.add.f32 [tilespmem:s24], [sflag:$0x4], $0x90, s21, s23, $0xb8;
	[tilespmem:$0x1FB80] =	vst v63  }
0x83: {  	_ =	swait.ge [sflag:s28], $0x2400  }
0x84: {  	[sflag:s28] =	ssyncset.done $0x0  }
0x85: {  	s30 =	simm.s32 $0x2780;
	[sflag:s28] =	ssyncadd.s32 $0xFFFFDC00  }
0x86: {  	[tilespmem:s22], [sflag:$0x1] =	stream.indirect.gather [hbm4b:s4+s23], $0x90, s30, s23, $0xb8;
	[tilespmem:$0x1FB80] =	vst v63  }
0x87: {  	_ =	swait.ge [sflag:s29], $0x2400  }
0x88: {  	[sflag:s29] =	ssyncset.done $0x0  }
0x89: {  	[sflag:s29] =	ssyncadd.s32 $0xFFFFDC00  }
0x8a: {  	[tilespmem:s24], [sflag:$0x2] =	stream.indirect.gather [hbm4b:s4+s23], $0x90, s0, s23, $0xb8;
	[tilespmem:$0x1FB80] =	vst v63  }
0x8b: {  	_ =	swait.ge [sflag:s25], $0x2400  }
0x8c: {  	[sflag:s25] =	ssyncset.done $0x0  }
0x8d: {  	s21 =	simm.s32 $0x4F80;
	[sflag:s25] =	ssyncadd.s32 $0xFFFFDC00  }
0x8e: {  	[spmem:s2] =	stream.indirect.scatter.add.f32 [tilespmem:s22], [sflag:$0x3], $0x90, s21, s23, $0xb8;
	[tilespmem:$0x1FB80] =	vst v63  }
0x8f: {  	_ =	swait.ge [sflag:s26], $0x2400  }
0x90: {  	[sflag:s26] =	ssyncset.done $0x0  }
0x91: {  	s30 =	simm.s32 $0x4FC0;
	[sflag:s26] =	ssyncadd.s32 $0xFFFFDC00  }
0x92: {  	[spmem:s2] =	stream.indirect.scatter.add.f32 [tilespmem:s24], [sflag:$0x4], $0x90, s30, s23, $0xb8;
	[tilespmem:$0x1FB80] =	vst v63  }
0x93: {  	_ =	swait.ge [sflag:s28], $0x2400  }
0x94: {  	[sflag:s28] =	ssyncset.done $0x0  }
0x95: {  	[sflag:s28] =	ssyncadd.s32 $0xFFFFDC00  }
0x96: {  	[tilespmem:s22], [sflag:$0x1] =	stream.indirect.gather [hbm4b:s4+s23], $0x90, s0, s23, $0xb8;
	[tilespmem:$0x1FB80] =	vst v63  }
0x97: {  	_ =	swait.ge [sflag:s29], $0x2400  }
0x98: {  	[sflag:s29] =	ssyncset.done $0x0  }
0x99: {  	[sflag:s29] =	ssyncadd.s32 $0xFFFFDC00  }
0x9a: {  	[tilespmem:s24], [sflag:$0x2] =	stream.indirect.gather [hbm4b:s4+s23], $0x90, s0, s23, $0xb8;
	[tilespmem:$0x1FB80] =	vst v63  }
0x9b: {  	_ =	swait.ge [sflag:s25], $0x2400  }
0x9c: {  	[sflag:s25] =	ssyncset.done $0x0  }
0x9d: {  	[sflag:s25] =	ssyncadd.s32 $0xFFFFDC00  }
0x9e: {  	_ =	swait.ge [sflag:s26], $0x2400  }
0x9f: {  	[sflag:s26] =	ssyncset.done $0x0  }
0xa0: {  	[sflag:s26] =	ssyncadd.s32 $0xFFFFDC00  }
0xa1: {  	s1 =	sshrl.u32 @p0 s7, $0x3;
	s21 =	simm.s32 @p0 $0x1FC5;
	[bflag:$0x0] =	sbarrier.arrive $0xFFFF  }
0xa2: {  	[hbm:s18], [sflag:s21] =	dma.local @p0 [spmem:s1], $0x2490  }
0xa3: {  	s1 =	simm.s32 @p0 $0x5  }
0xa4: {  	s31 =	sadd.s32 $0x1, s31;
	s21 =	stileid.u32;
	_ =	swait.ge @p0 [sflag:s1], $0x2490  }
0xa5: {  	p1 =	sne.s32 s31, s19;
	s21 =	sshll.u32 @!p0 s21, $0x6;
	[sflag:s1] =	ssyncset.done @p0 $0x0  }
0xa6: {  	[sflag:s1] =	ssyncadd.s32 @p0 $0xFFFFDB70;
	s1 =	sor.u32 @!p0 $0x1C05, s21;
	s21 =	sshrl.u32 @!p0 s7, $0x3  }
0xa7: {  	[hbm:s17], [sflag:s1] =	dma.local @!p0 [spmem:s21], $0x2C70  }
.Ltmp2:
0xa8: {  	_ = 	snop;
	(pc) =	sbr.rel @p1 .LBB2_1-.Ltmp2, $4  }
0xa9: {  	s1 =	simm.s32 @!p0 $0x5  }
0xaa: {  	_ =	swait.ge @!p0 [sflag:s1], $0x2C70  }
0xab: {  	[sflag:s1] =	ssyncset.done @!p0 $0x0  }
0xac: {  	[sflag:s1] =	ssyncadd.s32 @!p0 $0xFFFFD390  }
0xad: {  	_ =	sfence.sel $0x180000  }
0xae: {  	[bflag:$0x0] =	sbarrier.arrive $0xFFFF  }
0xaf: {  	_ =	strace $0x9000004A  }
0xb0: {  	s0 =	stileid.u32;
	[bflag:$0x2] =	sbarrier.arrive $0xFFFF  }
0xb1: {  	p0 =	sne.s32 s0, $0x0;
	s0 =	rddreg [dreg:$0x2]  }
0xb2: {  	s0 =	sadd.s32 @!p0 $0x100000, s0  }
0xb3: {  	[sflag:s0] =	ssyncadd.tile.s32 @!p0 $0x1;
	_ =	shalt  }
.Lfunc_end2:
_tile_overlayer_lowered:
.L_overlay_start_2:
0xb4: {  	(tag) =	ssettag $0x2  }
0xb5: {  	s0 =	rddreg [dreg:$0x0];
	s2 =	stileid.u32  }
0xb6: {  	s1 =	rddreg [dreg:$0x1];
	p0 =	sne.s32 s2, $0x0  }
0xb7: {  	s3 =	rddreg [dreg:$0x2];
	[bflag:$0x3] =	sbarrier.arrive $0xFFFF;
	s2 =	simm.s32 @!p0 $0x1C05  }
0xb8: {  	[timem:s3], [sflag:s2] =	dma.local @!p0 [hbm:s0], s1  }
0xb9: {  	s0 =	simm.s32 @!p0 $0x5  }
0xba: {  	_ =	swait.ge @!p0 [sflag:s0], s1  }
0xbb: {  	s1 =	ssub.s32 @!p0 $0x0, s1;
	[sflag:s0] =	ssyncset.done @!p0 $0x0  }
0xbc: {  	[sflag:s0] =	ssyncadd.s32 @!p0 s1  }
0xbd: {  	[bflag:$0x3] =	sbarrier.arrive $0xFFFF  }
0xbe: {  	_ =	shalt  }

// kernel: kernel.15.cloned.1.call-start
scs
__scs_entry_jumppad:
0x0: {  	(pc) =	sbr.rel $0x88, $3  }
0x1: {  	(tag) =	ssettag $0x0;
	lr =	simm.s32 $0x1  }
0x2: {  	[smem:$0x3F95] =	sst lr;
	_ =	strace $0xD0000000  }
0x3: {  	_ = 	snop  }
0x4: {  	_ = 	snop  }
0x5: {  	_ = 	snop  }
0x6: {  	_ = 	snop  }
0x7: {  	_ = 	snop  }
__scs_overlays_trampoline_lowered:
0x8: {  	[smem:$0x3FA4] =	sst s0  }
0x9: {  	[smem:$0x3FA5] =	sst s1  }
0xa: {  	[smem:$0x3FA6] =	sst s2  }
0xb: {  	[smem:$0x3FA7] =	sst s3  }
0xc: {  	[smem:$0x3FA8] =	sst s4  }
0xd: {  	[smem:$0x3FA9] =	sst s5  }
0xe: {  	[smem:$0x3FAA] =	sst s6  }
0xf: {  	[smem:$0x3FAB] =	sst s7  }
0x10: {  	[smem:$0x3FAC] =	sst s8  }
0x11: {  	[smem:$0x3FAD] =	sst s9;
	s0 =	simm.s32 @!p0 $0x0  }
0x12: {  	s1 =	sld [smem:$0x3F93];
	s0 =	simm.s32 @p0 $0x1  }
0x13: {  	[smem:$0x3FAE] =	sst s0;
	s0 =	simm.s32 @!p1 $0x0  }
0x14: {  	s2 =	sld [smem:$0x3F92];
	s0 =	simm.s32 @p1 $0x1  }
0x15: {  	[smem:$0x3FAF] =	sst s0;
	s0 =	simm.s32 @!p2 $0x0  }
0x16: {  	s3 =	sld [smem:$0x3FDB];
	s0 =	simm.s32 @p2 $0x1  }
0x17: {  	s4 =	simm.s32 $0x1BF5;
	[smem:$0x3FB1] =	sst s0  }
0x18: {  	s0 =	sld [smem:$0x3F94];
	_ =	swait.ge [sflag:s4], $0x0  }
0x19: {  	s7 =	sld [smem:$0x3F95]  }
0x1a: {  	s8 =	sadd.s32 $0xFFFFE003, lr  }
0x1b: {  	s9 =	sadd.s32 $0xFFFFFEF7, lr;
	s5 =	simm.s32 $0xFFFFFFFF;
	p2 =	slt.u32 s8, $0xFFFFF086  }
0x1c: {  	p1 =	slt.u32 s9, $0xF7A;
	s5 =	simm.s32 @!p2 $0x0  }
0x1d: {  	s5 =	simm.s32 @p1 $0x1;
	p0 =	seq.s32 s7, s2  }
0x1e: {  	s7 =	smul.u32 @!p0 $0xF7A, s2;
	p2 =	seq.s32 @!p0 s5, $0x0  }
0x1f: {  	s9 =	smul.u32 $0xF7A, s1;
	s8 =	simm.s32 @!p0 $0x1BF5;
	p2 =	por !p2, p0  }
0x20: {  	[sflag:s8] =	ssyncset.s32 @!p0 $0xFFFFF086;
	s6 =	sadd.s32 @!p0 s3, s7;
	s7 =	simm.s32 @!p0 $0x108  }
0x21: {  	s3 =	sadd.s32 s3, s9;
	s6 =	sadd.s32 @!p0 $0x88, s6;
	s7 =	simm.s32 @p2 $0x1082  }
0x22: {  	[simem:s7], [sflag:s8] =	dma.local @!p0 [hbm:s6], $0xF7A  }
0x23: {  	s9 =	sor.u32 $0xD0000000, s2;
	s6 =	simm.s32 $0x108;
	_ =	swait.ge @!p0 [sflag:s8], $0x0  }
0x24: {  	s3 =	sadd.s32 $0x88, s3;
	s6 =	simm.s32 @!p1 $0x1082;
	[sflag:s4] =	ssyncset.s32 $0xFFFFF086  }
0x25: {  	[simem:s6], [sflag:s4] =	dma.local [hbm:s3], $0xF7A  }
0x26: {  	[smem:$0x3F95] =	sst s1;
	(tag) =	ssettag s2;
	_ =	strace s9  }
0x27: {  	s1 =	sld [smem:$0x3FA5]  }
0x28: {  	s2 =	sld [smem:$0x3FA6]  }
0x29: {  	s4 =	sld [smem:$0x3FA8]  }
0x2a: {  	p0 =	seq.s32 s5, $0x0;
	s5 =	sld [smem:$0x3FA9]  }
0x2b: {  	s6 =	sld [smem:$0x3FAA]  }
0x2c: {  	s7 =	sld [smem:$0x3FAB]  }
0x2d: {  	s3 =	simm.s32 $0x108;
	s8 =	sld [smem:$0x3FAC]  }
0x2e: {  	s3 =	simm.s32 @!p0 $0x1082;
	s9 =	sld [smem:$0x3FAD]  }
0x2f: {  	lr =	sadd.s32 s0, s3;
	s0 =	sld [smem:$0x3FA4]  }
0x30: {  	s3 =	sld [smem:$0x3FA7]  }
0x31: {  	[smem:$0x3FB0] =	sst s10  }
0x32: {  	s10 =	sld [smem:$0x3FAE];
	_ =	sdelay $0x3  }
0x33: {  	p0 =	seq.s32 s10, $0x1;
	s10 =	sld [smem:$0x3FB0];
	_ =	sdelay $0x3  }
0x34: {  	[smem:$0x3FB0] =	sst s10  }
0x35: {  	s10 =	sld [smem:$0x3FAF];
	_ =	sdelay $0x3  }
0x36: {  	p1 =	seq.s32 s10, $0x1;
	s10 =	sld [smem:$0x3FB0];
	_ =	sdelay $0x3  }
0x37: {  	[smem:$0x3FB0] =	sst s10  }
0x38: {  	s10 =	sld [smem:$0x3FB1]  }
0x39: {  	_ = 	snop;
	(pc) =	sbr.ind lr, $3  }
0x3a: {  	_ = 	snop  }
0x3b: {  	_ = 	snop  }
0x3c: {  	p2 =	seq.s32 s10, $0x1;
	s10 =	sld [smem:$0x3FB0]  }
0x3d: {  	_ =	shalt  }
0x3e: {  	_ =	shalt  }
0x3f: {  	_ =	shalt  }
0x40: {  	_ =	shalt  }
0x41: {  	_ =	shalt  }
0x42: {  	_ =	shalt  }
0x43: {  	_ =	shalt  }
0x44: {  	_ =	shalt  }
0x45: {  	_ =	shalt  }
0x46: {  	_ =	shalt  }
0x47: {  	_ =	shalt  }
0x48: {  	_ =	shalt  }
0x49: {  	_ =	shalt  }
0x4a: {  	_ =	shalt  }
0x4b: {  	_ =	shalt  }
0x4c: {  	_ =	shalt  }
0x4d: {  	_ =	shalt  }
0x4e: {  	_ =	shalt  }
0x4f: {  	_ =	shalt  }
0x50: {  	_ =	shalt  }
0x51: {  	_ =	shalt  }
0x52: {  	_ =	shalt  }
0x53: {  	_ =	shalt  }
0x54: {  	_ =	shalt  }
0x55: {  	_ =	shalt  }
0x56: {  	_ =	shalt  }
0x57: {  	_ =	shalt  }
0x58: {  	_ =	shalt  }
0x59: {  	_ =	shalt  }
0x5a: {  	_ =	shalt  }
0x5b: {  	_ =	shalt  }
0x5c: {  	_ =	shalt  }
0x5d: {  	_ =	shalt  }
0x5e: {  	_ =	shalt  }
0x5f: {  	_ =	shalt  }
0x60: {  	_ =	shalt  }
0x61: {  	_ =	shalt  }
0x62: {  	_ =	shalt  }
0x63: {  	_ =	shalt  }
0x64: {  	_ =	shalt  }
0x65: {  	_ =	shalt  }
0x66: {  	_ =	shalt  }
0x67: {  	_ =	shalt  }
0x68: {  	_ =	shalt  }
0x69: {  	_ =	shalt  }
0x6a: {  	_ =	shalt  }
0x6b: {  	_ =	shalt  }
0x6c: {  	_ =	shalt  }
0x6d: {  	_ =	shalt  }
0x6e: {  	_ =	shalt  }
0x6f: {  	_ =	shalt  }
0x70: {  	_ =	shalt  }
0x71: {  	_ =	shalt  }
0x72: {  	_ =	shalt  }
0x73: {  	_ =	shalt  }
0x74: {  	_ =	shalt  }
0x75: {  	_ =	shalt  }
0x76: {  	_ =	shalt  }
0x77: {  	_ =	shalt  }
0x78: {  	_ =	shalt  }
0x79: {  	_ =	shalt  }
0x7a: {  	_ =	shalt  }
0x7b: {  	_ =	shalt  }
0x7c: {  	_ =	shalt  }
0x7d: {  	_ =	shalt  }
0x7e: {  	_ =	shalt  }
0x7f: {  	_ =	shalt  }
0x80: {  	_ =	shalt  }
0x81: {  	_ =	shalt  }
0x82: {  	_ =	shalt  }
0x83: {  	_ =	shalt  }
0x84: {  	_ =	shalt  }
0x85: {  	_ =	shalt  }
0x86: {  	_ =	shalt  }
0x87: {  	_ =	shalt  }
.Lfunc_end0:
.L_simem_size_0:
called_computation.2_lowered:
.L_overlay_start_0:
0x88: {  	s2 =	sld [smem:$0x3FD9]  }
0x89: {  	s3 =	sld [smem:$0x3FFE];
	_ =	sdelay $0x1  }
0x8a: {  	s1 =	srdreg.scid  }
0x8b: {  	s0 =	sand.u32 $0x1, s1  }
0x8c: {  	s16 =	sshll.u32 s0, $0xA;
	s2 =	sadd.s32 s3, s2  }
0x8d: {  	s2 =	sadd.s32 s2, s16  }
0x8e: {  	[smem:$0x3FBC] =	sst s2  }
0x8f: {  	_ = 	snop  }
0x90: {  	(tm) =	ssettm $0x1  }
0x91: {  	s17 =	sld [smem:$0x3FFB];
	_ =	sdelay $0x3  }
0x92: {  	_ =	strace s17  }
0x93: {  	s2 =	sld [smem:$0x3FFC];
	_ =	sdelay $0x3  }
0x94: {  	_ =	strace s2  }
0x95: {  	s2 =	sld [smem:$0x3FFD];
	_ =	sdelay $0x3  }
0x96: {  	_ =	strace s2  }
0x97: {  	_ =	strace $0x8FFFFFFF  }
0x98: {  	s18 =	sld [smem:$0x3FDB];
	_ =	sdelay $0x1  }
0x99: {  	s19 =	simm.s32 $_scs_section_size  }
0x9a: {  	s4 =	simm.s32 $_size__tile_overlayer_lowered;
	s5 =	simm.s32 $_tile_overlayer_lowered  }
0x9b: {  	s22 =	simm.s32 $0x1BFF;
	s21 =	sshll.u32 s5, $0x1;
	s2 =	sadd.s32 s19, s18  }
0x9c: {  	s6 =	simm.s32 $0x0;
	s20 =	sshll.u32 s4, $0x1;
	s4 =	sadd.s32 s21, s2  }
0x9d: {  	[timem:s6], [sflag:s22] =	dma.local [hbm:s4], s20  }
0x9e: {  	_ =	swait.ge [sflag:s22], s20  }
0x9f: {  	s3 =	ssub.s32 $0x0, s20;
	[sflag:s22] =	ssyncset.done $0x0  }
0xa0: {  	[sflag:s22] =	ssyncadd.s32 s3;
	_ =	sdelay $0x1  }
0xa1: {  	s23 =	simm.s32 $0x1B8B  }
0xa2: {  	_ =	swait.ge [sflag:s23], $0x1  }
0xa3: {  	[sflag:s23] =	ssyncset.done $0x0  }
0xa4: {  	s25 =	simm.s32 $0x1B8E;
	s24 =	sld [smem:$0x3FFE];
	[sflag:s23] =	ssyncadd.s32 $0xFFFFFFFF  }
0xa5: {  	s26 =	simm.s32 $execute0_lowered;
	[smem:$0x3FD2] =	sst s25  }
0xa6: {  	s4 =	sshll.u32 s26, $0x1;
	_ =	strace $0x8000004C;
	[dreg:$0x1] =	wrdreg $0xFFFFFFFF  }
0xa7: {  	s28 =	simm.s32 $_size_execute0_lowered;
	s2 =	sadd.s32 s2, s4;
	[dreg:$0x0] =	wrdreg $0x0  }
0xa8: {  	s4 =	sshll.u32 s28, $0x1;
	[dreg:$0x2] =	wrdreg s2  }
0xa9: {  	[dreg:$0x3] =	wrdreg s4  }
0xaa: {  	[dreg:$0x4] =	wrdreg $0xC0  }
0xab: {  	_ =	task [dreg:s6], $0x5FFFF  }
0xac: {  	[dreg:$0x1] =	wrdreg $0xFFFFFFFF  }
0xad: {  	[dreg:$0x0] =	wrdreg $0x60  }
0xae: {  	[dreg:$0x2] =	wrdreg s24  }
0xaf: {  	[dreg:$0x3] =	wrdreg $0x98000  }
0xb0: {  	[dreg:$0x4] =	wrdreg $0x9  }
0xb1: {  	_ =	task.clear_ibuf [dreg:s6], $0x5FFFF;
	_ =	strace $0x9000004C  }
0xb2: {  	s29 =	simm.s32 $0x9;
	_ =	strace $0x8000004E  }
0xb3: {  	_ =	swait.ge [sflag:s29], $0x1  }
0xb4: {  	[sflag:s29] =	ssyncadd.s32 $0xFFFFFFFF  }
0xb5: {  	_ =	strace $0x9000004E  }
0xb6: {  	_ =	sfence  }
0xb7: {  	s30 =	sld [smem:$0x0];
	_ =	sdelay $0x2  }
0xb8: {  	s31 =	sshll.u32 s1, $0xD;
	s1 =	sshrl.u32 s1, $0x2  }
0xb9: {  	s3 =	sand.u32 $0x4000, s31;
	s1 =	sadd.s32 s1, s30  }
0xba: {  	s0 =	sor.u32 s3, s0;
	s1 =	sshll.u32 s1, $0x11  }
0xbb: {  	s0 =	sor.u32 s1, s0  }
0xbc: {  	s0 =	sadd.s32 $0x8F2B, s0  }
0xbd: {  	[sflag:s0] =	ssyncadd.remote.s32 $0x1  }
0xbe: {  	_ =	sfence.sel $0xFFFF  }
0xbf: {  	[dreg:$0x0] =	wrdreg $0xFFFFFFFF;
	(pc) =	sbr.abs _section_cstart, $3  }
0xc0: {  	[dreg:$0x1] =	wrdreg $0xFFFFFFFF  }
0xc1: {  	_ =	task.clear_ibuf [dreg:s6], $0x2FFFF;
	_ =	strace $0x9FFFFFFF  }
0xc2: {  	(tm) =	ssettm $0x7FFFFFFF  }
0xc3: {  	_ =	shalt  }
tec
execute0_lowered:
.L_overlay_start_1:
0x0: {  	(tag) =	ssettag $0x1  }
0x1: {  	s0 =	srdreg.scid;
	s1 =	rddreg [dreg:$0x0]  }
0x2: {  	s21 =	stileid.u32;
	s2 =	rddreg [dreg:$0x1]  }
0x3: {  	s3 =	simm.s32 $0x0;
	s20 =	simm.s32 $0x5;
	s22 =	simm.s32 $0x5000  }
0x4: {  	s23 =	simm.s32 $0x40;
	s24 =	simm.s32 $0x7400;
	s25 =	simm.s32 $0x1  }
0x5: {  	s26 =	simm.s32 $0x2;
	s28 =	simm.s32 $0x3;
	s5 =	smul.u32 $0x2800, s21  }
0x6: {  	s29 =	simm.s32 $0x4;
	s31 =	simm.s32 $0x0;
	s7 =	smul.u32 $0x58E00, s21  }
0x7: {  	s0 =	sand.u32 $0x1, s0;
	[smem:$0x7FF] =	sst s3;
	s15 =	smul.u32 $0x16380, s21  }
0x8: {  	p0 =	seq.s32 s21, $0xF;
	s4 =	smul.u32 $0x28000, s0;
	s30 =	ssub.s32 $0x2, s0  }
0x9: {  	_ =	strace $0x8000004D;
	s0 =	smul.u32 $0x15F900, s0;
	s9 =	sshrl.u32 s30, $0x1  }
0xa: {  	s7 =	sshrl.u32 s7, $0x2;
	s6 =	sadd.s32 s5, s4;
	s4 =	sadd.s32 $0xDF800, s1  }
0xb: {  	s5 =	sshrl.u32 s5, $0x3;
	s19 =	ssub.s32 s30, s9;
	s16 =	sadd.s32 s7, s2  }
0xc: {  	s7 =	sadd.s32 s15, s2;
	s17 =	sadd.s32 s15, s0;
	s0 =	sshrl.u32 s0, $0x3  }
0xd: {  	s6 =	sshrl.u32 s6, $0x3;
	s8 =	sadd.s32 s5, s1;
	s9 =	sadd.s32 $0x4800, s16  }
0xe: {  	s10 =	sadd.s32 $0x6C00, s16;
	s11 =	sadd.s32 $0x9000, s16;
	s12 =	sadd.s32 $0xB400, s16  }
0xf: {  	s13 =	sadd.s32 $0xD800, s16;
	s14 =	sadd.s32 $0xFC00, s16;
	s15 =	sadd.s32 $0x12000, s16  }
0x10: {  	s17 =	sshrl.u32 s17, $0x3;
	s19 =	smax.u32 s19, $0x1;
	s6 =	sadd.s32 s6, s1  }
0x11: {  	s1 =	sadd.s32 $0x15B800, s1;
	s5 =	sadd.s32 $0x12200, s6;
	s6 =	sadd.s32 $0x3200, s8  }
0x12: {  	s8 =	sadd.s32 $0x2400, s16;
	s0 =	sadd.s32 s1, s0;
	s16 =	sadd.s32 $0x14400, s16  }
0x13: {  	v0 =	vimm.f32 $0.0e+00;
	s17 =	sadd.s32 s1, s17;
	s18 =	sadd.s32 $0x29A90, s0;
	s0 =	simm.s32 $0x27C0  }
.LBB2_1:
0x14: {  	[tilespmem:s3], [sflag:$0x5] =	stream.linear.gather [hbm4b:s5+s3], $0x2800, $0x38;
	[tilespmem:$0x1FB80] =	vst v63  }
0x15: {  	_ =	swait.ge [sflag:s20], $0x2800  }
0x16: {  	[sflag:s20] =	ssyncset.done $0x0  }
0x17: {  	s1 =	simm.s32 $0x2800;
	[sflag:s20] =	ssyncadd.s32 $0xFFFFD800  }
0x18: {  	[tilespmem:s1], [sflag:$0x5] =	stream.linear.gather [hbm4b:s6+s3], $0x2800, $0x38;
	[tilespmem:$0x1FB80] =	vst v63  }
0x19: {  	_ =	swait.ge [sflag:s20], $0x2800  }
0x1a: {  	[sflag:s20] =	ssyncset.done $0x0  }
0x1b: {  	s21 =	simm.s32 $0x440;
	s1 =	simm.s32 $0x80;
	[sflag:s20] =	ssyncadd.s32 $0xFFFFD800  }
.LBB2_2:
0x1c: {  	p1 =	sne.s32 s21, $0x8FC0;
	[tilespmem:s1+$0x5000] =	vst v0  }
0x1d: {  	[tilespmem:s1+$0x4F80] =	vst v0  }
0x1e: {  	[tilespmem:s1+$0x4F90] =	vst v0  }
0x1f: {  	[tilespmem:s1+$0x4FA0] =	vst v0  }
.Ltmp0:
0x20: {  	[tilespmem:s1+$0x4FB0] =	vst v0;
	(pc) =	sbr.rel @p1 .LBB2_2-.Ltmp0, $4  }
0x21: {  	[tilespmem:s1+$0x4FC0] =	vst v0  }
0x22: {  	[tilespmem:s1+$0x4FD0] =	vst v0  }
0x23: {  	[tilespmem:s1+$0x4FE0] =	vst v0  }
0x24: {  	[tilespmem:s1+$0x4FF0] =	vst v0;
	s1 =	sshra.s32 s21, $0x2;
	s21 =	sadd.s32 $0x240, s21  }
0x25: {  	[tilespmem:s1+$0x5000] =	vst v0  }
0x26: {  	[tilespmem:s1+$0x4F80] =	vst v0  }
0x27: {  	[tilespmem:s1+$0x4F90] =	vst v0  }
0x28: {  	[tilespmem:s1+$0x4FA0] =	vst v0  }
0x29: {  	[tilespmem:s1+$0x4FB0] =	vst v0  }
0x2a: {  	[tilespmem:s1+$0x4FC0] =	vst v0  }
0x2b: {  	[tilespmem:s1+$0x4FD0] =	vst v0  }
0x2c: {  	[tilespmem:s1+$0x4FE0] =	vst v0  }
0x2d: {  	[tilespmem:s1+$0x4FF0] =	vst v0  }
0x2e: {  	[spmem:s7] =	stream.linear.scatter [tilespmem:s22], [sflag:$0x5], $0x2400, $0x38;
	[tilespmem:$0x1FB80] =	vst v63  }
0x2f: {  	_ =	swait.ge [sflag:s20], $0x2400  }
0x30: {  	[sflag:s20] =	ssyncset.done $0x0  }
0x31: {  	[sflag:s20] =	ssyncadd.s32 $0xFFFFDC00  }
0x32: {  	[spmem:s8] =	stream.linear.scatter [tilespmem:s22], [sflag:$0x5], $0x2400, $0x38;
	[tilespmem:$0x1FB80] =	vst v63  }
0x33: {  	_ =	swait.ge [sflag:s20], $0x2400  }
0x34: {  	[sflag:s20] =	ssyncset.done $0x0  }
0x35: {  	[sflag:s20] =	ssyncadd.s32 $0xFFFFDC00  }
0x36: {  	[spmem:s9] =	stream.linear.scatter [tilespmem:s22], [sflag:$0x5], $0x2400, $0x38;
	[tilespmem:$0x1FB80] =	vst v63  }
0x37: {  	_ =	swait.ge [sflag:s20], $0x2400  }
0x38: {  	[sflag:s20] =	ssyncset.done $0x0  }
0x39: {  	[sflag:s20] =	ssyncadd.s32 $0xFFFFDC00  }
0x3a: {  	[spmem:s10] =	stream.linear.scatter [tilespmem:s22], [sflag:$0x5], $0x2400, $0x38;
	[tilespmem:$0x1FB80] =	vst v63  }
0x3b: {  	_ =	swait.ge [sflag:s20], $0x2400  }
0x3c: {  	[sflag:s20] =	ssyncset.done $0x0  }
0x3d: {  	[sflag:s20] =	ssyncadd.s32 $0xFFFFDC00  }
0x3e: {  	[spmem:s11] =	stream.linear.scatter [tilespmem:s22], [sflag:$0x5], $0x2400, $0x38;
	[tilespmem:$0x1FB80] =	vst v63  }
0x3f: {  	_ =	swait.ge [sflag:s20], $0x2400  }
0x40: {  	[sflag:s20] =	ssyncset.done $0x0  }
0x41: {  	[sflag:s20] =	ssyncadd.s32 $0xFFFFDC00  }
0x42: {  	[spmem:s12] =	stream.linear.scatter [tilespmem:s22], [sflag:$0x5], $0x2400, $0x38;
	[tilespmem:$0x1FB80] =	vst v63  }
0x43: {  	_ =	swait.ge [sflag:s20], $0x2400  }
0x44: {  	[sflag:s20] =	ssyncset.done $0x0  }
0x45: {  	[sflag:s20] =	ssyncadd.s32 $0xFFFFDC00  }
0x46: {  	[spmem:s13] =	stream.linear.scatter [tilespmem:s22], [sflag:$0x5], $0x2400, $0x38;
	[tilespmem:$0x1FB80] =	vst v63  }
0x47: {  	_ =	swait.ge [sflag:s20], $0x2400  }
0x48: {  	[sflag:s20] =	ssyncset.done $0x0  }
0x49: {  	[sflag:s20] =	ssyncadd.s32 $0xFFFFDC00  }
0x4a: {  	[spmem:s14] =	stream.linear.scatter [tilespmem:s22], [sflag:$0x5], $0x2400, $0x38;
	[tilespmem:$0x1FB80] =	vst v63  }
0x4b: {  	_ =	swait.ge [sflag:s20], $0x2400  }
0x4c: {  	[sflag:s20] =	ssyncset.done $0x0  }
0x4d: {  	[sflag:s20] =	ssyncadd.s32 $0xFFFFDC00  }
0x4e: {  	[spmem:s15] =	stream.linear.scatter [tilespmem:s22], [sflag:$0x5], $0x2400, $0x38;
	[tilespmem:$0x1FB80] =	vst v63  }
0x4f: {  	_ =	swait.ge [sflag:s20], $0x2400  }
0x50: {  	[sflag:s20] =	ssyncset.done $0x0  }
0x51: {  	[sflag:s20] =	ssyncadd.s32 $0xFFFFDC00  }
0x52: {  	[spmem:s16] =	stream.linear.scatter [tilespmem:s22], [sflag:$0x5], $0x1F80, $0x38;
	[tilespmem:$0x1FB80] =	vst v63  }
0x53: {  	_ =	swait.ge [sflag:s20], $0x1F80  }
0x54: {  	[sflag:s20] =	ssyncset.done $0x0  }
0x55: {  	[sflag:s20] =	ssyncadd.s32 $0xFFFFE080  }
0x56: {  	s21 =	simm.s32 $0x0;
	[bflag:$0x0] =	sbarrier.arrive $0xFFFF  }
0x57: {  	[tilespmem:s22], [sflag:$0x1] =	stream.indirect.gather [hbm4b:s4+s23], $0x90, s21, s23, $0xb8;
	[tilespmem:$0x1FB80] =	vst v63  }
0x58: {  	_ = 	snop  }
0x59: {  	[tilespmem:s24], [sflag:$0x2] =	stream.indirect.gather [hbm4b:s4+s23], $0x90, s23, s23, $0xb8;
	[tilespmem:$0x1FB80] =	vst v63  }
0x5a: {  	_ =	swait.ge [sflag:s25], $0x2400  }
0x5b: {  	[sflag:s25] =	ssyncset.done $0x0  }
0x5c: {  	s30 =	simm.s32 $0x2800;
	[sflag:s25] =	ssyncadd.s32 $0xFFFFDC00  }
0x5d: {  	[spmem:s2] =	stream.indirect.scatter.add.f32 [tilespmem:s22], [sflag:$0x3], $0x90, s30, s23, $0xb8;
	[tilespmem:$0x1FB80] =	vst v63  }
0x5e: {  	_ =	swait.ge [sflag:s26], $0x2400  }
0x5f: {  	[sflag:s26] =	ssyncset.done $0x0  }
0x60: {  	s21 =	simm.s32 $0x2840;
	[sflag:s26] =	ssyncadd.s32 $0xFFFFDC00  }
0x61: {  	[spmem:s2] =	stream.indirect.scatter.add.f32 [tilespmem:s24], [sflag:$0x4], $0x90, s21, s23, $0xb8;
	[tilespmem:$0x1FB80] =	vst v63  }
0x62: {  	_ =	swait.ge [sflag:s28], $0x2400  }
0x63: {  	[sflag:s28] =	ssyncset.done $0x0  }
0x64: {  	s30 =	simm.s32 $0x80;
	[sflag:s28] =	ssyncadd.s32 $0xFFFFDC00  }
0x65: {  	[tilespmem:s22], [sflag:$0x1] =	stream.indirect.gather [hbm4b:s4+s23], $0x90, s30, s23, $0xb8;
	[tilespmem:$0x1FB80] =	vst v63  }
0x66: {  	_ =	swait.ge [sflag:s29], $0x2400  }
0x67: {  	[sflag:s29] =	ssyncset.done $0x0  }
0x68: {  	s1 =	simm.s32 $0x200;
	s21 =	simm.s32 $0xC0;
	[sflag:s29] =	ssyncadd.s32 $0xFFFFDC00  }
.LBB2_4:
0x69: {  	[tilespmem:s24], [sflag:$0x2] =	stream.indirect.gather [hbm4b:s4+s23], $0x90, s21, s23, $0xb8;
	[tilespmem:$0x1FB80] =	vst v63  }
0x6a: {  	s21 =	smov.u32 s1  }
0x6b: {  	p1 =	sne.s32 s1, $0x9A00;
	s1 =	sadd.s32 $0x200, s1;
	_ =	swait.ge [sflag:s25], $0x2400  }
0x6c: {  	s21 =	sshra.s32 s21, $0x2;
	[sflag:s25] =	ssyncset.done $0x0  }
0x6d: {  	s30 =	sadd.s32 $0x2800, s21;
	[sflag:s25] =	ssyncadd.s32 $0xFFFFDC00  }
0x6e: {  	[spmem:s2] =	stream.indirect.scatter.add.f32 [tilespmem:s22], [sflag:$0x3], $0x90, s30, s23, $0xb8;
	[tilespmem:$0x1FB80] =	vst v63  }
0x6f: {  	_ =	swait.ge [sflag:s26], $0x2400  }
0x70: {  	[sflag:s26] =	ssyncset.done $0x0  }
0x71: {  	s30 =	sadd.s32 $0x2840, s21;
	[sflag:s26] =	ssyncadd.s32 $0xFFFFDC00  }
0x72: {  	[spmem:s2] =	stream.indirect.scatter.add.f32 [tilespmem:s24], [sflag:$0x4], $0x90, s30, s23, $0xb8;
	[tilespmem:$0x1FB80] =	vst v63  }
0x73: {  	_ =	swait.ge [sflag:s28], $0x2400  }
0x74: {  	[sflag:s28] =	ssyncset.done $0x0  }
.Ltmp1:
0x75: {  	s30 =	sadd.s32 $0x80, s21;
	[sflag:s28] =	ssyncadd.s32 $0xFFFFDC00;
	(pc) =	sbr.rel @p1 .LBB2_4-.Ltmp1, $4  }
0x76: {  	[tilespmem:s22], [sflag:$0x1] =	stream.indirect.gather [hbm4b:s4+s23], $0x90, s30, s23, $0xb8;
	[tilespmem:$0x1FB80] =	vst v63  }
0x77: {  	_ =	swait.ge [sflag:s29], $0x2400  }
0x78: {  	[sflag:s29] =	ssyncset.done $0x0  }
0x79: {  	s21 =	sadd.s32 $0xC0, s21;
	[sflag:s29] =	ssyncadd.s32 $0xFFFFDC00  }
0x7a: {  	[tilespmem:s24], [sflag:$0x2] =	stream.indirect.gather [hbm4b:s4+s23], $0x90, s21, s23, $0xb8;
	[tilespmem:$0x1FB80] =	vst v63  }
0x7b: {  	_ =	swait.ge [sflag:s25], $0x2400  }
0x7c: {  	[sflag:s25] =	ssyncset.done $0x0  }
0x7d: {  	s1 =	simm.s32 $0x4F00;
	[sflag:s25] =	ssyncadd.s32 $0xFFFFDC00  }
0x7e: {  	[spmem:s2] =	stream.indirect.scatter.add.f32 [tilespmem:s22], [sflag:$0x3], $0x90, s1, s23, $0xb8;
	[tilespmem:$0x1FB80] =	vst v63  }
0x7f: {  	_ =	swait.ge [sflag:s26], $0x2400  }
0x80: {  	[sflag:s26] =	ssyncset.done $0x0  }
0x81: {  	s21 =	simm.s32 $0x4F40;
	[sflag:s26] =	ssyncadd.s32 $0xFFFFDC00  }
0x82: {  	[spmem:s2] =	stream.indirect.scatter.add.f32 [tilespmem:s24], [sflag:$0x4], $0x90, s21, s23, $0xb8;
	[tilespmem:$0x1FB80] =	vst v63  }
0x83: {  	_ =	swait.ge [sflag:s28], $0x2400  }
0x84: {  	[sflag:s28] =	ssyncset.done $0x0  }
0x85: {  	s30 =	simm.s32 $0x2780;
	[sflag:s28] =	ssyncadd.s32 $0xFFFFDC00  }
0x86: {  	[tilespmem:s22], [sflag:$0x1] =	stream.indirect.gather [hbm4b:s4+s23], $0x90, s30, s23, $0xb8;
	[tilespmem:$0x1FB80] =	vst v63  }
0x87: {  	_ =	swait.ge [sflag:s29], $0x2400  }
0x88: {  	[sflag:s29] =	ssyncset.done $0x0  }
0x89: {  	[sflag:s29] =	ssyncadd.s32 $0xFFFFDC00  }
0x8a: {  	[tilespmem:s24], [sflag:$0x2] =	stream.indirect.gather [hbm4b:s4+s23], $0x90, s0, s23, $0xb8;
	[tilespmem:$0x1FB80] =	vst v63  }
0x8b: {  	_ =	swait.ge [sflag:s25], $0x2400  }
0x8c: {  	[sflag:s25] =	ssyncset.done $0x0  }
0x8d: {  	s21 =	simm.s32 $0x4F80;
	[sflag:s25] =	ssyncadd.s32 $0xFFFFDC00  }
0x8e: {  	[spmem:s2] =	stream.indirect.scatter.add.f32 [tilespmem:s22], [sflag:$0x3], $0x90, s21, s23, $0xb8;
	[tilespmem:$0x1FB80] =	vst v63  }
0x8f: {  	_ =	swait.ge [sflag:s26], $0x2400  }
0x90: {  	[sflag:s26] =	ssyncset.done $0x0  }
0x91: {  	s30 =	simm.s32 $0x4FC0;
	[sflag:s26] =	ssyncadd.s32 $0xFFFFDC00  }
0x92: {  	[spmem:s2] =	stream.indirect.scatter.add.f32 [tilespmem:s24], [sflag:$0x4], $0x90, s30, s23, $0xb8;
	[tilespmem:$0x1FB80] =	vst v63  }
0x93: {  	_ =	swait.ge [sflag:s28], $0x2400  }
0x94: {  	[sflag:s28] =	ssyncset.done $0x0  }
0x95: {  	[sflag:s28] =	ssyncadd.s32 $0xFFFFDC00  }
0x96: {  	[tilespmem:s22], [sflag:$0x1] =	stream.indirect.gather [hbm4b:s4+s23], $0x90, s0, s23, $0xb8;
	[tilespmem:$0x1FB80] =	vst v63  }
0x97: {  	_ =	swait.ge [sflag:s29], $0x2400  }
0x98: {  	[sflag:s29] =	ssyncset.done $0x0  }
0x99: {  	[sflag:s29] =	ssyncadd.s32 $0xFFFFDC00  }
0x9a: {  	[tilespmem:s24], [sflag:$0x2] =	stream.indirect.gather [hbm4b:s4+s23], $0x90, s0, s23, $0xb8;
	[tilespmem:$0x1FB80] =	vst v63  }
0x9b: {  	_ =	swait.ge [sflag:s25], $0x2400  }
0x9c: {  	[sflag:s25] =	ssyncset.done $0x0  }
0x9d: {  	[sflag:s25] =	ssyncadd.s32 $0xFFFFDC00  }
0x9e: {  	_ =	swait.ge [sflag:s26], $0x2400  }
0x9f: {  	[sflag:s26] =	ssyncset.done $0x0  }
0xa0: {  	[sflag:s26] =	ssyncadd.s32 $0xFFFFDC00  }
0xa1: {  	s1 =	sshrl.u32 @p0 s7, $0x3;
	s21 =	simm.s32 @p0 $0x1FC5;
	[bflag:$0x0] =	sbarrier.arrive $0xFFFF  }
0xa2: {  	[hbm:s18], [sflag:s21] =	dma.local @p0 [spmem:s1], $0x2490  }
0xa3: {  	s1 =	simm.s32 @p0 $0x5  }
0xa4: {  	s31 =	sadd.s32 $0x1, s31;
	s21 =	stileid.u32;
	_ =	swait.ge @p0 [sflag:s1], $0x2490  }
0xa5: {  	p1 =	sne.s32 s31, s19;
	s21 =	sshll.u32 @!p0 s21, $0x6;
	[sflag:s1] =	ssyncset.done @p0 $0x0  }
0xa6: {  	[sflag:s1] =	ssyncadd.s32 @p0 $0xFFFFDB70;
	s1 =	sor.u32 @!p0 $0x1C05, s21;
	s21 =	sshrl.u32 @!p0 s7, $0x3  }
0xa7: {  	[hbm:s17], [sflag:s1] =	dma.local @!p0 [spmem:s21], $0x2C70  }
.Ltmp2:
0xa8: {  	_ = 	snop;
	(pc) =	sbr.rel @p1 .LBB2_1-.Ltmp2, $4  }
0xa9: {  	s1 =	simm.s32 @!p0 $0x5  }
0xaa: {  	_ =	swait.ge @!p0 [sflag:s1], $0x2C70  }
0xab: {  	[sflag:s1] =	ssyncset.done @!p0 $0x0  }
0xac: {  	[sflag:s1] =	ssyncadd.s32 @!p0 $0xFFFFD390  }
0xad: {  	_ =	sfence.sel $0x180000  }
0xae: {  	[bflag:$0x0] =	sbarrier.arrive $0xFFFF  }
0xaf: {  	_ =	strace $0x9000004D  }
0xb0: {  	s0 =	stileid.u32;
	[bflag:$0x2] =	sbarrier.arrive $0xFFFF  }
0xb1: {  	p0 =	sne.s32 s0, $0x0;
	s0 =	rddreg [dreg:$0x2]  }
0xb2: {  	s0 =	sadd.s32 @!p0 $0x100000, s0  }
0xb3: {  	[sflag:s0] =	ssyncadd.tile.s32 @!p0 $0x1;
	_ =	shalt  }
.Lfunc_end2:
_tile_overlayer_lowered:
.L_overlay_start_2:
0xb4: {  	(tag) =	ssettag $0x2  }
0xb5: {  	s0 =	rddreg [dreg:$0x0];
	s2 =	stileid.u32  }
0xb6: {  	s1 =	rddreg [dreg:$0x1];
	p0 =	sne.s32 s2, $0x0  }
0xb7: {  	s3 =	rddreg [dreg:$0x2];
	[bflag:$0x3] =	sbarrier.arrive $0xFFFF;
	s2 =	simm.s32 @!p0 $0x1C05  }
0xb8: {  	[timem:s3], [sflag:s2] =	dma.local @!p0 [hbm:s0], s1  }
0xb9: {  	s0 =	simm.s32 @!p0 $0x5  }
0xba: {  	_ =	swait.ge @!p0 [sflag:s0], s1  }
0xbb: {  	s1 =	ssub.s32 @!p0 $0x0, s1;
	[sflag:s0] =	ssyncset.done @!p0 $0x0  }
0xbc: {  	[sflag:s0] =	ssyncadd.s32 @!p0 s1  }
0xbd: {  	[bflag:$0x3] =	sbarrier.arrive $0xFFFF  }
0xbe: {  	_ =	shalt  }

// kernel: kernel.18.cloned.1.call-start
scs
__scs_entry_jumppad:
0x0: {  	(pc) =	sbr.rel $0x88, $3  }
0x1: {  	(tag) =	ssettag $0x0;
	lr =	simm.s32 $0x1  }
0x2: {  	[smem:$0x3F95] =	sst lr;
	_ =	strace $0xD0000000  }
0x3: {  	_ = 	snop  }
0x4: {  	_ = 	snop  }
0x5: {  	_ = 	snop  }
0x6: {  	_ = 	snop  }
0x7: {  	_ = 	snop  }
__scs_overlays_trampoline_lowered:
0x8: {  	[smem:$0x3FA4] =	sst s0  }
0x9: {  	[smem:$0x3FA5] =	sst s1  }
0xa: {  	[smem:$0x3FA6] =	sst s2  }
0xb: {  	[smem:$0x3FA7] =	sst s3  }
0xc: {  	[smem:$0x3FA8] =	sst s4  }
0xd: {  	[smem:$0x3FA9] =	sst s5  }
0xe: {  	[smem:$0x3FAA] =	sst s6  }
0xf: {  	[smem:$0x3FAB] =	sst s7  }
0x10: {  	[smem:$0x3FAC] =	sst s8  }
0x11: {  	[smem:$0x3FAD] =	sst s9;
	s0 =	simm.s32 @!p0 $0x0  }
0x12: {  	s1 =	sld [smem:$0x3F93];
	s0 =	simm.s32 @p0 $0x1  }
0x13: {  	[smem:$0x3FAE] =	sst s0;
	s0 =	simm.s32 @!p1 $0x0  }
0x14: {  	s2 =	sld [smem:$0x3F92];
	s0 =	simm.s32 @p1 $0x1  }
0x15: {  	[smem:$0x3FAF] =	sst s0;
	s0 =	simm.s32 @!p2 $0x0  }
0x16: {  	s3 =	sld [smem:$0x3FDB];
	s0 =	simm.s32 @p2 $0x1  }
0x17: {  	s4 =	simm.s32 $0x1BF5;
	[smem:$0x3FB1] =	sst s0  }
0x18: {  	s0 =	sld [smem:$0x3F94];
	_ =	swait.ge [sflag:s4], $0x0  }
0x19: {  	s7 =	sld [smem:$0x3F95]  }
0x1a: {  	s8 =	sadd.s32 $0xFFFFE003, lr  }
0x1b: {  	s9 =	sadd.s32 $0xFFFFFEF7, lr;
	s5 =	simm.s32 $0xFFFFFFFF;
	p2 =	slt.u32 s8, $0xFFFFF086  }
0x1c: {  	p1 =	slt.u32 s9, $0xF7A;
	s5 =	simm.s32 @!p2 $0x0  }
0x1d: {  	s5 =	simm.s32 @p1 $0x1;
	p0 =	seq.s32 s7, s2  }
0x1e: {  	s7 =	smul.u32 @!p0 $0xF7A, s2;
	p2 =	seq.s32 @!p0 s5, $0x0  }
0x1f: {  	s9 =	smul.u32 $0xF7A, s1;
	s8 =	simm.s32 @!p0 $0x1BF5;
	p2 =	por !p2, p0  }
0x20: {  	[sflag:s8] =	ssyncset.s32 @!p0 $0xFFFFF086;
	s6 =	sadd.s32 @!p0 s3, s7;
	s7 =	simm.s32 @!p0 $0x108  }
0x21: {  	s3 =	sadd.s32 s3, s9;
	s6 =	sadd.s32 @!p0 $0x88, s6;
	s7 =	simm.s32 @p2 $0x1082  }
0x22: {  	[simem:s7], [sflag:s8] =	dma.local @!p0 [hbm:s6], $0xF7A  }
0x23: {  	s9 =	sor.u32 $0xD0000000, s2;
	s6 =	simm.s32 $0x108;
	_ =	swait.ge @!p0 [sflag:s8], $0x0  }
0x24: {  	s3 =	sadd.s32 $0x88, s3;
	s6 =	simm.s32 @!p1 $0x1082;
	[sflag:s4] =	ssyncset.s32 $0xFFFFF086  }
0x25: {  	[simem:s6], [sflag:s4] =	dma.local [hbm:s3], $0xF7A  }
0x26: {  	[smem:$0x3F95] =	sst s1;
	(tag) =	ssettag s2;
	_ =	strace s9  }
0x27: {  	s1 =	sld [smem:$0x3FA5]  }
0x28: {  	s2 =	sld [smem:$0x3FA6]  }
0x29: {  	s4 =	sld [smem:$0x3FA8]  }
0x2a: {  	p0 =	seq.s32 s5, $0x0;
	s5 =	sld [smem:$0x3FA9]  }
0x2b: {  	s6 =	sld [smem:$0x3FAA]  }
0x2c: {  	s7 =	sld [smem:$0x3FAB]  }
0x2d: {  	s3 =	simm.s32 $0x108;
	s8 =	sld [smem:$0x3FAC]  }
0x2e: {  	s3 =	simm.s32 @!p0 $0x1082;
	s9 =	sld [smem:$0x3FAD]  }
0x2f: {  	lr =	sadd.s32 s0, s3;
	s0 =	sld [smem:$0x3FA4]  }
0x30: {  	s3 =	sld [smem:$0x3FA7]  }
0x31: {  	[smem:$0x3FB0] =	sst s10  }
0x32: {  	s10 =	sld [smem:$0x3FAE];
	_ =	sdelay $0x3  }
0x33: {  	p0 =	seq.s32 s10, $0x1;
	s10 =	sld [smem:$0x3FB0];
	_ =	sdelay $0x3  }
0x34: {  	[smem:$0x3FB0] =	sst s10  }
0x35: {  	s10 =	sld [smem:$0x3FAF];
	_ =	sdelay $0x3  }
0x36: {  	p1 =	seq.s32 s10, $0x1;
	s10 =	sld [smem:$0x3FB0];
	_ =	sdelay $0x3  }
0x37: {  	[smem:$0x3FB0] =	sst s10  }
0x38: {  	s10 =	sld [smem:$0x3FB1]  }
0x39: {  	_ = 	snop;
	(pc) =	sbr.ind lr, $3  }
0x3a: {  	_ = 	snop  }
0x3b: {  	_ = 	snop  }
0x3c: {  	p2 =	seq.s32 s10, $0x1;
	s10 =	sld [smem:$0x3FB0]  }
0x3d: {  	_ =	shalt  }
0x3e: {  	_ =	shalt  }
0x3f: {  	_ =	shalt  }
0x40: {  	_ =	shalt  }
0x41: {  	_ =	shalt  }
0x42: {  	_ =	shalt  }
0x43: {  	_ =	shalt  }
0x44: {  	_ =	shalt  }
0x45: {  	_ =	shalt  }
0x46: {  	_ =	shalt  }
0x47: {  	_ =	shalt  }
0x48: {  	_ =	shalt  }
0x49: {  	_ =	shalt  }
0x4a: {  	_ =	shalt  }
0x4b: {  	_ =	shalt  }
0x4c: {  	_ =	shalt  }
0x4d: {  	_ =	shalt  }
0x4e: {  	_ =	shalt  }
0x4f: {  	_ =	shalt  }
0x50: {  	_ =	shalt  }
0x51: {  	_ =	shalt  }
0x52: {  	_ =	shalt  }
0x53: {  	_ =	shalt  }
0x54: {  	_ =	shalt  }
0x55: {  	_ =	shalt  }
0x56: {  	_ =	shalt  }
0x57: {  	_ =	shalt  }
0x58: {  	_ =	shalt  }
0x59: {  	_ =	shalt  }
0x5a: {  	_ =	shalt  }
0x5b: {  	_ =	shalt  }
0x5c: {  	_ =	shalt  }
0x5d: {  	_ =	shalt  }
0x5e: {  	_ =	shalt  }
0x5f: {  	_ =	shalt  }
0x60: {  	_ =	shalt  }
0x61: {  	_ =	shalt  }
0x62: {  	_ =	shalt  }
0x63: {  	_ =	shalt  }
0x64: {  	_ =	shalt  }
0x65: {  	_ =	shalt  }
0x66: {  	_ =	shalt  }
0x67: {  	_ =	shalt  }
0x68: {  	_ =	shalt  }
0x69: {  	_ =	shalt  }
0x6a: {  	_ =	shalt  }
0x6b: {  	_ =	shalt  }
0x6c: {  	_ =	shalt  }
0x6d: {  	_ =	shalt  }
0x6e: {  	_ =	shalt  }
0x6f: {  	_ =	shalt  }
0x70: {  	_ =	shalt  }
0x71: {  	_ =	shalt  }
0x72: {  	_ =	shalt  }
0x73: {  	_ =	shalt  }
0x74: {  	_ =	shalt  }
0x75: {  	_ =	shalt  }
0x76: {  	_ =	shalt  }
0x77: {  	_ =	shalt  }
0x78: {  	_ =	shalt  }
0x79: {  	_ =	shalt  }
0x7a: {  	_ =	shalt  }
0x7b: {  	_ =	shalt  }
0x7c: {  	_ =	shalt  }
0x7d: {  	_ =	shalt  }
0x7e: {  	_ =	shalt  }
0x7f: {  	_ =	shalt  }
0x80: {  	_ =	shalt  }
0x81: {  	_ =	shalt  }
0x82: {  	_ =	shalt  }
0x83: {  	_ =	shalt  }
0x84: {  	_ =	shalt  }
0x85: {  	_ =	shalt  }
0x86: {  	_ =	shalt  }
0x87: {  	_ =	shalt  }
.Lfunc_end0:
.L_simem_size_0:
called_computation.3_lowered:
.L_overlay_start_0:
0x88: {  	s2 =	sld [smem:$0x3FD9]  }
0x89: {  	s3 =	sld [smem:$0x3FFE];
	_ =	sdelay $0x1  }
0x8a: {  	s1 =	srdreg.scid  }
0x8b: {  	s0 =	sand.u32 $0x1, s1  }
0x8c: {  	s16 =	sshll.u32 s0, $0xA;
	s2 =	sadd.s32 s3, s2  }
0x8d: {  	s2 =	sadd.s32 s2, s16  }
0x8e: {  	[smem:$0x3FBC] =	sst s2  }
0x8f: {  	_ = 	snop  }
0x90: {  	(tm) =	ssettm $0x1  }
0x91: {  	s17 =	sld [smem:$0x3FFB];
	_ =	sdelay $0x3  }
0x92: {  	_ =	strace s17  }
0x93: {  	s2 =	sld [smem:$0x3FFC];
	_ =	sdelay $0x3  }
0x94: {  	_ =	strace s2  }
0x95: {  	s2 =	sld [smem:$0x3FFD];
	_ =	sdelay $0x3  }
0x96: {  	_ =	strace s2  }
0x97: {  	_ =	strace $0x8FFFFFFF  }
0x98: {  	s18 =	sld [smem:$0x3FDB];
	_ =	sdelay $0x1  }
0x99: {  	s19 =	simm.s32 $_scs_section_size  }
0x9a: {  	s4 =	simm.s32 $_size__tile_overlayer_lowered;
	s5 =	simm.s32 $_tile_overlayer_lowered  }
0x9b: {  	s22 =	simm.s32 $0x1BFF;
	s21 =	sshll.u32 s5, $0x1;
	s2 =	sadd.s32 s19, s18  }
0x9c: {  	s6 =	simm.s32 $0x0;
	s20 =	sshll.u32 s4, $0x1;
	s4 =	sadd.s32 s21, s2  }
0x9d: {  	[timem:s6], [sflag:s22] =	dma.local [hbm:s4], s20  }
0x9e: {  	_ =	swait.ge [sflag:s22], s20  }
0x9f: {  	s3 =	ssub.s32 $0x0, s20;
	[sflag:s22] =	ssyncset.done $0x0  }
0xa0: {  	[sflag:s22] =	ssyncadd.s32 s3;
	_ =	sdelay $0x1  }
0xa1: {  	s23 =	simm.s32 $0x1B8B  }
0xa2: {  	_ =	swait.ge [sflag:s23], $0x1  }
0xa3: {  	[sflag:s23] =	ssyncset.done $0x0  }
0xa4: {  	s25 =	simm.s32 $0x1B8E;
	s24 =	sld [smem:$0x3FFE];
	[sflag:s23] =	ssyncadd.s32 $0xFFFFFFFF  }
0xa5: {  	s26 =	simm.s32 $execute0_lowered;
	[smem:$0x3FD2] =	sst s25  }
0xa6: {  	s4 =	sshll.u32 s26, $0x1;
	_ =	strace $0x8000004F;
	[dreg:$0x1] =	wrdreg $0xFFFFFFFF  }
0xa7: {  	s28 =	simm.s32 $_size_execute0_lowered;
	s2 =	sadd.s32 s2, s4;
	[dreg:$0x0] =	wrdreg $0x0  }
0xa8: {  	s4 =	sshll.u32 s28, $0x1;
	[dreg:$0x2] =	wrdreg s2  }
0xa9: {  	[dreg:$0x3] =	wrdreg s4  }
0xaa: {  	[dreg:$0x4] =	wrdreg $0xC0  }
0xab: {  	_ =	task [dreg:s6], $0x5FFFF  }
0xac: {  	[dreg:$0x1] =	wrdreg $0xFFFFFFFF  }
0xad: {  	[dreg:$0x0] =	wrdreg $0x60  }
0xae: {  	[dreg:$0x2] =	wrdreg s24  }
0xaf: {  	[dreg:$0x3] =	wrdreg $0x98000  }
0xb0: {  	[dreg:$0x4] =	wrdreg $0x9  }
0xb1: {  	_ =	task.clear_ibuf [dreg:s6], $0x5FFFF;
	_ =	strace $0x9000004F  }
0xb2: {  	s29 =	simm.s32 $0x9;
	_ =	strace $0x80000051  }
0xb3: {  	_ =	swait.ge [sflag:s29], $0x1  }
0xb4: {  	[sflag:s29] =	ssyncadd.s32 $0xFFFFFFFF  }
0xb5: {  	_ =	strace $0x90000051  }
0xb6: {  	_ =	sfence  }
0xb7: {  	s30 =	sld [smem:$0x0];
	_ =	sdelay $0x2  }
0xb8: {  	s31 =	sshll.u32 s1, $0xD;
	s1 =	sshrl.u32 s1, $0x2  }
0xb9: {  	s3 =	sand.u32 $0x4000, s31;
	s1 =	sadd.s32 s1, s30  }
0xba: {  	s0 =	sor.u32 s3, s0;
	s1 =	sshll.u32 s1, $0x11  }
0xbb: {  	s0 =	sor.u32 s1, s0  }
0xbc: {  	s0 =	sadd.s32 $0x8F2B, s0  }
0xbd: {  	[sflag:s0] =	ssyncadd.remote.s32 $0x1  }
0xbe: {  	_ =	sfence.sel $0xFFFF  }
0xbf: {  	[dreg:$0x0] =	wrdreg $0xFFFFFFFF;
	(pc) =	sbr.abs _section_cstart, $3  }
0xc0: {  	[dreg:$0x1] =	wrdreg $0xFFFFFFFF  }
0xc1: {  	_ =	task.clear_ibuf [dreg:s6], $0x2FFFF;
	_ =	strace $0x9FFFFFFF  }
0xc2: {  	(tm) =	ssettm $0x7FFFFFFF  }
0xc3: {  	_ =	shalt  }
tec
execute0_lowered:
.L_overlay_start_1:
0x0: {  	(tag) =	ssettag $0x1  }
0x1: {  	s0 =	srdreg.scid;
	s1 =	rddreg [dreg:$0x0]  }
0x2: {  	s21 =	stileid.u32;
	s2 =	rddreg [dreg:$0x1]  }
0x3: {  	s3 =	simm.s32 $0x0;
	s20 =	simm.s32 $0x5;
	s22 =	simm.s32 $0x5000  }
0x4: {  	s23 =	simm.s32 $0x40;
	s24 =	simm.s32 $0x7400;
	s25 =	simm.s32 $0x1  }
0x5: {  	s26 =	simm.s32 $0x2;
	s28 =	simm.s32 $0x3;
	s5 =	smul.u32 $0x2800, s21  }
0x6: {  	s29 =	simm.s32 $0x4;
	s31 =	simm.s32 $0x0;
	s7 =	smul.u32 $0x58E00, s21  }
0x7: {  	s0 =	sand.u32 $0x1, s0;
	[smem:$0x7FF] =	sst s3;
	s15 =	smul.u32 $0x16380, s21  }
0x8: {  	p0 =	seq.s32 s21, $0xF;
	s4 =	smul.u32 $0x28000, s0;
	s30 =	ssub.s32 $0x2, s0  }
0x9: {  	_ =	strace $0x80000050;
	s0 =	smul.u32 $0x15F900, s0;
	s9 =	sshrl.u32 s30, $0x1  }
0xa: {  	s7 =	sshrl.u32 s7, $0x2;
	s6 =	sadd.s32 s5, s4;
	s4 =	sadd.s32 $0x43400, s1  }
0xb: {  	s5 =	sshrl.u32 s5, $0x3;
	s19 =	ssub.s32 s30, s9;
	s16 =	sadd.s32 s7, s2  }
0xc: {  	s7 =	sadd.s32 s15, s2;
	s17 =	sadd.s32 s15, s0;
	s0 =	sshrl.u32 s0, $0x3  }
0xd: {  	s6 =	sshrl.u32 s6, $0x3;
	s8 =	sadd.s32 s5, s1;
	s9 =	sadd.s32 $0x4800, s16  }
0xe: {  	s10 =	sadd.s32 $0x6C00, s16;
	s11 =	sadd.s32 $0x9000, s16;
	s12 =	sadd.s32 $0xB400, s16  }
0xf: {  	s13 =	sadd.s32 $0xD800, s16;
	s14 =	sadd.s32 $0xFC00, s16;
	s15 =	sadd.s32 $0x12000, s16  }
0x10: {  	s17 =	sshrl.u32 s17, $0x3;
	s19 =	smax.u32 s19, $0x1;
	s6 =	sadd.s32 s6, s1  }
0x11: {  	s1 =	sadd.s32 $0x17BC00, s1;
	s5 =	sadd.s32 $0x12200, s6;
	s6 =	sadd.s32 $0x3200, s8  }
0x12: {  	s8 =	sadd.s32 $0x2400, s16;
	s0 =	sadd.s32 s1, s0;
	s16 =	sadd.s32 $0x14400, s16  }
0x13: {  	v0 =	vimm.f32 $0.0e+00;
	s17 =	sadd.s32 s1, s17;
	s18 =	sadd.s32 $0x29A90, s0;
	s0 =	simm.s32 $0x27C0  }
.LBB2_1:
0x14: {  	[tilespmem:s3], [sflag:$0x5] =	stream.linear.gather [hbm4b:s5+s3], $0x2800, $0x38;
	[tilespmem:$0x1FB80] =	vst v63  }
0x15: {  	_ =	swait.ge [sflag:s20], $0x2800  }
0x16: {  	[sflag:s20] =	ssyncset.done $0x0  }
0x17: {  	s1 =	simm.s32 $0x2800;
	[sflag:s20] =	ssyncadd.s32 $0xFFFFD800  }
0x18: {  	[tilespmem:s1], [sflag:$0x5] =	stream.linear.gather [hbm4b:s6+s3], $0x2800, $0x38;
	[tilespmem:$0x1FB80] =	vst v63  }
0x19: {  	_ =	swait.ge [sflag:s20], $0x2800  }
0x1a: {  	[sflag:s20] =	ssyncset.done $0x0  }
0x1b: {  	s21 =	simm.s32 $0x440;
	s1 =	simm.s32 $0x80;
	[sflag:s20] =	ssyncadd.s32 $0xFFFFD800  }
.LBB2_2:
0x1c: {  	p1 =	sne.s32 s21, $0x8FC0;
	[tilespmem:s1+$0x5000] =	vst v0  }
0x1d: {  	[tilespmem:s1+$0x4F80] =	vst v0  }
0x1e: {  	[tilespmem:s1+$0x4F90] =	vst v0  }
0x1f: {  	[tilespmem:s1+$0x4FA0] =	vst v0  }
.Ltmp0:
0x20: {  	[tilespmem:s1+$0x4FB0] =	vst v0;
	(pc) =	sbr.rel @p1 .LBB2_2-.Ltmp0, $4  }
0x21: {  	[tilespmem:s1+$0x4FC0] =	vst v0  }
0x22: {  	[tilespmem:s1+$0x4FD0] =	vst v0  }
0x23: {  	[tilespmem:s1+$0x4FE0] =	vst v0  }
0x24: {  	[tilespmem:s1+$0x4FF0] =	vst v0;
	s1 =	sshra.s32 s21, $0x2;
	s21 =	sadd.s32 $0x240, s21  }
0x25: {  	[tilespmem:s1+$0x5000] =	vst v0  }
0x26: {  	[tilespmem:s1+$0x4F80] =	vst v0  }
0x27: {  	[tilespmem:s1+$0x4F90] =	vst v0  }
0x28: {  	[tilespmem:s1+$0x4FA0] =	vst v0  }
0x29: {  	[tilespmem:s1+$0x4FB0] =	vst v0  }
0x2a: {  	[tilespmem:s1+$0x4FC0] =	vst v0  }
0x2b: {  	[tilespmem:s1+$0x4FD0] =	vst v0  }
0x2c: {  	[tilespmem:s1+$0x4FE0] =	vst v0  }
0x2d: {  	[tilespmem:s1+$0x4FF0] =	vst v0  }
0x2e: {  	[spmem:s7] =	stream.linear.scatter [tilespmem:s22], [sflag:$0x5], $0x2400, $0x38;
	[tilespmem:$0x1FB80] =	vst v63  }
0x2f: {  	_ =	swait.ge [sflag:s20], $0x2400  }
0x30: {  	[sflag:s20] =	ssyncset.done $0x0  }
0x31: {  	[sflag:s20] =	ssyncadd.s32 $0xFFFFDC00  }
0x32: {  	[spmem:s8] =	stream.linear.scatter [tilespmem:s22], [sflag:$0x5], $0x2400, $0x38;
	[tilespmem:$0x1FB80] =	vst v63  }
0x33: {  	_ =	swait.ge [sflag:s20], $0x2400  }
0x34: {  	[sflag:s20] =	ssyncset.done $0x0  }
0x35: {  	[sflag:s20] =	ssyncadd.s32 $0xFFFFDC00  }
0x36: {  	[spmem:s9] =	stream.linear.scatter [tilespmem:s22], [sflag:$0x5], $0x2400, $0x38;
	[tilespmem:$0x1FB80] =	vst v63  }
0x37: {  	_ =	swait.ge [sflag:s20], $0x2400  }
0x38: {  	[sflag:s20] =	ssyncset.done $0x0  }
0x39: {  	[sflag:s20] =	ssyncadd.s32 $0xFFFFDC00  }
0x3a: {  	[spmem:s10] =	stream.linear.scatter [tilespmem:s22], [sflag:$0x5], $0x2400, $0x38;
	[tilespmem:$0x1FB80] =	vst v63  }
0x3b: {  	_ =	swait.ge [sflag:s20], $0x2400  }
0x3c: {  	[sflag:s20] =	ssyncset.done $0x0  }
0x3d: {  	[sflag:s20] =	ssyncadd.s32 $0xFFFFDC00  }
0x3e: {  	[spmem:s11] =	stream.linear.scatter [tilespmem:s22], [sflag:$0x5], $0x2400, $0x38;
	[tilespmem:$0x1FB80] =	vst v63  }
0x3f: {  	_ =	swait.ge [sflag:s20], $0x2400  }
0x40: {  	[sflag:s20] =	ssyncset.done $0x0  }
0x41: {  	[sflag:s20] =	ssyncadd.s32 $0xFFFFDC00  }
0x42: {  	[spmem:s12] =	stream.linear.scatter [tilespmem:s22], [sflag:$0x5], $0x2400, $0x38;
	[tilespmem:$0x1FB80] =	vst v63  }
0x43: {  	_ =	swait.ge [sflag:s20], $0x2400  }
0x44: {  	[sflag:s20] =	ssyncset.done $0x0  }
0x45: {  	[sflag:s20] =	ssyncadd.s32 $0xFFFFDC00  }
0x46: {  	[spmem:s13] =	stream.linear.scatter [tilespmem:s22], [sflag:$0x5], $0x2400, $0x38;
	[tilespmem:$0x1FB80] =	vst v63  }
0x47: {  	_ =	swait.ge [sflag:s20], $0x2400  }
0x48: {  	[sflag:s20] =	ssyncset.done $0x0  }
0x49: {  	[sflag:s20] =	ssyncadd.s32 $0xFFFFDC00  }
0x4a: {  	[spmem:s14] =	stream.linear.scatter [tilespmem:s22], [sflag:$0x5], $0x2400, $0x38;
	[tilespmem:$0x1FB80] =	vst v63  }
0x4b: {  	_ =	swait.ge [sflag:s20], $0x2400  }
0x4c: {  	[sflag:s20] =	ssyncset.done $0x0  }
0x4d: {  	[sflag:s20] =	ssyncadd.s32 $0xFFFFDC00  }
0x4e: {  	[spmem:s15] =	stream.linear.scatter [tilespmem:s22], [sflag:$0x5], $0x2400, $0x38;
	[tilespmem:$0x1FB80] =	vst v63  }
0x4f: {  	_ =	swait.ge [sflag:s20], $0x2400  }
0x50: {  	[sflag:s20] =	ssyncset.done $0x0  }
0x51: {  	[sflag:s20] =	ssyncadd.s32 $0xFFFFDC00  }
0x52: {  	[spmem:s16] =	stream.linear.scatter [tilespmem:s22], [sflag:$0x5], $0x1F80, $0x38;
	[tilespmem:$0x1FB80] =	vst v63  }
0x53: {  	_ =	swait.ge [sflag:s20], $0x1F80  }
0x54: {  	[sflag:s20] =	ssyncset.done $0x0  }
0x55: {  	[sflag:s20] =	ssyncadd.s32 $0xFFFFE080  }
0x56: {  	s21 =	simm.s32 $0x0;
	[bflag:$0x0] =	sbarrier.arrive $0xFFFF  }
0x57: {  	[tilespmem:s22], [sflag:$0x1] =	stream.indirect.gather [hbm4b:s4+s23], $0x90, s21, s23, $0xb8;
	[tilespmem:$0x1FB80] =	vst v63  }
0x58: {  	_ = 	snop  }
0x59: {  	[tilespmem:s24], [sflag:$0x2] =	stream.indirect.gather [hbm4b:s4+s23], $0x90, s23, s23, $0xb8;
	[tilespmem:$0x1FB80] =	vst v63  }
0x5a: {  	_ =	swait.ge [sflag:s25], $0x2400  }
0x5b: {  	[sflag:s25] =	ssyncset.done $0x0  }
0x5c: {  	s30 =	simm.s32 $0x2800;
	[sflag:s25] =	ssyncadd.s32 $0xFFFFDC00  }
0x5d: {  	[spmem:s2] =	stream.indirect.scatter.add.f32 [tilespmem:s22], [sflag:$0x3], $0x90, s30, s23, $0xb8;
	[tilespmem:$0x1FB80] =	vst v63  }
0x5e: {  	_ =	swait.ge [sflag:s26], $0x2400  }
0x5f: {  	[sflag:s26] =	ssyncset.done $0x0  }
0x60: {  	s21 =	simm.s32 $0x2840;
	[sflag:s26] =	ssyncadd.s32 $0xFFFFDC00  }
0x61: {  	[spmem:s2] =	stream.indirect.scatter.add.f32 [tilespmem:s24], [sflag:$0x4], $0x90, s21, s23, $0xb8;
	[tilespmem:$0x1FB80] =	vst v63  }
0x62: {  	_ =	swait.ge [sflag:s28], $0x2400  }
0x63: {  	[sflag:s28] =	ssyncset.done $0x0  }
0x64: {  	s30 =	simm.s32 $0x80;
	[sflag:s28] =	ssyncadd.s32 $0xFFFFDC00  }
0x65: {  	[tilespmem:s22], [sflag:$0x1] =	stream.indirect.gather [hbm4b:s4+s23], $0x90, s30, s23, $0xb8;
	[tilespmem:$0x1FB80] =	vst v63  }
0x66: {  	_ =	swait.ge [sflag:s29], $0x2400  }
0x67: {  	[sflag:s29] =	ssyncset.done $0x0  }
0x68: {  	s1 =	simm.s32 $0x200;
	s21 =	simm.s32 $0xC0;
	[sflag:s29] =	ssyncadd.s32 $0xFFFFDC00  }
.LBB2_4:
0x69: {  	[tilespmem:s24], [sflag:$0x2] =	stream.indirect.gather [hbm4b:s4+s23], $0x90, s21, s23, $0xb8;
	[tilespmem:$0x1FB80] =	vst v63  }
0x6a: {  	s21 =	smov.u32 s1  }
0x6b: {  	p1 =	sne.s32 s1, $0x9A00;
	s1 =	sadd.s32 $0x200, s1;
	_ =	swait.ge [sflag:s25], $0x2400  }
0x6c: {  	s21 =	sshra.s32 s21, $0x2;
	[sflag:s25] =	ssyncset.done $0x0  }
0x6d: {  	s30 =	sadd.s32 $0x2800, s21;
	[sflag:s25] =	ssyncadd.s32 $0xFFFFDC00  }
0x6e: {  	[spmem:s2] =	stream.indirect.scatter.add.f32 [tilespmem:s22], [sflag:$0x3], $0x90, s30, s23, $0xb8;
	[tilespmem:$0x1FB80] =	vst v63  }
0x6f: {  	_ =	swait.ge [sflag:s26], $0x2400  }
0x70: {  	[sflag:s26] =	ssyncset.done $0x0  }
0x71: {  	s30 =	sadd.s32 $0x2840, s21;
	[sflag:s26] =	ssyncadd.s32 $0xFFFFDC00  }
0x72: {  	[spmem:s2] =	stream.indirect.scatter.add.f32 [tilespmem:s24], [sflag:$0x4], $0x90, s30, s23, $0xb8;
	[tilespmem:$0x1FB80] =	vst v63  }
0x73: {  	_ =	swait.ge [sflag:s28], $0x2400  }
0x74: {  	[sflag:s28] =	ssyncset.done $0x0  }
.Ltmp1:
0x75: {  	s30 =	sadd.s32 $0x80, s21;
	[sflag:s28] =	ssyncadd.s32 $0xFFFFDC00;
	(pc) =	sbr.rel @p1 .LBB2_4-.Ltmp1, $4  }
0x76: {  	[tilespmem:s22], [sflag:$0x1] =	stream.indirect.gather [hbm4b:s4+s23], $0x90, s30, s23, $0xb8;
	[tilespmem:$0x1FB80] =	vst v63  }
0x77: {  	_ =	swait.ge [sflag:s29], $0x2400  }
0x78: {  	[sflag:s29] =	ssyncset.done $0x0  }
0x79: {  	s21 =	sadd.s32 $0xC0, s21;
	[sflag:s29] =	ssyncadd.s32 $0xFFFFDC00  }
0x7a: {  	[tilespmem:s24], [sflag:$0x2] =	stream.indirect.gather [hbm4b:s4+s23], $0x90, s21, s23, $0xb8;
	[tilespmem:$0x1FB80] =	vst v63  }
0x7b: {  	_ =	swait.ge [sflag:s25], $0x2400  }
0x7c: {  	[sflag:s25] =	ssyncset.done $0x0  }
0x7d: {  	s1 =	simm.s32 $0x4F00;
	[sflag:s25] =	ssyncadd.s32 $0xFFFFDC00  }
0x7e: {  	[spmem:s2] =	stream.indirect.scatter.add.f32 [tilespmem:s22], [sflag:$0x3], $0x90, s1, s23, $0xb8;
	[tilespmem:$0x1FB80] =	vst v63  }
0x7f: {  	_ =	swait.ge [sflag:s26], $0x2400  }
0x80: {  	[sflag:s26] =	ssyncset.done $0x0  }
0x81: {  	s21 =	simm.s32 $0x4F40;
	[sflag:s26] =	ssyncadd.s32 $0xFFFFDC00  }
0x82: {  	[spmem:s2] =	stream.indirect.scatter.add.f32 [tilespmem:s24], [sflag:$0x4], $0x90, s21, s23, $0xb8;
	[tilespmem:$0x1FB80] =	vst v63  }
0x83: {  	_ =	swait.ge [sflag:s28], $0x2400  }
0x84: {  	[sflag:s28] =	ssyncset.done $0x0  }
0x85: {  	s30 =	simm.s32 $0x2780;
	[sflag:s28] =	ssyncadd.s32 $0xFFFFDC00  }
0x86: {  	[tilespmem:s22], [sflag:$0x1] =	stream.indirect.gather [hbm4b:s4+s23], $0x90, s30, s23, $0xb8;
	[tilespmem:$0x1FB80] =	vst v63  }
0x87: {  	_ =	swait.ge [sflag:s29], $0x2400  }
0x88: {  	[sflag:s29] =	ssyncset.done $0x0  }
0x89: {  	[sflag:s29] =	ssyncadd.s32 $0xFFFFDC00  }
0x8a: {  	[tilespmem:s24], [sflag:$0x2] =	stream.indirect.gather [hbm4b:s4+s23], $0x90, s0, s23, $0xb8;
	[tilespmem:$0x1FB80] =	vst v63  }
0x8b: {  	_ =	swait.ge [sflag:s25], $0x2400  }
0x8c: {  	[sflag:s25] =	ssyncset.done $0x0  }
0x8d: {  	s21 =	simm.s32 $0x4F80;
	[sflag:s25] =	ssyncadd.s32 $0xFFFFDC00  }
0x8e: {  	[spmem:s2] =	stream.indirect.scatter.add.f32 [tilespmem:s22], [sflag:$0x3], $0x90, s21, s23, $0xb8;
	[tilespmem:$0x1FB80] =	vst v63  }
0x8f: {  	_ =	swait.ge [sflag:s26], $0x2400  }
0x90: {  	[sflag:s26] =	ssyncset.done $0x0  }
0x91: {  	s30 =	simm.s32 $0x4FC0;
	[sflag:s26] =	ssyncadd.s32 $0xFFFFDC00  }
0x92: {  	[spmem:s2] =	stream.indirect.scatter.add.f32 [tilespmem:s24], [sflag:$0x4], $0x90, s30, s23, $0xb8;
	[tilespmem:$0x1FB80] =	vst v63  }
0x93: {  	_ =	swait.ge [sflag:s28], $0x2400  }
0x94: {  	[sflag:s28] =	ssyncset.done $0x0  }
0x95: {  	[sflag:s28] =	ssyncadd.s32 $0xFFFFDC00  }
0x96: {  	[tilespmem:s22], [sflag:$0x1] =	stream.indirect.gather [hbm4b:s4+s23], $0x90, s0, s23, $0xb8;
	[tilespmem:$0x1FB80] =	vst v63  }
0x97: {  	_ =	swait.ge [sflag:s29], $0x2400  }
0x98: {  	[sflag:s29] =	ssyncset.done $0x0  }
0x99: {  	[sflag:s29] =	ssyncadd.s32 $0xFFFFDC00  }
0x9a: {  	[tilespmem:s24], [sflag:$0x2] =	stream.indirect.gather [hbm4b:s4+s23], $0x90, s0, s23, $0xb8;
	[tilespmem:$0x1FB80] =	vst v63  }
0x9b: {  	_ =	swait.ge [sflag:s25], $0x2400  }
0x9c: {  	[sflag:s25] =	ssyncset.done $0x0  }
0x9d: {  	[sflag:s25] =	ssyncadd.s32 $0xFFFFDC00  }
0x9e: {  	_ =	swait.ge [sflag:s26], $0x2400  }
0x9f: {  	[sflag:s26] =	ssyncset.done $0x0  }
0xa0: {  	[sflag:s26] =	ssyncadd.s32 $0xFFFFDC00  }
0xa1: {  	s1 =	sshrl.u32 @p0 s7, $0x3;
	s21 =	simm.s32 @p0 $0x1FC5;
	[bflag:$0x0] =	sbarrier.arrive $0xFFFF  }
0xa2: {  	[hbm:s18], [sflag:s21] =	dma.local @p0 [spmem:s1], $0x2490  }
0xa3: {  	s1 =	simm.s32 @p0 $0x5  }
0xa4: {  	s31 =	sadd.s32 $0x1, s31;
	s21 =	stileid.u32;
	_ =	swait.ge @p0 [sflag:s1], $0x2490  }
0xa5: {  	p1 =	sne.s32 s31, s19;
	s21 =	sshll.u32 @!p0 s21, $0x6;
	[sflag:s1] =	ssyncset.done @p0 $0x0  }
0xa6: {  	[sflag:s1] =	ssyncadd.s32 @p0 $0xFFFFDB70;
	s1 =	sor.u32 @!p0 $0x1C05, s21;
	s21 =	sshrl.u32 @!p0 s7, $0x3  }
0xa7: {  	[hbm:s17], [sflag:s1] =	dma.local @!p0 [spmem:s21], $0x2C70  }
.Ltmp2:
0xa8: {  	_ = 	snop;
	(pc) =	sbr.rel @p1 .LBB2_1-.Ltmp2, $4  }
0xa9: {  	s1 =	simm.s32 @!p0 $0x5  }
0xaa: {  	_ =	swait.ge @!p0 [sflag:s1], $0x2C70  }
0xab: {  	[sflag:s1] =	ssyncset.done @!p0 $0x0  }
0xac: {  	[sflag:s1] =	ssyncadd.s32 @!p0 $0xFFFFD390  }
0xad: {  	_ =	sfence.sel $0x180000  }
0xae: {  	[bflag:$0x0] =	sbarrier.arrive $0xFFFF  }
0xaf: {  	_ =	strace $0x90000050  }
0xb0: {  	s0 =	stileid.u32;
	[bflag:$0x2] =	sbarrier.arrive $0xFFFF  }
0xb1: {  	p0 =	sne.s32 s0, $0x0;
	s0 =	rddreg [dreg:$0x2]  }
0xb2: {  	s0 =	sadd.s32 @!p0 $0x100000, s0  }
0xb3: {  	[sflag:s0] =	ssyncadd.tile.s32 @!p0 $0x1;
	_ =	shalt  }
.Lfunc_end2:
_tile_overlayer_lowered:
.L_overlay_start_2:
0xb4: {  	(tag) =	ssettag $0x2  }
0xb5: {  	s0 =	rddreg [dreg:$0x0];
	s2 =	stileid.u32  }
0xb6: {  	s1 =	rddreg [dreg:$0x1];
	p0 =	sne.s32 s2, $0x0  }
0xb7: {  	s3 =	rddreg [dreg:$0x2];
	[bflag:$0x3] =	sbarrier.arrive $0xFFFF;
	s2 =	simm.s32 @!p0 $0x1C05  }
0xb8: {  	[timem:s3], [sflag:s2] =	dma.local @!p0 [hbm:s0], s1  }
0xb9: {  	s0 =	simm.s32 @!p0 $0x5  }
0xba: {  	_ =	swait.ge @!p0 [sflag:s0], s1  }
0xbb: {  	s1 =	ssub.s32 @!p0 $0x0, s1;
	[sflag:s0] =	ssyncset.done @!p0 $0x0  }
0xbc: {  	[sflag:s0] =	ssyncadd.s32 @!p0 s1  }
0xbd: {  	[bflag:$0x3] =	sbarrier.arrive $0xFFFF  }
0xbe: {  	_ =	shalt  }

// kernel: kernel.9.cloned.1.call-start
scs
__scs_entry_jumppad:
0x0: {  	(pc) =	sbr.rel $0x88, $3  }
0x1: {  	(tag) =	ssettag $0x0;
	lr =	simm.s32 $0x1  }
0x2: {  	[smem:$0x3F95] =	sst lr;
	_ =	strace $0xD0000000  }
0x3: {  	_ = 	snop  }
0x4: {  	_ = 	snop  }
0x5: {  	_ = 	snop  }
0x6: {  	_ = 	snop  }
0x7: {  	_ = 	snop  }
__scs_overlays_trampoline_lowered:
0x8: {  	[smem:$0x3FA4] =	sst s0  }
0x9: {  	[smem:$0x3FA5] =	sst s1  }
0xa: {  	[smem:$0x3FA6] =	sst s2  }
0xb: {  	[smem:$0x3FA7] =	sst s3  }
0xc: {  	[smem:$0x3FA8] =	sst s4  }
0xd: {  	[smem:$0x3FA9] =	sst s5  }
0xe: {  	[smem:$0x3FAA] =	sst s6  }
0xf: {  	[smem:$0x3FAB] =	sst s7  }
0x10: {  	[smem:$0x3FAC] =	sst s8  }
0x11: {  	[smem:$0x3FAD] =	sst s9;
	s0 =	simm.s32 @!p0 $0x0  }
0x12: {  	s1 =	sld [smem:$0x3F93];
	s0 =	simm.s32 @p0 $0x1  }
0x13: {  	[smem:$0x3FAE] =	sst s0;
	s0 =	simm.s32 @!p1 $0x0  }
0x14: {  	s2 =	sld [smem:$0x3F92];
	s0 =	simm.s32 @p1 $0x1  }
0x15: {  	[smem:$0x3FAF] =	sst s0;
	s0 =	simm.s32 @!p2 $0x0  }
0x16: {  	s3 =	sld [smem:$0x3FDB];
	s0 =	simm.s32 @p2 $0x1  }
0x17: {  	s4 =	simm.s32 $0x1BF5;
	[smem:$0x3FB1] =	sst s0  }
0x18: {  	s0 =	sld [smem:$0x3F94];
	_ =	swait.ge [sflag:s4], $0x0  }
0x19: {  	s7 =	sld [smem:$0x3F95]  }
0x1a: {  	s8 =	sadd.s32 $0xFFFFE003, lr  }
0x1b: {  	s9 =	sadd.s32 $0xFFFFFEF7, lr;
	s5 =	simm.s32 $0xFFFFFFFF;
	p2 =	slt.u32 s8, $0xFFFFF086  }
0x1c: {  	p1 =	slt.u32 s9, $0xF7A;
	s5 =	simm.s32 @!p2 $0x0  }
0x1d: {  	s5 =	simm.s32 @p1 $0x1;
	p0 =	seq.s32 s7, s2  }
0x1e: {  	s7 =	smul.u32 @!p0 $0xF7A, s2;
	p2 =	seq.s32 @!p0 s5, $0x0  }
0x1f: {  	s9 =	smul.u32 $0xF7A, s1;
	s8 =	simm.s32 @!p0 $0x1BF5;
	p2 =	por !p2, p0  }
0x20: {  	[sflag:s8] =	ssyncset.s32 @!p0 $0xFFFFF086;
	s6 =	sadd.s32 @!p0 s3, s7;
	s7 =	simm.s32 @!p0 $0x108  }
0x21: {  	s3 =	sadd.s32 s3, s9;
	s6 =	sadd.s32 @!p0 $0x88, s6;
	s7 =	simm.s32 @p2 $0x1082  }
0x22: {  	[simem:s7], [sflag:s8] =	dma.local @!p0 [hbm:s6], $0xF7A  }
0x23: {  	s9 =	sor.u32 $0xD0000000, s2;
	s6 =	simm.s32 $0x108;
	_ =	swait.ge @!p0 [sflag:s8], $0x0  }
0x24: {  	s3 =	sadd.s32 $0x88, s3;
	s6 =	simm.s32 @!p1 $0x1082;
	[sflag:s4] =	ssyncset.s32 $0xFFFFF086  }
0x25: {  	[simem:s6], [sflag:s4] =	dma.local [hbm:s3], $0xF7A  }
0x26: {  	[smem:$0x3F95] =	sst s1;
	(tag) =	ssettag s2;
	_ =	strace s9  }
0x27: {  	s1 =	sld [smem:$0x3FA5]  }
0x28: {  	s2 =	sld [smem:$0x3FA6]  }
0x29: {  	s4 =	sld [smem:$0x3FA8]  }
0x2a: {  	p0 =	seq.s32 s5, $0x0;
	s5 =	sld [smem:$0x3FA9]  }
0x2b: {  	s6 =	sld [smem:$0x3FAA]  }
0x2c: {  	s7 =	sld [smem:$0x3FAB]  }
0x2d: {  	s3 =	simm.s32 $0x108;
	s8 =	sld [smem:$0x3FAC]  }
0x2e: {  	s3 =	simm.s32 @!p0 $0x1082;
	s9 =	sld [smem:$0x3FAD]  }
0x2f: {  	lr =	sadd.s32 s0, s3;
	s0 =	sld [smem:$0x3FA4]  }
0x30: {  	s3 =	sld [smem:$0x3FA7]  }
0x31: {  	[smem:$0x3FB0] =	sst s10  }
0x32: {  	s10 =	sld [smem:$0x3FAE];
	_ =	sdelay $0x3  }
0x33: {  	p0 =	seq.s32 s10, $0x1;
	s10 =	sld [smem:$0x3FB0];
	_ =	sdelay $0x3  }
0x34: {  	[smem:$0x3FB0] =	sst s10  }
0x35: {  	s10 =	sld [smem:$0x3FAF];
	_ =	sdelay $0x3  }
0x36: {  	p1 =	seq.s32 s10, $0x1;
	s10 =	sld [smem:$0x3FB0];
	_ =	sdelay $0x3  }
0x37: {  	[smem:$0x3FB0] =	sst s10  }
0x38: {  	s10 =	sld [smem:$0x3FB1]  }
0x39: {  	_ = 	snop;
	(pc) =	sbr.ind lr, $3  }
0x3a: {  	_ = 	snop  }
0x3b: {  	_ = 	snop  }
0x3c: {  	p2 =	seq.s32 s10, $0x1;
	s10 =	sld [smem:$0x3FB0]  }
0x3d: {  	_ =	shalt  }
0x3e: {  	_ =	shalt  }
0x3f: {  	_ =	shalt  }
0x40: {  	_ =	shalt  }
0x41: {  	_ =	shalt  }
0x42: {  	_ =	shalt  }
0x43: {  	_ =	shalt  }
0x44: {  	_ =	shalt  }
0x45: {  	_ =	shalt  }
0x46: {  	_ =	shalt  }
0x47: {  	_ =	shalt  }
0x48: {  	_ =	shalt  }
0x49: {  	_ =	shalt  }
0x4a: {  	_ =	shalt  }
0x4b: {  	_ =	shalt  }
0x4c: {  	_ =	shalt  }
0x4d: {  	_ =	shalt  }
0x4e: {  	_ =	shalt  }
0x4f: {  	_ =	shalt  }
0x50: {  	_ =	shalt  }
0x51: {  	_ =	shalt  }
0x52: {  	_ =	shalt  }
0x53: {  	_ =	shalt  }
0x54: {  	_ =	shalt  }
0x55: {  	_ =	shalt  }
0x56: {  	_ =	shalt  }
0x57: {  	_ =	shalt  }
0x58: {  	_ =	shalt  }
0x59: {  	_ =	shalt  }
0x5a: {  	_ =	shalt  }
0x5b: {  	_ =	shalt  }
0x5c: {  	_ =	shalt  }
0x5d: {  	_ =	shalt  }
0x5e: {  	_ =	shalt  }
0x5f: {  	_ =	shalt  }
0x60: {  	_ =	shalt  }
0x61: {  	_ =	shalt  }
0x62: {  	_ =	shalt  }
0x63: {  	_ =	shalt  }
0x64: {  	_ =	shalt  }
0x65: {  	_ =	shalt  }
0x66: {  	_ =	shalt  }
0x67: {  	_ =	shalt  }
0x68: {  	_ =	shalt  }
0x69: {  	_ =	shalt  }
0x6a: {  	_ =	shalt  }
0x6b: {  	_ =	shalt  }
0x6c: {  	_ =	shalt  }
0x6d: {  	_ =	shalt  }
0x6e: {  	_ =	shalt  }
0x6f: {  	_ =	shalt  }
0x70: {  	_ =	shalt  }
0x71: {  	_ =	shalt  }
0x72: {  	_ =	shalt  }
0x73: {  	_ =	shalt  }
0x74: {  	_ =	shalt  }
0x75: {  	_ =	shalt  }
0x76: {  	_ =	shalt  }
0x77: {  	_ =	shalt  }
0x78: {  	_ =	shalt  }
0x79: {  	_ =	shalt  }
0x7a: {  	_ =	shalt  }
0x7b: {  	_ =	shalt  }
0x7c: {  	_ =	shalt  }
0x7d: {  	_ =	shalt  }
0x7e: {  	_ =	shalt  }
0x7f: {  	_ =	shalt  }
0x80: {  	_ =	shalt  }
0x81: {  	_ =	shalt  }
0x82: {  	_ =	shalt  }
0x83: {  	_ =	shalt  }
0x84: {  	_ =	shalt  }
0x85: {  	_ =	shalt  }
0x86: {  	_ =	shalt  }
0x87: {  	_ =	shalt  }
.Lfunc_end0:
.L_simem_size_0:
called_computation_lowered:
.L_overlay_start_0:
0x88: {  	s2 =	sld [smem:$0x3FD9]  }
0x89: {  	s3 =	sld [smem:$0x3FFE];
	_ =	sdelay $0x1  }
0x8a: {  	s1 =	srdreg.scid  }
0x8b: {  	s0 =	sand.u32 $0x1, s1  }
0x8c: {  	s16 =	sshll.u32 s0, $0xA;
	s2 =	sadd.s32 s3, s2  }
0x8d: {  	s2 =	sadd.s32 s2, s16  }
0x8e: {  	[smem:$0x3FBC] =	sst s2  }
0x8f: {  	_ = 	snop  }
0x90: {  	(tm) =	ssettm $0x1  }
0x91: {  	s17 =	sld [smem:$0x3FFB];
	_ =	sdelay $0x3  }
0x92: {  	_ =	strace s17  }
0x93: {  	s2 =	sld [smem:$0x3FFC];
	_ =	sdelay $0x3  }
0x94: {  	_ =	strace s2  }
0x95: {  	s2 =	sld [smem:$0x3FFD];
	_ =	sdelay $0x3  }
0x96: {  	_ =	strace s2  }
0x97: {  	_ =	strace $0x8FFFFFFF  }
0x98: {  	s18 =	sld [smem:$0x3FDB];
	_ =	sdelay $0x1  }
0x99: {  	s19 =	simm.s32 $_scs_section_size  }
0x9a: {  	s4 =	simm.s32 $_size__tile_overlayer_lowered;
	s5 =	simm.s32 $_tile_overlayer_lowered  }
0x9b: {  	s22 =	simm.s32 $0x1BFF;
	s21 =	sshll.u32 s5, $0x1;
	s2 =	sadd.s32 s19, s18  }
0x9c: {  	s6 =	simm.s32 $0x0;
	s20 =	sshll.u32 s4, $0x1;
	s4 =	sadd.s32 s21, s2  }
0x9d: {  	[timem:s6], [sflag:s22] =	dma.local [hbm:s4], s20  }
0x9e: {  	_ =	swait.ge [sflag:s22], s20  }
0x9f: {  	s3 =	ssub.s32 $0x0, s20;
	[sflag:s22] =	ssyncset.done $0x0  }
0xa0: {  	[sflag:s22] =	ssyncadd.s32 s3;
	_ =	sdelay $0x1  }
0xa1: {  	s23 =	simm.s32 $0x1B8B  }
0xa2: {  	_ =	swait.ge [sflag:s23], $0x1  }
0xa3: {  	[sflag:s23] =	ssyncset.done $0x0  }
0xa4: {  	s25 =	simm.s32 $0x1B8E;
	s24 =	sld [smem:$0x3FFE];
	[sflag:s23] =	ssyncadd.s32 $0xFFFFFFFF  }
0xa5: {  	s26 =	simm.s32 $execute0_lowered;
	[smem:$0x3FD2] =	sst s25  }
0xa6: {  	s4 =	sshll.u32 s26, $0x1;
	_ =	strace $0x80000046;
	[dreg:$0x1] =	wrdreg $0xFFFFFFFF  }
0xa7: {  	s28 =	simm.s32 $_size_execute0_lowered;
	s2 =	sadd.s32 s2, s4;
	[dreg:$0x0] =	wrdreg $0x0  }
0xa8: {  	s4 =	sshll.u32 s28, $0x1;
	[dreg:$0x2] =	wrdreg s2  }
0xa9: {  	[dreg:$0x3] =	wrdreg s4  }
0xaa: {  	[dreg:$0x4] =	wrdreg $0xC0  }
0xab: {  	_ =	task [dreg:s6], $0x5FFFF  }
0xac: {  	[dreg:$0x1] =	wrdreg $0xFFFFFFFF  }
0xad: {  	[dreg:$0x0] =	wrdreg $0x60  }
0xae: {  	[dreg:$0x2] =	wrdreg s24  }
0xaf: {  	[dreg:$0x3] =	wrdreg $0x44000  }
0xb0: {  	[dreg:$0x4] =	wrdreg $0x9  }
0xb1: {  	_ =	task.clear_ibuf [dreg:s6], $0x5FFFF;
	_ =	strace $0x90000046  }
0xb2: {  	s29 =	simm.s32 $0x9;
	_ =	strace $0x80000048  }
0xb3: {  	_ =	swait.ge [sflag:s29], $0x1  }
0xb4: {  	[sflag:s29] =	ssyncadd.s32 $0xFFFFFFFF  }
0xb5: {  	_ =	strace $0x90000048  }
0xb6: {  	_ =	sfence  }
0xb7: {  	s30 =	sld [smem:$0x0];
	_ =	sdelay $0x2  }
0xb8: {  	s31 =	sshll.u32 s1, $0xD;
	s1 =	sshrl.u32 s1, $0x2  }
0xb9: {  	s3 =	sand.u32 $0x4000, s31;
	s1 =	sadd.s32 s1, s30  }
0xba: {  	s0 =	sor.u32 s3, s0;
	s1 =	sshll.u32 s1, $0x11  }
0xbb: {  	s0 =	sor.u32 s1, s0  }
0xbc: {  	s0 =	sadd.s32 $0x8F2B, s0  }
0xbd: {  	[sflag:s0] =	ssyncadd.remote.s32 $0x1  }
0xbe: {  	_ =	sfence.sel $0xFFFF  }
0xbf: {  	[dreg:$0x0] =	wrdreg $0xFFFFFFFF;
	(pc) =	sbr.abs _section_cstart, $3  }
0xc0: {  	[dreg:$0x1] =	wrdreg $0xFFFFFFFF  }
0xc1: {  	_ =	task.clear_ibuf [dreg:s6], $0x2FFFF;
	_ =	strace $0x9FFFFFFF  }
0xc2: {  	(tm) =	ssettm $0x7FFFFFFF  }
0xc3: {  	_ =	shalt  }
tec
execute0_lowered:
.L_overlay_start_1:
0x0: {  	(tag) =	ssettag $0x1  }
0x1: {  	s4 =	rddreg [dreg:$0x0]  }
0x2: {  	s2 =	rddreg [dreg:$0x1];
	s3 =	srdreg.scid  }
0x3: {  	s1 =	stileid.u32;
	s0 =	rddreg [dreg:$0x2];
	s10 =	simm.s32 $0x80  }
0x4: {  	s11 =	simm.s32 $0x1400;
	s5 =	sand.u32 $0x1, s3;
	s6 =	smul.u32 $0x2800, s1  }
0x5: {  	s3 =	simm.s32 $0x0;
	s7 =	sshll.u32 s5, $0x4;
	s8 =	smul.u32 $0x28000, s5  }
0x6: {  	s12 =	simm.s32 $0x0;
	[smem:$0x7FF] =	sst s3;
	s7 =	sor.u32 s1, s7  }
0x7: {  	s5 =	ssub.s32 $0x2, s5;
	s7 =	smul.u32 $0x280, s7;
	s8 =	sadd.s32 s6, s8  }
0x8: {  	_ =	strace $0x80000047;
	s9 =	sshrl.u32 s5, $0x1;
	s8 =	sshrl.u32 s8, $0x3  }
0x9: {  	s9 =	ssub.s32 s5, s9;
	s7 =	sadd.s32 s7, s4;
	s8 =	sadd.s32 s8, s4  }
0xa: {  	s5 =	sadd.s32 s6, s2;
	s4 =	sadd.s32 $0x3200, s7;
	s6 =	sadd.s32 $0x8200, s8  }
0xb: {  	v0 =	vimm.f32 $1.000000000e+00;
	v1 =	vimm.f32 $0.0e+00;
	s7 =	smax.u32 s9, $0x1;
	s8 =	simm.s32 $0x1;
	s9 =	simm.s32 $0x1C00  }
.LBB2_1:
0xc: {  	[tilespmem:s3], [sflag:$0x1] =	stream.linear.gather [hbm4b:s4+s3], $0x1400, $0x38;
	[tilespmem:$0x6C00] =	vst v63  }
0xd: {  	_ =	swait.ge [sflag:s8], $0x1400  }
0xe: {  	[sflag:s8] =	ssyncset.done $0x0  }
0xf: {  	s13 =	simm.s32 $0x0;
	[sflag:s8] =	ssyncadd.s32 $0xFFFFEC00  }
.LBB2_2:
0x10: {  	p0 =	sne.s32 s13, $0x1FC0  }
.Ltmp0:
0x11: {  	_ = 	snop;
	(pc) =	sbr.rel @p0 .LBB2_2-.Ltmp0, $3  }
0x12: {  	_ =	sdelay $0x1  }
0x13: {  	s14 =	sshra.s32 s13, $0x2  }
0x14: {  	s13 =	sadd.s32 $0x40, s13;
	[tilespmem:s14+$0x1400] =	vst v0  }
0x15: {  	s13 =	simm.s32 $0x40;
	s14 =	simm.s32 $0x0  }
.LBB2_4:
0x16: {  	p0 =	sne.s32 s13, $0x9FC0;
	[tilespmem:s14+$0x1C00] =	vst v1;
	s14 =	smov.u32 s13;
	s13 =	sadd.s32 $0x40, s13  }
.Ltmp1:
0x17: {  	(pc) =	sbr.rel @p0 .LBB2_4-.Ltmp1, $2  }
0x18: {  	_ =	sdelay $0x2  }
0x19: {  	s14 =	sshra.s32 s14, $0x2  }
0x1a: {  	[tilespmem:s14+$0x1C00] =	vst v1  }
0x1b: {  	[spmem:s5] =	stream.linear.scatter [tilespmem:s9], [sflag:$0x1], $0x2800, $0x38;
	[tilespmem:$0x6C00] =	vst v63  }
0x1c: {  	_ =	swait.ge [sflag:s8], $0x2800  }
0x1d: {  	[sflag:s8] =	ssyncset.done $0x0  }
0x1e: {  	[sflag:s8] =	ssyncadd.s32 $0xFFFFD800  }
0x1f: {  	s13 =	simm.s32 $0x0;
	[bflag:$0x0] =	sbarrier.arrive $0xFFFF  }
0x20: {  	[spmem:s2] =	stream.indirect.scatter.add.f32 [tilespmem:s11], [sflag:$0x1], $0x10, s13, s10, $0xb8;
	[tilespmem:$0x6C00] =	vst v63  }
0x21: {  	_ =	swait.ge [sflag:s8], $0x800  }
0x22: {  	s13 =	simm.s32 $0x200;
	[sflag:s8] =	ssyncset.done $0x0  }
.LBB2_6:
0x23: {  	s14 =	sshra.s32 s13, $0x2;
	[sflag:s8] =	ssyncadd.s32 $0xFFFFF800;
	p0 =	sne.s32 s13, $0x4E00  }
0x24: {  	[spmem:s2] =	stream.indirect.scatter.add.f32 [tilespmem:s11], [sflag:$0x1], $0x10, s14, s10, $0xb8;
	[tilespmem:$0x6C00] =	vst v63  }
.Ltmp2:
0x25: {  	_ = 	snop;
	(pc) =	sbr.rel @p0 .LBB2_6-.Ltmp2, $4  }
0x26: {  	_ = 	snop  }
0x27: {  	s13 =	sadd.s32 $0x200, s13  }
0x28: {  	_ =	swait.ge [sflag:s8], $0x800  }
0x29: {  	[sflag:s8] =	ssyncset.done $0x0  }
0x2a: {  	[sflag:s8] =	ssyncadd.s32 $0xFFFFF800  }
0x2b: {  	[bflag:$0x0] =	sbarrier.arrive $0xFFFF  }
0x2c: {  	[tilespmem:s9], [sflag:$0x1] =	stream.linear.gather [spmem:s5], $0x2800, $0x38;
	[tilespmem:$0x6C00] =	vst v63  }
0x2d: {  	s12 =	sadd.s32 $0x1, s12;
	_ =	swait.ge [sflag:s8], $0x2800  }
0x2e: {  	p0 =	sne.s32 s12, s7;
	[sflag:s8] =	ssyncset.done $0x0  }
.Ltmp3:
0x2f: {  	[sflag:s8] =	ssyncadd.s32 $0xFFFFD800;
	(pc) =	sbr.rel @p0 .LBB2_1-.Ltmp3, $4  }
0x30: {  	[hbm4b:s6+s3] =	stream.linear.scatter [tilespmem:s9], [sflag:$0x1], $0x2800, $0x38;
	[tilespmem:$0x6C00] =	vst v63  }
0x31: {  	_ =	swait.ge [sflag:s8], $0x2800  }
0x32: {  	[sflag:s8] =	ssyncset.done $0x0  }
0x33: {  	[sflag:s8] =	ssyncadd.s32 $0xFFFFD800  }
0x34: {  	_ =	sfence.sel $0x180000  }
0x35: {  	[bflag:$0x0] =	sbarrier.arrive $0xFFFF  }
0x36: {  	p0 =	sne.s32 s1, $0x0;
	_ =	strace $0x90000047  }
0x37: {  	s0 =	sadd.s32 @!p0 $0x100000, s0;
	[bflag:$0x2] =	sbarrier.arrive $0xFFFF  }
0x38: {  	[sflag:s0] =	ssyncadd.tile.s32 @!p0 $0x1;
	_ =	shalt  }
.Lfunc_end2:
_tile_overlayer_lowered:
.L_overlay_start_2:
0x39: {  	(tag) =	ssettag $0x2  }
0x3a: {  	s0 =	rddreg [dreg:$0x0];
	s2 =	stileid.u32  }
0x3b: {  	s1 =	rddreg [dreg:$0x1];
	p0 =	sne.s32 s2, $0x0  }
0x3c: {  	s3 =	rddreg [dreg:$0x2];
	[bflag:$0x3] =	sbarrier.arrive $0xFFFF;
	s2 =	simm.s32 @!p0 $0x1C01  }
0x3d: {  	[timem:s3], [sflag:s2] =	dma.local @!p0 [hbm:s0], s1  }
0x3e: {  	s0 =	simm.s32 @!p0 $0x1  }
0x3f: {  	_ =	swait.ge @!p0 [sflag:s0], s1  }
0x40: {  	s1 =	ssub.s32 @!p0 $0x0, s1;
	[sflag:s0] =	ssyncset.done @!p0 $0x0  }
0x41: {  	[sflag:s0] =	ssyncadd.s32 @!p0 s1  }
0x42: {  	[bflag:$0x3] =	sbarrier.arrive $0xFFFF  }
0x43: {  	_ =	shalt  }

</sc_bundles>
